<compile_context>
chip_gen: v7x
topology: tpu7x:2x2x1
jax: 0.10.2.dev20260603
libtpu: 0.0.44.dev20260713+nightly
codegen_flags: <defaults>
</compile_context>

<pallas_src>
import jax
import jax.numpy as jnp
from jax import lax
from jax.experimental import pallas as pl
from jax.experimental.pallas import tpu as pltpu
from jax.experimental.pallas import tpu_sc as plsc

N = 10000
E = 320000
D = 128
ALPHA = 0.1
HOPS = 10

NC = 2
NS = 16
NW = NC * NS
NPAD = 10240
RPW = NPAD // NS
EPW = E // NW
B = 120
NB = 83
BT = EPW - NB * B

_MESH = plsc.VectorSubcoreMesh(
    core_axis_name="c", subcore_axis_name="s", num_cores=NC, num_subcores=NS
)


DEG_B = 80
DEG_NB = EPW // DEG_B


def _deg_body(dst3, z1, out, dst_v, ones_v, d0, deg_sh):
    c = lax.axis_index("c")
    s = lax.axis_index("s")
    w = c * NS + s
    for j in range(DEG_B // 16):
        ones_v[pl.ds(j * 16, 16)] = jnp.full((16,), 1.0, jnp.float32)
    pltpu.sync_copy(z1.at[pl.ds(s * RPW, RPW)], deg_sh.at[pl.ds(s * RPW, RPW)])
    plsc.subcore_barrier()
    pltpu.sync_copy(dst3.at[w], dst_v)

    def body(i, carry):
        pltpu.async_copy(ones_v, deg_sh.at[dst_v.at[i]], d0, add=True)
        return carry

    lax.fori_loop(0, DEG_NB, body, 0)

    def drain(i, carry):
        pltpu.make_async_copy(ones_v, deg_sh.at[dst_v.at[0]], d0).wait()
        return carry

    lax.fori_loop(0, DEG_NB, drain, 0)
    plsc.subcore_barrier()
    pltpu.sync_copy(deg_sh.at[pl.ds(s * RPW, RPW)], out.at[c, pl.ds(s * RPW, RPW)])


_deg_call = pl.kernel(
    _deg_body,
    out_type=jax.ShapeDtypeStruct((NC, NPAD), jnp.float32),
    mesh=_MESH,
    scratch_types=[
        pltpu.VMEM((DEG_NB, DEG_B), jnp.int32),
        pltpu.VMEM((DEG_B,), jnp.float32),
        pltpu.SemaphoreType.DMA,
        pltpu.VMEM_SHARED((NPAD,), jnp.float32),
    ],
)


def _hop_body(hs, srcm, dstm, srct, dstt, z2, out, src_v, dst_v, st_v, dt_v,
              rows0, rowt, g0, g1, agg_sh):
    c = lax.axis_index("c")
    s = lax.axis_index("s")
    w = c * NS + s
    ca = pltpu.async_copy(srcm.at[w], src_v, g0)
    cb = pltpu.async_copy(dstm.at[w], dst_v, g0)
    cd = pltpu.async_copy(srct.at[w], st_v, g0)
    ce = pltpu.async_copy(dstt.at[w], dt_v, g0)
    cc = pltpu.async_copy(
        z2.at[pl.ds(s * RPW, RPW)], agg_sh.at[pl.ds(s * RPW, RPW)], g0)
    ca.wait()
    cb.wait()
    cd.wait()
    ce.wait()
    cc.wait()
    plsc.subcore_barrier()

    def body(i, carry):
        pltpu.async_copy(hs.at[src_v.at[i]], rows0, g0).wait()
        pltpu.sync_copy(rows0, agg_sh.at[dst_v.at[i]], add=True)
        return carry

    ct = pltpu.async_copy(hs.at[st_v], rowt, g1)
    lax.fori_loop(0, NB, body, 0)
    ct.wait()
    pltpu.sync_copy(rowt, agg_sh.at[dt_v], add=True)
    plsc.subcore_barrier()
    pltpu.sync_copy(agg_sh.at[pl.ds(s * RPW, RPW)], out.at[c, pl.ds(s * RPW, RPW)])


_hop_call = pl.kernel(
    _hop_body,
    out_type=jax.ShapeDtypeStruct((NC, NPAD, D), jnp.float32),
    mesh=_MESH,
    scratch_types=[
        pltpu.VMEM((NB, B), jnp.int32),
        pltpu.VMEM((NB, B), jnp.int32),
        pltpu.VMEM((BT,), jnp.int32),
        pltpu.VMEM((BT,), jnp.int32),
        pltpu.VMEM((B, D), jnp.float32),
        pltpu.VMEM((BT, D), jnp.float32),
        pltpu.SemaphoreType.DMA,
        pltpu.SemaphoreType.DMA,
        pltpu.VMEM_SHARED((NPAD, D), jnp.float32),
    ],
)


def _prep_body(degt_ref, xp_ref, hs0_ref, c1_ref, c2_ref, norm_ref):
    deg = jnp.sum(degt_ref[...], axis=1, keepdims=True)
    deg = jnp.where(deg > 0, deg, 1.0)
    nrm = lax.rsqrt(deg)
    xv = xp_ref[...]
    norm_ref[...] = nrm
    c1_ref[...] = (1.0 - ALPHA) * nrm * nrm
    hs0_ref[...] = xv * nrm
    c2_ref[...] = ALPHA * nrm * xv


def _prep(degp, xp):
    full = lambda *shape: pl.BlockSpec(shape, lambda: tuple(0 for _ in shape))
    return pl.pallas_call(
        _prep_body,
        in_specs=[full(NPAD, NC), full(NPAD, D)],
        out_specs=[full(NPAD, D), full(NPAD, 1), full(NPAD, D), full(NPAD, 1)],
        out_shape=[
            jax.ShapeDtypeStruct((NPAD, D), jnp.float32),
            jax.ShapeDtypeStruct((NPAD, 1), jnp.float32),
            jax.ShapeDtypeStruct((NPAD, D), jnp.float32),
            jax.ShapeDtypeStruct((NPAD, 1), jnp.float32),
        ],
    )(degp.T, xp)


_RB = 2048


def _comb_body(aggp_ref, c1_ref, c2_ref, out_ref):
    out_ref[...] = c1_ref[...] * (aggp_ref[0] + aggp_ref[1]) + c2_ref[...]


def _combine(aggp, c1, c2):
    return pl.pallas_call(
        _comb_body,
        grid=(NPAD // _RB,),
        in_specs=[
            pl.BlockSpec((NC, _RB, D), lambda i: (0, i, 0)),
            pl.BlockSpec((_RB, 1), lambda i: (i, 0)),
            pl.BlockSpec((_RB, D), lambda i: (i, 0)),
        ],
        out_specs=pl.BlockSpec((_RB, D), lambda i: (i, 0)),
        out_shape=jax.ShapeDtypeStruct((NPAD, D), jnp.float32),
    )(aggp, c1, c2)


def _final_body(aggp_ref, xp_ref, norm_ref, w1_ref, b1_ref, w2_ref, b2_ref,
                g_ref, bt_ref, r_ref, rst_ref):
    agg = aggp_ref[0] + aggp_ref[1]
    xv = xp_ref[...]
    h = (1.0 - ALPHA) * norm_ref[...] * agg + ALPHA * xv
    r_ref[...] = h
    mu = jnp.mean(h, axis=1, keepdims=True)
    var = jnp.mean((h - mu) ** 2, axis=1, keepdims=True)
    hn = (h - mu) * lax.rsqrt(var + 1e-5) * g_ref[...] + bt_ref[...]
    inter = jnp.maximum(
        jnp.dot(hn, w1_ref[...], preferred_element_type=jnp.float32) + b1_ref[...],
        0.0,
    )
    ff = jnp.dot(inter, w2_ref[...], preferred_element_type=jnp.float32) + b2_ref[...]
    rst_ref[...] = ff + xv


def _final(aggp, xp, norm, w1, b1, w2, b2, g, bt):
    row = pl.BlockSpec((_RB, D), lambda i: (i, 0))
    mat = pl.BlockSpec((D, D), lambda i: (0, 0))
    vec = pl.BlockSpec((1, D), lambda i: (0, 0))
    return pl.pallas_call(
        _final_body,
        grid=(NPAD // _RB,),
        in_specs=[
            pl.BlockSpec((NC, _RB, D), lambda i: (0, i, 0)),
            row,
            pl.BlockSpec((_RB, 1), lambda i: (i, 0)),
            mat, vec, mat, vec, vec, vec,
        ],
        out_specs=[row, row],
        out_shape=[
            jax.ShapeDtypeStruct((NPAD, D), jnp.float32),
            jax.ShapeDtypeStruct((NPAD, D), jnp.float32),
        ],
    )(aggp, xp, norm, w1, b1.reshape(1, D), w2, b2.reshape(1, D),
      g.reshape(1, D), bt.reshape(1, D))


def kernel(x, edge_index, w1, b1, w2, b2, ln_gamma, ln_beta):
    src2 = edge_index[0].reshape(NW, EPW)
    dst2 = edge_index[1].reshape(NW, EPW)
    srcm = src2[:, :NB * B].reshape(NW, NB, B)
    dstm = dst2[:, :NB * B].reshape(NW, NB, B)
    srct = src2[:, NB * B:]
    dstt = dst2[:, NB * B:]
    dst3 = edge_index[1].reshape(NW, DEG_NB, DEG_B)
    xp = jnp.pad(x, ((0, NPAD - N), (0, 0)))
    z1 = jnp.zeros((NPAD,), jnp.float32)
    z2 = jnp.zeros((NPAD, D), jnp.float32)

    degp = _deg_call(dst3, z1)
    hs, c1, c2, norm = _prep(degp, xp)
    for hop in range(HOPS):
        aggp = _hop_call(hs, srcm, dstm, srct, dstt, z2)
        if hop < HOPS - 1:
            hs = _combine(aggp, c1, c2)
    rpad, rstpad = _final(aggp, xp, norm, w1, b1, w2, b2, ln_gamma, ln_beta)
    return (rstpad[:N], rpad[:N])

# --- scband reference (transcript-rebuilt; emitter-appended) ---
"""Pipeline reference for scband-appnpblock-20667382628956 (READ-ONLY COPY).

The authoritative reference and input builder live on the scoring server;
editing this copy changes nothing except your own understanding.
"""

import jax, jax.numpy as jnp
import numpy as np

N = 10000
E = 320000
D = 128
ALPHA = 0.1
HOPS = 10


def setup_inputs(seed: int = 0) -> dict:
    key = jax.random.key(seed)
    ks = jax.random.split(key, 8)
    x = jax.random.normal(ks[0], (N, D), dtype=jnp.float32)
    edge_index = jax.random.randint(ks[1], (2, E), 0, N, dtype=jnp.int32)
    scale = 1.0 / np.sqrt(D)
    w1 = jax.random.normal(ks[2], (D, D), dtype=jnp.float32) * scale
    b1 = jnp.zeros((D,), dtype=jnp.float32)
    w2 = jax.random.normal(ks[3], (D, D), dtype=jnp.float32) * scale
    b2 = jnp.zeros((D,), dtype=jnp.float32)
    ln_gamma = jnp.ones((D,), dtype=jnp.float32)
    ln_beta = jnp.zeros((D,), dtype=jnp.float32)
    return {"x": x, "edge_index": edge_index, "w1": w1, "b1": b1, "w2": w2, "b2": b2, "ln_gamma": ln_gamma, "ln_beta": ln_beta}


def reference(x, edge_index, w1, b1, w2, b2, ln_gamma, ln_beta):
    src = edge_index[0]
    dst = edge_index[1]
    # symmetric normalization based on in-degrees (DGL APPNP convention)
    deg = jax.ops.segment_sum(jnp.ones((E,), dtype=jnp.float32), dst, num_segments=N)
    deg = jnp.where(deg > 0, deg, 1.0)
    norm = (deg ** -0.5)[:, None]
    feat0 = x
    h = x
    for _ in range(HOPS):
        h = h * norm
        msg = jnp.take(h, src, axis=0)
        agg = jax.ops.segment_sum(msg, dst, num_segments=N)
        h = agg * norm
        h = (1.0 - ALPHA) * h + ALPHA * feat0
    r = h
    # PositionwiseFeedForward: LayerNorm -> Linear -> ReLU -> Linear (dropout=0)
    mu = jnp.mean(h, axis=-1, keepdims=True)
    var = jnp.var(h, axis=-1, keepdims=True)
    hn = (h - mu) / jnp.sqrt(var + 1e-5) * ln_gamma + ln_beta
    inter = jnp.maximum(hn @ w1 + b1, 0.0)
    ff = inter @ w2 + b2
    rst = ff + x  # residual with input features
    return (rst, r)

if __name__ == "__main__":
    import jax
    _d = setup_inputs()
    print(jax.jit(kernel)(*tuple(_d.values())))

</pallas_src>

<mosaic_0001>
#map = affine_map<(d0, d1) -> (0, 0, 0)>
#map1 = affine_map<(d0, d1) -> (0)>
#map2 = affine_map<(d0, d1) -> (0, 0)>
module attributes {stable_mosaic.version = 14 : i64} {
  func.func @_deg_body(%arg0: i32, %arg1: i32, %arg2: memref<32x125x80xi32, #tpu.memory_space<hbm>>, %arg3: memref<10240xf32, #tpu.memory_space<hbm>>, %arg4: memref<2x10240xf32, #tpu.memory_space<hbm>>, %arg5: memref<125x80xi32, #tpu.memory_space<vmem>>, %arg6: memref<80xf32, #tpu.memory_space<vmem>>, %arg7: memref<!tpu.dma_semaphore, #tpu.memory_space<semaphore_mem>>, %arg8: memref<10240xf32, #tpu.memory_space<vmem_shared>>) attributes {dimension_semantics = [#tpu.dimension_semantics<core_parallel>, #tpu.dimension_semantics<subcore_parallel>], iteration_bounds = array<i64: 2, 16>, scalar_prefetch = 0 : i64, scratch_operands = 4 : i64, tpu.core_type = #tpu.core_type<sc_vector_subcore>, window_params = [{transform_indices = #map}, {transform_indices = #map1}, {transform_indices = #map2}]} {
    %mul3A = arith.constant 16 : i32
    %mul3A_0 = arith.muli %arg0, %mul3A : i32
    %add3A = arith.addi %mul3A_0, %arg1 : i32
    %broadcast_in_dim3A = arith.constant 1.000000e+00 : f32
    %broadcast_in_dim3A_1 = vector.broadcast %broadcast_in_dim3A : f32 to vector<16xf32>
    %swap3A = arith.constant 0 : index
    %swap3A_2 = tpu.vector_load %arg6[%swap3A] {strides = array<i32>} : memref<80xf32, #tpu.memory_space<vmem>>, vector<16xf32>,
    %swap3A_3 = vector.shape_cast %swap3A_2 : vector<16xf32> to vector<16xf32>
    %swap3A_4 = vector.shape_cast %broadcast_in_dim3A_1 : vector<16xf32> to vector<16xf32>
    tpu.vector_store %arg6[%swap3A], %swap3A_4 {strides = array<i32>} : memref<80xf32, #tpu.memory_space<vmem>>, vector<16xf32>,
    %broadcast_in_dim3A_5 = arith.constant 1.000000e+00 : f32
    %broadcast_in_dim3A_6 = vector.broadcast %broadcast_in_dim3A_5 : f32 to vector<16xf32>
    %swap3A_7 = arith.constant 16 : index
    %swap3A_8 = tpu.vector_load %arg6[%swap3A_7] {strides = array<i32>} : memref<80xf32, #tpu.memory_space<vmem>>, vector<16xf32>,
    %swap3A_9 = vector.shape_cast %swap3A_8 : vector<16xf32> to vector<16xf32>
    %swap3A_10 = vector.shape_cast %broadcast_in_dim3A_6 : vector<16xf32> to vector<16xf32>
    tpu.vector_store %arg6[%swap3A_7], %swap3A_10 {strides = array<i32>} : memref<80xf32, #tpu.memory_space<vmem>>, vector<16xf32>,
    %broadcast_in_dim3A_11 = arith.constant 1.000000e+00 : f32
    %broadcast_in_dim3A_12 = vector.broadcast %broadcast_in_dim3A_11 : f32 to vector<16xf32>
    %swap3A_13 = arith.constant 32 : index
    %swap3A_14 = tpu.vector_load %arg6[%swap3A_13] {strides = array<i32>} : memref<80xf32, #tpu.memory_space<vmem>>, vector<16xf32>,
    %swap3A_15 = vector.shape_cast %swap3A_14 : vector<16xf32> to vector<16xf32>
    %swap3A_16 = vector.shape_cast %broadcast_in_dim3A_12 : vector<16xf32> to vector<16xf32>
    tpu.vector_store %arg6[%swap3A_13], %swap3A_16 {strides = array<i32>} : memref<80xf32, #tpu.memory_space<vmem>>, vector<16xf32>,
    %broadcast_in_dim3A_17 = arith.constant 1.000000e+00 : f32
    %broadcast_in_dim3A_18 = vector.broadcast %broadcast_in_dim3A_17 : f32 to vector<16xf32>
    %swap3A_19 = arith.constant 48 : index
    %swap3A_20 = tpu.vector_load %arg6[%swap3A_19] {strides = array<i32>} : memref<80xf32, #tpu.memory_space<vmem>>, vector<16xf32>,
    %swap3A_21 = vector.shape_cast %swap3A_20 : vector<16xf32> to vector<16xf32>
    %swap3A_22 = vector.shape_cast %broadcast_in_dim3A_18 : vector<16xf32> to vector<16xf32>
    tpu.vector_store %arg6[%swap3A_19], %swap3A_22 {strides = array<i32>} : memref<80xf32, #tpu.memory_space<vmem>>, vector<16xf32>,
    %broadcast_in_dim3A_23 = arith.constant 1.000000e+00 : f32
    %broadcast_in_dim3A_24 = vector.broadcast %broadcast_in_dim3A_23 : f32 to vector<16xf32>
    %swap3A_25 = arith.constant 64 : index
    %swap3A_26 = tpu.vector_load %arg6[%swap3A_25] {strides = array<i32>} : memref<80xf32, #tpu.memory_space<vmem>>, vector<16xf32>,
    %swap3A_27 = vector.shape_cast %swap3A_26 : vector<16xf32> to vector<16xf32>
    %swap3A_28 = vector.shape_cast %broadcast_in_dim3A_24 : vector<16xf32> to vector<16xf32>
    tpu.vector_store %arg6[%swap3A_25], %swap3A_28 {strides = array<i32>} : memref<80xf32, #tpu.memory_space<vmem>>, vector<16xf32>,
    %mul3A_29 = arith.constant 640 : i32
    %mul3A_30 = arith.muli %arg1, %mul3A_29 : i32
    %mul3A_31 = arith.constant 640 : i32
    %mul3A_32 = arith.muli %arg1, %mul3A_31 : i32
    "tpu.region"() ({
      %run_scoped3A = tpu.sem_alloc : memref<!tpu.dma_semaphore, #tpu.memory_space<semaphore_mem>>
      %dma_start3A = tpu.memref_slice %arg8[%mul3A_32] : memref<10240xf32, #tpu.memory_space<vmem_shared>> -> memref<640xf32, #tpu.memory_space<vmem_shared>>
      %dma_start3A_49 = tpu.memref_slice %arg3[%mul3A_30] : memref<10240xf32, #tpu.memory_space<hbm>> -> memref<640xf32, #tpu.memory_space<hbm>>
      tpu.enqueue_dma source(%dma_start3A_49 : memref<640xf32, #tpu.memory_space<hbm>>) target(%dma_start3A : memref<640xf32, #tpu.memory_space<vmem_shared>>) target_semaphore(%run_scoped3A : memref<!tpu.dma_semaphore, #tpu.memory_space<semaphore_mem>>)
      %dma_wait3A = tpu.memref_slice %arg8[%mul3A_32] : memref<10240xf32, #tpu.memory_space<vmem_shared>> -> memref<640xf32, #tpu.memory_space<vmem_shared>>
      %dma_wait3A_50 = tpu.memref_slice %arg3[%mul3A_30] : memref<10240xf32, #tpu.memory_space<hbm>> -> memref<640xf32, #tpu.memory_space<hbm>>
      tpu.wait_dma2 semaphore(%run_scoped3A : memref<!tpu.dma_semaphore, #tpu.memory_space<semaphore_mem>>) src(%dma_wait3A_50 : memref<640xf32, #tpu.memory_space<hbm>>) dst(%dma_wait3A : memref<640xf32, #tpu.memory_space<vmem_shared>>)
      tpu.yield
    }) : () -> ()
    %barrier3A = arith.constant 0 : index
    tpu.barrier barrier_id(%barrier3A)
    "tpu.region"() ({
      %run_scoped3A = tpu.sem_alloc : memref<!tpu.dma_semaphore, #tpu.memory_space<semaphore_mem>>
      %dma_start3A = arith.constant 0 : i32
      %dma_start3A_49 = arith.constant 0 : i32
      %dma_start3A_50 = tpu.memref_slice %arg2[%add3A, %dma_start3A, %dma_start3A_49] : memref<32x125x80xi32, #tpu.memory_space<hbm>> -> memref<1x125x80xi32, #tpu.memory_space<hbm>>
      %dma_start3A_51 = tpu.memref_squeeze %dma_start3A_50 : memref<1x125x80xi32, #tpu.memory_space<hbm>> -> memref<125x80xi32, #tpu.memory_space<hbm>>
      %dma_start3A_52 = arith.constant 0 : i32
      %dma_start3A_53 = arith.constant 0 : i32
      %dma_start3A_54 = tpu.memref_slice %arg2[%add3A, %dma_start3A_52, %dma_start3A_53] : memref<32x125x80xi32, #tpu.memory_space<hbm>> -> memref<1x125x80xi32, #tpu.memory_space<hbm>>
      %dma_start3A_55 = tpu.memref_squeeze %dma_start3A_54 : memref<1x125x80xi32, #tpu.memory_space<hbm>> -> memref<125x80xi32, #tpu.memory_space<hbm>>
      tpu.enqueue_dma source(%dma_start3A_55 : memref<125x80xi32, #tpu.memory_space<hbm>>) target(%arg5 : memref<125x80xi32, #tpu.memory_space<vmem>>) target_semaphore(%run_scoped3A : memref<!tpu.dma_semaphore, #tpu.memory_space<semaphore_mem>>)
      %dma_wait3A = arith.constant 0 : i32
      %dma_wait3A_56 = arith.constant 0 : i32
      %dma_wait3A_57 = tpu.memref_slice %arg2[%add3A, %dma_wait3A, %dma_wait3A_56] : memref<32x125x80xi32, #tpu.memory_space<hbm>> -> memref<1x125x80xi32, #tpu.memory_space<hbm>>
      %dma_wait3A_58 = tpu.memref_squeeze %dma_wait3A_57 : memref<1x125x80xi32, #tpu.memory_space<hbm>> -> memref<125x80xi32, #tpu.memory_space<hbm>>
      %dma_wait3A_59 = arith.constant 0 : i32
      %dma_wait3A_60 = arith.constant 0 : i32
      %dma_wait3A_61 = tpu.memref_slice %arg2[%add3A, %dma_wait3A_59, %dma_wait3A_60] : memref<32x125x80xi32, #tpu.memory_space<hbm>> -> memref<1x125x80xi32, #tpu.memory_space<hbm>>
      %dma_wait3A_62 = tpu.memref_squeeze %dma_wait3A_61 : memref<1x125x80xi32, #tpu.memory_space<hbm>> -> memref<125x80xi32, #tpu.memory_space<hbm>>
      tpu.wait_dma2 semaphore(%run_scoped3A : memref<!tpu.dma_semaphore, #tpu.memory_space<semaphore_mem>>) src(%dma_wait3A_62 : memref<125x80xi32, #tpu.memory_space<hbm>>) dst(%arg5 : memref<125x80xi32, #tpu.memory_space<vmem>>)
      tpu.yield
    }) : () -> ()
    %scan3A = arith.constant 0 : i32
    %scan3A_33 = arith.constant 0 : i32
    %scan3A_34 = arith.constant 125 : i32
    %scan3A_35 = arith.addi %scan3A_33, %scan3A_34 : i32
    %scan3A_36 = arith.constant 1 : i32
    scf.for %scan3A_49 = %scan3A_33 to %scan3A_35 step %scan3A_36  : i32 {
      %dma_start3A = arith.constant 0 : i32
      %dma_start3A_50 = tpu.memref_slice %arg5[%scan3A_49, %dma_start3A] : memref<125x80xi32, #tpu.memory_space<vmem>> -> memref<1x80xi32, #tpu.memory_space<vmem>>
      %dma_start3A_51 = tpu.memref_squeeze %dma_start3A_50 : memref<1x80xi32, #tpu.memory_space<vmem>> -> memref<80xi32, #tpu.memory_space<vmem>>
      %dma_start3A_52 = arith.constant 0 : i32
      %dma_start3A_53 = tpu.memref_slice %arg8[%dma_start3A_52] : memref<10240xf32, #tpu.memory_space<vmem_shared>> -> memref<10240xf32, #tpu.memory_space<vmem_shared>>
      tpu.enqueue_indirect_dma source(%arg6 : memref<80xf32, #tpu.memory_space<vmem>>) target(%dma_start3A_53 : memref<10240xf32, #tpu.memory_space<vmem_shared>>) offsets(%dma_start3A_51 : memref<80xi32, #tpu.memory_space<vmem>>) semaphore(%arg7 : memref<!tpu.dma_semaphore, #tpu.memory_space<semaphore_mem>>) {add = true}
    }
    %scan3A_37 = arith.constant 125 : i32
    %scan3A_38 = arith.constant 0 : i32
    %scan3A_39 = arith.constant 0 : i32
    %scan3A_40 = arith.constant 125 : i32
    %scan3A_41 = arith.addi %scan3A_39, %scan3A_40 : i32
    %scan3A_42 = arith.constant 1 : i32
    scf.for %scan3A_49 = %scan3A_39 to %scan3A_41 step %scan3A_42  : i32 {
      %dma_wait3A = arith.constant 0 : i32
      %dma_wait3A_50 = arith.constant 0 : i32
      %dma_wait3A_51 = tpu.memref_slice %arg5[%dma_wait3A, %dma_wait3A_50] : memref<125x80xi32, #tpu.memory_space<vmem>> -> memref<1x80xi32, #tpu.memory_space<vmem>>
      %dma_wait3A_52 = tpu.memref_squeeze %dma_wait3A_51 : memref<1x80xi32, #tpu.memory_space<vmem>> -> memref<80xi32, #tpu.memory_space<vmem>>
      %dma_wait3A_53 = arith.constant 0 : i32
      %dma_wait3A_54 = tpu.memref_slice %arg8[%dma_wait3A_53] : memref<10240xf32, #tpu.memory_space<vmem_shared>> -> memref<10240xf32, #tpu.memory_space<vmem_shared>>
      tpu.wait_indirect_dma semaphore(%arg7 : memref<!tpu.dma_semaphore, #tpu.memory_space<semaphore_mem>>) src(%arg6 : memref<80xf32, #tpu.memory_space<vmem>>) dst(%dma_wait3A_54 : memref<10240xf32, #tpu.memory_space<vmem_shared>>)
    }
    %scan3A_43 = arith.constant 125 : i32
    %barrier3A_44 = arith.constant 0 : index
    tpu.barrier barrier_id(%barrier3A_44)
    %mul3A_45 = arith.constant 640 : i32
    %mul3A_46 = arith.muli %arg1, %mul3A_45 : i32
    %mul3A_47 = arith.constant 640 : i32
    %mul3A_48 = arith.muli %arg1, %mul3A_47 : i32
    "tpu.region"() ({
      %run_scoped3A = tpu.sem_alloc : memref<!tpu.dma_semaphore, #tpu.memory_space<semaphore_mem>>
      %dma_start3A = tpu.memref_slice %arg4[%arg0, %mul3A_48] : memref<2x10240xf32, #tpu.memory_space<hbm>> -> memref<1x640xf32, #tpu.memory_space<hbm>>
      %dma_start3A_49 = tpu.memref_squeeze %dma_start3A : memref<1x640xf32, #tpu.memory_space<hbm>> -> memref<640xf32, #tpu.memory_space<hbm>>
      %dma_start3A_50 = tpu.memref_slice %arg8[%mul3A_46] : memref<10240xf32, #tpu.memory_space<vmem_shared>> -> memref<640xf32, #tpu.memory_space<vmem_shared>>
      tpu.enqueue_dma source(%dma_start3A_50 : memref<640xf32, #tpu.memory_space<vmem_shared>>) target(%dma_start3A_49 : memref<640xf32, #tpu.memory_space<hbm>>) target_semaphore(%run_scoped3A : memref<!tpu.dma_semaphore, #tpu.memory_space<semaphore_mem>>)
      %dma_wait3A = tpu.memref_slice %arg4[%arg0, %mul3A_48] : memref<2x10240xf32, #tpu.memory_space<hbm>> -> memref<1x640xf32, #tpu.memory_space<hbm>>
      %dma_wait3A_51 = tpu.memref_squeeze %dma_wait3A : memref<1x640xf32, #tpu.memory_space<hbm>> -> memref<640xf32, #tpu.memory_space<hbm>>
      %dma_wait3A_52 = tpu.memref_slice %arg8[%mul3A_46] : memref<10240xf32, #tpu.memory_space<vmem_shared>> -> memref<640xf32, #tpu.memory_space<vmem_shared>>
      tpu.wait_dma2 semaphore(%run_scoped3A : memref<!tpu.dma_semaphore, #tpu.memory_space<semaphore_mem>>) src(%dma_wait3A_52 : memref<640xf32, #tpu.memory_space<vmem_shared>>) dst(%dma_wait3A_51 : memref<640xf32, #tpu.memory_space<hbm>>)
      tpu.yield
    }) : () -> ()
    return
  }
}

#map = affine_map<(d0, d1) -> (0, 0)>
#map1 = affine_map<(d0, d1) -> (0, 0, 0)>
module attributes {stable_mosaic.version = 14 : i64} {
  func.func @_hop_body(%arg0: i32, %arg1: i32, %arg2: memref<10240x128xf32, #tpu.memory_space<hbm>>, %arg3: memref<32x83x120xi32, #tpu.memory_space<hbm>>, %arg4: memref<32x83x120xi32, #tpu.memory_space<hbm>>, %arg5: memref<32x40xi32, #tpu.memory_space<hbm>>, %arg6: memref<32x40xi32, #tpu.memory_space<hbm>>, %arg7: memref<10240x128xf32, #tpu.memory_space<hbm>>, %arg8: memref<2x10240x128xf32, #tpu.memory_space<hbm>>, %arg9: memref<83x120xi32, #tpu.memory_space<vmem>>, %arg10: memref<83x120xi32, #tpu.memory_space<vmem>>, %arg11: memref<40xi32, #tpu.memory_space<vmem>>, %arg12: memref<40xi32, #tpu.memory_space<vmem>>, %arg13: memref<120x128xf32, #tpu.memory_space<vmem>>, %arg14: memref<40x128xf32, #tpu.memory_space<vmem>>, %arg15: memref<!tpu.dma_semaphore, #tpu.memory_space<semaphore_mem>>, %arg16: memref<!tpu.dma_semaphore, #tpu.memory_space<semaphore_mem>>, %arg17: memref<10240x128xf32, #tpu.memory_space<vmem_shared>>) attributes {dimension_semantics = [#tpu.dimension_semantics<core_parallel>, #tpu.dimension_semantics<subcore_parallel>], iteration_bounds = array<i64: 2, 16>, scalar_prefetch = 0 : i64, scratch_operands = 9 : i64, tpu.core_type = #tpu.core_type<sc_vector_subcore>, window_params = [{transform_indices = #map}, {transform_indices = #map1}, {transform_indices = #map1}, {transform_indices = #map}, {transform_indices = #map}, {transform_indices = #map}, {transform_indices = #map1}]} {
    %mul3A = arith.constant 16 : i32
    %mul3A_0 = arith.muli %arg0, %mul3A : i32
    %add3A = arith.addi %mul3A_0, %arg1 : i32
    %dma_start3A = arith.constant 0 : i32
    %dma_start3A_1 = arith.constant 0 : i32
    %dma_start3A_2 = tpu.memref_slice %arg3[%add3A, %dma_start3A, %dma_start3A_1] : memref<32x83x120xi32, #tpu.memory_space<hbm>> -> memref<1x83x120xi32, #tpu.memory_space<hbm>>
    %dma_start3A_3 = tpu.memref_squeeze %dma_start3A_2 : memref<1x83x120xi32, #tpu.memory_space<hbm>> -> memref<83x120xi32, #tpu.memory_space<hbm>>
    %dma_start3A_4 = arith.constant 0 : i32
    %dma_start3A_5 = arith.constant 0 : i32
    %dma_start3A_6 = tpu.memref_slice %arg3[%add3A, %dma_start3A_4, %dma_start3A_5] : memref<32x83x120xi32, #tpu.memory_space<hbm>> -> memref<1x83x120xi32, #tpu.memory_space<hbm>>
    %dma_start3A_7 = tpu.memref_squeeze %dma_start3A_6 : memref<1x83x120xi32, #tpu.memory_space<hbm>> -> memref<83x120xi32, #tpu.memory_space<hbm>>
    tpu.enqueue_dma source(%dma_start3A_7 : memref<83x120xi32, #tpu.memory_space<hbm>>) target(%arg9 : memref<83x120xi32, #tpu.memory_space<vmem>>) target_semaphore(%arg15 : memref<!tpu.dma_semaphore, #tpu.memory_space<semaphore_mem>>)
    %dma_start3A_8 = arith.constant 0 : i32
    %dma_start3A_9 = arith.constant 0 : i32
    %dma_start3A_10 = tpu.memref_slice %arg4[%add3A, %dma_start3A_8, %dma_start3A_9] : memref<32x83x120xi32, #tpu.memory_space<hbm>> -> memref<1x83x120xi32, #tpu.memory_space<hbm>>
    %dma_start3A_11 = tpu.memref_squeeze %dma_start3A_10 : memref<1x83x120xi32, #tpu.memory_space<hbm>> -> memref<83x120xi32, #tpu.memory_space<hbm>>
    %dma_start3A_12 = arith.constant 0 : i32
    %dma_start3A_13 = arith.constant 0 : i32
    %dma_start3A_14 = tpu.memref_slice %arg4[%add3A, %dma_start3A_12, %dma_start3A_13] : memref<32x83x120xi32, #tpu.memory_space<hbm>> -> memref<1x83x120xi32, #tpu.memory_space<hbm>>
    %dma_start3A_15 = tpu.memref_squeeze %dma_start3A_14 : memref<1x83x120xi32, #tpu.memory_space<hbm>> -> memref<83x120xi32, #tpu.memory_space<hbm>>
    tpu.enqueue_dma source(%dma_start3A_15 : memref<83x120xi32, #tpu.memory_space<hbm>>) target(%arg10 : memref<83x120xi32, #tpu.memory_space<vmem>>) target_semaphore(%arg15 : memref<!tpu.dma_semaphore, #tpu.memory_space<semaphore_mem>>)
    %dma_start3A_16 = arith.constant 0 : i32
    %dma_start3A_17 = tpu.memref_slice %arg5[%add3A, %dma_start3A_16] : memref<32x40xi32, #tpu.memory_space<hbm>> -> memref<1x40xi32, #tpu.memory_space<hbm>>
    %dma_start3A_18 = tpu.memref_squeeze %dma_start3A_17 : memref<1x40xi32, #tpu.memory_space<hbm>> -> memref<40xi32, #tpu.memory_space<hbm>>
    %dma_start3A_19 = arith.constant 0 : i32
    %dma_start3A_20 = tpu.memref_slice %arg5[%add3A, %dma_start3A_19] : memref<32x40xi32, #tpu.memory_space<hbm>> -> memref<1x40xi32, #tpu.memory_space<hbm>>
    %dma_start3A_21 = tpu.memref_squeeze %dma_start3A_20 : memref<1x40xi32, #tpu.memory_space<hbm>> -> memref<40xi32, #tpu.memory_space<hbm>>
    tpu.enqueue_dma source(%dma_start3A_21 : memref<40xi32, #tpu.memory_space<hbm>>) target(%arg11 : memref<40xi32, #tpu.memory_space<vmem>>) target_semaphore(%arg15 : memref<!tpu.dma_semaphore, #tpu.memory_space<semaphore_mem>>)
    %dma_start3A_22 = arith.constant 0 : i32
    %dma_start3A_23 = tpu.memref_slice %arg6[%add3A, %dma_start3A_22] : memref<32x40xi32, #tpu.memory_space<hbm>> -> memref<1x40xi32, #tpu.memory_space<hbm>>
    %dma_start3A_24 = tpu.memref_squeeze %dma_start3A_23 : memref<1x40xi32, #tpu.memory_space<hbm>> -> memref<40xi32, #tpu.memory_space<hbm>>
    %dma_start3A_25 = arith.constant 0 : i32
    %dma_start3A_26 = tpu.memref_slice %arg6[%add3A, %dma_start3A_25] : memref<32x40xi32, #tpu.memory_space<hbm>> -> memref<1x40xi32, #tpu.memory_space<hbm>>
    %dma_start3A_27 = tpu.memref_squeeze %dma_start3A_26 : memref<1x40xi32, #tpu.memory_space<hbm>> -> memref<40xi32, #tpu.memory_space<hbm>>
    tpu.enqueue_dma source(%dma_start3A_27 : memref<40xi32, #tpu.memory_space<hbm>>) target(%arg12 : memref<40xi32, #tpu.memory_space<vmem>>) target_semaphore(%arg15 : memref<!tpu.dma_semaphore, #tpu.memory_space<semaphore_mem>>)
    %mul3A_28 = arith.constant 640 : i32
    %mul3A_29 = arith.muli %arg1, %mul3A_28 : i32
    %mul3A_30 = arith.constant 640 : i32
    %mul3A_31 = arith.muli %arg1, %mul3A_30 : i32
    %dma_start3A_32 = arith.constant 0 : i32
    %dma_start3A_33 = tpu.memref_slice %arg17[%mul3A_31, %dma_start3A_32] : memref<10240x128xf32, #tpu.memory_space<vmem_shared>> -> memref<640x128xf32, #tpu.memory_space<vmem_shared>>
    %dma_start3A_34 = arith.constant 0 : i32
    %dma_start3A_35 = tpu.memref_slice %arg7[%mul3A_29, %dma_start3A_34] : memref<10240x128xf32, #tpu.memory_space<hbm>> -> memref<640x128xf32, #tpu.memory_space<hbm>>
    tpu.enqueue_dma source(%dma_start3A_35 : memref<640x128xf32, #tpu.memory_space<hbm>>) target(%dma_start3A_33 : memref<640x128xf32, #tpu.memory_space<vmem_shared>>) target_semaphore(%arg15 : memref<!tpu.dma_semaphore, #tpu.memory_space<semaphore_mem>>)
    %dma_wait3A = arith.constant 0 : i32
    %dma_wait3A_36 = arith.constant 0 : i32
    %dma_wait3A_37 = tpu.memref_slice %arg3[%add3A, %dma_wait3A, %dma_wait3A_36] : memref<32x83x120xi32, #tpu.memory_space<hbm>> -> memref<1x83x120xi32, #tpu.memory_space<hbm>>
    %dma_wait3A_38 = tpu.memref_squeeze %dma_wait3A_37 : memref<1x83x120xi32, #tpu.memory_space<hbm>> -> memref<83x120xi32, #tpu.memory_space<hbm>>
    %dma_wait3A_39 = arith.constant 0 : i32
    %dma_wait3A_40 = arith.constant 0 : i32
    %dma_wait3A_41 = tpu.memref_slice %arg3[%add3A, %dma_wait3A_39, %dma_wait3A_40] : memref<32x83x120xi32, #tpu.memory_space<hbm>> -> memref<1x83x120xi32, #tpu.memory_space<hbm>>
    %dma_wait3A_42 = tpu.memref_squeeze %dma_wait3A_41 : memref<1x83x120xi32, #tpu.memory_space<hbm>> -> memref<83x120xi32, #tpu.memory_space<hbm>>
    tpu.wait_dma2 semaphore(%arg15 : memref<!tpu.dma_semaphore, #tpu.memory_space<semaphore_mem>>) src(%dma_wait3A_42 : memref<83x120xi32, #tpu.memory_space<hbm>>) dst(%arg9 : memref<83x120xi32, #tpu.memory_space<vmem>>)
    %dma_wait3A_43 = arith.constant 0 : i32
    %dma_wait3A_44 = arith.constant 0 : i32
    %dma_wait3A_45 = tpu.memref_slice %arg4[%add3A, %dma_wait3A_43, %dma_wait3A_44] : memref<32x83x120xi32, #tpu.memory_space<hbm>> -> memref<1x83x120xi32, #tpu.memory_space<hbm>>
    %dma_wait3A_46 = tpu.memref_squeeze %dma_wait3A_45 : memref<1x83x120xi32, #tpu.memory_space<hbm>> -> memref<83x120xi32, #tpu.memory_space<hbm>>
    %dma_wait3A_47 = arith.constant 0 : i32
    %dma_wait3A_48 = arith.constant 0 : i32
    %dma_wait3A_49 = tpu.memref_slice %arg4[%add3A, %dma_wait3A_47, %dma_wait3A_48] : memref<32x83x120xi32, #tpu.memory_space<hbm>> -> memref<1x83x120xi32, #tpu.memory_space<hbm>>
    %dma_wait3A_50 = tpu.memref_squeeze %dma_wait3A_49 : memref<1x83x120xi32, #tpu.memory_space<hbm>> -> memref<83x120xi32, #tpu.memory_space<hbm>>
    tpu.wait_dma2 semaphore(%arg15 : memref<!tpu.dma_semaphore, #tpu.memory_space<semaphore_mem>>) src(%dma_wait3A_50 : memref<83x120xi32, #tpu.memory_space<hbm>>) dst(%arg10 : memref<83x120xi32, #tpu.memory_space<vmem>>)
    %dma_wait3A_51 = arith.constant 0 : i32
    %dma_wait3A_52 = tpu.memref_slice %arg5[%add3A, %dma_wait3A_51] : memref<32x40xi32, #tpu.memory_space<hbm>> -> memref<1x40xi32, #tpu.memory_space<hbm>>
    %dma_wait3A_53 = tpu.memref_squeeze %dma_wait3A_52 : memref<1x40xi32, #tpu.memory_space<hbm>> -> memref<40xi32, #tpu.memory_space<hbm>>
    %dma_wait3A_54 = arith.constant 0 : i32
    %dma_wait3A_55 = tpu.memref_slice %arg5[%add3A, %dma_wait3A_54] : memref<32x40xi32, #tpu.memory_space<hbm>> -> memref<1x40xi32, #tpu.memory_space<hbm>>
    %dma_wait3A_56 = tpu.memref_squeeze %dma_wait3A_55 : memref<1x40xi32, #tpu.memory_space<hbm>> -> memref<40xi32, #tpu.memory_space<hbm>>
    tpu.wait_dma2 semaphore(%arg15 : memref<!tpu.dma_semaphore, #tpu.memory_space<semaphore_mem>>) src(%dma_wait3A_56 : memref<40xi32, #tpu.memory_space<hbm>>) dst(%arg11 : memref<40xi32, #tpu.memory_space<vmem>>)
    %dma_wait3A_57 = arith.constant 0 : i32
    %dma_wait3A_58 = tpu.memref_slice %arg6[%add3A, %dma_wait3A_57] : memref<32x40xi32, #tpu.memory_space<hbm>> -> memref<1x40xi32, #tpu.memory_space<hbm>>
    %dma_wait3A_59 = tpu.memref_squeeze %dma_wait3A_58 : memref<1x40xi32, #tpu.memory_space<hbm>> -> memref<40xi32, #tpu.memory_space<hbm>>
    %dma_wait3A_60 = arith.constant 0 : i32
    %dma_wait3A_61 = tpu.memref_slice %arg6[%add3A, %dma_wait3A_60] : memref<32x40xi32, #tpu.memory_space<hbm>> -> memref<1x40xi32, #tpu.memory_space<hbm>>
    %dma_wait3A_62 = tpu.memref_squeeze %dma_wait3A_61 : memref<1x40xi32, #tpu.memory_space<hbm>> -> memref<40xi32, #tpu.memory_space<hbm>>
    tpu.wait_dma2 semaphore(%arg15 : memref<!tpu.dma_semaphore, #tpu.memory_space<semaphore_mem>>) src(%dma_wait3A_62 : memref<40xi32, #tpu.memory_space<hbm>>) dst(%arg12 : memref<40xi32, #tpu.memory_space<vmem>>)
    %dma_wait3A_63 = arith.constant 0 : i32
    %dma_wait3A_64 = tpu.memref_slice %arg17[%mul3A_31, %dma_wait3A_63] : memref<10240x128xf32, #tpu.memory_space<vmem_shared>> -> memref<640x128xf32, #tpu.memory_space<vmem_shared>>
    %dma_wait3A_65 = arith.constant 0 : i32
    %dma_wait3A_66 = tpu.memref_slice %arg7[%mul3A_29, %dma_wait3A_65] : memref<10240x128xf32, #tpu.memory_space<hbm>> -> memref<640x128xf32, #tpu.memory_space<hbm>>
    tpu.wait_dma2 semaphore(%arg15 : memref<!tpu.dma_semaphore, #tpu.memory_space<semaphore_mem>>) src(%dma_wait3A_66 : memref<640x128xf32, #tpu.memory_space<hbm>>) dst(%dma_wait3A_64 : memref<640x128xf32, #tpu.memory_space<vmem_shared>>)
    %barrier3A = arith.constant 0 : index
    tpu.barrier barrier_id(%barrier3A)
    %dma_start3A_67 = arith.constant 0 : i32
    %dma_start3A_68 = arith.constant 0 : i32
    %dma_start3A_69 = tpu.memref_slice %arg2[%dma_start3A_67, %dma_start3A_68] : memref<10240x128xf32, #tpu.memory_space<hbm>> -> memref<10240x128xf32, #tpu.memory_space<hbm>>
    tpu.enqueue_indirect_dma source(%dma_start3A_69 : memref<10240x128xf32, #tpu.memory_space<hbm>>) target(%arg14 : memref<40x128xf32, #tpu.memory_space<vmem>>) offsets(%arg11 : memref<40xi32, #tpu.memory_space<vmem>>) semaphore(%arg16 : memref<!tpu.dma_semaphore, #tpu.memory_space<semaphore_mem>>)
    %scan3A = arith.constant 0 : i32
    %scan3A_70 = arith.constant 0 : i32
    %scan3A_71 = arith.constant 83 : i32
    %scan3A_72 = arith.addi %scan3A_70, %scan3A_71 : i32
    %scan3A_73 = arith.constant 1 : i32
    scf.for %scan3A_83 = %scan3A_70 to %scan3A_72 step %scan3A_73  : i32 {
      %dma_start3A_84 = arith.constant 0 : i32
      %dma_start3A_85 = tpu.memref_slice %arg9[%scan3A_83, %dma_start3A_84] : memref<83x120xi32, #tpu.memory_space<vmem>> -> memref<1x120xi32, #tpu.memory_space<vmem>>
      %dma_start3A_86 = tpu.memref_squeeze %dma_start3A_85 : memref<1x120xi32, #tpu.memory_space<vmem>> -> memref<120xi32, #tpu.memory_space<vmem>>
      %dma_start3A_87 = arith.constant 0 : i32
      %dma_start3A_88 = arith.constant 0 : i32
      %dma_start3A_89 = tpu.memref_slice %arg2[%dma_start3A_87, %dma_start3A_88] : memref<10240x128xf32, #tpu.memory_space<hbm>> -> memref<10240x128xf32, #tpu.memory_space<hbm>>
      tpu.enqueue_indirect_dma source(%dma_start3A_89 : memref<10240x128xf32, #tpu.memory_space<hbm>>) target(%arg13 : memref<120x128xf32, #tpu.memory_space<vmem>>) offsets(%dma_start3A_86 : memref<120xi32, #tpu.memory_space<vmem>>) semaphore(%arg15 : memref<!tpu.dma_semaphore, #tpu.memory_space<semaphore_mem>>)
      %dma_wait3A_90 = arith.constant 0 : i32
      %dma_wait3A_91 = tpu.memref_slice %arg9[%scan3A_83, %dma_wait3A_90] : memref<83x120xi32, #tpu.memory_space<vmem>> -> memref<1x120xi32, #tpu.memory_space<vmem>>
      %dma_wait3A_92 = tpu.memref_squeeze %dma_wait3A_91 : memref<1x120xi32, #tpu.memory_space<vmem>> -> memref<120xi32, #tpu.memory_space<vmem>>
      %dma_wait3A_93 = arith.constant 0 : i32
      %dma_wait3A_94 = arith.constant 0 : i32
      %dma_wait3A_95 = tpu.memref_slice %arg2[%dma_wait3A_93, %dma_wait3A_94] : memref<10240x128xf32, #tpu.memory_space<hbm>> -> memref<10240x128xf32, #tpu.memory_space<hbm>>
      tpu.wait_indirect_dma semaphore(%arg15 : memref<!tpu.dma_semaphore, #tpu.memory_space<semaphore_mem>>) src(%dma_wait3A_95 : memref<10240x128xf32, #tpu.memory_space<hbm>>) dst(%arg13 : memref<120x128xf32, #tpu.memory_space<vmem>>)
      "tpu.region"() ({
        %run_scoped3A = tpu.sem_alloc : memref<!tpu.dma_semaphore, #tpu.memory_space<semaphore_mem>>
        %dma_start3A_96 = arith.constant 0 : i32
        %dma_start3A_97 = tpu.memref_slice %arg10[%scan3A_83, %dma_start3A_96] : memref<83x120xi32, #tpu.memory_space<vmem>> -> memref<1x120xi32, #tpu.memory_space<vmem>>
        %dma_start3A_98 = tpu.memref_squeeze %dma_start3A_97 : memref<1x120xi32, #tpu.memory_space<vmem>> -> memref<120xi32, #tpu.memory_space<vmem>>
        %dma_start3A_99 = arith.constant 0 : i32
        %dma_start3A_100 = arith.constant 0 : i32
        %dma_start3A_101 = tpu.memref_slice %arg17[%dma_start3A_99, %dma_start3A_100] : memref<10240x128xf32, #tpu.memory_space<vmem_shared>> -> memref<10240x128xf32, #tpu.memory_space<vmem_shared>>
        tpu.enqueue_indirect_dma source(%arg13 : memref<120x128xf32, #tpu.memory_space<vmem>>) target(%dma_start3A_101 : memref<10240x128xf32, #tpu.memory_space<vmem_shared>>) offsets(%dma_start3A_98 : memref<120xi32, #tpu.memory_space<vmem>>) semaphore(%run_scoped3A : memref<!tpu.dma_semaphore, #tpu.memory_space<semaphore_mem>>) {add = true}
        %dma_wait3A_102 = arith.constant 0 : i32
        %dma_wait3A_103 = tpu.memref_slice %arg10[%scan3A_83, %dma_wait3A_102] : memref<83x120xi32, #tpu.memory_space<vmem>> -> memref<1x120xi32, #tpu.memory_space<vmem>>
        %dma_wait3A_104 = tpu.memref_squeeze %dma_wait3A_103 : memref<1x120xi32, #tpu.memory_space<vmem>> -> memref<120xi32, #tpu.memory_space<vmem>>
        %dma_wait3A_105 = arith.constant 0 : i32
        %dma_wait3A_106 = arith.constant 0 : i32
        %dma_wait3A_107 = tpu.memref_slice %arg17[%dma_wait3A_105, %dma_wait3A_106] : memref<10240x128xf32, #tpu.memory_space<vmem_shared>> -> memref<10240x128xf32, #tpu.memory_space<vmem_shared>>
        tpu.wait_indirect_dma semaphore(%run_scoped3A : memref<!tpu.dma_semaphore, #tpu.memory_space<semaphore_mem>>) src(%arg13 : memref<120x128xf32, #tpu.memory_space<vmem>>) dst(%dma_wait3A_107 : memref<10240x128xf32, #tpu.memory_space<vmem_shared>>)
        tpu.yield
      }) : () -> ()
    }
    %scan3A_74 = arith.constant 83 : i32
    %dma_wait3A_75 = arith.constant 0 : i32
    %dma_wait3A_76 = arith.constant 0 : i32
    %dma_wait3A_77 = tpu.memref_slice %arg2[%dma_wait3A_75, %dma_wait3A_76] : memref<10240x128xf32, #tpu.memory_space<hbm>> -> memref<10240x128xf32, #tpu.memory_space<hbm>>
    tpu.wait_indirect_dma semaphore(%arg16 : memref<!tpu.dma_semaphore, #tpu.memory_space<semaphore_mem>>) src(%dma_wait3A_77 : memref<10240x128xf32, #tpu.memory_space<hbm>>) dst(%arg14 : memref<40x128xf32, #tpu.memory_space<vmem>>)
    "tpu.region"() ({
      %run_scoped3A = tpu.sem_alloc : memref<!tpu.dma_semaphore, #tpu.memory_space<semaphore_mem>>
      %dma_start3A_83 = arith.constant 0 : i32
      %dma_start3A_84 = arith.constant 0 : i32
      %dma_start3A_85 = tpu.memref_slice %arg17[%dma_start3A_83, %dma_start3A_84] : memref<10240x128xf32, #tpu.memory_space<vmem_shared>> -> memref<10240x128xf32, #tpu.memory_space<vmem_shared>>
      tpu.enqueue_indirect_dma source(%arg14 : memref<40x128xf32, #tpu.memory_space<vmem>>) target(%dma_start3A_85 : memref<10240x128xf32, #tpu.memory_space<vmem_shared>>) offsets(%arg12 : memref<40xi32, #tpu.memory_space<vmem>>) semaphore(%run_scoped3A : memref<!tpu.dma_semaphore, #tpu.memory_space<semaphore_mem>>) {add = true}
      %dma_wait3A_86 = arith.constant 0 : i32
      %dma_wait3A_87 = arith.constant 0 : i32
      %dma_wait3A_88 = tpu.memref_slice %arg17[%dma_wait3A_86, %dma_wait3A_87] : memref<10240x128xf32, #tpu.memory_space<vmem_shared>> -> memref<10240x128xf32, #tpu.memory_space<vmem_shared>>
      tpu.wait_indirect_dma semaphore(%run_scoped3A : memref<!tpu.dma_semaphore, #tpu.memory_space<semaphore_mem>>) src(%arg14 : memref<40x128xf32, #tpu.memory_space<vmem>>) dst(%dma_wait3A_88 : memref<10240x128xf32, #tpu.memory_space<vmem_shared>>)
      tpu.yield
    }) : () -> ()
    %barrier3A_78 = arith.constant 0 : index
    tpu.barrier barrier_id(%barrier3A_78)
    %mul3A_79 = arith.constant 640 : i32
    %mul3A_80 = arith.muli %arg1, %mul3A_79 : i32
    %mul3A_81 = arith.constant 640 : i32
    %mul3A_82 = arith.muli %arg1, %mul3A_81 : i32
    "tpu.region"() ({
      %run_scoped3A = tpu.sem_alloc : memref<!tpu.dma_semaphore, #tpu.memory_space<semaphore_mem>>
      %dma_start3A_83 = arith.constant 0 : i32
      %dma_start3A_84 = tpu.memref_slice %arg8[%arg0, %mul3A_82, %dma_start3A_83] : memref<2x10240x128xf32, #tpu.memory_space<hbm>> -> memref<1x640x128xf32, #tpu.memory_space<hbm>>
      %dma_start3A_85 = tpu.memref_squeeze %dma_start3A_84 : memref<1x640x128xf32, #tpu.memory_space<hbm>> -> memref<640x128xf32, #tpu.memory_space<hbm>>
      %dma_start3A_86 = arith.constant 0 : i32
      %dma_start3A_87 = tpu.memref_slice %arg17[%mul3A_80, %dma_start3A_86] : memref<10240x128xf32, #tpu.memory_space<vmem_shared>> -> memref<640x128xf32, #tpu.memory_space<vmem_shared>>
      tpu.enqueue_dma source(%dma_start3A_87 : memref<640x128xf32, #tpu.memory_space<vmem_shared>>) target(%dma_start3A_85 : memref<640x128xf32, #tpu.memory_space<hbm>>) target_semaphore(%run_scoped3A : memref<!tpu.dma_semaphore, #tpu.memory_space<semaphore_mem>>)
      %dma_wait3A_88 = arith.constant 0 : i32
      %dma_wait3A_89 = tpu.memref_slice %arg8[%arg0, %mul3A_82, %dma_wait3A_88] : memref<2x10240x128xf32, #tpu.memory_space<hbm>> -> memref<1x640x128xf32, #tpu.memory_space<hbm>>
      %dma_wait3A_90 = tpu.memref_squeeze %dma_wait3A_89 : memref<1x640x128xf32, #tpu.memory_space<hbm>> -> memref<640x128xf32, #tpu.memory_space<hbm>>
      %dma_wait3A_91 = arith.constant 0 : i32
      %dma_wait3A_92 = tpu.memref_slice %arg17[%mul3A_80, %dma_wait3A_91] : memref<10240x128xf32, #tpu.memory_space<vmem_shared>> -> memref<640x128xf32, #tpu.memory_space<vmem_shared>>
      tpu.wait_dma2 semaphore(%run_scoped3A : memref<!tpu.dma_semaphore, #tpu.memory_space<semaphore_mem>>) src(%dma_wait3A_92 : memref<640x128xf32, #tpu.memory_space<vmem_shared>>) dst(%dma_wait3A_90 : memref<640x128xf32, #tpu.memory_space<hbm>>)
      tpu.yield
    }) : () -> ()
    return
  }
}

#map = affine_map<(d0, d1) -> (0, 0)>
#map1 = affine_map<(d0, d1) -> (0, 0, 0)>
module attributes {stable_mosaic.version = 14 : i64} {
  func.func @_hop_body(%arg0: i32, %arg1: i32, %arg2: memref<10240x128xf32, #tpu.memory_space<hbm>>, %arg3: memref<32x83x120xi32, #tpu.memory_space<hbm>>, %arg4: memref<32x83x120xi32, #tpu.memory_space<hbm>>, %arg5: memref<32x40xi32, #tpu.memory_space<hbm>>, %arg6: memref<32x40xi32, #tpu.memory_space<hbm>>, %arg7: memref<10240x128xf32, #tpu.memory_space<hbm>>, %arg8: memref<2x10240x128xf32, #tpu.memory_space<hbm>>, %arg9: memref<83x120xi32, #tpu.memory_space<vmem>>, %arg10: memref<83x120xi32, #tpu.memory_space<vmem>>, %arg11: memref<40xi32, #tpu.memory_space<vmem>>, %arg12: memref<40xi32, #tpu.memory_space<vmem>>, %arg13: memref<120x128xf32, #tpu.memory_space<vmem>>, %arg14: memref<40x128xf32, #tpu.memory_space<vmem>>, %arg15: memref<!tpu.dma_semaphore, #tpu.memory_space<semaphore_mem>>, %arg16: memref<!tpu.dma_semaphore, #tpu.memory_space<semaphore_mem>>, %arg17: memref<10240x128xf32, #tpu.memory_space<vmem_shared>>) attributes {dimension_semantics = [#tpu.dimension_semantics<core_parallel>, #tpu.dimension_semantics<subcore_parallel>], iteration_bounds = array<i64: 2, 16>, scalar_prefetch = 0 : i64, scratch_operands = 9 : i64, tpu.core_type = #tpu.core_type<sc_vector_subcore>, window_params = [{transform_indices = #map}, {transform_indices = #map1}, {transform_indices = #map1}, {transform_indices = #map}, {transform_indices = #map}, {transform_indices = #map}, {transform_indices = #map1}]} {
    %mul3A = arith.constant 16 : i32
    %mul3A_0 = arith.muli %arg0, %mul3A : i32
    %add3A = arith.addi %mul3A_0, %arg1 : i32
    %dma_start3A = arith.constant 0 : i32
    %dma_start3A_1 = arith.constant 0 : i32
    %dma_start3A_2 = tpu.memref_slice %arg3[%add3A, %dma_start3A, %dma_start3A_1] : memref<32x83x120xi32, #tpu.memory_space<hbm>> -> memref<1x83x120xi32, #tpu.memory_space<hbm>>
    %dma_start3A_3 = tpu.memref_squeeze %dma_start3A_2 : memref<1x83x120xi32, #tpu.memory_space<hbm>> -> memref<83x120xi32, #tpu.memory_space<hbm>>
    %dma_start3A_4 = arith.constant 0 : i32
    %dma_start3A_5 = arith.constant 0 : i32
    %dma_start3A_6 = tpu.memref_slice %arg3[%add3A, %dma_start3A_4, %dma_start3A_5] : memref<32x83x120xi32, #tpu.memory_space<hbm>> -> memref<1x83x120xi32, #tpu.memory_space<hbm>>
    %dma_start3A_7 = tpu.memref_squeeze %dma_start3A_6 : memref<1x83x120xi32, #tpu.memory_space<hbm>> -> memref<83x120xi32, #tpu.memory_space<hbm>>
    tpu.enqueue_dma source(%dma_start3A_7 : memref<83x120xi32, #tpu.memory_space<hbm>>) target(%arg9 : memref<83x120xi32, #tpu.memory_space<vmem>>) target_semaphore(%arg15 : memref<!tpu.dma_semaphore, #tpu.memory_space<semaphore_mem>>)
    %dma_start3A_8 = arith.constant 0 : i32
    %dma_start3A_9 = arith.constant 0 : i32
    %dma_start3A_10 = tpu.memref_slice %arg4[%add3A, %dma_start3A_8, %dma_start3A_9] : memref<32x83x120xi32, #tpu.memory_space<hbm>> -> memref<1x83x120xi32, #tpu.memory_space<hbm>>
    %dma_start3A_11 = tpu.memref_squeeze %dma_start3A_10 : memref<1x83x120xi32, #tpu.memory_space<hbm>> -> memref<83x120xi32, #tpu.memory_space<hbm>>
    %dma_start3A_12 = arith.constant 0 : i32
    %dma_start3A_13 = arith.constant 0 : i32
    %dma_start3A_14 = tpu.memref_slice %arg4[%add3A, %dma_start3A_12, %dma_start3A_13] : memref<32x83x120xi32, #tpu.memory_space<hbm>> -> memref<1x83x120xi32, #tpu.memory_space<hbm>>
    %dma_start3A_15 = tpu.memref_squeeze %dma_start3A_14 : memref<1x83x120xi32, #tpu.memory_space<hbm>> -> memref<83x120xi32, #tpu.memory_space<hbm>>
    tpu.enqueue_dma source(%dma_start3A_15 : memref<83x120xi32, #tpu.memory_space<hbm>>) target(%arg10 : memref<83x120xi32, #tpu.memory_space<vmem>>) target_semaphore(%arg15 : memref<!tpu.dma_semaphore, #tpu.memory_space<semaphore_mem>>)
    %dma_start3A_16 = arith.constant 0 : i32
    %dma_start3A_17 = tpu.memref_slice %arg5[%add3A, %dma_start3A_16] : memref<32x40xi32, #tpu.memory_space<hbm>> -> memref<1x40xi32, #tpu.memory_space<hbm>>
    %dma_start3A_18 = tpu.memref_squeeze %dma_start3A_17 : memref<1x40xi32, #tpu.memory_space<hbm>> -> memref<40xi32, #tpu.memory_space<hbm>>
    %dma_start3A_19 = arith.constant 0 : i32
    %dma_start3A_20 = tpu.memref_slice %arg5[%add3A, %dma_start3A_19] : memref<32x40xi32, #tpu.memory_space<hbm>> -> memref<1x40xi32, #tpu.memory_space<hbm>>
    %dma_start3A_21 = tpu.memref_squeeze %dma_start3A_20 : memref<1x40xi32, #tpu.memory_space<hbm>> -> memref<40xi32, #tpu.memory_space<hbm>>
    tpu.enqueue_dma source(%dma_start3A_21 : memref<40xi32, #tpu.memory_space<hbm>>) target(%arg11 : memref<40xi32, #tpu.memory_space<vmem>>) target_semaphore(%arg15 : memref<!tpu.dma_semaphore, #tpu.memory_space<semaphore_mem>>)
    %dma_start3A_22 = arith.constant 0 : i32
    %dma_start3A_23 = tpu.memref_slice %arg6[%add3A, %dma_start3A_22] : memref<32x40xi32, #tpu.memory_space<hbm>> -> memref<1x40xi32, #tpu.memory_space<hbm>>
    %dma_start3A_24 = tpu.memref_squeeze %dma_start3A_23 : memref<1x40xi32, #tpu.memory_space<hbm>> -> memref<40xi32, #tpu.memory_space<hbm>>
    %dma_start3A_25 = arith.constant 0 : i32
    %dma_start3A_26 = tpu.memref_slice %arg6[%add3A, %dma_start3A_25] : memref<32x40xi32, #tpu.memory_space<hbm>> -> memref<1x40xi32, #tpu.memory_space<hbm>>
    %dma_start3A_27 = tpu.memref_squeeze %dma_start3A_26 : memref<1x40xi32, #tpu.memory_space<hbm>> -> memref<40xi32, #tpu.memory_space<hbm>>
    tpu.enqueue_dma source(%dma_start3A_27 : memref<40xi32, #tpu.memory_space<hbm>>) target(%arg12 : memref<40xi32, #tpu.memory_space<vmem>>) target_semaphore(%arg15 : memref<!tpu.dma_semaphore, #tpu.memory_space<semaphore_mem>>)
    %mul3A_28 = arith.constant 640 : i32
    %mul3A_29 = arith.muli %arg1, %mul3A_28 : i32
    %mul3A_30 = arith.constant 640 : i32
    %mul3A_31 = arith.muli %arg1, %mul3A_30 : i32
    %dma_start3A_32 = arith.constant 0 : i32
    %dma_start3A_33 = tpu.memref_slice %arg17[%mul3A_31, %dma_start3A_32] : memref<10240x128xf32, #tpu.memory_space<vmem_shared>> -> memref<640x128xf32, #tpu.memory_space<vmem_shared>>
    %dma_start3A_34 = arith.constant 0 : i32
    %dma_start3A_35 = tpu.memref_slice %arg7[%mul3A_29, %dma_start3A_34] : memref<10240x128xf32, #tpu.memory_space<hbm>> -> memref<640x128xf32, #tpu.memory_space<hbm>>
    tpu.enqueue_dma source(%dma_start3A_35 : memref<640x128xf32, #tpu.memory_space<hbm>>) target(%dma_start3A_33 : memref<640x128xf32, #tpu.memory_space<vmem_shared>>) target_semaphore(%arg15 : memref<!tpu.dma_semaphore, #tpu.memory_space<semaphore_mem>>)
    %dma_wait3A = arith.constant 0 : i32
    %dma_wait3A_36 = arith.constant 0 : i32
    %dma_wait3A_37 = tpu.memref_slice %arg3[%add3A, %dma_wait3A, %dma_wait3A_36] : memref<32x83x120xi32, #tpu.memory_space<hbm>> -> memref<1x83x120xi32, #tpu.memory_space<hbm>>
    %dma_wait3A_38 = tpu.memref_squeeze %dma_wait3A_37 : memref<1x83x120xi32, #tpu.memory_space<hbm>> -> memref<83x120xi32, #tpu.memory_space<hbm>>
    %dma_wait3A_39 = arith.constant 0 : i32
    %dma_wait3A_40 = arith.constant 0 : i32
    %dma_wait3A_41 = tpu.memref_slice %arg3[%add3A, %dma_wait3A_39, %dma_wait3A_40] : memref<32x83x120xi32, #tpu.memory_space<hbm>> -> memref<1x83x120xi32, #tpu.memory_space<hbm>>
    %dma_wait3A_42 = tpu.memref_squeeze %dma_wait3A_41 : memref<1x83x120xi32, #tpu.memory_space<hbm>> -> memref<83x120xi32, #tpu.memory_space<hbm>>
    tpu.wait_dma2 semaphore(%arg15 : memref<!tpu.dma_semaphore, #tpu.memory_space<semaphore_mem>>) src(%dma_wait3A_42 : memref<83x120xi32, #tpu.memory_space<hbm>>) dst(%arg9 : memref<83x120xi32, #tpu.memory_space<vmem>>)
    %dma_wait3A_43 = arith.constant 0 : i32
    %dma_wait3A_44 = arith.constant 0 : i32
    %dma_wait3A_45 = tpu.memref_slice %arg4[%add3A, %dma_wait3A_43, %dma_wait3A_44] : memref<32x83x120xi32, #tpu.memory_space<hbm>> -> memref<1x83x120xi32, #tpu.memory_space<hbm>>
    %dma_wait3A_46 = tpu.memref_squeeze %dma_wait3A_45 : memref<1x83x120xi32, #tpu.memory_space<hbm>> -> memref<83x120xi32, #tpu.memory_space<hbm>>
    %dma_wait3A_47 = arith.constant 0 : i32
    %dma_wait3A_48 = arith.constant 0 : i32
    %dma_wait3A_49 = tpu.memref_slice %arg4[%add3A, %dma_wait3A_47, %dma_wait3A_48] : memref<32x83x120xi32, #tpu.memory_space<hbm>> -> memref<1x83x120xi32, #tpu.memory_space<hbm>>
    %dma_wait3A_50 = tpu.memref_squeeze %dma_wait3A_49 : memref<1x83x120xi32, #tpu.memory_space<hbm>> -> memref<83x120xi32, #tpu.memory_space<hbm>>
    tpu.wait_dma2 semaphore(%arg15 : memref<!tpu.dma_semaphore, #tpu.memory_space<semaphore_mem>>) src(%dma_wait3A_50 : memref<83x120xi32, #tpu.memory_space<hbm>>) dst(%arg10 : memref<83x120xi32, #tpu.memory_space<vmem>>)
    %dma_wait3A_51 = arith.constant 0 : i32
    %dma_wait3A_52 = tpu.memref_slice %arg5[%add3A, %dma_wait3A_51] : memref<32x40xi32, #tpu.memory_space<hbm>> -> memref<1x40xi32, #tpu.memory_space<hbm>>
    %dma_wait3A_53 = tpu.memref_squeeze %dma_wait3A_52 : memref<1x40xi32, #tpu.memory_space<hbm>> -> memref<40xi32, #tpu.memory_space<hbm>>
    %dma_wait3A_54 = arith.constant 0 : i32
    %dma_wait3A_55 = tpu.memref_slice %arg5[%add3A, %dma_wait3A_54] : memref<32x40xi32, #tpu.memory_space<hbm>> -> memref<1x40xi32, #tpu.memory_space<hbm>>
    %dma_wait3A_56 = tpu.memref_squeeze %dma_wait3A_55 : memref<1x40xi32, #tpu.memory_space<hbm>> -> memref<40xi32, #tpu.memory_space<hbm>>
    tpu.wait_dma2 semaphore(%arg15 : memref<!tpu.dma_semaphore, #tpu.memory_space<semaphore_mem>>) src(%dma_wait3A_56 : memref<40xi32, #tpu.memory_space<hbm>>) dst(%arg11 : memref<40xi32, #tpu.memory_space<vmem>>)
    %dma_wait3A_57 = arith.constant 0 : i32
    %dma_wait3A_58 = tpu.memref_slice %arg6[%add3A, %dma_wait3A_57] : memref<32x40xi32, #tpu.memory_space<hbm>> -> memref<1x40xi32, #tpu.memory_space<hbm>>
    %dma_wait3A_59 = tpu.memref_squeeze %dma_wait3A_58 : memref<1x40xi32, #tpu.memory_space<hbm>> -> memref<40xi32, #tpu.memory_space<hbm>>
    %dma_wait3A_60 = arith.constant 0 : i32
    %dma_wait3A_61 = tpu.memref_slice %arg6[%add3A, %dma_wait3A_60] : memref<32x40xi32, #tpu.memory_space<hbm>> -> memref<1x40xi32, #tpu.memory_space<hbm>>
    %dma_wait3A_62 = tpu.memref_squeeze %dma_wait3A_61 : memref<1x40xi32, #tpu.memory_space<hbm>> -> memref<40xi32, #tpu.memory_space<hbm>>
    tpu.wait_dma2 semaphore(%arg15 : memref<!tpu.dma_semaphore, #tpu.memory_space<semaphore_mem>>) src(%dma_wait3A_62 : memref<40xi32, #tpu.memory_space<hbm>>) dst(%arg12 : memref<40xi32, #tpu.memory_space<vmem>>)
    %dma_wait3A_63 = arith.constant 0 : i32
    %dma_wait3A_64 = tpu.memref_slice %arg17[%mul3A_31, %dma_wait3A_63] : memref<10240x128xf32, #tpu.memory_space<vmem_shared>> -> memref<640x128xf32, #tpu.memory_space<vmem_shared>>
    %dma_wait3A_65 = arith.constant 0 : i32
    %dma_wait3A_66 = tpu.memref_slice %arg7[%mul3A_29, %dma_wait3A_65] : memref<10240x128xf32, #tpu.memory_space<hbm>> -> memref<640x128xf32, #tpu.memory_space<hbm>>
    tpu.wait_dma2 semaphore(%arg15 : memref<!tpu.dma_semaphore, #tpu.memory_space<semaphore_mem>>) src(%dma_wait3A_66 : memref<640x128xf32, #tpu.memory_space<hbm>>) dst(%dma_wait3A_64 : memref<640x128xf32, #tpu.memory_space<vmem_shared>>)
    %barrier3A = arith.constant 0 : index
    tpu.barrier barrier_id(%barrier3A)
    %dma_start3A_67 = arith.constant 0 : i32
    %dma_start3A_68 = arith.constant 0 : i32
    %dma_start3A_69 = tpu.memref_slice %arg2[%dma_start3A_67, %dma_start3A_68] : memref<10240x128xf32, #tpu.memory_space<hbm>> -> memref<10240x128xf32, #tpu.memory_space<hbm>>
    tpu.enqueue_indirect_dma source(%dma_start3A_69 : memref<10240x128xf32, #tpu.memory_space<hbm>>) target(%arg14 : memref<40x128xf32, #tpu.memory_space<vmem>>) offsets(%arg11 : memref<40xi32, #tpu.memory_space<vmem>>) semaphore(%arg16 : memref<!tpu.dma_semaphore, #tpu.memory_space<semaphore_mem>>)
    %scan3A = arith.constant 0 : i32
    %scan3A_70 = arith.constant 0 : i32
    %scan3A_71 = arith.constant 83 : i32
    %scan3A_72 = arith.addi %scan3A_70, %scan3A_71 : i32
    %scan3A_73 = arith.constant 1 : i32
    scf.for %scan3A_83 = %scan3A_70 to %scan3A_72 step %scan3A_73  : i32 {
      %dma_start3A_84 = arith.constant 0 : i32
      %dma_start3A_85 = tpu.memref_slice %arg9[%scan3A_83, %dma_start3A_84] : memref<83x120xi32, #tpu.memory_space<vmem>> -> memref<1x120xi32, #tpu.memory_space<vmem>>
      %dma_start3A_86 = tpu.memref_squeeze %dma_start3A_85 : memref<1x120xi32, #tpu.memory_space<vmem>> -> memref<120xi32, #tpu.memory_space<vmem>>
      %dma_start3A_87 = arith.constant 0 : i32
      %dma_start3A_88 = arith.constant 0 : i32
      %dma_start3A_89 = tpu.memref_slice %arg2[%dma_start3A_87, %dma_start3A_88] : memref<10240x128xf32, #tpu.memory_space<hbm>> -> memref<10240x128xf32, #tpu.memory_space<hbm>>
      tpu.enqueue_indirect_dma source(%dma_start3A_89 : memref<10240x128xf32, #tpu.memory_space<hbm>>) target(%arg13 : memref<120x128xf32, #tpu.memory_space<vmem>>) offsets(%dma_start3A_86 : memref<120xi32, #tpu.memory_space<vmem>>) semaphore(%arg15 : memref<!tpu.dma_semaphore, #tpu.memory_space<semaphore_mem>>)
      %dma_wait3A_90 = arith.constant 0 : i32
      %dma_wait3A_91 = tpu.memref_slice %arg9[%scan3A_83, %dma_wait3A_90] : memref<83x120xi32, #tpu.memory_space<vmem>> -> memref<1x120xi32, #tpu.memory_space<vmem>>
      %dma_wait3A_92 = tpu.memref_squeeze %dma_wait3A_91 : memref<1x120xi32, #tpu.memory_space<vmem>> -> memref<120xi32, #tpu.memory_space<vmem>>
      %dma_wait3A_93 = arith.constant 0 : i32
      %dma_wait3A_94 = arith.constant 0 : i32
      %dma_wait3A_95 = tpu.memref_slice %arg2[%dma_wait3A_93, %dma_wait3A_94] : memref<10240x128xf32, #tpu.memory_space<hbm>> -> memref<10240x128xf32, #tpu.memory_space<hbm>>
      tpu.wait_indirect_dma semaphore(%arg15 : memref<!tpu.dma_semaphore, #tpu.memory_space<semaphore_mem>>) src(%dma_wait3A_95 : memref<10240x128xf32, #tpu.memory_space<hbm>>) dst(%arg13 : memref<120x128xf32, #tpu.memory_space<vmem>>)
      "tpu.region"() ({
        %run_scoped3A = tpu.sem_alloc : memref<!tpu.dma_semaphore, #tpu.memory_space<semaphore_mem>>
        %dma_start3A_96 = arith.constant 0 : i32
        %dma_start3A_97 = tpu.memref_slice %arg10[%scan3A_83, %dma_start3A_96] : memref<83x120xi32, #tpu.memory_space<vmem>> -> memref<1x120xi32, #tpu.memory_space<vmem>>
        %dma_start3A_98 = tpu.memref_squeeze %dma_start3A_97 : memref<1x120xi32, #tpu.memory_space<vmem>> -> memref<120xi32, #tpu.memory_space<vmem>>
        %dma_start3A_99 = arith.constant 0 : i32
        %dma_start3A_100 = arith.constant 0 : i32
        %dma_start3A_101 = tpu.memref_slice %arg17[%dma_start3A_99, %dma_start3A_100] : memref<10240x128xf32, #tpu.memory_space<vmem_shared>> -> memref<10240x128xf32, #tpu.memory_space<vmem_shared>>
        tpu.enqueue_indirect_dma source(%arg13 : memref<120x128xf32, #tpu.memory_space<vmem>>) target(%dma_start3A_101 : memref<10240x128xf32, #tpu.memory_space<vmem_shared>>) offsets(%dma_start3A_98 : memref<120xi32, #tpu.memory_space<vmem>>) semaphore(%run_scoped3A : memref<!tpu.dma_semaphore, #tpu.memory_space<semaphore_mem>>) {add = true}
        %dma_wait3A_102 = arith.constant 0 : i32
        %dma_wait3A_103 = tpu.memref_slice %arg10[%scan3A_83, %dma_wait3A_102] : memref<83x120xi32, #tpu.memory_space<vmem>> -> memref<1x120xi32, #tpu.memory_space<vmem>>
        %dma_wait3A_104 = tpu.memref_squeeze %dma_wait3A_103 : memref<1x120xi32, #tpu.memory_space<vmem>> -> memref<120xi32, #tpu.memory_space<vmem>>
        %dma_wait3A_105 = arith.constant 0 : i32
        %dma_wait3A_106 = arith.constant 0 : i32
        %dma_wait3A_107 = tpu.memref_slice %arg17[%dma_wait3A_105, %dma_wait3A_106] : memref<10240x128xf32, #tpu.memory_space<vmem_shared>> -> memref<10240x128xf32, #tpu.memory_space<vmem_shared>>
        tpu.wait_indirect_dma semaphore(%run_scoped3A : memref<!tpu.dma_semaphore, #tpu.memory_space<semaphore_mem>>) src(%arg13 : memref<120x128xf32, #tpu.memory_space<vmem>>) dst(%dma_wait3A_107 : memref<10240x128xf32, #tpu.memory_space<vmem_shared>>)
        tpu.yield
      }) : () -> ()
    }
    %scan3A_74 = arith.constant 83 : i32
    %dma_wait3A_75 = arith.constant 0 : i32
    %dma_wait3A_76 = arith.constant 0 : i32
    %dma_wait3A_77 = tpu.memref_slice %arg2[%dma_wait3A_75, %dma_wait3A_76] : memref<10240x128xf32, #tpu.memory_space<hbm>> -> memref<10240x128xf32, #tpu.memory_space<hbm>>
    tpu.wait_indirect_dma semaphore(%arg16 : memref<!tpu.dma_semaphore, #tpu.memory_space<semaphore_mem>>) src(%dma_wait3A_77 : memref<10240x128xf32, #tpu.memory_space<hbm>>) dst(%arg14 : memref<40x128xf32, #tpu.memory_space<vmem>>)
    "tpu.region"() ({
      %run_scoped3A = tpu.sem_alloc : memref<!tpu.dma_semaphore, #tpu.memory_space<semaphore_mem>>
      %dma_start3A_83 = arith.constant 0 : i32
      %dma_start3A_84 = arith.constant 0 : i32
      %dma_start3A_85 = tpu.memref_slice %arg17[%dma_start3A_83, %dma_start3A_84] : memref<10240x128xf32, #tpu.memory_space<vmem_shared>> -> memref<10240x128xf32, #tpu.memory_space<vmem_shared>>
      tpu.enqueue_indirect_dma source(%arg14 : memref<40x128xf32, #tpu.memory_space<vmem>>) target(%dma_start3A_85 : memref<10240x128xf32, #tpu.memory_space<vmem_shared>>) offsets(%arg12 : memref<40xi32, #tpu.memory_space<vmem>>) semaphore(%run_scoped3A : memref<!tpu.dma_semaphore, #tpu.memory_space<semaphore_mem>>) {add = true}
      %dma_wait3A_86 = arith.constant 0 : i32
      %dma_wait3A_87 = arith.constant 0 : i32
      %dma_wait3A_88 = tpu.memref_slice %arg17[%dma_wait3A_86, %dma_wait3A_87] : memref<10240x128xf32, #tpu.memory_space<vmem_shared>> -> memref<10240x128xf32, #tpu.memory_space<vmem_shared>>
      tpu.wait_indirect_dma semaphore(%run_scoped3A : memref<!tpu.dma_semaphore, #tpu.memory_space<semaphore_mem>>) src(%arg14 : memref<40x128xf32, #tpu.memory_space<vmem>>) dst(%dma_wait3A_88 : memref<10240x128xf32, #tpu.memory_space<vmem_shared>>)
      tpu.yield
    }) : () -> ()
    %barrier3A_78 = arith.constant 0 : index
    tpu.barrier barrier_id(%barrier3A_78)
    %mul3A_79 = arith.constant 640 : i32
    %mul3A_80 = arith.muli %arg1, %mul3A_79 : i32
    %mul3A_81 = arith.constant 640 : i32
    %mul3A_82 = arith.muli %arg1, %mul3A_81 : i32
    "tpu.region"() ({
      %run_scoped3A = tpu.sem_alloc : memref<!tpu.dma_semaphore, #tpu.memory_space<semaphore_mem>>
      %dma_start3A_83 = arith.constant 0 : i32
      %dma_start3A_84 = tpu.memref_slice %arg8[%arg0, %mul3A_82, %dma_start3A_83] : memref<2x10240x128xf32, #tpu.memory_space<hbm>> -> memref<1x640x128xf32, #tpu.memory_space<hbm>>
      %dma_start3A_85 = tpu.memref_squeeze %dma_start3A_84 : memref<1x640x128xf32, #tpu.memory_space<hbm>> -> memref<640x128xf32, #tpu.memory_space<hbm>>
      %dma_start3A_86 = arith.constant 0 : i32
      %dma_start3A_87 = tpu.memref_slice %arg17[%mul3A_80, %dma_start3A_86] : memref<10240x128xf32, #tpu.memory_space<vmem_shared>> -> memref<640x128xf32, #tpu.memory_space<vmem_shared>>
      tpu.enqueue_dma source(%dma_start3A_87 : memref<640x128xf32, #tpu.memory_space<vmem_shared>>) target(%dma_start3A_85 : memref<640x128xf32, #tpu.memory_space<hbm>>) target_semaphore(%run_scoped3A : memref<!tpu.dma_semaphore, #tpu.memory_space<semaphore_mem>>)
      %dma_wait3A_88 = arith.constant 0 : i32
      %dma_wait3A_89 = tpu.memref_slice %arg8[%arg0, %mul3A_82, %dma_wait3A_88] : memref<2x10240x128xf32, #tpu.memory_space<hbm>> -> memref<1x640x128xf32, #tpu.memory_space<hbm>>
      %dma_wait3A_90 = tpu.memref_squeeze %dma_wait3A_89 : memref<1x640x128xf32, #tpu.memory_space<hbm>> -> memref<640x128xf32, #tpu.memory_space<hbm>>
      %dma_wait3A_91 = arith.constant 0 : i32
      %dma_wait3A_92 = tpu.memref_slice %arg17[%mul3A_80, %dma_wait3A_91] : memref<10240x128xf32, #tpu.memory_space<vmem_shared>> -> memref<640x128xf32, #tpu.memory_space<vmem_shared>>
      tpu.wait_dma2 semaphore(%run_scoped3A : memref<!tpu.dma_semaphore, #tpu.memory_space<semaphore_mem>>) src(%dma_wait3A_92 : memref<640x128xf32, #tpu.memory_space<vmem_shared>>) dst(%dma_wait3A_90 : memref<640x128xf32, #tpu.memory_space<hbm>>)
      tpu.yield
    }) : () -> ()
    return
  }
}

#map = affine_map<(d0, d1) -> (0, 0)>
#map1 = affine_map<(d0, d1) -> (0, 0, 0)>
module attributes {stable_mosaic.version = 14 : i64} {
  func.func @_hop_body(%arg0: i32, %arg1: i32, %arg2: memref<10240x128xf32, #tpu.memory_space<hbm>>, %arg3: memref<32x83x120xi32, #tpu.memory_space<hbm>>, %arg4: memref<32x83x120xi32, #tpu.memory_space<hbm>>, %arg5: memref<32x40xi32, #tpu.memory_space<hbm>>, %arg6: memref<32x40xi32, #tpu.memory_space<hbm>>, %arg7: memref<10240x128xf32, #tpu.memory_space<hbm>>, %arg8: memref<2x10240x128xf32, #tpu.memory_space<hbm>>, %arg9: memref<83x120xi32, #tpu.memory_space<vmem>>, %arg10: memref<83x120xi32, #tpu.memory_space<vmem>>, %arg11: memref<40xi32, #tpu.memory_space<vmem>>, %arg12: memref<40xi32, #tpu.memory_space<vmem>>, %arg13: memref<120x128xf32, #tpu.memory_space<vmem>>, %arg14: memref<40x128xf32, #tpu.memory_space<vmem>>, %arg15: memref<!tpu.dma_semaphore, #tpu.memory_space<semaphore_mem>>, %arg16: memref<!tpu.dma_semaphore, #tpu.memory_space<semaphore_mem>>, %arg17: memref<10240x128xf32, #tpu.memory_space<vmem_shared>>) attributes {dimension_semantics = [#tpu.dimension_semantics<core_parallel>, #tpu.dimension_semantics<subcore_parallel>], iteration_bounds = array<i64: 2, 16>, scalar_prefetch = 0 : i64, scratch_operands = 9 : i64, tpu.core_type = #tpu.core_type<sc_vector_subcore>, window_params = [{transform_indices = #map}, {transform_indices = #map1}, {transform_indices = #map1}, {transform_indices = #map}, {transform_indices = #map}, {transform_indices = #map}, {transform_indices = #map1}]} {
    %mul3A = arith.constant 16 : i32
    %mul3A_0 = arith.muli %arg0, %mul3A : i32
    %add3A = arith.addi %mul3A_0, %arg1 : i32
    %dma_start3A = arith.constant 0 : i32
    %dma_start3A_1 = arith.constant 0 : i32
    %dma_start3A_2 = tpu.memref_slice %arg3[%add3A, %dma_start3A, %dma_start3A_1] : memref<32x83x120xi32, #tpu.memory_space<hbm>> -> memref<1x83x120xi32, #tpu.memory_space<hbm>>
    %dma_start3A_3 = tpu.memref_squeeze %dma_start3A_2 : memref<1x83x120xi32, #tpu.memory_space<hbm>> -> memref<83x120xi32, #tpu.memory_space<hbm>>
    %dma_start3A_4 = arith.constant 0 : i32
    %dma_start3A_5 = arith.constant 0 : i32
    %dma_start3A_6 = tpu.memref_slice %arg3[%add3A, %dma_start3A_4, %dma_start3A_5] : memref<32x83x120xi32, #tpu.memory_space<hbm>> -> memref<1x83x120xi32, #tpu.memory_space<hbm>>
    %dma_start3A_7 = tpu.memref_squeeze %dma_start3A_6 : memref<1x83x120xi32, #tpu.memory_space<hbm>> -> memref<83x120xi32, #tpu.memory_space<hbm>>
    tpu.enqueue_dma source(%dma_start3A_7 : memref<83x120xi32, #tpu.memory_space<hbm>>) target(%arg9 : memref<83x120xi32, #tpu.memory_space<vmem>>) target_semaphore(%arg15 : memref<!tpu.dma_semaphore, #tpu.memory_space<semaphore_mem>>)
    %dma_start3A_8 = arith.constant 0 : i32
    %dma_start3A_9 = arith.constant 0 : i32
    %dma_start3A_10 = tpu.memref_slice %arg4[%add3A, %dma_start3A_8, %dma_start3A_9] : memref<32x83x120xi32, #tpu.memory_space<hbm>> -> memref<1x83x120xi32, #tpu.memory_space<hbm>>
    %dma_start3A_11 = tpu.memref_squeeze %dma_start3A_10 : memref<1x83x120xi32, #tpu.memory_space<hbm>> -> memref<83x120xi32, #tpu.memory_space<hbm>>
    %dma_start3A_12 = arith.constant 0 : i32
    %dma_start3A_13 = arith.constant 0 : i32
    %dma_start3A_14 = tpu.memref_slice %arg4[%add3A, %dma_start3A_12, %dma_start3A_13] : memref<32x83x120xi32, #tpu.memory_space<hbm>> -> memref<1x83x120xi32, #tpu.memory_space<hbm>>
    %dma_start3A_15 = tpu.memref_squeeze %dma_start3A_14 : memref<1x83x120xi32, #tpu.memory_space<hbm>> -> memref<83x120xi32, #tpu.memory_space<hbm>>
    tpu.enqueue_dma source(%dma_start3A_15 : memref<83x120xi32, #tpu.memory_space<hbm>>) target(%arg10 : memref<83x120xi32, #tpu.memory_space<vmem>>) target_semaphore(%arg15 : memref<!tpu.dma_semaphore, #tpu.memory_space<semaphore_mem>>)
    %dma_start3A_16 = arith.constant 0 : i32
    %dma_start3A_17 = tpu.memref_slice %arg5[%add3A, %dma_start3A_16] : memref<32x40xi32, #tpu.memory_space<hbm>> -> memref<1x40xi32, #tpu.memory_space<hbm>>
    %dma_start3A_18 = tpu.memref_squeeze %dma_start3A_17 : memref<1x40xi32, #tpu.memory_space<hbm>> -> memref<40xi32, #tpu.memory_space<hbm>>
    %dma_start3A_19 = arith.constant 0 : i32
    %dma_start3A_20 = tpu.memref_slice %arg5[%add3A, %dma_start3A_19] : memref<32x40xi32, #tpu.memory_space<hbm>> -> memref<1x40xi32, #tpu.memory_space<hbm>>
    %dma_start3A_21 = tpu.memref_squeeze %dma_start3A_20 : memref<1x40xi32, #tpu.memory_space<hbm>> -> memref<40xi32, #tpu.memory_space<hbm>>
    tpu.enqueue_dma source(%dma_start3A_21 : memref<40xi32, #tpu.memory_space<hbm>>) target(%arg11 : memref<40xi32, #tpu.memory_space<vmem>>) target_semaphore(%arg15 : memref<!tpu.dma_semaphore, #tpu.memory_space<semaphore_mem>>)
    %dma_start3A_22 = arith.constant 0 : i32
    %dma_start3A_23 = tpu.memref_slice %arg6[%add3A, %dma_start3A_22] : memref<32x40xi32, #tpu.memory_space<hbm>> -> memref<1x40xi32, #tpu.memory_space<hbm>>
    %dma_start3A_24 = tpu.memref_squeeze %dma_start3A_23 : memref<1x40xi32, #tpu.memory_space<hbm>> -> memref<40xi32, #tpu.memory_space<hbm>>
    %dma_start3A_25 = arith.constant 0 : i32
    %dma_start3A_26 = tpu.memref_slice %arg6[%add3A, %dma_start3A_25] : memref<32x40xi32, #tpu.memory_space<hbm>> -> memref<1x40xi32, #tpu.memory_space<hbm>>
    %dma_start3A_27 = tpu.memref_squeeze %dma_start3A_26 : memref<1x40xi32, #tpu.memory_space<hbm>> -> memref<40xi32, #tpu.memory_space<hbm>>
    tpu.enqueue_dma source(%dma_start3A_27 : memref<40xi32, #tpu.memory_space<hbm>>) target(%arg12 : memref<40xi32, #tpu.memory_space<vmem>>) target_semaphore(%arg15 : memref<!tpu.dma_semaphore, #tpu.memory_space<semaphore_mem>>)
    %mul3A_28 = arith.constant 640 : i32
    %mul3A_29 = arith.muli %arg1, %mul3A_28 : i32
    %mul3A_30 = arith.constant 640 : i32
    %mul3A_31 = arith.muli %arg1, %mul3A_30 : i32
    %dma_start3A_32 = arith.constant 0 : i32
    %dma_start3A_33 = tpu.memref_slice %arg17[%mul3A_31, %dma_start3A_32] : memref<10240x128xf32, #tpu.memory_space<vmem_shared>> -> memref<640x128xf32, #tpu.memory_space<vmem_shared>>
    %dma_start3A_34 = arith.constant 0 : i32
    %dma_start3A_35 = tpu.memref_slice %arg7[%mul3A_29, %dma_start3A_34] : memref<10240x128xf32, #tpu.memory_space<hbm>> -> memref<640x128xf32, #tpu.memory_space<hbm>>
    tpu.enqueue_dma source(%dma_start3A_35 : memref<640x128xf32, #tpu.memory_space<hbm>>) target(%dma_start3A_33 : memref<640x128xf32, #tpu.memory_space<vmem_shared>>) target_semaphore(%arg15 : memref<!tpu.dma_semaphore, #tpu.memory_space<semaphore_mem>>)
    %dma_wait3A = arith.constant 0 : i32
    %dma_wait3A_36 = arith.constant 0 : i32
    %dma_wait3A_37 = tpu.memref_slice %arg3[%add3A, %dma_wait3A, %dma_wait3A_36] : memref<32x83x120xi32, #tpu.memory_space<hbm>> -> memref<1x83x120xi32, #tpu.memory_space<hbm>>
    %dma_wait3A_38 = tpu.memref_squeeze %dma_wait3A_37 : memref<1x83x120xi32, #tpu.memory_space<hbm>> -> memref<83x120xi32, #tpu.memory_space<hbm>>
    %dma_wait3A_39 = arith.constant 0 : i32
    %dma_wait3A_40 = arith.constant 0 : i32
    %dma_wait3A_41 = tpu.memref_slice %arg3[%add3A, %dma_wait3A_39, %dma_wait3A_40] : memref<32x83x120xi32, #tpu.memory_space<hbm>> -> memref<1x83x120xi32, #tpu.memory_space<hbm>>
    %dma_wait3A_42 = tpu.memref_squeeze %dma_wait3A_41 : memref<1x83x120xi32, #tpu.memory_space<hbm>> -> memref<83x120xi32, #tpu.memory_space<hbm>>
    tpu.wait_dma2 semaphore(%arg15 : memref<!tpu.dma_semaphore, #tpu.memory_space<semaphore_mem>>) src(%dma_wait3A_42 : memref<83x120xi32, #tpu.memory_space<hbm>>) dst(%arg9 : memref<83x120xi32, #tpu.memory_space<vmem>>)
    %dma_wait3A_43 = arith.constant 0 : i32
    %dma_wait3A_44 = arith.constant 0 : i32
    %dma_wait3A_45 = tpu.memref_slice %arg4[%add3A, %dma_wait3A_43, %dma_wait3A_44] : memref<32x83x120xi32, #tpu.memory_space<hbm>> -> memref<1x83x120xi32, #tpu.memory_space<hbm>>
    %dma_wait3A_46 = tpu.memref_squeeze %dma_wait3A_45 : memref<1x83x120xi32, #tpu.memory_space<hbm>> -> memref<83x120xi32, #tpu.memory_space<hbm>>
    %dma_wait3A_47 = arith.constant 0 : i32
    %dma_wait3A_48 = arith.constant 0 : i32
    %dma_wait3A_49 = tpu.memref_slice %arg4[%add3A, %dma_wait3A_47, %dma_wait3A_48] : memref<32x83x120xi32, #tpu.memory_space<hbm>> -> memref<1x83x120xi32, #tpu.memory_space<hbm>>
    %dma_wait3A_50 = tpu.memref_squeeze %dma_wait3A_49 : memref<1x83x120xi32, #tpu.memory_space<hbm>> -> memref<83x120xi32, #tpu.memory_space<hbm>>
    tpu.wait_dma2 semaphore(%arg15 : memref<!tpu.dma_semaphore, #tpu.memory_space<semaphore_mem>>) src(%dma_wait3A_50 : memref<83x120xi32, #tpu.memory_space<hbm>>) dst(%arg10 : memref<83x120xi32, #tpu.memory_space<vmem>>)
    %dma_wait3A_51 = arith.constant 0 : i32
    %dma_wait3A_52 = tpu.memref_slice %arg5[%add3A, %dma_wait3A_51] : memref<32x40xi32, #tpu.memory_space<hbm>> -> memref<1x40xi32, #tpu.memory_space<hbm>>
    %dma_wait3A_53 = tpu.memref_squeeze %dma_wait3A_52 : memref<1x40xi32, #tpu.memory_space<hbm>> -> memref<40xi32, #tpu.memory_space<hbm>>
    %dma_wait3A_54 = arith.constant 0 : i32
    %dma_wait3A_55 = tpu.memref_slice %arg5[%add3A, %dma_wait3A_54] : memref<32x40xi32, #tpu.memory_space<hbm>> -> memref<1x40xi32, #tpu.memory_space<hbm>>
    %dma_wait3A_56 = tpu.memref_squeeze %dma_wait3A_55 : memref<1x40xi32, #tpu.memory_space<hbm>> -> memref<40xi32, #tpu.memory_space<hbm>>
    tpu.wait_dma2 semaphore(%arg15 : memref<!tpu.dma_semaphore, #tpu.memory_space<semaphore_mem>>) src(%dma_wait3A_56 : memref<40xi32, #tpu.memory_space<hbm>>) dst(%arg11 : memref<40xi32, #tpu.memory_space<vmem>>)
    %dma_wait3A_57 = arith.constant 0 : i32
    %dma_wait3A_58 = tpu.memref_slice %arg6[%add3A, %dma_wait3A_57] : memref<32x40xi32, #tpu.memory_space<hbm>> -> memref<1x40xi32, #tpu.memory_space<hbm>>
    %dma_wait3A_59 = tpu.memref_squeeze %dma_wait3A_58 : memref<1x40xi32, #tpu.memory_space<hbm>> -> memref<40xi32, #tpu.memory_space<hbm>>
    %dma_wait3A_60 = arith.constant 0 : i32
    %dma_wait3A_61 = tpu.memref_slice %arg6[%add3A, %dma_wait3A_60] : memref<32x40xi32, #tpu.memory_space<hbm>> -> memref<1x40xi32, #tpu.memory_space<hbm>>
    %dma_wait3A_62 = tpu.memref_squeeze %dma_wait3A_61 : memref<1x40xi32, #tpu.memory_space<hbm>> -> memref<40xi32, #tpu.memory_space<hbm>>
    tpu.wait_dma2 semaphore(%arg15 : memref<!tpu.dma_semaphore, #tpu.memory_space<semaphore_mem>>) src(%dma_wait3A_62 : memref<40xi32, #tpu.memory_space<hbm>>) dst(%arg12 : memref<40xi32, #tpu.memory_space<vmem>>)
    %dma_wait3A_63 = arith.constant 0 : i32
    %dma_wait3A_64 = tpu.memref_slice %arg17[%mul3A_31, %dma_wait3A_63] : memref<10240x128xf32, #tpu.memory_space<vmem_shared>> -> memref<640x128xf32, #tpu.memory_space<vmem_shared>>
    %dma_wait3A_65 = arith.constant 0 : i32
    %dma_wait3A_66 = tpu.memref_slice %arg7[%mul3A_29, %dma_wait3A_65] : memref<10240x128xf32, #tpu.memory_space<hbm>> -> memref<640x128xf32, #tpu.memory_space<hbm>>
    tpu.wait_dma2 semaphore(%arg15 : memref<!tpu.dma_semaphore, #tpu.memory_space<semaphore_mem>>) src(%dma_wait3A_66 : memref<640x128xf32, #tpu.memory_space<hbm>>) dst(%dma_wait3A_64 : memref<640x128xf32, #tpu.memory_space<vmem_shared>>)
    %barrier3A = arith.constant 0 : index
    tpu.barrier barrier_id(%barrier3A)
    %dma_start3A_67 = arith.constant 0 : i32
    %dma_start3A_68 = arith.constant 0 : i32
    %dma_start3A_69 = tpu.memref_slice %arg2[%dma_start3A_67, %dma_start3A_68] : memref<10240x128xf32, #tpu.memory_space<hbm>> -> memref<10240x128xf32, #tpu.memory_space<hbm>>
    tpu.enqueue_indirect_dma source(%dma_start3A_69 : memref<10240x128xf32, #tpu.memory_space<hbm>>) target(%arg14 : memref<40x128xf32, #tpu.memory_space<vmem>>) offsets(%arg11 : memref<40xi32, #tpu.memory_space<vmem>>) semaphore(%arg16 : memref<!tpu.dma_semaphore, #tpu.memory_space<semaphore_mem>>)
    %scan3A = arith.constant 0 : i32
    %scan3A_70 = arith.constant 0 : i32
    %scan3A_71 = arith.constant 83 : i32
    %scan3A_72 = arith.addi %scan3A_70, %scan3A_71 : i32
    %scan3A_73 = arith.constant 1 : i32
    scf.for %scan3A_83 = %scan3A_70 to %scan3A_72 step %scan3A_73  : i32 {
      %dma_start3A_84 = arith.constant 0 : i32
      %dma_start3A_85 = tpu.memref_slice %arg9[%scan3A_83, %dma_start3A_84] : memref<83x120xi32, #tpu.memory_space<vmem>> -> memref<1x120xi32, #tpu.memory_space<vmem>>
      %dma_start3A_86 = tpu.memref_squeeze %dma_start3A_85 : memref<1x120xi32, #tpu.memory_space<vmem>> -> memref<120xi32, #tpu.memory_space<vmem>>
      %dma_start3A_87 = arith.constant 0 : i32
      %dma_start3A_88 = arith.constant 0 : i32
      %dma_start3A_89 = tpu.memref_slice %arg2[%dma_start3A_87, %dma_start3A_88] : memref<10240x128xf32, #tpu.memory_space<hbm>> -> memref<10240x128xf32, #tpu.memory_space<hbm>>
      tpu.enqueue_indirect_dma source(%dma_start3A_89 : memref<10240x128xf32, #tpu.memory_space<hbm>>) target(%arg13 : memref<120x128xf32, #tpu.memory_space<vmem>>) offsets(%dma_start3A_86 : memref<120xi32, #tpu.memory_space<vmem>>) semaphore(%arg15 : memref<!tpu.dma_semaphore, #tpu.memory_space<semaphore_mem>>)
      %dma_wait3A_90 = arith.constant 0 : i32
      %dma_wait3A_91 = tpu.memref_slice %arg9[%scan3A_83, %dma_wait3A_90] : memref<83x120xi32, #tpu.memory_space<vmem>> -> memref<1x120xi32, #tpu.memory_space<vmem>>
      %dma_wait3A_92 = tpu.memref_squeeze %dma_wait3A_91 : memref<1x120xi32, #tpu.memory_space<vmem>> -> memref<120xi32, #tpu.memory_space<vmem>>
      %dma_wait3A_93 = arith.constant 0 : i32
      %dma_wait3A_94 = arith.constant 0 : i32
      %dma_wait3A_95 = tpu.memref_slice %arg2[%dma_wait3A_93, %dma_wait3A_94] : memref<10240x128xf32, #tpu.memory_space<hbm>> -> memref<10240x128xf32, #tpu.memory_space<hbm>>
      tpu.wait_indirect_dma semaphore(%arg15 : memref<!tpu.dma_semaphore, #tpu.memory_space<semaphore_mem>>) src(%dma_wait3A_95 : memref<10240x128xf32, #tpu.memory_space<hbm>>) dst(%arg13 : memref<120x128xf32, #tpu.memory_space<vmem>>)
      "tpu.region"() ({
        %run_scoped3A = tpu.sem_alloc : memref<!tpu.dma_semaphore, #tpu.memory_space<semaphore_mem>>
        %dma_start3A_96 = arith.constant 0 : i32
        %dma_start3A_97 = tpu.memref_slice %arg10[%scan3A_83, %dma_start3A_96] : memref<83x120xi32, #tpu.memory_space<vmem>> -> memref<1x120xi32, #tpu.memory_space<vmem>>
        %dma_start3A_98 = tpu.memref_squeeze %dma_start3A_97 : memref<1x120xi32, #tpu.memory_space<vmem>> -> memref<120xi32, #tpu.memory_space<vmem>>
        %dma_start3A_99 = arith.constant 0 : i32
        %dma_start3A_100 = arith.constant 0 : i32
        %dma_start3A_101 = tpu.memref_slice %arg17[%dma_start3A_99, %dma_start3A_100] : memref<10240x128xf32, #tpu.memory_space<vmem_shared>> -> memref<10240x128xf32, #tpu.memory_space<vmem_shared>>
        tpu.enqueue_indirect_dma source(%arg13 : memref<120x128xf32, #tpu.memory_space<vmem>>) target(%dma_start3A_101 : memref<10240x128xf32, #tpu.memory_space<vmem_shared>>) offsets(%dma_start3A_98 : memref<120xi32, #tpu.memory_space<vmem>>) semaphore(%run_scoped3A : memref<!tpu.dma_semaphore, #tpu.memory_space<semaphore_mem>>) {add = true}
        %dma_wait3A_102 = arith.constant 0 : i32
        %dma_wait3A_103 = tpu.memref_slice %arg10[%scan3A_83, %dma_wait3A_102] : memref<83x120xi32, #tpu.memory_space<vmem>> -> memref<1x120xi32, #tpu.memory_space<vmem>>
        %dma_wait3A_104 = tpu.memref_squeeze %dma_wait3A_103 : memref<1x120xi32, #tpu.memory_space<vmem>> -> memref<120xi32, #tpu.memory_space<vmem>>
        %dma_wait3A_105 = arith.constant 0 : i32
        %dma_wait3A_106 = arith.constant 0 : i32
        %dma_wait3A_107 = tpu.memref_slice %arg17[%dma_wait3A_105, %dma_wait3A_106] : memref<10240x128xf32, #tpu.memory_space<vmem_shared>> -> memref<10240x128xf32, #tpu.memory_space<vmem_shared>>
        tpu.wait_indirect_dma semaphore(%run_scoped3A : memref<!tpu.dma_semaphore, #tpu.memory_space<semaphore_mem>>) src(%arg13 : memref<120x128xf32, #tpu.memory_space<vmem>>) dst(%dma_wait3A_107 : memref<10240x128xf32, #tpu.memory_space<vmem_shared>>)
        tpu.yield
      }) : () -> ()
    }
    %scan3A_74 = arith.constant 83 : i32
    %dma_wait3A_75 = arith.constant 0 : i32
    %dma_wait3A_76 = arith.constant 0 : i32
    %dma_wait3A_77 = tpu.memref_slice %arg2[%dma_wait3A_75, %dma_wait3A_76] : memref<10240x128xf32, #tpu.memory_space<hbm>> -> memref<10240x128xf32, #tpu.memory_space<hbm>>
    tpu.wait_indirect_dma semaphore(%arg16 : memref<!tpu.dma_semaphore, #tpu.memory_space<semaphore_mem>>) src(%dma_wait3A_77 : memref<10240x128xf32, #tpu.memory_space<hbm>>) dst(%arg14 : memref<40x128xf32, #tpu.memory_space<vmem>>)
    "tpu.region"() ({
      %run_scoped3A = tpu.sem_alloc : memref<!tpu.dma_semaphore, #tpu.memory_space<semaphore_mem>>
      %dma_start3A_83 = arith.constant 0 : i32
      %dma_start3A_84 = arith.constant 0 : i32
      %dma_start3A_85 = tpu.memref_slice %arg17[%dma_start3A_83, %dma_start3A_84] : memref<10240x128xf32, #tpu.memory_space<vmem_shared>> -> memref<10240x128xf32, #tpu.memory_space<vmem_shared>>
      tpu.enqueue_indirect_dma source(%arg14 : memref<40x128xf32, #tpu.memory_space<vmem>>) target(%dma_start3A_85 : memref<10240x128xf32, #tpu.memory_space<vmem_shared>>) offsets(%arg12 : memref<40xi32, #tpu.memory_space<vmem>>) semaphore(%run_scoped3A : memref<!tpu.dma_semaphore, #tpu.memory_space<semaphore_mem>>) {add = true}
      %dma_wait3A_86 = arith.constant 0 : i32
      %dma_wait3A_87 = arith.constant 0 : i32
      %dma_wait3A_88 = tpu.memref_slice %arg17[%dma_wait3A_86, %dma_wait3A_87] : memref<10240x128xf32, #tpu.memory_space<vmem_shared>> -> memref<10240x128xf32, #tpu.memory_space<vmem_shared>>
      tpu.wait_indirect_dma semaphore(%run_scoped3A : memref<!tpu.dma_semaphore, #tpu.memory_space<semaphore_mem>>) src(%arg14 : memref<40x128xf32, #tpu.memory_space<vmem>>) dst(%dma_wait3A_88 : memref<10240x128xf32, #tpu.memory_space<vmem_shared>>)
      tpu.yield
    }) : () -> ()
    %barrier3A_78 = arith.constant 0 : index
    tpu.barrier barrier_id(%barrier3A_78)
    %mul3A_79 = arith.constant 640 : i32
    %mul3A_80 = arith.muli %arg1, %mul3A_79 : i32
    %mul3A_81 = arith.constant 640 : i32
    %mul3A_82 = arith.muli %arg1, %mul3A_81 : i32
    "tpu.region"() ({
      %run_scoped3A = tpu.sem_alloc : memref<!tpu.dma_semaphore, #tpu.memory_space<semaphore_mem>>
      %dma_start3A_83 = arith.constant 0 : i32
      %dma_start3A_84 = tpu.memref_slice %arg8[%arg0, %mul3A_82, %dma_start3A_83] : memref<2x10240x128xf32, #tpu.memory_space<hbm>> -> memref<1x640x128xf32, #tpu.memory_space<hbm>>
      %dma_start3A_85 = tpu.memref_squeeze %dma_start3A_84 : memref<1x640x128xf32, #tpu.memory_space<hbm>> -> memref<640x128xf32, #tpu.memory_space<hbm>>
      %dma_start3A_86 = arith.constant 0 : i32
      %dma_start3A_87 = tpu.memref_slice %arg17[%mul3A_80, %dma_start3A_86] : memref<10240x128xf32, #tpu.memory_space<vmem_shared>> -> memref<640x128xf32, #tpu.memory_space<vmem_shared>>
      tpu.enqueue_dma source(%dma_start3A_87 : memref<640x128xf32, #tpu.memory_space<vmem_shared>>) target(%dma_start3A_85 : memref<640x128xf32, #tpu.memory_space<hbm>>) target_semaphore(%run_scoped3A : memref<!tpu.dma_semaphore, #tpu.memory_space<semaphore_mem>>)
      %dma_wait3A_88 = arith.constant 0 : i32
      %dma_wait3A_89 = tpu.memref_slice %arg8[%arg0, %mul3A_82, %dma_wait3A_88] : memref<2x10240x128xf32, #tpu.memory_space<hbm>> -> memref<1x640x128xf32, #tpu.memory_space<hbm>>
      %dma_wait3A_90 = tpu.memref_squeeze %dma_wait3A_89 : memref<1x640x128xf32, #tpu.memory_space<hbm>> -> memref<640x128xf32, #tpu.memory_space<hbm>>
      %dma_wait3A_91 = arith.constant 0 : i32
      %dma_wait3A_92 = tpu.memref_slice %arg17[%mul3A_80, %dma_wait3A_91] : memref<10240x128xf32, #tpu.memory_space<vmem_shared>> -> memref<640x128xf32, #tpu.memory_space<vmem_shared>>
      tpu.wait_dma2 semaphore(%run_scoped3A : memref<!tpu.dma_semaphore, #tpu.memory_space<semaphore_mem>>) src(%dma_wait3A_92 : memref<640x128xf32, #tpu.memory_space<vmem_shared>>) dst(%dma_wait3A_90 : memref<640x128xf32, #tpu.memory_space<hbm>>)
      tpu.yield
    }) : () -> ()
    return
  }
}

#map = affine_map<(d0, d1) -> (0, 0)>
#map1 = affine_map<(d0, d1) -> (0, 0, 0)>
module attributes {stable_mosaic.version = 14 : i64} {
  func.func @_hop_body(%arg0: i32, %arg1: i32, %arg2: memref<10240x128xf32, #tpu.memory_space<hbm>>, %arg3: memref<32x83x120xi32, #tpu.memory_space<hbm>>, %arg4: memref<32x83x120xi32, #tpu.memory_space<hbm>>, %arg5: memref<32x40xi32, #tpu.memory_space<hbm>>, %arg6: memref<32x40xi32, #tpu.memory_space<hbm>>, %arg7: memref<10240x128xf32, #tpu.memory_space<hbm>>, %arg8: memref<2x10240x128xf32, #tpu.memory_space<hbm>>, %arg9: memref<83x120xi32, #tpu.memory_space<vmem>>, %arg10: memref<83x120xi32, #tpu.memory_space<vmem>>, %arg11: memref<40xi32, #tpu.memory_space<vmem>>, %arg12: memref<40xi32, #tpu.memory_space<vmem>>, %arg13: memref<120x128xf32, #tpu.memory_space<vmem>>, %arg14: memref<40x128xf32, #tpu.memory_space<vmem>>, %arg15: memref<!tpu.dma_semaphore, #tpu.memory_space<semaphore_mem>>, %arg16: memref<!tpu.dma_semaphore, #tpu.memory_space<semaphore_mem>>, %arg17: memref<10240x128xf32, #tpu.memory_space<vmem_shared>>) attributes {dimension_semantics = [#tpu.dimension_semantics<core_parallel>, #tpu.dimension_semantics<subcore_parallel>], iteration_bounds = array<i64: 2, 16>, scalar_prefetch = 0 : i64, scratch_operands = 9 : i64, tpu.core_type = #tpu.core_type<sc_vector_subcore>, window_params = [{transform_indices = #map}, {transform_indices = #map1}, {transform_indices = #map1}, {transform_indices = #map}, {transform_indices = #map}, {transform_indices = #map}, {transform_indices = #map1}]} {
    %mul3A = arith.constant 16 : i32
    %mul3A_0 = arith.muli %arg0, %mul3A : i32
    %add3A = arith.addi %mul3A_0, %arg1 : i32
    %dma_start3A = arith.constant 0 : i32
    %dma_start3A_1 = arith.constant 0 : i32
    %dma_start3A_2 = tpu.memref_slice %arg3[%add3A, %dma_start3A, %dma_start3A_1] : memref<32x83x120xi32, #tpu.memory_space<hbm>> -> memref<1x83x120xi32, #tpu.memory_space<hbm>>
    %dma_start3A_3 = tpu.memref_squeeze %dma_start3A_2 : memref<1x83x120xi32, #tpu.memory_space<hbm>> -> memref<83x120xi32, #tpu.memory_space<hbm>>
    %dma_start3A_4 = arith.constant 0 : i32
    %dma_start3A_5 = arith.constant 0 : i32
    %dma_start3A_6 = tpu.memref_slice %arg3[%add3A, %dma_start3A_4, %dma_start3A_5] : memref<32x83x120xi32, #tpu.memory_space<hbm>> -> memref<1x83x120xi32, #tpu.memory_space<hbm>>
    %dma_start3A_7 = tpu.memref_squeeze %dma_start3A_6 : memref<1x83x120xi32, #tpu.memory_space<hbm>> -> memref<83x120xi32, #tpu.memory_space<hbm>>
    tpu.enqueue_dma source(%dma_start3A_7 : memref<83x120xi32, #tpu.memory_space<hbm>>) target(%arg9 : memref<83x120xi32, #tpu.memory_space<vmem>>) target_semaphore(%arg15 : memref<!tpu.dma_semaphore, #tpu.memory_space<semaphore_mem>>)
    %dma_start3A_8 = arith.constant 0 : i32
    %dma_start3A_9 = arith.constant 0 : i32
    %dma_start3A_10 = tpu.memref_slice %arg4[%add3A, %dma_start3A_8, %dma_start3A_9] : memref<32x83x120xi32, #tpu.memory_space<hbm>> -> memref<1x83x120xi32, #tpu.memory_space<hbm>>
    %dma_start3A_11 = tpu.memref_squeeze %dma_start3A_10 : memref<1x83x120xi32, #tpu.memory_space<hbm>> -> memref<83x120xi32, #tpu.memory_space<hbm>>
    %dma_start3A_12 = arith.constant 0 : i32
    %dma_start3A_13 = arith.constant 0 : i32
    %dma_start3A_14 = tpu.memref_slice %arg4[%add3A, %dma_start3A_12, %dma_start3A_13] : memref<32x83x120xi32, #tpu.memory_space<hbm>> -> memref<1x83x120xi32, #tpu.memory_space<hbm>>
    %dma_start3A_15 = tpu.memref_squeeze %dma_start3A_14 : memref<1x83x120xi32, #tpu.memory_space<hbm>> -> memref<83x120xi32, #tpu.memory_space<hbm>>
    tpu.enqueue_dma source(%dma_start3A_15 : memref<83x120xi32, #tpu.memory_space<hbm>>) target(%arg10 : memref<83x120xi32, #tpu.memory_space<vmem>>) target_semaphore(%arg15 : memref<!tpu.dma_semaphore, #tpu.memory_space<semaphore_mem>>)
    %dma_start3A_16 = arith.constant 0 : i32
    %dma_start3A_17 = tpu.memref_slice %arg5[%add3A, %dma_start3A_16] : memref<32x40xi32, #tpu.memory_space<hbm>> -> memref<1x40xi32, #tpu.memory_space<hbm>>
    %dma_start3A_18 = tpu.memref_squeeze %dma_start3A_17 : memref<1x40xi32, #tpu.memory_space<hbm>> -> memref<40xi32, #tpu.memory_space<hbm>>
    %dma_start3A_19 = arith.constant 0 : i32
    %dma_start3A_20 = tpu.memref_slice %arg5[%add3A, %dma_start3A_19] : memref<32x40xi32, #tpu.memory_space<hbm>> -> memref<1x40xi32, #tpu.memory_space<hbm>>
    %dma_start3A_21 = tpu.memref_squeeze %dma_start3A_20 : memref<1x40xi32, #tpu.memory_space<hbm>> -> memref<40xi32, #tpu.memory_space<hbm>>
    tpu.enqueue_dma source(%dma_start3A_21 : memref<40xi32, #tpu.memory_space<hbm>>) target(%arg11 : memref<40xi32, #tpu.memory_space<vmem>>) target_semaphore(%arg15 : memref<!tpu.dma_semaphore, #tpu.memory_space<semaphore_mem>>)
    %dma_start3A_22 = arith.constant 0 : i32
    %dma_start3A_23 = tpu.memref_slice %arg6[%add3A, %dma_start3A_22] : memref<32x40xi32, #tpu.memory_space<hbm>> -> memref<1x40xi32, #tpu.memory_space<hbm>>
    %dma_start3A_24 = tpu.memref_squeeze %dma_start3A_23 : memref<1x40xi32, #tpu.memory_space<hbm>> -> memref<40xi32, #tpu.memory_space<hbm>>
    %dma_start3A_25 = arith.constant 0 : i32
    %dma_start3A_26 = tpu.memref_slice %arg6[%add3A, %dma_start3A_25] : memref<32x40xi32, #tpu.memory_space<hbm>> -> memref<1x40xi32, #tpu.memory_space<hbm>>
    %dma_start3A_27 = tpu.memref_squeeze %dma_start3A_26 : memref<1x40xi32, #tpu.memory_space<hbm>> -> memref<40xi32, #tpu.memory_space<hbm>>
    tpu.enqueue_dma source(%dma_start3A_27 : memref<40xi32, #tpu.memory_space<hbm>>) target(%arg12 : memref<40xi32, #tpu.memory_space<vmem>>) target_semaphore(%arg15 : memref<!tpu.dma_semaphore, #tpu.memory_space<semaphore_mem>>)
    %mul3A_28 = arith.constant 640 : i32
    %mul3A_29 = arith.muli %arg1, %mul3A_28 : i32
    %mul3A_30 = arith.constant 640 : i32
    %mul3A_31 = arith.muli %arg1, %mul3A_30 : i32
    %dma_start3A_32 = arith.constant 0 : i32
    %dma_start3A_33 = tpu.memref_slice %arg17[%mul3A_31, %dma_start3A_32] : memref<10240x128xf32, #tpu.memory_space<vmem_shared>> -> memref<640x128xf32, #tpu.memory_space<vmem_shared>>
    %dma_start3A_34 = arith.constant 0 : i32
    %dma_start3A_35 = tpu.memref_slice %arg7[%mul3A_29, %dma_start3A_34] : memref<10240x128xf32, #tpu.memory_space<hbm>> -> memref<640x128xf32, #tpu.memory_space<hbm>>
    tpu.enqueue_dma source(%dma_start3A_35 : memref<640x128xf32, #tpu.memory_space<hbm>>) target(%dma_start3A_33 : memref<640x128xf32, #tpu.memory_space<vmem_shared>>) target_semaphore(%arg15 : memref<!tpu.dma_semaphore, #tpu.memory_space<semaphore_mem>>)
    %dma_wait3A = arith.constant 0 : i32
    %dma_wait3A_36 = arith.constant 0 : i32
    %dma_wait3A_37 = tpu.memref_slice %arg3[%add3A, %dma_wait3A, %dma_wait3A_36] : memref<32x83x120xi32, #tpu.memory_space<hbm>> -> memref<1x83x120xi32, #tpu.memory_space<hbm>>
    %dma_wait3A_38 = tpu.memref_squeeze %dma_wait3A_37 : memref<1x83x120xi32, #tpu.memory_space<hbm>> -> memref<83x120xi32, #tpu.memory_space<hbm>>
    %dma_wait3A_39 = arith.constant 0 : i32
    %dma_wait3A_40 = arith.constant 0 : i32
    %dma_wait3A_41 = tpu.memref_slice %arg3[%add3A, %dma_wait3A_39, %dma_wait3A_40] : memref<32x83x120xi32, #tpu.memory_space<hbm>> -> memref<1x83x120xi32, #tpu.memory_space<hbm>>
    %dma_wait3A_42 = tpu.memref_squeeze %dma_wait3A_41 : memref<1x83x120xi32, #tpu.memory_space<hbm>> -> memref<83x120xi32, #tpu.memory_space<hbm>>
    tpu.wait_dma2 semaphore(%arg15 : memref<!tpu.dma_semaphore, #tpu.memory_space<semaphore_mem>>) src(%dma_wait3A_42 : memref<83x120xi32, #tpu.memory_space<hbm>>) dst(%arg9 : memref<83x120xi32, #tpu.memory_space<vmem>>)
    %dma_wait3A_43 = arith.constant 0 : i32
    %dma_wait3A_44 = arith.constant 0 : i32
    %dma_wait3A_45 = tpu.memref_slice %arg4[%add3A, %dma_wait3A_43, %dma_wait3A_44] : memref<32x83x120xi32, #tpu.memory_space<hbm>> -> memref<1x83x120xi32, #tpu.memory_space<hbm>>
    %dma_wait3A_46 = tpu.memref_squeeze %dma_wait3A_45 : memref<1x83x120xi32, #tpu.memory_space<hbm>> -> memref<83x120xi32, #tpu.memory_space<hbm>>
    %dma_wait3A_47 = arith.constant 0 : i32
    %dma_wait3A_48 = arith.constant 0 : i32
    %dma_wait3A_49 = tpu.memref_slice %arg4[%add3A, %dma_wait3A_47, %dma_wait3A_48] : memref<32x83x120xi32, #tpu.memory_space<hbm>> -> memref<1x83x120xi32, #tpu.memory_space<hbm>>
    %dma_wait3A_50 = tpu.memref_squeeze %dma_wait3A_49 : memref<1x83x120xi32, #tpu.memory_space<hbm>> -> memref<83x120xi32, #tpu.memory_space<hbm>>
    tpu.wait_dma2 semaphore(%arg15 : memref<!tpu.dma_semaphore, #tpu.memory_space<semaphore_mem>>) src(%dma_wait3A_50 : memref<83x120xi32, #tpu.memory_space<hbm>>) dst(%arg10 : memref<83x120xi32, #tpu.memory_space<vmem>>)
    %dma_wait3A_51 = arith.constant 0 : i32
    %dma_wait3A_52 = tpu.memref_slice %arg5[%add3A, %dma_wait3A_51] : memref<32x40xi32, #tpu.memory_space<hbm>> -> memref<1x40xi32, #tpu.memory_space<hbm>>
    %dma_wait3A_53 = tpu.memref_squeeze %dma_wait3A_52 : memref<1x40xi32, #tpu.memory_space<hbm>> -> memref<40xi32, #tpu.memory_space<hbm>>
    %dma_wait3A_54 = arith.constant 0 : i32
    %dma_wait3A_55 = tpu.memref_slice %arg5[%add3A, %dma_wait3A_54] : memref<32x40xi32, #tpu.memory_space<hbm>> -> memref<1x40xi32, #tpu.memory_space<hbm>>
    %dma_wait3A_56 = tpu.memref_squeeze %dma_wait3A_55 : memref<1x40xi32, #tpu.memory_space<hbm>> -> memref<40xi32, #tpu.memory_space<hbm>>
    tpu.wait_dma2 semaphore(%arg15 : memref<!tpu.dma_semaphore, #tpu.memory_space<semaphore_mem>>) src(%dma_wait3A_56 : memref<40xi32, #tpu.memory_space<hbm>>) dst(%arg11 : memref<40xi32, #tpu.memory_space<vmem>>)
    %dma_wait3A_57 = arith.constant 0 : i32
    %dma_wait3A_58 = tpu.memref_slice %arg6[%add3A, %dma_wait3A_57] : memref<32x40xi32, #tpu.memory_space<hbm>> -> memref<1x40xi32, #tpu.memory_space<hbm>>
    %dma_wait3A_59 = tpu.memref_squeeze %dma_wait3A_58 : memref<1x40xi32, #tpu.memory_space<hbm>> -> memref<40xi32, #tpu.memory_space<hbm>>
    %dma_wait3A_60 = arith.constant 0 : i32
    %dma_wait3A_61 = tpu.memref_slice %arg6[%add3A, %dma_wait3A_60] : memref<32x40xi32, #tpu.memory_space<hbm>> -> memref<1x40xi32, #tpu.memory_space<hbm>>
    %dma_wait3A_62 = tpu.memref_squeeze %dma_wait3A_61 : memref<1x40xi32, #tpu.memory_space<hbm>> -> memref<40xi32, #tpu.memory_space<hbm>>
    tpu.wait_dma2 semaphore(%arg15 : memref<!tpu.dma_semaphore, #tpu.memory_space<semaphore_mem>>) src(%dma_wait3A_62 : memref<40xi32, #tpu.memory_space<hbm>>) dst(%arg12 : memref<40xi32, #tpu.memory_space<vmem>>)
    %dma_wait3A_63 = arith.constant 0 : i32
    %dma_wait3A_64 = tpu.memref_slice %arg17[%mul3A_31, %dma_wait3A_63] : memref<10240x128xf32, #tpu.memory_space<vmem_shared>> -> memref<640x128xf32, #tpu.memory_space<vmem_shared>>
    %dma_wait3A_65 = arith.constant 0 : i32
    %dma_wait3A_66 = tpu.memref_slice %arg7[%mul3A_29, %dma_wait3A_65] : memref<10240x128xf32, #tpu.memory_space<hbm>> -> memref<640x128xf32, #tpu.memory_space<hbm>>
    tpu.wait_dma2 semaphore(%arg15 : memref<!tpu.dma_semaphore, #tpu.memory_space<semaphore_mem>>) src(%dma_wait3A_66 : memref<640x128xf32, #tpu.memory_space<hbm>>) dst(%dma_wait3A_64 : memref<640x128xf32, #tpu.memory_space<vmem_shared>>)
    %barrier3A = arith.constant 0 : index
    tpu.barrier barrier_id(%barrier3A)
    %dma_start3A_67 = arith.constant 0 : i32
    %dma_start3A_68 = arith.constant 0 : i32
    %dma_start3A_69 = tpu.memref_slice %arg2[%dma_start3A_67, %dma_start3A_68] : memref<10240x128xf32, #tpu.memory_space<hbm>> -> memref<10240x128xf32, #tpu.memory_space<hbm>>
    tpu.enqueue_indirect_dma source(%dma_start3A_69 : memref<10240x128xf32, #tpu.memory_space<hbm>>) target(%arg14 : memref<40x128xf32, #tpu.memory_space<vmem>>) offsets(%arg11 : memref<40xi32, #tpu.memory_space<vmem>>) semaphore(%arg16 : memref<!tpu.dma_semaphore, #tpu.memory_space<semaphore_mem>>)
    %scan3A = arith.constant 0 : i32
    %scan3A_70 = arith.constant 0 : i32
    %scan3A_71 = arith.constant 83 : i32
    %scan3A_72 = arith.addi %scan3A_70, %scan3A_71 : i32
    %scan3A_73 = arith.constant 1 : i32
    scf.for %scan3A_83 = %scan3A_70 to %scan3A_72 step %scan3A_73  : i32 {
      %dma_start3A_84 = arith.constant 0 : i32
      %dma_start3A_85 = tpu.memref_slice %arg9[%scan3A_83, %dma_start3A_84] : memref<83x120xi32, #tpu.memory_space<vmem>> -> memref<1x120xi32, #tpu.memory_space<vmem>>
      %dma_start3A_86 = tpu.memref_squeeze %dma_start3A_85 : memref<1x120xi32, #tpu.memory_space<vmem>> -> memref<120xi32, #tpu.memory_space<vmem>>
      %dma_start3A_87 = arith.constant 0 : i32
      %dma_start3A_88 = arith.constant 0 : i32
      %dma_start3A_89 = tpu.memref_slice %arg2[%dma_start3A_87, %dma_start3A_88] : memref<10240x128xf32, #tpu.memory_space<hbm>> -> memref<10240x128xf32, #tpu.memory_space<hbm>>
      tpu.enqueue_indirect_dma source(%dma_start3A_89 : memref<10240x128xf32, #tpu.memory_space<hbm>>) target(%arg13 : memref<120x128xf32, #tpu.memory_space<vmem>>) offsets(%dma_start3A_86 : memref<120xi32, #tpu.memory_space<vmem>>) semaphore(%arg15 : memref<!tpu.dma_semaphore, #tpu.memory_space<semaphore_mem>>)
      %dma_wait3A_90 = arith.constant 0 : i32
      %dma_wait3A_91 = tpu.memref_slice %arg9[%scan3A_83, %dma_wait3A_90] : memref<83x120xi32, #tpu.memory_space<vmem>> -> memref<1x120xi32, #tpu.memory_space<vmem>>
      %dma_wait3A_92 = tpu.memref_squeeze %dma_wait3A_91 : memref<1x120xi32, #tpu.memory_space<vmem>> -> memref<120xi32, #tpu.memory_space<vmem>>
      %dma_wait3A_93 = arith.constant 0 : i32
      %dma_wait3A_94 = arith.constant 0 : i32
      %dma_wait3A_95 = tpu.memref_slice %arg2[%dma_wait3A_93, %dma_wait3A_94] : memref<10240x128xf32, #tpu.memory_space<hbm>> -> memref<10240x128xf32, #tpu.memory_space<hbm>>
      tpu.wait_indirect_dma semaphore(%arg15 : memref<!tpu.dma_semaphore, #tpu.memory_space<semaphore_mem>>) src(%dma_wait3A_95 : memref<10240x128xf32, #tpu.memory_space<hbm>>) dst(%arg13 : memref<120x128xf32, #tpu.memory_space<vmem>>)
      "tpu.region"() ({
        %run_scoped3A = tpu.sem_alloc : memref<!tpu.dma_semaphore, #tpu.memory_space<semaphore_mem>>
        %dma_start3A_96 = arith.constant 0 : i32
        %dma_start3A_97 = tpu.memref_slice %arg10[%scan3A_83, %dma_start3A_96] : memref<83x120xi32, #tpu.memory_space<vmem>> -> memref<1x120xi32, #tpu.memory_space<vmem>>
        %dma_start3A_98 = tpu.memref_squeeze %dma_start3A_97 : memref<1x120xi32, #tpu.memory_space<vmem>> -> memref<120xi32, #tpu.memory_space<vmem>>
        %dma_start3A_99 = arith.constant 0 : i32
        %dma_start3A_100 = arith.constant 0 : i32
        %dma_start3A_101 = tpu.memref_slice %arg17[%dma_start3A_99, %dma_start3A_100] : memref<10240x128xf32, #tpu.memory_space<vmem_shared>> -> memref<10240x128xf32, #tpu.memory_space<vmem_shared>>
        tpu.enqueue_indirect_dma source(%arg13 : memref<120x128xf32, #tpu.memory_space<vmem>>) target(%dma_start3A_101 : memref<10240x128xf32, #tpu.memory_space<vmem_shared>>) offsets(%dma_start3A_98 : memref<120xi32, #tpu.memory_space<vmem>>) semaphore(%run_scoped3A : memref<!tpu.dma_semaphore, #tpu.memory_space<semaphore_mem>>) {add = true}
        %dma_wait3A_102 = arith.constant 0 : i32
        %dma_wait3A_103 = tpu.memref_slice %arg10[%scan3A_83, %dma_wait3A_102] : memref<83x120xi32, #tpu.memory_space<vmem>> -> memref<1x120xi32, #tpu.memory_space<vmem>>
        %dma_wait3A_104 = tpu.memref_squeeze %dma_wait3A_103 : memref<1x120xi32, #tpu.memory_space<vmem>> -> memref<120xi32, #tpu.memory_space<vmem>>
        %dma_wait3A_105 = arith.constant 0 : i32
        %dma_wait3A_106 = arith.constant 0 : i32
        %dma_wait3A_107 = tpu.memref_slice %arg17[%dma_wait3A_105, %dma_wait3A_106] : memref<10240x128xf32, #tpu.memory_space<vmem_shared>> -> memref<10240x128xf32, #tpu.memory_space<vmem_shared>>
        tpu.wait_indirect_dma semaphore(%run_scoped3A : memref<!tpu.dma_semaphore, #tpu.memory_space<semaphore_mem>>) src(%arg13 : memref<120x128xf32, #tpu.memory_space<vmem>>) dst(%dma_wait3A_107 : memref<10240x128xf32, #tpu.memory_space<vmem_shared>>)
        tpu.yield
      }) : () -> ()
    }
    %scan3A_74 = arith.constant 83 : i32
    %dma_wait3A_75 = arith.constant 0 : i32
    %dma_wait3A_76 = arith.constant 0 : i32
    %dma_wait3A_77 = tpu.memref_slice %arg2[%dma_wait3A_75, %dma_wait3A_76] : memref<10240x128xf32, #tpu.memory_space<hbm>> -> memref<10240x128xf32, #tpu.memory_space<hbm>>
    tpu.wait_indirect_dma semaphore(%arg16 : memref<!tpu.dma_semaphore, #tpu.memory_space<semaphore_mem>>) src(%dma_wait3A_77 : memref<10240x128xf32, #tpu.memory_space<hbm>>) dst(%arg14 : memref<40x128xf32, #tpu.memory_space<vmem>>)
    "tpu.region"() ({
      %run_scoped3A = tpu.sem_alloc : memref<!tpu.dma_semaphore, #tpu.memory_space<semaphore_mem>>
      %dma_start3A_83 = arith.constant 0 : i32
      %dma_start3A_84 = arith.constant 0 : i32
      %dma_start3A_85 = tpu.memref_slice %arg17[%dma_start3A_83, %dma_start3A_84] : memref<10240x128xf32, #tpu.memory_space<vmem_shared>> -> memref<10240x128xf32, #tpu.memory_space<vmem_shared>>
      tpu.enqueue_indirect_dma source(%arg14 : memref<40x128xf32, #tpu.memory_space<vmem>>) target(%dma_start3A_85 : memref<10240x128xf32, #tpu.memory_space<vmem_shared>>) offsets(%arg12 : memref<40xi32, #tpu.memory_space<vmem>>) semaphore(%run_scoped3A : memref<!tpu.dma_semaphore, #tpu.memory_space<semaphore_mem>>) {add = true}
      %dma_wait3A_86 = arith.constant 0 : i32
      %dma_wait3A_87 = arith.constant 0 : i32
      %dma_wait3A_88 = tpu.memref_slice %arg17[%dma_wait3A_86, %dma_wait3A_87] : memref<10240x128xf32, #tpu.memory_space<vmem_shared>> -> memref<10240x128xf32, #tpu.memory_space<vmem_shared>>
      tpu.wait_indirect_dma semaphore(%run_scoped3A : memref<!tpu.dma_semaphore, #tpu.memory_space<semaphore_mem>>) src(%arg14 : memref<40x128xf32, #tpu.memory_space<vmem>>) dst(%dma_wait3A_88 : memref<10240x128xf32, #tpu.memory_space<vmem_shared>>)
      tpu.yield
    }) : () -> ()
    %barrier3A_78 = arith.constant 0 : index
    tpu.barrier barrier_id(%barrier3A_78)
    %mul3A_79 = arith.constant 640 : i32
    %mul3A_80 = arith.muli %arg1, %mul3A_79 : i32
    %mul3A_81 = arith.constant 640 : i32
    %mul3A_82 = arith.muli %arg1, %mul3A_81 : i32
    "tpu.region"() ({
      %run_scoped3A = tpu.sem_alloc : memref<!tpu.dma_semaphore, #tpu.memory_space<semaphore_mem>>
      %dma_start3A_83 = arith.constant 0 : i32
      %dma_start3A_84 = tpu.memref_slice %arg8[%arg0, %mul3A_82, %dma_start3A_83] : memref<2x10240x128xf32, #tpu.memory_space<hbm>> -> memref<1x640x128xf32, #tpu.memory_space<hbm>>
      %dma_start3A_85 = tpu.memref_squeeze %dma_start3A_84 : memref<1x640x128xf32, #tpu.memory_space<hbm>> -> memref<640x128xf32, #tpu.memory_space<hbm>>
      %dma_start3A_86 = arith.constant 0 : i32
      %dma_start3A_87 = tpu.memref_slice %arg17[%mul3A_80, %dma_start3A_86] : memref<10240x128xf32, #tpu.memory_space<vmem_shared>> -> memref<640x128xf32, #tpu.memory_space<vmem_shared>>
      tpu.enqueue_dma source(%dma_start3A_87 : memref<640x128xf32, #tpu.memory_space<vmem_shared>>) target(%dma_start3A_85 : memref<640x128xf32, #tpu.memory_space<hbm>>) target_semaphore(%run_scoped3A : memref<!tpu.dma_semaphore, #tpu.memory_space<semaphore_mem>>)
      %dma_wait3A_88 = arith.constant 0 : i32
      %dma_wait3A_89 = tpu.memref_slice %arg8[%arg0, %mul3A_82, %dma_wait3A_88] : memref<2x10240x128xf32, #tpu.memory_space<hbm>> -> memref<1x640x128xf32, #tpu.memory_space<hbm>>
      %dma_wait3A_90 = tpu.memref_squeeze %dma_wait3A_89 : memref<1x640x128xf32, #tpu.memory_space<hbm>> -> memref<640x128xf32, #tpu.memory_space<hbm>>
      %dma_wait3A_91 = arith.constant 0 : i32
      %dma_wait3A_92 = tpu.memref_slice %arg17[%mul3A_80, %dma_wait3A_91] : memref<10240x128xf32, #tpu.memory_space<vmem_shared>> -> memref<640x128xf32, #tpu.memory_space<vmem_shared>>
      tpu.wait_dma2 semaphore(%run_scoped3A : memref<!tpu.dma_semaphore, #tpu.memory_space<semaphore_mem>>) src(%dma_wait3A_92 : memref<640x128xf32, #tpu.memory_space<vmem_shared>>) dst(%dma_wait3A_90 : memref<640x128xf32, #tpu.memory_space<hbm>>)
      tpu.yield
    }) : () -> ()
    return
  }
}

#map = affine_map<(d0, d1) -> (0, 0)>
#map1 = affine_map<(d0, d1) -> (0, 0, 0)>
module attributes {stable_mosaic.version = 14 : i64} {
  func.func @_hop_body(%arg0: i32, %arg1: i32, %arg2: memref<10240x128xf32, #tpu.memory_space<hbm>>, %arg3: memref<32x83x120xi32, #tpu.memory_space<hbm>>, %arg4: memref<32x83x120xi32, #tpu.memory_space<hbm>>, %arg5: memref<32x40xi32, #tpu.memory_space<hbm>>, %arg6: memref<32x40xi32, #tpu.memory_space<hbm>>, %arg7: memref<10240x128xf32, #tpu.memory_space<hbm>>, %arg8: memref<2x10240x128xf32, #tpu.memory_space<hbm>>, %arg9: memref<83x120xi32, #tpu.memory_space<vmem>>, %arg10: memref<83x120xi32, #tpu.memory_space<vmem>>, %arg11: memref<40xi32, #tpu.memory_space<vmem>>, %arg12: memref<40xi32, #tpu.memory_space<vmem>>, %arg13: memref<120x128xf32, #tpu.memory_space<vmem>>, %arg14: memref<40x128xf32, #tpu.memory_space<vmem>>, %arg15: memref<!tpu.dma_semaphore, #tpu.memory_space<semaphore_mem>>, %arg16: memref<!tpu.dma_semaphore, #tpu.memory_space<semaphore_mem>>, %arg17: memref<10240x128xf32, #tpu.memory_space<vmem_shared>>) attributes {dimension_semantics = [#tpu.dimension_semantics<core_parallel>, #tpu.dimension_semantics<subcore_parallel>], iteration_bounds = array<i64: 2, 16>, scalar_prefetch = 0 : i64, scratch_operands = 9 : i64, tpu.core_type = #tpu.core_type<sc_vector_subcore>, window_params = [{transform_indices = #map}, {transform_indices = #map1}, {transform_indices = #map1}, {transform_indices = #map}, {transform_indices = #map}, {transform_indices = #map}, {transform_indices = #map1}]} {
    %mul3A = arith.constant 16 : i32
    %mul3A_0 = arith.muli %arg0, %mul3A : i32
    %add3A = arith.addi %mul3A_0, %arg1 : i32
    %dma_start3A = arith.constant 0 : i32
    %dma_start3A_1 = arith.constant 0 : i32
    %dma_start3A_2 = tpu.memref_slice %arg3[%add3A, %dma_start3A, %dma_start3A_1] : memref<32x83x120xi32, #tpu.memory_space<hbm>> -> memref<1x83x120xi32, #tpu.memory_space<hbm>>
    %dma_start3A_3 = tpu.memref_squeeze %dma_start3A_2 : memref<1x83x120xi32, #tpu.memory_space<hbm>> -> memref<83x120xi32, #tpu.memory_space<hbm>>
    %dma_start3A_4 = arith.constant 0 : i32
    %dma_start3A_5 = arith.constant 0 : i32
    %dma_start3A_6 = tpu.memref_slice %arg3[%add3A, %dma_start3A_4, %dma_start3A_5] : memref<32x83x120xi32, #tpu.memory_space<hbm>> -> memref<1x83x120xi32, #tpu.memory_space<hbm>>
    %dma_start3A_7 = tpu.memref_squeeze %dma_start3A_6 : memref<1x83x120xi32, #tpu.memory_space<hbm>> -> memref<83x120xi32, #tpu.memory_space<hbm>>
    tpu.enqueue_dma source(%dma_start3A_7 : memref<83x120xi32, #tpu.memory_space<hbm>>) target(%arg9 : memref<83x120xi32, #tpu.memory_space<vmem>>) target_semaphore(%arg15 : memref<!tpu.dma_semaphore, #tpu.memory_space<semaphore_mem>>)
    %dma_start3A_8 = arith.constant 0 : i32
    %dma_start3A_9 = arith.constant 0 : i32
    %dma_start3A_10 = tpu.memref_slice %arg4[%add3A, %dma_start3A_8, %dma_start3A_9] : memref<32x83x120xi32, #tpu.memory_space<hbm>> -> memref<1x83x120xi32, #tpu.memory_space<hbm>>
    %dma_start3A_11 = tpu.memref_squeeze %dma_start3A_10 : memref<1x83x120xi32, #tpu.memory_space<hbm>> -> memref<83x120xi32, #tpu.memory_space<hbm>>
    %dma_start3A_12 = arith.constant 0 : i32
    %dma_start3A_13 = arith.constant 0 : i32
    %dma_start3A_14 = tpu.memref_slice %arg4[%add3A, %dma_start3A_12, %dma_start3A_13] : memref<32x83x120xi32, #tpu.memory_space<hbm>> -> memref<1x83x120xi32, #tpu.memory_space<hbm>>
    %dma_start3A_15 = tpu.memref_squeeze %dma_start3A_14 : memref<1x83x120xi32, #tpu.memory_space<hbm>> -> memref<83x120xi32, #tpu.memory_space<hbm>>
    tpu.enqueue_dma source(%dma_start3A_15 : memref<83x120xi32, #tpu.memory_space<hbm>>) target(%arg10 : memref<83x120xi32, #tpu.memory_space<vmem>>) target_semaphore(%arg15 : memref<!tpu.dma_semaphore, #tpu.memory_space<semaphore_mem>>)
    %dma_start3A_16 = arith.constant 0 : i32
    %dma_start3A_17 = tpu.memref_slice %arg5[%add3A, %dma_start3A_16] : memref<32x40xi32, #tpu.memory_space<hbm>> -> memref<1x40xi32, #tpu.memory_space<hbm>>
    %dma_start3A_18 = tpu.memref_squeeze %dma_start3A_17 : memref<1x40xi32, #tpu.memory_space<hbm>> -> memref<40xi32, #tpu.memory_space<hbm>>
    %dma_start3A_19 = arith.constant 0 : i32
    %dma_start3A_20 = tpu.memref_slice %arg5[%add3A, %dma_start3A_19] : memref<32x40xi32, #tpu.memory_space<hbm>> -> memref<1x40xi32, #tpu.memory_space<hbm>>
    %dma_start3A_21 = tpu.memref_squeeze %dma_start3A_20 : memref<1x40xi32, #tpu.memory_space<hbm>> -> memref<40xi32, #tpu.memory_space<hbm>>
    tpu.enqueue_dma source(%dma_start3A_21 : memref<40xi32, #tpu.memory_space<hbm>>) target(%arg11 : memref<40xi32, #tpu.memory_space<vmem>>) target_semaphore(%arg15 : memref<!tpu.dma_semaphore, #tpu.memory_space<semaphore_mem>>)
    %dma_start3A_22 = arith.constant 0 : i32
    %dma_start3A_23 = tpu.memref_slice %arg6[%add3A, %dma_start3A_22] : memref<32x40xi32, #tpu.memory_space<hbm>> -> memref<1x40xi32, #tpu.memory_space<hbm>>
    %dma_start3A_24 = tpu.memref_squeeze %dma_start3A_23 : memref<1x40xi32, #tpu.memory_space<hbm>> -> memref<40xi32, #tpu.memory_space<hbm>>
    %dma_start3A_25 = arith.constant 0 : i32
    %dma_start3A_26 = tpu.memref_slice %arg6[%add3A, %dma_start3A_25] : memref<32x40xi32, #tpu.memory_space<hbm>> -> memref<1x40xi32, #tpu.memory_space<hbm>>
    %dma_start3A_27 = tpu.memref_squeeze %dma_start3A_26 : memref<1x40xi32, #tpu.memory_space<hbm>> -> memref<40xi32, #tpu.memory_space<hbm>>
    tpu.enqueue_dma source(%dma_start3A_27 : memref<40xi32, #tpu.memory_space<hbm>>) target(%arg12 : memref<40xi32, #tpu.memory_space<vmem>>) target_semaphore(%arg15 : memref<!tpu.dma_semaphore, #tpu.memory_space<semaphore_mem>>)
    %mul3A_28 = arith.constant 640 : i32
    %mul3A_29 = arith.muli %arg1, %mul3A_28 : i32
    %mul3A_30 = arith.constant 640 : i32
    %mul3A_31 = arith.muli %arg1, %mul3A_30 : i32
    %dma_start3A_32 = arith.constant 0 : i32
    %dma_start3A_33 = tpu.memref_slice %arg17[%mul3A_31, %dma_start3A_32] : memref<10240x128xf32, #tpu.memory_space<vmem_shared>> -> memref<640x128xf32, #tpu.memory_space<vmem_shared>>
    %dma_start3A_34 = arith.constant 0 : i32
    %dma_start3A_35 = tpu.memref_slice %arg7[%mul3A_29, %dma_start3A_34] : memref<10240x128xf32, #tpu.memory_space<hbm>> -> memref<640x128xf32, #tpu.memory_space<hbm>>
    tpu.enqueue_dma source(%dma_start3A_35 : memref<640x128xf32, #tpu.memory_space<hbm>>) target(%dma_start3A_33 : memref<640x128xf32, #tpu.memory_space<vmem_shared>>) target_semaphore(%arg15 : memref<!tpu.dma_semaphore, #tpu.memory_space<semaphore_mem>>)
    %dma_wait3A = arith.constant 0 : i32
    %dma_wait3A_36 = arith.constant 0 : i32
    %dma_wait3A_37 = tpu.memref_slice %arg3[%add3A, %dma_wait3A, %dma_wait3A_36] : memref<32x83x120xi32, #tpu.memory_space<hbm>> -> memref<1x83x120xi32, #tpu.memory_space<hbm>>
    %dma_wait3A_38 = tpu.memref_squeeze %dma_wait3A_37 : memref<1x83x120xi32, #tpu.memory_space<hbm>> -> memref<83x120xi32, #tpu.memory_space<hbm>>
    %dma_wait3A_39 = arith.constant 0 : i32
    %dma_wait3A_40 = arith.constant 0 : i32
    %dma_wait3A_41 = tpu.memref_slice %arg3[%add3A, %dma_wait3A_39, %dma_wait3A_40] : memref<32x83x120xi32, #tpu.memory_space<hbm>> -> memref<1x83x120xi32, #tpu.memory_space<hbm>>
    %dma_wait3A_42 = tpu.memref_squeeze %dma_wait3A_41 : memref<1x83x120xi32, #tpu.memory_space<hbm>> -> memref<83x120xi32, #tpu.memory_space<hbm>>
    tpu.wait_dma2 semaphore(%arg15 : memref<!tpu.dma_semaphore, #tpu.memory_space<semaphore_mem>>) src(%dma_wait3A_42 : memref<83x120xi32, #tpu.memory_space<hbm>>) dst(%arg9 : memref<83x120xi32, #tpu.memory_space<vmem>>)
    %dma_wait3A_43 = arith.constant 0 : i32
    %dma_wait3A_44 = arith.constant 0 : i32
    %dma_wait3A_45 = tpu.memref_slice %arg4[%add3A, %dma_wait3A_43, %dma_wait3A_44] : memref<32x83x120xi32, #tpu.memory_space<hbm>> -> memref<1x83x120xi32, #tpu.memory_space<hbm>>
    %dma_wait3A_46 = tpu.memref_squeeze %dma_wait3A_45 : memref<1x83x120xi32, #tpu.memory_space<hbm>> -> memref<83x120xi32, #tpu.memory_space<hbm>>
    %dma_wait3A_47 = arith.constant 0 : i32
    %dma_wait3A_48 = arith.constant 0 : i32
    %dma_wait3A_49 = tpu.memref_slice %arg4[%add3A, %dma_wait3A_47, %dma_wait3A_48] : memref<32x83x120xi32, #tpu.memory_space<hbm>> -> memref<1x83x120xi32, #tpu.memory_space<hbm>>
    %dma_wait3A_50 = tpu.memref_squeeze %dma_wait3A_49 : memref<1x83x120xi32, #tpu.memory_space<hbm>> -> memref<83x120xi32, #tpu.memory_space<hbm>>
    tpu.wait_dma2 semaphore(%arg15 : memref<!tpu.dma_semaphore, #tpu.memory_space<semaphore_mem>>) src(%dma_wait3A_50 : memref<83x120xi32, #tpu.memory_space<hbm>>) dst(%arg10 : memref<83x120xi32, #tpu.memory_space<vmem>>)
    %dma_wait3A_51 = arith.constant 0 : i32
    %dma_wait3A_52 = tpu.memref_slice %arg5[%add3A, %dma_wait3A_51] : memref<32x40xi32, #tpu.memory_space<hbm>> -> memref<1x40xi32, #tpu.memory_space<hbm>>
    %dma_wait3A_53 = tpu.memref_squeeze %dma_wait3A_52 : memref<1x40xi32, #tpu.memory_space<hbm>> -> memref<40xi32, #tpu.memory_space<hbm>>
    %dma_wait3A_54 = arith.constant 0 : i32
    %dma_wait3A_55 = tpu.memref_slice %arg5[%add3A, %dma_wait3A_54] : memref<32x40xi32, #tpu.memory_space<hbm>> -> memref<1x40xi32, #tpu.memory_space<hbm>>
    %dma_wait3A_56 = tpu.memref_squeeze %dma_wait3A_55 : memref<1x40xi32, #tpu.memory_space<hbm>> -> memref<40xi32, #tpu.memory_space<hbm>>
    tpu.wait_dma2 semaphore(%arg15 : memref<!tpu.dma_semaphore, #tpu.memory_space<semaphore_mem>>) src(%dma_wait3A_56 : memref<40xi32, #tpu.memory_space<hbm>>) dst(%arg11 : memref<40xi32, #tpu.memory_space<vmem>>)
    %dma_wait3A_57 = arith.constant 0 : i32
    %dma_wait3A_58 = tpu.memref_slice %arg6[%add3A, %dma_wait3A_57] : memref<32x40xi32, #tpu.memory_space<hbm>> -> memref<1x40xi32, #tpu.memory_space<hbm>>
    %dma_wait3A_59 = tpu.memref_squeeze %dma_wait3A_58 : memref<1x40xi32, #tpu.memory_space<hbm>> -> memref<40xi32, #tpu.memory_space<hbm>>
    %dma_wait3A_60 = arith.constant 0 : i32
    %dma_wait3A_61 = tpu.memref_slice %arg6[%add3A, %dma_wait3A_60] : memref<32x40xi32, #tpu.memory_space<hbm>> -> memref<1x40xi32, #tpu.memory_space<hbm>>
    %dma_wait3A_62 = tpu.memref_squeeze %dma_wait3A_61 : memref<1x40xi32, #tpu.memory_space<hbm>> -> memref<40xi32, #tpu.memory_space<hbm>>
    tpu.wait_dma2 semaphore(%arg15 : memref<!tpu.dma_semaphore, #tpu.memory_space<semaphore_mem>>) src(%dma_wait3A_62 : memref<40xi32, #tpu.memory_space<hbm>>) dst(%arg12 : memref<40xi32, #tpu.memory_space<vmem>>)
    %dma_wait3A_63 = arith.constant 0 : i32
    %dma_wait3A_64 = tpu.memref_slice %arg17[%mul3A_31, %dma_wait3A_63] : memref<10240x128xf32, #tpu.memory_space<vmem_shared>> -> memref<640x128xf32, #tpu.memory_space<vmem_shared>>
    %dma_wait3A_65 = arith.constant 0 : i32
    %dma_wait3A_66 = tpu.memref_slice %arg7[%mul3A_29, %dma_wait3A_65] : memref<10240x128xf32, #tpu.memory_space<hbm>> -> memref<640x128xf32, #tpu.memory_space<hbm>>
    tpu.wait_dma2 semaphore(%arg15 : memref<!tpu.dma_semaphore, #tpu.memory_space<semaphore_mem>>) src(%dma_wait3A_66 : memref<640x128xf32, #tpu.memory_space<hbm>>) dst(%dma_wait3A_64 : memref<640x128xf32, #tpu.memory_space<vmem_shared>>)
    %barrier3A = arith.constant 0 : index
    tpu.barrier barrier_id(%barrier3A)
    %dma_start3A_67 = arith.constant 0 : i32
    %dma_start3A_68 = arith.constant 0 : i32
    %dma_start3A_69 = tpu.memref_slice %arg2[%dma_start3A_67, %dma_start3A_68] : memref<10240x128xf32, #tpu.memory_space<hbm>> -> memref<10240x128xf32, #tpu.memory_space<hbm>>
    tpu.enqueue_indirect_dma source(%dma_start3A_69 : memref<10240x128xf32, #tpu.memory_space<hbm>>) target(%arg14 : memref<40x128xf32, #tpu.memory_space<vmem>>) offsets(%arg11 : memref<40xi32, #tpu.memory_space<vmem>>) semaphore(%arg16 : memref<!tpu.dma_semaphore, #tpu.memory_space<semaphore_mem>>)
    %scan3A = arith.constant 0 : i32
    %scan3A_70 = arith.constant 0 : i32
    %scan3A_71 = arith.constant 83 : i32
    %scan3A_72 = arith.addi %scan3A_70, %scan3A_71 : i32
    %scan3A_73 = arith.constant 1 : i32
    scf.for %scan3A_83 = %scan3A_70 to %scan3A_72 step %scan3A_73  : i32 {
      %dma_start3A_84 = arith.constant 0 : i32
      %dma_start3A_85 = tpu.memref_slice %arg9[%scan3A_83, %dma_start3A_84] : memref<83x120xi32, #tpu.memory_space<vmem>> -> memref<1x120xi32, #tpu.memory_space<vmem>>
      %dma_start3A_86 = tpu.memref_squeeze %dma_start3A_85 : memref<1x120xi32, #tpu.memory_space<vmem>> -> memref<120xi32, #tpu.memory_space<vmem>>
      %dma_start3A_87 = arith.constant 0 : i32
      %dma_start3A_88 = arith.constant 0 : i32
      %dma_start3A_89 = tpu.memref_slice %arg2[%dma_start3A_87, %dma_start3A_88] : memref<10240x128xf32, #tpu.memory_space<hbm>> -> memref<10240x128xf32, #tpu.memory_space<hbm>>
      tpu.enqueue_indirect_dma source(%dma_start3A_89 : memref<10240x128xf32, #tpu.memory_space<hbm>>) target(%arg13 : memref<120x128xf32, #tpu.memory_space<vmem>>) offsets(%dma_start3A_86 : memref<120xi32, #tpu.memory_space<vmem>>) semaphore(%arg15 : memref<!tpu.dma_semaphore, #tpu.memory_space<semaphore_mem>>)
      %dma_wait3A_90 = arith.constant 0 : i32
      %dma_wait3A_91 = tpu.memref_slice %arg9[%scan3A_83, %dma_wait3A_90] : memref<83x120xi32, #tpu.memory_space<vmem>> -> memref<1x120xi32, #tpu.memory_space<vmem>>
      %dma_wait3A_92 = tpu.memref_squeeze %dma_wait3A_91 : memref<1x120xi32, #tpu.memory_space<vmem>> -> memref<120xi32, #tpu.memory_space<vmem>>
      %dma_wait3A_93 = arith.constant 0 : i32
      %dma_wait3A_94 = arith.constant 0 : i32
      %dma_wait3A_95 = tpu.memref_slice %arg2[%dma_wait3A_93, %dma_wait3A_94] : memref<10240x128xf32, #tpu.memory_space<hbm>> -> memref<10240x128xf32, #tpu.memory_space<hbm>>
      tpu.wait_indirect_dma semaphore(%arg15 : memref<!tpu.dma_semaphore, #tpu.memory_space<semaphore_mem>>) src(%dma_wait3A_95 : memref<10240x128xf32, #tpu.memory_space<hbm>>) dst(%arg13 : memref<120x128xf32, #tpu.memory_space<vmem>>)
      "tpu.region"() ({
        %run_scoped3A = tpu.sem_alloc : memref<!tpu.dma_semaphore, #tpu.memory_space<semaphore_mem>>
        %dma_start3A_96 = arith.constant 0 : i32
        %dma_start3A_97 = tpu.memref_slice %arg10[%scan3A_83, %dma_start3A_96] : memref<83x120xi32, #tpu.memory_space<vmem>> -> memref<1x120xi32, #tpu.memory_space<vmem>>
        %dma_start3A_98 = tpu.memref_squeeze %dma_start3A_97 : memref<1x120xi32, #tpu.memory_space<vmem>> -> memref<120xi32, #tpu.memory_space<vmem>>
        %dma_start3A_99 = arith.constant 0 : i32
        %dma_start3A_100 = arith.constant 0 : i32
        %dma_start3A_101 = tpu.memref_slice %arg17[%dma_start3A_99, %dma_start3A_100] : memref<10240x128xf32, #tpu.memory_space<vmem_shared>> -> memref<10240x128xf32, #tpu.memory_space<vmem_shared>>
        tpu.enqueue_indirect_dma source(%arg13 : memref<120x128xf32, #tpu.memory_space<vmem>>) target(%dma_start3A_101 : memref<10240x128xf32, #tpu.memory_space<vmem_shared>>) offsets(%dma_start3A_98 : memref<120xi32, #tpu.memory_space<vmem>>) semaphore(%run_scoped3A : memref<!tpu.dma_semaphore, #tpu.memory_space<semaphore_mem>>) {add = true}
        %dma_wait3A_102 = arith.constant 0 : i32
        %dma_wait3A_103 = tpu.memref_slice %arg10[%scan3A_83, %dma_wait3A_102] : memref<83x120xi32, #tpu.memory_space<vmem>> -> memref<1x120xi32, #tpu.memory_space<vmem>>
        %dma_wait3A_104 = tpu.memref_squeeze %dma_wait3A_103 : memref<1x120xi32, #tpu.memory_space<vmem>> -> memref<120xi32, #tpu.memory_space<vmem>>
        %dma_wait3A_105 = arith.constant 0 : i32
        %dma_wait3A_106 = arith.constant 0 : i32
        %dma_wait3A_107 = tpu.memref_slice %arg17[%dma_wait3A_105, %dma_wait3A_106] : memref<10240x128xf32, #tpu.memory_space<vmem_shared>> -> memref<10240x128xf32, #tpu.memory_space<vmem_shared>>
        tpu.wait_indirect_dma semaphore(%run_scoped3A : memref<!tpu.dma_semaphore, #tpu.memory_space<semaphore_mem>>) src(%arg13 : memref<120x128xf32, #tpu.memory_space<vmem>>) dst(%dma_wait3A_107 : memref<10240x128xf32, #tpu.memory_space<vmem_shared>>)
        tpu.yield
      }) : () -> ()
    }
    %scan3A_74 = arith.constant 83 : i32
    %dma_wait3A_75 = arith.constant 0 : i32
    %dma_wait3A_76 = arith.constant 0 : i32
    %dma_wait3A_77 = tpu.memref_slice %arg2[%dma_wait3A_75, %dma_wait3A_76] : memref<10240x128xf32, #tpu.memory_space<hbm>> -> memref<10240x128xf32, #tpu.memory_space<hbm>>
    tpu.wait_indirect_dma semaphore(%arg16 : memref<!tpu.dma_semaphore, #tpu.memory_space<semaphore_mem>>) src(%dma_wait3A_77 : memref<10240x128xf32, #tpu.memory_space<hbm>>) dst(%arg14 : memref<40x128xf32, #tpu.memory_space<vmem>>)
    "tpu.region"() ({
      %run_scoped3A = tpu.sem_alloc : memref<!tpu.dma_semaphore, #tpu.memory_space<semaphore_mem>>
      %dma_start3A_83 = arith.constant 0 : i32
      %dma_start3A_84 = arith.constant 0 : i32
      %dma_start3A_85 = tpu.memref_slice %arg17[%dma_start3A_83, %dma_start3A_84] : memref<10240x128xf32, #tpu.memory_space<vmem_shared>> -> memref<10240x128xf32, #tpu.memory_space<vmem_shared>>
      tpu.enqueue_indirect_dma source(%arg14 : memref<40x128xf32, #tpu.memory_space<vmem>>) target(%dma_start3A_85 : memref<10240x128xf32, #tpu.memory_space<vmem_shared>>) offsets(%arg12 : memref<40xi32, #tpu.memory_space<vmem>>) semaphore(%run_scoped3A : memref<!tpu.dma_semaphore, #tpu.memory_space<semaphore_mem>>) {add = true}
      %dma_wait3A_86 = arith.constant 0 : i32
      %dma_wait3A_87 = arith.constant 0 : i32
      %dma_wait3A_88 = tpu.memref_slice %arg17[%dma_wait3A_86, %dma_wait3A_87] : memref<10240x128xf32, #tpu.memory_space<vmem_shared>> -> memref<10240x128xf32, #tpu.memory_space<vmem_shared>>
      tpu.wait_indirect_dma semaphore(%run_scoped3A : memref<!tpu.dma_semaphore, #tpu.memory_space<semaphore_mem>>) src(%arg14 : memref<40x128xf32, #tpu.memory_space<vmem>>) dst(%dma_wait3A_88 : memref<10240x128xf32, #tpu.memory_space<vmem_shared>>)
      tpu.yield
    }) : () -> ()
    %barrier3A_78 = arith.constant 0 : index
    tpu.barrier barrier_id(%barrier3A_78)
    %mul3A_79 = arith.constant 640 : i32
    %mul3A_80 = arith.muli %arg1, %mul3A_79 : i32
    %mul3A_81 = arith.constant 640 : i32
    %mul3A_82 = arith.muli %arg1, %mul3A_81 : i32
    "tpu.region"() ({
      %run_scoped3A = tpu.sem_alloc : memref<!tpu.dma_semaphore, #tpu.memory_space<semaphore_mem>>
      %dma_start3A_83 = arith.constant 0 : i32
      %dma_start3A_84 = tpu.memref_slice %arg8[%arg0, %mul3A_82, %dma_start3A_83] : memref<2x10240x128xf32, #tpu.memory_space<hbm>> -> memref<1x640x128xf32, #tpu.memory_space<hbm>>
      %dma_start3A_85 = tpu.memref_squeeze %dma_start3A_84 : memref<1x640x128xf32, #tpu.memory_space<hbm>> -> memref<640x128xf32, #tpu.memory_space<hbm>>
      %dma_start3A_86 = arith.constant 0 : i32
      %dma_start3A_87 = tpu.memref_slice %arg17[%mul3A_80, %dma_start3A_86] : memref<10240x128xf32, #tpu.memory_space<vmem_shared>> -> memref<640x128xf32, #tpu.memory_space<vmem_shared>>
      tpu.enqueue_dma source(%dma_start3A_87 : memref<640x128xf32, #tpu.memory_space<vmem_shared>>) target(%dma_start3A_85 : memref<640x128xf32, #tpu.memory_space<hbm>>) target_semaphore(%run_scoped3A : memref<!tpu.dma_semaphore, #tpu.memory_space<semaphore_mem>>)
      %dma_wait3A_88 = arith.constant 0 : i32
      %dma_wait3A_89 = tpu.memref_slice %arg8[%arg0, %mul3A_82, %dma_wait3A_88] : memref<2x10240x128xf32, #tpu.memory_space<hbm>> -> memref<1x640x128xf32, #tpu.memory_space<hbm>>
      %dma_wait3A_90 = tpu.memref_squeeze %dma_wait3A_89 : memref<1x640x128xf32, #tpu.memory_space<hbm>> -> memref<640x128xf32, #tpu.memory_space<hbm>>
      %dma_wait3A_91 = arith.constant 0 : i32
      %dma_wait3A_92 = tpu.memref_slice %arg17[%mul3A_80, %dma_wait3A_91] : memref<10240x128xf32, #tpu.memory_space<vmem_shared>> -> memref<640x128xf32, #tpu.memory_space<vmem_shared>>
      tpu.wait_dma2 semaphore(%run_scoped3A : memref<!tpu.dma_semaphore, #tpu.memory_space<semaphore_mem>>) src(%dma_wait3A_92 : memref<640x128xf32, #tpu.memory_space<vmem_shared>>) dst(%dma_wait3A_90 : memref<640x128xf32, #tpu.memory_space<hbm>>)
      tpu.yield
    }) : () -> ()
    return
  }
}

#map = affine_map<(d0, d1) -> (0, 0)>
#map1 = affine_map<(d0, d1) -> (0, 0, 0)>
module attributes {stable_mosaic.version = 14 : i64} {
  func.func @_hop_body(%arg0: i32, %arg1: i32, %arg2: memref<10240x128xf32, #tpu.memory_space<hbm>>, %arg3: memref<32x83x120xi32, #tpu.memory_space<hbm>>, %arg4: memref<32x83x120xi32, #tpu.memory_space<hbm>>, %arg5: memref<32x40xi32, #tpu.memory_space<hbm>>, %arg6: memref<32x40xi32, #tpu.memory_space<hbm>>, %arg7: memref<10240x128xf32, #tpu.memory_space<hbm>>, %arg8: memref<2x10240x128xf32, #tpu.memory_space<hbm>>, %arg9: memref<83x120xi32, #tpu.memory_space<vmem>>, %arg10: memref<83x120xi32, #tpu.memory_space<vmem>>, %arg11: memref<40xi32, #tpu.memory_space<vmem>>, %arg12: memref<40xi32, #tpu.memory_space<vmem>>, %arg13: memref<120x128xf32, #tpu.memory_space<vmem>>, %arg14: memref<40x128xf32, #tpu.memory_space<vmem>>, %arg15: memref<!tpu.dma_semaphore, #tpu.memory_space<semaphore_mem>>, %arg16: memref<!tpu.dma_semaphore, #tpu.memory_space<semaphore_mem>>, %arg17: memref<10240x128xf32, #tpu.memory_space<vmem_shared>>) attributes {dimension_semantics = [#tpu.dimension_semantics<core_parallel>, #tpu.dimension_semantics<subcore_parallel>], iteration_bounds = array<i64: 2, 16>, scalar_prefetch = 0 : i64, scratch_operands = 9 : i64, tpu.core_type = #tpu.core_type<sc_vector_subcore>, window_params = [{transform_indices = #map}, {transform_indices = #map1}, {transform_indices = #map1}, {transform_indices = #map}, {transform_indices = #map}, {transform_indices = #map}, {transform_indices = #map1}]} {
    %mul3A = arith.constant 16 : i32
    %mul3A_0 = arith.muli %arg0, %mul3A : i32
    %add3A = arith.addi %mul3A_0, %arg1 : i32
    %dma_start3A = arith.constant 0 : i32
    %dma_start3A_1 = arith.constant 0 : i32
    %dma_start3A_2 = tpu.memref_slice %arg3[%add3A, %dma_start3A, %dma_start3A_1] : memref<32x83x120xi32, #tpu.memory_space<hbm>> -> memref<1x83x120xi32, #tpu.memory_space<hbm>>
    %dma_start3A_3 = tpu.memref_squeeze %dma_start3A_2 : memref<1x83x120xi32, #tpu.memory_space<hbm>> -> memref<83x120xi32, #tpu.memory_space<hbm>>
    %dma_start3A_4 = arith.constant 0 : i32
    %dma_start3A_5 = arith.constant 0 : i32
    %dma_start3A_6 = tpu.memref_slice %arg3[%add3A, %dma_start3A_4, %dma_start3A_5] : memref<32x83x120xi32, #tpu.memory_space<hbm>> -> memref<1x83x120xi32, #tpu.memory_space<hbm>>
    %dma_start3A_7 = tpu.memref_squeeze %dma_start3A_6 : memref<1x83x120xi32, #tpu.memory_space<hbm>> -> memref<83x120xi32, #tpu.memory_space<hbm>>
    tpu.enqueue_dma source(%dma_start3A_7 : memref<83x120xi32, #tpu.memory_space<hbm>>) target(%arg9 : memref<83x120xi32, #tpu.memory_space<vmem>>) target_semaphore(%arg15 : memref<!tpu.dma_semaphore, #tpu.memory_space<semaphore_mem>>)
    %dma_start3A_8 = arith.constant 0 : i32
    %dma_start3A_9 = arith.constant 0 : i32
    %dma_start3A_10 = tpu.memref_slice %arg4[%add3A, %dma_start3A_8, %dma_start3A_9] : memref<32x83x120xi32, #tpu.memory_space<hbm>> -> memref<1x83x120xi32, #tpu.memory_space<hbm>>
    %dma_start3A_11 = tpu.memref_squeeze %dma_start3A_10 : memref<1x83x120xi32, #tpu.memory_space<hbm>> -> memref<83x120xi32, #tpu.memory_space<hbm>>
    %dma_start3A_12 = arith.constant 0 : i32
    %dma_start3A_13 = arith.constant 0 : i32
    %dma_start3A_14 = tpu.memref_slice %arg4[%add3A, %dma_start3A_12, %dma_start3A_13] : memref<32x83x120xi32, #tpu.memory_space<hbm>> -> memref<1x83x120xi32, #tpu.memory_space<hbm>>
    %dma_start3A_15 = tpu.memref_squeeze %dma_start3A_14 : memref<1x83x120xi32, #tpu.memory_space<hbm>> -> memref<83x120xi32, #tpu.memory_space<hbm>>
    tpu.enqueue_dma source(%dma_start3A_15 : memref<83x120xi32, #tpu.memory_space<hbm>>) target(%arg10 : memref<83x120xi32, #tpu.memory_space<vmem>>) target_semaphore(%arg15 : memref<!tpu.dma_semaphore, #tpu.memory_space<semaphore_mem>>)
    %dma_start3A_16 = arith.constant 0 : i32
    %dma_start3A_17 = tpu.memref_slice %arg5[%add3A, %dma_start3A_16] : memref<32x40xi32, #tpu.memory_space<hbm>> -> memref<1x40xi32, #tpu.memory_space<hbm>>
    %dma_start3A_18 = tpu.memref_squeeze %dma_start3A_17 : memref<1x40xi32, #tpu.memory_space<hbm>> -> memref<40xi32, #tpu.memory_space<hbm>>
    %dma_start3A_19 = arith.constant 0 : i32
    %dma_start3A_20 = tpu.memref_slice %arg5[%add3A, %dma_start3A_19] : memref<32x40xi32, #tpu.memory_space<hbm>> -> memref<1x40xi32, #tpu.memory_space<hbm>>
    %dma_start3A_21 = tpu.memref_squeeze %dma_start3A_20 : memref<1x40xi32, #tpu.memory_space<hbm>> -> memref<40xi32, #tpu.memory_space<hbm>>
    tpu.enqueue_dma source(%dma_start3A_21 : memref<40xi32, #tpu.memory_space<hbm>>) target(%arg11 : memref<40xi32, #tpu.memory_space<vmem>>) target_semaphore(%arg15 : memref<!tpu.dma_semaphore, #tpu.memory_space<semaphore_mem>>)
    %dma_start3A_22 = arith.constant 0 : i32
    %dma_start3A_23 = tpu.memref_slice %arg6[%add3A, %dma_start3A_22] : memref<32x40xi32, #tpu.memory_space<hbm>> -> memref<1x40xi32, #tpu.memory_space<hbm>>
    %dma_start3A_24 = tpu.memref_squeeze %dma_start3A_23 : memref<1x40xi32, #tpu.memory_space<hbm>> -> memref<40xi32, #tpu.memory_space<hbm>>
    %dma_start3A_25 = arith.constant 0 : i32
    %dma_start3A_26 = tpu.memref_slice %arg6[%add3A, %dma_start3A_25] : memref<32x40xi32, #tpu.memory_space<hbm>> -> memref<1x40xi32, #tpu.memory_space<hbm>>
    %dma_start3A_27 = tpu.memref_squeeze %dma_start3A_26 : memref<1x40xi32, #tpu.memory_space<hbm>> -> memref<40xi32, #tpu.memory_space<hbm>>
    tpu.enqueue_dma source(%dma_start3A_27 : memref<40xi32, #tpu.memory_space<hbm>>) target(%arg12 : memref<40xi32, #tpu.memory_space<vmem>>) target_semaphore(%arg15 : memref<!tpu.dma_semaphore, #tpu.memory_space<semaphore_mem>>)
    %mul3A_28 = arith.constant 640 : i32
    %mul3A_29 = arith.muli %arg1, %mul3A_28 : i32
    %mul3A_30 = arith.constant 640 : i32
    %mul3A_31 = arith.muli %arg1, %mul3A_30 : i32
    %dma_start3A_32 = arith.constant 0 : i32
    %dma_start3A_33 = tpu.memref_slice %arg17[%mul3A_31, %dma_start3A_32] : memref<10240x128xf32, #tpu.memory_space<vmem_shared>> -> memref<640x128xf32, #tpu.memory_space<vmem_shared>>
    %dma_start3A_34 = arith.constant 0 : i32
    %dma_start3A_35 = tpu.memref_slice %arg7[%mul3A_29, %dma_start3A_34] : memref<10240x128xf32, #tpu.memory_space<hbm>> -> memref<640x128xf32, #tpu.memory_space<hbm>>
    tpu.enqueue_dma source(%dma_start3A_35 : memref<640x128xf32, #tpu.memory_space<hbm>>) target(%dma_start3A_33 : memref<640x128xf32, #tpu.memory_space<vmem_shared>>) target_semaphore(%arg15 : memref<!tpu.dma_semaphore, #tpu.memory_space<semaphore_mem>>)
    %dma_wait3A = arith.constant 0 : i32
    %dma_wait3A_36 = arith.constant 0 : i32
    %dma_wait3A_37 = tpu.memref_slice %arg3[%add3A, %dma_wait3A, %dma_wait3A_36] : memref<32x83x120xi32, #tpu.memory_space<hbm>> -> memref<1x83x120xi32, #tpu.memory_space<hbm>>
    %dma_wait3A_38 = tpu.memref_squeeze %dma_wait3A_37 : memref<1x83x120xi32, #tpu.memory_space<hbm>> -> memref<83x120xi32, #tpu.memory_space<hbm>>
    %dma_wait3A_39 = arith.constant 0 : i32
    %dma_wait3A_40 = arith.constant 0 : i32
    %dma_wait3A_41 = tpu.memref_slice %arg3[%add3A, %dma_wait3A_39, %dma_wait3A_40] : memref<32x83x120xi32, #tpu.memory_space<hbm>> -> memref<1x83x120xi32, #tpu.memory_space<hbm>>
    %dma_wait3A_42 = tpu.memref_squeeze %dma_wait3A_41 : memref<1x83x120xi32, #tpu.memory_space<hbm>> -> memref<83x120xi32, #tpu.memory_space<hbm>>
    tpu.wait_dma2 semaphore(%arg15 : memref<!tpu.dma_semaphore, #tpu.memory_space<semaphore_mem>>) src(%dma_wait3A_42 : memref<83x120xi32, #tpu.memory_space<hbm>>) dst(%arg9 : memref<83x120xi32, #tpu.memory_space<vmem>>)
    %dma_wait3A_43 = arith.constant 0 : i32
    %dma_wait3A_44 = arith.constant 0 : i32
    %dma_wait3A_45 = tpu.memref_slice %arg4[%add3A, %dma_wait3A_43, %dma_wait3A_44] : memref<32x83x120xi32, #tpu.memory_space<hbm>> -> memref<1x83x120xi32, #tpu.memory_space<hbm>>
    %dma_wait3A_46 = tpu.memref_squeeze %dma_wait3A_45 : memref<1x83x120xi32, #tpu.memory_space<hbm>> -> memref<83x120xi32, #tpu.memory_space<hbm>>
    %dma_wait3A_47 = arith.constant 0 : i32
    %dma_wait3A_48 = arith.constant 0 : i32
    %dma_wait3A_49 = tpu.memref_slice %arg4[%add3A, %dma_wait3A_47, %dma_wait3A_48] : memref<32x83x120xi32, #tpu.memory_space<hbm>> -> memref<1x83x120xi32, #tpu.memory_space<hbm>>
    %dma_wait3A_50 = tpu.memref_squeeze %dma_wait3A_49 : memref<1x83x120xi32, #tpu.memory_space<hbm>> -> memref<83x120xi32, #tpu.memory_space<hbm>>
    tpu.wait_dma2 semaphore(%arg15 : memref<!tpu.dma_semaphore, #tpu.memory_space<semaphore_mem>>) src(%dma_wait3A_50 : memref<83x120xi32, #tpu.memory_space<hbm>>) dst(%arg10 : memref<83x120xi32, #tpu.memory_space<vmem>>)
    %dma_wait3A_51 = arith.constant 0 : i32
    %dma_wait3A_52 = tpu.memref_slice %arg5[%add3A, %dma_wait3A_51] : memref<32x40xi32, #tpu.memory_space<hbm>> -> memref<1x40xi32, #tpu.memory_space<hbm>>
    %dma_wait3A_53 = tpu.memref_squeeze %dma_wait3A_52 : memref<1x40xi32, #tpu.memory_space<hbm>> -> memref<40xi32, #tpu.memory_space<hbm>>
    %dma_wait3A_54 = arith.constant 0 : i32
    %dma_wait3A_55 = tpu.memref_slice %arg5[%add3A, %dma_wait3A_54] : memref<32x40xi32, #tpu.memory_space<hbm>> -> memref<1x40xi32, #tpu.memory_space<hbm>>
    %dma_wait3A_56 = tpu.memref_squeeze %dma_wait3A_55 : memref<1x40xi32, #tpu.memory_space<hbm>> -> memref<40xi32, #tpu.memory_space<hbm>>
    tpu.wait_dma2 semaphore(%arg15 : memref<!tpu.dma_semaphore, #tpu.memory_space<semaphore_mem>>) src(%dma_wait3A_56 : memref<40xi32, #tpu.memory_space<hbm>>) dst(%arg11 : memref<40xi32, #tpu.memory_space<vmem>>)
    %dma_wait3A_57 = arith.constant 0 : i32
    %dma_wait3A_58 = tpu.memref_slice %arg6[%add3A, %dma_wait3A_57] : memref<32x40xi32, #tpu.memory_space<hbm>> -> memref<1x40xi32, #tpu.memory_space<hbm>>
    %dma_wait3A_59 = tpu.memref_squeeze %dma_wait3A_58 : memref<1x40xi32, #tpu.memory_space<hbm>> -> memref<40xi32, #tpu.memory_space<hbm>>
    %dma_wait3A_60 = arith.constant 0 : i32
    %dma_wait3A_61 = tpu.memref_slice %arg6[%add3A, %dma_wait3A_60] : memref<32x40xi32, #tpu.memory_space<hbm>> -> memref<1x40xi32, #tpu.memory_space<hbm>>
    %dma_wait3A_62 = tpu.memref_squeeze %dma_wait3A_61 : memref<1x40xi32, #tpu.memory_space<hbm>> -> memref<40xi32, #tpu.memory_space<hbm>>
    tpu.wait_dma2 semaphore(%arg15 : memref<!tpu.dma_semaphore, #tpu.memory_space<semaphore_mem>>) src(%dma_wait3A_62 : memref<40xi32, #tpu.memory_space<hbm>>) dst(%arg12 : memref<40xi32, #tpu.memory_space<vmem>>)
    %dma_wait3A_63 = arith.constant 0 : i32
    %dma_wait3A_64 = tpu.memref_slice %arg17[%mul3A_31, %dma_wait3A_63] : memref<10240x128xf32, #tpu.memory_space<vmem_shared>> -> memref<640x128xf32, #tpu.memory_space<vmem_shared>>
    %dma_wait3A_65 = arith.constant 0 : i32
    %dma_wait3A_66 = tpu.memref_slice %arg7[%mul3A_29, %dma_wait3A_65] : memref<10240x128xf32, #tpu.memory_space<hbm>> -> memref<640x128xf32, #tpu.memory_space<hbm>>
    tpu.wait_dma2 semaphore(%arg15 : memref<!tpu.dma_semaphore, #tpu.memory_space<semaphore_mem>>) src(%dma_wait3A_66 : memref<640x128xf32, #tpu.memory_space<hbm>>) dst(%dma_wait3A_64 : memref<640x128xf32, #tpu.memory_space<vmem_shared>>)
    %barrier3A = arith.constant 0 : index
    tpu.barrier barrier_id(%barrier3A)
    %dma_start3A_67 = arith.constant 0 : i32
    %dma_start3A_68 = arith.constant 0 : i32
    %dma_start3A_69 = tpu.memref_slice %arg2[%dma_start3A_67, %dma_start3A_68] : memref<10240x128xf32, #tpu.memory_space<hbm>> -> memref<10240x128xf32, #tpu.memory_space<hbm>>
    tpu.enqueue_indirect_dma source(%dma_start3A_69 : memref<10240x128xf32, #tpu.memory_space<hbm>>) target(%arg14 : memref<40x128xf32, #tpu.memory_space<vmem>>) offsets(%arg11 : memref<40xi32, #tpu.memory_space<vmem>>) semaphore(%arg16 : memref<!tpu.dma_semaphore, #tpu.memory_space<semaphore_mem>>)
    %scan3A = arith.constant 0 : i32
    %scan3A_70 = arith.constant 0 : i32
    %scan3A_71 = arith.constant 83 : i32
    %scan3A_72 = arith.addi %scan3A_70, %scan3A_71 : i32
    %scan3A_73 = arith.constant 1 : i32
    scf.for %scan3A_83 = %scan3A_70 to %scan3A_72 step %scan3A_73  : i32 {
      %dma_start3A_84 = arith.constant 0 : i32
      %dma_start3A_85 = tpu.memref_slice %arg9[%scan3A_83, %dma_start3A_84] : memref<83x120xi32, #tpu.memory_space<vmem>> -> memref<1x120xi32, #tpu.memory_space<vmem>>
      %dma_start3A_86 = tpu.memref_squeeze %dma_start3A_85 : memref<1x120xi32, #tpu.memory_space<vmem>> -> memref<120xi32, #tpu.memory_space<vmem>>
      %dma_start3A_87 = arith.constant 0 : i32
      %dma_start3A_88 = arith.constant 0 : i32
      %dma_start3A_89 = tpu.memref_slice %arg2[%dma_start3A_87, %dma_start3A_88] : memref<10240x128xf32, #tpu.memory_space<hbm>> -> memref<10240x128xf32, #tpu.memory_space<hbm>>
      tpu.enqueue_indirect_dma source(%dma_start3A_89 : memref<10240x128xf32, #tpu.memory_space<hbm>>) target(%arg13 : memref<120x128xf32, #tpu.memory_space<vmem>>) offsets(%dma_start3A_86 : memref<120xi32, #tpu.memory_space<vmem>>) semaphore(%arg15 : memref<!tpu.dma_semaphore, #tpu.memory_space<semaphore_mem>>)
      %dma_wait3A_90 = arith.constant 0 : i32
      %dma_wait3A_91 = tpu.memref_slice %arg9[%scan3A_83, %dma_wait3A_90] : memref<83x120xi32, #tpu.memory_space<vmem>> -> memref<1x120xi32, #tpu.memory_space<vmem>>
      %dma_wait3A_92 = tpu.memref_squeeze %dma_wait3A_91 : memref<1x120xi32, #tpu.memory_space<vmem>> -> memref<120xi32, #tpu.memory_space<vmem>>
      %dma_wait3A_93 = arith.constant 0 : i32
      %dma_wait3A_94 = arith.constant 0 : i32
      %dma_wait3A_95 = tpu.memref_slice %arg2[%dma_wait3A_93, %dma_wait3A_94] : memref<10240x128xf32, #tpu.memory_space<hbm>> -> memref<10240x128xf32, #tpu.memory_space<hbm>>
      tpu.wait_indirect_dma semaphore(%arg15 : memref<!tpu.dma_semaphore, #tpu.memory_space<semaphore_mem>>) src(%dma_wait3A_95 : memref<10240x128xf32, #tpu.memory_space<hbm>>) dst(%arg13 : memref<120x128xf32, #tpu.memory_space<vmem>>)
      "tpu.region"() ({
        %run_scoped3A = tpu.sem_alloc : memref<!tpu.dma_semaphore, #tpu.memory_space<semaphore_mem>>
        %dma_start3A_96 = arith.constant 0 : i32
        %dma_start3A_97 = tpu.memref_slice %arg10[%scan3A_83, %dma_start3A_96] : memref<83x120xi32, #tpu.memory_space<vmem>> -> memref<1x120xi32, #tpu.memory_space<vmem>>
        %dma_start3A_98 = tpu.memref_squeeze %dma_start3A_97 : memref<1x120xi32, #tpu.memory_space<vmem>> -> memref<120xi32, #tpu.memory_space<vmem>>
        %dma_start3A_99 = arith.constant 0 : i32
        %dma_start3A_100 = arith.constant 0 : i32
        %dma_start3A_101 = tpu.memref_slice %arg17[%dma_start3A_99, %dma_start3A_100] : memref<10240x128xf32, #tpu.memory_space<vmem_shared>> -> memref<10240x128xf32, #tpu.memory_space<vmem_shared>>
        tpu.enqueue_indirect_dma source(%arg13 : memref<120x128xf32, #tpu.memory_space<vmem>>) target(%dma_start3A_101 : memref<10240x128xf32, #tpu.memory_space<vmem_shared>>) offsets(%dma_start3A_98 : memref<120xi32, #tpu.memory_space<vmem>>) semaphore(%run_scoped3A : memref<!tpu.dma_semaphore, #tpu.memory_space<semaphore_mem>>) {add = true}
        %dma_wait3A_102 = arith.constant 0 : i32
        %dma_wait3A_103 = tpu.memref_slice %arg10[%scan3A_83, %dma_wait3A_102] : memref<83x120xi32, #tpu.memory_space<vmem>> -> memref<1x120xi32, #tpu.memory_space<vmem>>
        %dma_wait3A_104 = tpu.memref_squeeze %dma_wait3A_103 : memref<1x120xi32, #tpu.memory_space<vmem>> -> memref<120xi32, #tpu.memory_space<vmem>>
        %dma_wait3A_105 = arith.constant 0 : i32
        %dma_wait3A_106 = arith.constant 0 : i32
        %dma_wait3A_107 = tpu.memref_slice %arg17[%dma_wait3A_105, %dma_wait3A_106] : memref<10240x128xf32, #tpu.memory_space<vmem_shared>> -> memref<10240x128xf32, #tpu.memory_space<vmem_shared>>
        tpu.wait_indirect_dma semaphore(%run_scoped3A : memref<!tpu.dma_semaphore, #tpu.memory_space<semaphore_mem>>) src(%arg13 : memref<120x128xf32, #tpu.memory_space<vmem>>) dst(%dma_wait3A_107 : memref<10240x128xf32, #tpu.memory_space<vmem_shared>>)
        tpu.yield
      }) : () -> ()
    }
    %scan3A_74 = arith.constant 83 : i32
    %dma_wait3A_75 = arith.constant 0 : i32
    %dma_wait3A_76 = arith.constant 0 : i32
    %dma_wait3A_77 = tpu.memref_slice %arg2[%dma_wait3A_75, %dma_wait3A_76] : memref<10240x128xf32, #tpu.memory_space<hbm>> -> memref<10240x128xf32, #tpu.memory_space<hbm>>
    tpu.wait_indirect_dma semaphore(%arg16 : memref<!tpu.dma_semaphore, #tpu.memory_space<semaphore_mem>>) src(%dma_wait3A_77 : memref<10240x128xf32, #tpu.memory_space<hbm>>) dst(%arg14 : memref<40x128xf32, #tpu.memory_space<vmem>>)
    "tpu.region"() ({
      %run_scoped3A = tpu.sem_alloc : memref<!tpu.dma_semaphore, #tpu.memory_space<semaphore_mem>>
      %dma_start3A_83 = arith.constant 0 : i32
      %dma_start3A_84 = arith.constant 0 : i32
      %dma_start3A_85 = tpu.memref_slice %arg17[%dma_start3A_83, %dma_start3A_84] : memref<10240x128xf32, #tpu.memory_space<vmem_shared>> -> memref<10240x128xf32, #tpu.memory_space<vmem_shared>>
      tpu.enqueue_indirect_dma source(%arg14 : memref<40x128xf32, #tpu.memory_space<vmem>>) target(%dma_start3A_85 : memref<10240x128xf32, #tpu.memory_space<vmem_shared>>) offsets(%arg12 : memref<40xi32, #tpu.memory_space<vmem>>) semaphore(%run_scoped3A : memref<!tpu.dma_semaphore, #tpu.memory_space<semaphore_mem>>) {add = true}
      %dma_wait3A_86 = arith.constant 0 : i32
      %dma_wait3A_87 = arith.constant 0 : i32
      %dma_wait3A_88 = tpu.memref_slice %arg17[%dma_wait3A_86, %dma_wait3A_87] : memref<10240x128xf32, #tpu.memory_space<vmem_shared>> -> memref<10240x128xf32, #tpu.memory_space<vmem_shared>>
      tpu.wait_indirect_dma semaphore(%run_scoped3A : memref<!tpu.dma_semaphore, #tpu.memory_space<semaphore_mem>>) src(%arg14 : memref<40x128xf32, #tpu.memory_space<vmem>>) dst(%dma_wait3A_88 : memref<10240x128xf32, #tpu.memory_space<vmem_shared>>)
      tpu.yield
    }) : () -> ()
    %barrier3A_78 = arith.constant 0 : index
    tpu.barrier barrier_id(%barrier3A_78)
    %mul3A_79 = arith.constant 640 : i32
    %mul3A_80 = arith.muli %arg1, %mul3A_79 : i32
    %mul3A_81 = arith.constant 640 : i32
    %mul3A_82 = arith.muli %arg1, %mul3A_81 : i32
    "tpu.region"() ({
      %run_scoped3A = tpu.sem_alloc : memref<!tpu.dma_semaphore, #tpu.memory_space<semaphore_mem>>
      %dma_start3A_83 = arith.constant 0 : i32
      %dma_start3A_84 = tpu.memref_slice %arg8[%arg0, %mul3A_82, %dma_start3A_83] : memref<2x10240x128xf32, #tpu.memory_space<hbm>> -> memref<1x640x128xf32, #tpu.memory_space<hbm>>
      %dma_start3A_85 = tpu.memref_squeeze %dma_start3A_84 : memref<1x640x128xf32, #tpu.memory_space<hbm>> -> memref<640x128xf32, #tpu.memory_space<hbm>>
      %dma_start3A_86 = arith.constant 0 : i32
      %dma_start3A_87 = tpu.memref_slice %arg17[%mul3A_80, %dma_start3A_86] : memref<10240x128xf32, #tpu.memory_space<vmem_shared>> -> memref<640x128xf32, #tpu.memory_space<vmem_shared>>
      tpu.enqueue_dma source(%dma_start3A_87 : memref<640x128xf32, #tpu.memory_space<vmem_shared>>) target(%dma_start3A_85 : memref<640x128xf32, #tpu.memory_space<hbm>>) target_semaphore(%run_scoped3A : memref<!tpu.dma_semaphore, #tpu.memory_space<semaphore_mem>>)
      %dma_wait3A_88 = arith.constant 0 : i32
      %dma_wait3A_89 = tpu.memref_slice %arg8[%arg0, %mul3A_82, %dma_wait3A_88] : memref<2x10240x128xf32, #tpu.memory_space<hbm>> -> memref<1x640x128xf32, #tpu.memory_space<hbm>>
      %dma_wait3A_90 = tpu.memref_squeeze %dma_wait3A_89 : memref<1x640x128xf32, #tpu.memory_space<hbm>> -> memref<640x128xf32, #tpu.memory_space<hbm>>
      %dma_wait3A_91 = arith.constant 0 : i32
      %dma_wait3A_92 = tpu.memref_slice %arg17[%mul3A_80, %dma_wait3A_91] : memref<10240x128xf32, #tpu.memory_space<vmem_shared>> -> memref<640x128xf32, #tpu.memory_space<vmem_shared>>
      tpu.wait_dma2 semaphore(%run_scoped3A : memref<!tpu.dma_semaphore, #tpu.memory_space<semaphore_mem>>) src(%dma_wait3A_92 : memref<640x128xf32, #tpu.memory_space<vmem_shared>>) dst(%dma_wait3A_90 : memref<640x128xf32, #tpu.memory_space<hbm>>)
      tpu.yield
    }) : () -> ()
    return
  }
}

#map = affine_map<(d0, d1) -> (0, 0)>
#map1 = affine_map<(d0, d1) -> (0, 0, 0)>
module attributes {stable_mosaic.version = 14 : i64} {
  func.func @_hop_body(%arg0: i32, %arg1: i32, %arg2: memref<10240x128xf32, #tpu.memory_space<hbm>>, %arg3: memref<32x83x120xi32, #tpu.memory_space<hbm>>, %arg4: memref<32x83x120xi32, #tpu.memory_space<hbm>>, %arg5: memref<32x40xi32, #tpu.memory_space<hbm>>, %arg6: memref<32x40xi32, #tpu.memory_space<hbm>>, %arg7: memref<10240x128xf32, #tpu.memory_space<hbm>>, %arg8: memref<2x10240x128xf32, #tpu.memory_space<hbm>>, %arg9: memref<83x120xi32, #tpu.memory_space<vmem>>, %arg10: memref<83x120xi32, #tpu.memory_space<vmem>>, %arg11: memref<40xi32, #tpu.memory_space<vmem>>, %arg12: memref<40xi32, #tpu.memory_space<vmem>>, %arg13: memref<120x128xf32, #tpu.memory_space<vmem>>, %arg14: memref<40x128xf32, #tpu.memory_space<vmem>>, %arg15: memref<!tpu.dma_semaphore, #tpu.memory_space<semaphore_mem>>, %arg16: memref<!tpu.dma_semaphore, #tpu.memory_space<semaphore_mem>>, %arg17: memref<10240x128xf32, #tpu.memory_space<vmem_shared>>) attributes {dimension_semantics = [#tpu.dimension_semantics<core_parallel>, #tpu.dimension_semantics<subcore_parallel>], iteration_bounds = array<i64: 2, 16>, scalar_prefetch = 0 : i64, scratch_operands = 9 : i64, tpu.core_type = #tpu.core_type<sc_vector_subcore>, window_params = [{transform_indices = #map}, {transform_indices = #map1}, {transform_indices = #map1}, {transform_indices = #map}, {transform_indices = #map}, {transform_indices = #map}, {transform_indices = #map1}]} {
    %mul3A = arith.constant 16 : i32
    %mul3A_0 = arith.muli %arg0, %mul3A : i32
    %add3A = arith.addi %mul3A_0, %arg1 : i32
    %dma_start3A = arith.constant 0 : i32
    %dma_start3A_1 = arith.constant 0 : i32
    %dma_start3A_2 = tpu.memref_slice %arg3[%add3A, %dma_start3A, %dma_start3A_1] : memref<32x83x120xi32, #tpu.memory_space<hbm>> -> memref<1x83x120xi32, #tpu.memory_space<hbm>>
    %dma_start3A_3 = tpu.memref_squeeze %dma_start3A_2 : memref<1x83x120xi32, #tpu.memory_space<hbm>> -> memref<83x120xi32, #tpu.memory_space<hbm>>
    %dma_start3A_4 = arith.constant 0 : i32
    %dma_start3A_5 = arith.constant 0 : i32
    %dma_start3A_6 = tpu.memref_slice %arg3[%add3A, %dma_start3A_4, %dma_start3A_5] : memref<32x83x120xi32, #tpu.memory_space<hbm>> -> memref<1x83x120xi32, #tpu.memory_space<hbm>>
    %dma_start3A_7 = tpu.memref_squeeze %dma_start3A_6 : memref<1x83x120xi32, #tpu.memory_space<hbm>> -> memref<83x120xi32, #tpu.memory_space<hbm>>
    tpu.enqueue_dma source(%dma_start3A_7 : memref<83x120xi32, #tpu.memory_space<hbm>>) target(%arg9 : memref<83x120xi32, #tpu.memory_space<vmem>>) target_semaphore(%arg15 : memref<!tpu.dma_semaphore, #tpu.memory_space<semaphore_mem>>)
    %dma_start3A_8 = arith.constant 0 : i32
    %dma_start3A_9 = arith.constant 0 : i32
    %dma_start3A_10 = tpu.memref_slice %arg4[%add3A, %dma_start3A_8, %dma_start3A_9] : memref<32x83x120xi32, #tpu.memory_space<hbm>> -> memref<1x83x120xi32, #tpu.memory_space<hbm>>
    %dma_start3A_11 = tpu.memref_squeeze %dma_start3A_10 : memref<1x83x120xi32, #tpu.memory_space<hbm>> -> memref<83x120xi32, #tpu.memory_space<hbm>>
    %dma_start3A_12 = arith.constant 0 : i32
    %dma_start3A_13 = arith.constant 0 : i32
    %dma_start3A_14 = tpu.memref_slice %arg4[%add3A, %dma_start3A_12, %dma_start3A_13] : memref<32x83x120xi32, #tpu.memory_space<hbm>> -> memref<1x83x120xi32, #tpu.memory_space<hbm>>
    %dma_start3A_15 = tpu.memref_squeeze %dma_start3A_14 : memref<1x83x120xi32, #tpu.memory_space<hbm>> -> memref<83x120xi32, #tpu.memory_space<hbm>>
    tpu.enqueue_dma source(%dma_start3A_15 : memref<83x120xi32, #tpu.memory_space<hbm>>) target(%arg10 : memref<83x120xi32, #tpu.memory_space<vmem>>) target_semaphore(%arg15 : memref<!tpu.dma_semaphore, #tpu.memory_space<semaphore_mem>>)
    %dma_start3A_16 = arith.constant 0 : i32
    %dma_start3A_17 = tpu.memref_slice %arg5[%add3A, %dma_start3A_16] : memref<32x40xi32, #tpu.memory_space<hbm>> -> memref<1x40xi32, #tpu.memory_space<hbm>>
    %dma_start3A_18 = tpu.memref_squeeze %dma_start3A_17 : memref<1x40xi32, #tpu.memory_space<hbm>> -> memref<40xi32, #tpu.memory_space<hbm>>
    %dma_start3A_19 = arith.constant 0 : i32
    %dma_start3A_20 = tpu.memref_slice %arg5[%add3A, %dma_start3A_19] : memref<32x40xi32, #tpu.memory_space<hbm>> -> memref<1x40xi32, #tpu.memory_space<hbm>>
    %dma_start3A_21 = tpu.memref_squeeze %dma_start3A_20 : memref<1x40xi32, #tpu.memory_space<hbm>> -> memref<40xi32, #tpu.memory_space<hbm>>
    tpu.enqueue_dma source(%dma_start3A_21 : memref<40xi32, #tpu.memory_space<hbm>>) target(%arg11 : memref<40xi32, #tpu.memory_space<vmem>>) target_semaphore(%arg15 : memref<!tpu.dma_semaphore, #tpu.memory_space<semaphore_mem>>)
    %dma_start3A_22 = arith.constant 0 : i32
    %dma_start3A_23 = tpu.memref_slice %arg6[%add3A, %dma_start3A_22] : memref<32x40xi32, #tpu.memory_space<hbm>> -> memref<1x40xi32, #tpu.memory_space<hbm>>
    %dma_start3A_24 = tpu.memref_squeeze %dma_start3A_23 : memref<1x40xi32, #tpu.memory_space<hbm>> -> memref<40xi32, #tpu.memory_space<hbm>>
    %dma_start3A_25 = arith.constant 0 : i32
    %dma_start3A_26 = tpu.memref_slice %arg6[%add3A, %dma_start3A_25] : memref<32x40xi32, #tpu.memory_space<hbm>> -> memref<1x40xi32, #tpu.memory_space<hbm>>
    %dma_start3A_27 = tpu.memref_squeeze %dma_start3A_26 : memref<1x40xi32, #tpu.memory_space<hbm>> -> memref<40xi32, #tpu.memory_space<hbm>>
    tpu.enqueue_dma source(%dma_start3A_27 : memref<40xi32, #tpu.memory_space<hbm>>) target(%arg12 : memref<40xi32, #tpu.memory_space<vmem>>) target_semaphore(%arg15 : memref<!tpu.dma_semaphore, #tpu.memory_space<semaphore_mem>>)
    %mul3A_28 = arith.constant 640 : i32
    %mul3A_29 = arith.muli %arg1, %mul3A_28 : i32
    %mul3A_30 = arith.constant 640 : i32
    %mul3A_31 = arith.muli %arg1, %mul3A_30 : i32
    %dma_start3A_32 = arith.constant 0 : i32
    %dma_start3A_33 = tpu.memref_slice %arg17[%mul3A_31, %dma_start3A_32] : memref<10240x128xf32, #tpu.memory_space<vmem_shared>> -> memref<640x128xf32, #tpu.memory_space<vmem_shared>>
    %dma_start3A_34 = arith.constant 0 : i32
    %dma_start3A_35 = tpu.memref_slice %arg7[%mul3A_29, %dma_start3A_34] : memref<10240x128xf32, #tpu.memory_space<hbm>> -> memref<640x128xf32, #tpu.memory_space<hbm>>
    tpu.enqueue_dma source(%dma_start3A_35 : memref<640x128xf32, #tpu.memory_space<hbm>>) target(%dma_start3A_33 : memref<640x128xf32, #tpu.memory_space<vmem_shared>>) target_semaphore(%arg15 : memref<!tpu.dma_semaphore, #tpu.memory_space<semaphore_mem>>)
    %dma_wait3A = arith.constant 0 : i32
    %dma_wait3A_36 = arith.constant 0 : i32
    %dma_wait3A_37 = tpu.memref_slice %arg3[%add3A, %dma_wait3A, %dma_wait3A_36] : memref<32x83x120xi32, #tpu.memory_space<hbm>> -> memref<1x83x120xi32, #tpu.memory_space<hbm>>
    %dma_wait3A_38 = tpu.memref_squeeze %dma_wait3A_37 : memref<1x83x120xi32, #tpu.memory_space<hbm>> -> memref<83x120xi32, #tpu.memory_space<hbm>>
    %dma_wait3A_39 = arith.constant 0 : i32
    %dma_wait3A_40 = arith.constant 0 : i32
    %dma_wait3A_41 = tpu.memref_slice %arg3[%add3A, %dma_wait3A_39, %dma_wait3A_40] : memref<32x83x120xi32, #tpu.memory_space<hbm>> -> memref<1x83x120xi32, #tpu.memory_space<hbm>>
    %dma_wait3A_42 = tpu.memref_squeeze %dma_wait3A_41 : memref<1x83x120xi32, #tpu.memory_space<hbm>> -> memref<83x120xi32, #tpu.memory_space<hbm>>
    tpu.wait_dma2 semaphore(%arg15 : memref<!tpu.dma_semaphore, #tpu.memory_space<semaphore_mem>>) src(%dma_wait3A_42 : memref<83x120xi32, #tpu.memory_space<hbm>>) dst(%arg9 : memref<83x120xi32, #tpu.memory_space<vmem>>)
    %dma_wait3A_43 = arith.constant 0 : i32
    %dma_wait3A_44 = arith.constant 0 : i32
    %dma_wait3A_45 = tpu.memref_slice %arg4[%add3A, %dma_wait3A_43, %dma_wait3A_44] : memref<32x83x120xi32, #tpu.memory_space<hbm>> -> memref<1x83x120xi32, #tpu.memory_space<hbm>>
    %dma_wait3A_46 = tpu.memref_squeeze %dma_wait3A_45 : memref<1x83x120xi32, #tpu.memory_space<hbm>> -> memref<83x120xi32, #tpu.memory_space<hbm>>
    %dma_wait3A_47 = arith.constant 0 : i32
    %dma_wait3A_48 = arith.constant 0 : i32
    %dma_wait3A_49 = tpu.memref_slice %arg4[%add3A, %dma_wait3A_47, %dma_wait3A_48] : memref<32x83x120xi32, #tpu.memory_space<hbm>> -> memref<1x83x120xi32, #tpu.memory_space<hbm>>
    %dma_wait3A_50 = tpu.memref_squeeze %dma_wait3A_49 : memref<1x83x120xi32, #tpu.memory_space<hbm>> -> memref<83x120xi32, #tpu.memory_space<hbm>>
    tpu.wait_dma2 semaphore(%arg15 : memref<!tpu.dma_semaphore, #tpu.memory_space<semaphore_mem>>) src(%dma_wait3A_50 : memref<83x120xi32, #tpu.memory_space<hbm>>) dst(%arg10 : memref<83x120xi32, #tpu.memory_space<vmem>>)
    %dma_wait3A_51 = arith.constant 0 : i32
    %dma_wait3A_52 = tpu.memref_slice %arg5[%add3A, %dma_wait3A_51] : memref<32x40xi32, #tpu.memory_space<hbm>> -> memref<1x40xi32, #tpu.memory_space<hbm>>
    %dma_wait3A_53 = tpu.memref_squeeze %dma_wait3A_52 : memref<1x40xi32, #tpu.memory_space<hbm>> -> memref<40xi32, #tpu.memory_space<hbm>>
    %dma_wait3A_54 = arith.constant 0 : i32
    %dma_wait3A_55 = tpu.memref_slice %arg5[%add3A, %dma_wait3A_54] : memref<32x40xi32, #tpu.memory_space<hbm>> -> memref<1x40xi32, #tpu.memory_space<hbm>>
    %dma_wait3A_56 = tpu.memref_squeeze %dma_wait3A_55 : memref<1x40xi32, #tpu.memory_space<hbm>> -> memref<40xi32, #tpu.memory_space<hbm>>
    tpu.wait_dma2 semaphore(%arg15 : memref<!tpu.dma_semaphore, #tpu.memory_space<semaphore_mem>>) src(%dma_wait3A_56 : memref<40xi32, #tpu.memory_space<hbm>>) dst(%arg11 : memref<40xi32, #tpu.memory_space<vmem>>)
    %dma_wait3A_57 = arith.constant 0 : i32
    %dma_wait3A_58 = tpu.memref_slice %arg6[%add3A, %dma_wait3A_57] : memref<32x40xi32, #tpu.memory_space<hbm>> -> memref<1x40xi32, #tpu.memory_space<hbm>>
    %dma_wait3A_59 = tpu.memref_squeeze %dma_wait3A_58 : memref<1x40xi32, #tpu.memory_space<hbm>> -> memref<40xi32, #tpu.memory_space<hbm>>
    %dma_wait3A_60 = arith.constant 0 : i32
    %dma_wait3A_61 = tpu.memref_slice %arg6[%add3A, %dma_wait3A_60] : memref<32x40xi32, #tpu.memory_space<hbm>> -> memref<1x40xi32, #tpu.memory_space<hbm>>
    %dma_wait3A_62 = tpu.memref_squeeze %dma_wait3A_61 : memref<1x40xi32, #tpu.memory_space<hbm>> -> memref<40xi32, #tpu.memory_space<hbm>>
    tpu.wait_dma2 semaphore(%arg15 : memref<!tpu.dma_semaphore, #tpu.memory_space<semaphore_mem>>) src(%dma_wait3A_62 : memref<40xi32, #tpu.memory_space<hbm>>) dst(%arg12 : memref<40xi32, #tpu.memory_space<vmem>>)
    %dma_wait3A_63 = arith.constant 0 : i32
    %dma_wait3A_64 = tpu.memref_slice %arg17[%mul3A_31, %dma_wait3A_63] : memref<10240x128xf32, #tpu.memory_space<vmem_shared>> -> memref<640x128xf32, #tpu.memory_space<vmem_shared>>
    %dma_wait3A_65 = arith.constant 0 : i32
    %dma_wait3A_66 = tpu.memref_slice %arg7[%mul3A_29, %dma_wait3A_65] : memref<10240x128xf32, #tpu.memory_space<hbm>> -> memref<640x128xf32, #tpu.memory_space<hbm>>
    tpu.wait_dma2 semaphore(%arg15 : memref<!tpu.dma_semaphore, #tpu.memory_space<semaphore_mem>>) src(%dma_wait3A_66 : memref<640x128xf32, #tpu.memory_space<hbm>>) dst(%dma_wait3A_64 : memref<640x128xf32, #tpu.memory_space<vmem_shared>>)
    %barrier3A = arith.constant 0 : index
    tpu.barrier barrier_id(%barrier3A)
    %dma_start3A_67 = arith.constant 0 : i32
    %dma_start3A_68 = arith.constant 0 : i32
    %dma_start3A_69 = tpu.memref_slice %arg2[%dma_start3A_67, %dma_start3A_68] : memref<10240x128xf32, #tpu.memory_space<hbm>> -> memref<10240x128xf32, #tpu.memory_space<hbm>>
    tpu.enqueue_indirect_dma source(%dma_start3A_69 : memref<10240x128xf32, #tpu.memory_space<hbm>>) target(%arg14 : memref<40x128xf32, #tpu.memory_space<vmem>>) offsets(%arg11 : memref<40xi32, #tpu.memory_space<vmem>>) semaphore(%arg16 : memref<!tpu.dma_semaphore, #tpu.memory_space<semaphore_mem>>)
    %scan3A = arith.constant 0 : i32
    %scan3A_70 = arith.constant 0 : i32
    %scan3A_71 = arith.constant 83 : i32
    %scan3A_72 = arith.addi %scan3A_70, %scan3A_71 : i32
    %scan3A_73 = arith.constant 1 : i32
    scf.for %scan3A_83 = %scan3A_70 to %scan3A_72 step %scan3A_73  : i32 {
      %dma_start3A_84 = arith.constant 0 : i32
      %dma_start3A_85 = tpu.memref_slice %arg9[%scan3A_83, %dma_start3A_84] : memref<83x120xi32, #tpu.memory_space<vmem>> -> memref<1x120xi32, #tpu.memory_space<vmem>>
      %dma_start3A_86 = tpu.memref_squeeze %dma_start3A_85 : memref<1x120xi32, #tpu.memory_space<vmem>> -> memref<120xi32, #tpu.memory_space<vmem>>
      %dma_start3A_87 = arith.constant 0 : i32
      %dma_start3A_88 = arith.constant 0 : i32
      %dma_start3A_89 = tpu.memref_slice %arg2[%dma_start3A_87, %dma_start3A_88] : memref<10240x128xf32, #tpu.memory_space<hbm>> -> memref<10240x128xf32, #tpu.memory_space<hbm>>
      tpu.enqueue_indirect_dma source(%dma_start3A_89 : memref<10240x128xf32, #tpu.memory_space<hbm>>) target(%arg13 : memref<120x128xf32, #tpu.memory_space<vmem>>) offsets(%dma_start3A_86 : memref<120xi32, #tpu.memory_space<vmem>>) semaphore(%arg15 : memref<!tpu.dma_semaphore, #tpu.memory_space<semaphore_mem>>)
      %dma_wait3A_90 = arith.constant 0 : i32
      %dma_wait3A_91 = tpu.memref_slice %arg9[%scan3A_83, %dma_wait3A_90] : memref<83x120xi32, #tpu.memory_space<vmem>> -> memref<1x120xi32, #tpu.memory_space<vmem>>
      %dma_wait3A_92 = tpu.memref_squeeze %dma_wait3A_91 : memref<1x120xi32, #tpu.memory_space<vmem>> -> memref<120xi32, #tpu.memory_space<vmem>>
      %dma_wait3A_93 = arith.constant 0 : i32
      %dma_wait3A_94 = arith.constant 0 : i32
      %dma_wait3A_95 = tpu.memref_slice %arg2[%dma_wait3A_93, %dma_wait3A_94] : memref<10240x128xf32, #tpu.memory_space<hbm>> -> memref<10240x128xf32, #tpu.memory_space<hbm>>
      tpu.wait_indirect_dma semaphore(%arg15 : memref<!tpu.dma_semaphore, #tpu.memory_space<semaphore_mem>>) src(%dma_wait3A_95 : memref<10240x128xf32, #tpu.memory_space<hbm>>) dst(%arg13 : memref<120x128xf32, #tpu.memory_space<vmem>>)
      "tpu.region"() ({
        %run_scoped3A = tpu.sem_alloc : memref<!tpu.dma_semaphore, #tpu.memory_space<semaphore_mem>>
        %dma_start3A_96 = arith.constant 0 : i32
        %dma_start3A_97 = tpu.memref_slice %arg10[%scan3A_83, %dma_start3A_96] : memref<83x120xi32, #tpu.memory_space<vmem>> -> memref<1x120xi32, #tpu.memory_space<vmem>>
        %dma_start3A_98 = tpu.memref_squeeze %dma_start3A_97 : memref<1x120xi32, #tpu.memory_space<vmem>> -> memref<120xi32, #tpu.memory_space<vmem>>
        %dma_start3A_99 = arith.constant 0 : i32
        %dma_start3A_100 = arith.constant 0 : i32
        %dma_start3A_101 = tpu.memref_slice %arg17[%dma_start3A_99, %dma_start3A_100] : memref<10240x128xf32, #tpu.memory_space<vmem_shared>> -> memref<10240x128xf32, #tpu.memory_space<vmem_shared>>
        tpu.enqueue_indirect_dma source(%arg13 : memref<120x128xf32, #tpu.memory_space<vmem>>) target(%dma_start3A_101 : memref<10240x128xf32, #tpu.memory_space<vmem_shared>>) offsets(%dma_start3A_98 : memref<120xi32, #tpu.memory_space<vmem>>) semaphore(%run_scoped3A : memref<!tpu.dma_semaphore, #tpu.memory_space<semaphore_mem>>) {add = true}
        %dma_wait3A_102 = arith.constant 0 : i32
        %dma_wait3A_103 = tpu.memref_slice %arg10[%scan3A_83, %dma_wait3A_102] : memref<83x120xi32, #tpu.memory_space<vmem>> -> memref<1x120xi32, #tpu.memory_space<vmem>>
        %dma_wait3A_104 = tpu.memref_squeeze %dma_wait3A_103 : memref<1x120xi32, #tpu.memory_space<vmem>> -> memref<120xi32, #tpu.memory_space<vmem>>
        %dma_wait3A_105 = arith.constant 0 : i32
        %dma_wait3A_106 = arith.constant 0 : i32
        %dma_wait3A_107 = tpu.memref_slice %arg17[%dma_wait3A_105, %dma_wait3A_106] : memref<10240x128xf32, #tpu.memory_space<vmem_shared>> -> memref<10240x128xf32, #tpu.memory_space<vmem_shared>>
        tpu.wait_indirect_dma semaphore(%run_scoped3A : memref<!tpu.dma_semaphore, #tpu.memory_space<semaphore_mem>>) src(%arg13 : memref<120x128xf32, #tpu.memory_space<vmem>>) dst(%dma_wait3A_107 : memref<10240x128xf32, #tpu.memory_space<vmem_shared>>)
        tpu.yield
      }) : () -> ()
    }
    %scan3A_74 = arith.constant 83 : i32
    %dma_wait3A_75 = arith.constant 0 : i32
    %dma_wait3A_76 = arith.constant 0 : i32
    %dma_wait3A_77 = tpu.memref_slice %arg2[%dma_wait3A_75, %dma_wait3A_76] : memref<10240x128xf32, #tpu.memory_space<hbm>> -> memref<10240x128xf32, #tpu.memory_space<hbm>>
    tpu.wait_indirect_dma semaphore(%arg16 : memref<!tpu.dma_semaphore, #tpu.memory_space<semaphore_mem>>) src(%dma_wait3A_77 : memref<10240x128xf32, #tpu.memory_space<hbm>>) dst(%arg14 : memref<40x128xf32, #tpu.memory_space<vmem>>)
    "tpu.region"() ({
      %run_scoped3A = tpu.sem_alloc : memref<!tpu.dma_semaphore, #tpu.memory_space<semaphore_mem>>
      %dma_start3A_83 = arith.constant 0 : i32
      %dma_start3A_84 = arith.constant 0 : i32
      %dma_start3A_85 = tpu.memref_slice %arg17[%dma_start3A_83, %dma_start3A_84] : memref<10240x128xf32, #tpu.memory_space<vmem_shared>> -> memref<10240x128xf32, #tpu.memory_space<vmem_shared>>
      tpu.enqueue_indirect_dma source(%arg14 : memref<40x128xf32, #tpu.memory_space<vmem>>) target(%dma_start3A_85 : memref<10240x128xf32, #tpu.memory_space<vmem_shared>>) offsets(%arg12 : memref<40xi32, #tpu.memory_space<vmem>>) semaphore(%run_scoped3A : memref<!tpu.dma_semaphore, #tpu.memory_space<semaphore_mem>>) {add = true}
      %dma_wait3A_86 = arith.constant 0 : i32
      %dma_wait3A_87 = arith.constant 0 : i32
      %dma_wait3A_88 = tpu.memref_slice %arg17[%dma_wait3A_86, %dma_wait3A_87] : memref<10240x128xf32, #tpu.memory_space<vmem_shared>> -> memref<10240x128xf32, #tpu.memory_space<vmem_shared>>
      tpu.wait_indirect_dma semaphore(%run_scoped3A : memref<!tpu.dma_semaphore, #tpu.memory_space<semaphore_mem>>) src(%arg14 : memref<40x128xf32, #tpu.memory_space<vmem>>) dst(%dma_wait3A_88 : memref<10240x128xf32, #tpu.memory_space<vmem_shared>>)
      tpu.yield
    }) : () -> ()
    %barrier3A_78 = arith.constant 0 : index
    tpu.barrier barrier_id(%barrier3A_78)
    %mul3A_79 = arith.constant 640 : i32
    %mul3A_80 = arith.muli %arg1, %mul3A_79 : i32
    %mul3A_81 = arith.constant 640 : i32
    %mul3A_82 = arith.muli %arg1, %mul3A_81 : i32
    "tpu.region"() ({
      %run_scoped3A = tpu.sem_alloc : memref<!tpu.dma_semaphore, #tpu.memory_space<semaphore_mem>>
      %dma_start3A_83 = arith.constant 0 : i32
      %dma_start3A_84 = tpu.memref_slice %arg8[%arg0, %mul3A_82, %dma_start3A_83] : memref<2x10240x128xf32, #tpu.memory_space<hbm>> -> memref<1x640x128xf32, #tpu.memory_space<hbm>>
      %dma_start3A_85 = tpu.memref_squeeze %dma_start3A_84 : memref<1x640x128xf32, #tpu.memory_space<hbm>> -> memref<640x128xf32, #tpu.memory_space<hbm>>
      %dma_start3A_86 = arith.constant 0 : i32
      %dma_start3A_87 = tpu.memref_slice %arg17[%mul3A_80, %dma_start3A_86] : memref<10240x128xf32, #tpu.memory_space<vmem_shared>> -> memref<640x128xf32, #tpu.memory_space<vmem_shared>>
      tpu.enqueue_dma source(%dma_start3A_87 : memref<640x128xf32, #tpu.memory_space<vmem_shared>>) target(%dma_start3A_85 : memref<640x128xf32, #tpu.memory_space<hbm>>) target_semaphore(%run_scoped3A : memref<!tpu.dma_semaphore, #tpu.memory_space<semaphore_mem>>)
      %dma_wait3A_88 = arith.constant 0 : i32
      %dma_wait3A_89 = tpu.memref_slice %arg8[%arg0, %mul3A_82, %dma_wait3A_88] : memref<2x10240x128xf32, #tpu.memory_space<hbm>> -> memref<1x640x128xf32, #tpu.memory_space<hbm>>
      %dma_wait3A_90 = tpu.memref_squeeze %dma_wait3A_89 : memref<1x640x128xf32, #tpu.memory_space<hbm>> -> memref<640x128xf32, #tpu.memory_space<hbm>>
      %dma_wait3A_91 = arith.constant 0 : i32
      %dma_wait3A_92 = tpu.memref_slice %arg17[%mul3A_80, %dma_wait3A_91] : memref<10240x128xf32, #tpu.memory_space<vmem_shared>> -> memref<640x128xf32, #tpu.memory_space<vmem_shared>>
      tpu.wait_dma2 semaphore(%run_scoped3A : memref<!tpu.dma_semaphore, #tpu.memory_space<semaphore_mem>>) src(%dma_wait3A_92 : memref<640x128xf32, #tpu.memory_space<vmem_shared>>) dst(%dma_wait3A_90 : memref<640x128xf32, #tpu.memory_space<hbm>>)
      tpu.yield
    }) : () -> ()
    return
  }
}

#map = affine_map<(d0, d1) -> (0, 0)>
#map1 = affine_map<(d0, d1) -> (0, 0, 0)>
module attributes {stable_mosaic.version = 14 : i64} {
  func.func @_hop_body(%arg0: i32, %arg1: i32, %arg2: memref<10240x128xf32, #tpu.memory_space<hbm>>, %arg3: memref<32x83x120xi32, #tpu.memory_space<hbm>>, %arg4: memref<32x83x120xi32, #tpu.memory_space<hbm>>, %arg5: memref<32x40xi32, #tpu.memory_space<hbm>>, %arg6: memref<32x40xi32, #tpu.memory_space<hbm>>, %arg7: memref<10240x128xf32, #tpu.memory_space<hbm>>, %arg8: memref<2x10240x128xf32, #tpu.memory_space<hbm>>, %arg9: memref<83x120xi32, #tpu.memory_space<vmem>>, %arg10: memref<83x120xi32, #tpu.memory_space<vmem>>, %arg11: memref<40xi32, #tpu.memory_space<vmem>>, %arg12: memref<40xi32, #tpu.memory_space<vmem>>, %arg13: memref<120x128xf32, #tpu.memory_space<vmem>>, %arg14: memref<40x128xf32, #tpu.memory_space<vmem>>, %arg15: memref<!tpu.dma_semaphore, #tpu.memory_space<semaphore_mem>>, %arg16: memref<!tpu.dma_semaphore, #tpu.memory_space<semaphore_mem>>, %arg17: memref<10240x128xf32, #tpu.memory_space<vmem_shared>>) attributes {dimension_semantics = [#tpu.dimension_semantics<core_parallel>, #tpu.dimension_semantics<subcore_parallel>], iteration_bounds = array<i64: 2, 16>, scalar_prefetch = 0 : i64, scratch_operands = 9 : i64, tpu.core_type = #tpu.core_type<sc_vector_subcore>, window_params = [{transform_indices = #map}, {transform_indices = #map1}, {transform_indices = #map1}, {transform_indices = #map}, {transform_indices = #map}, {transform_indices = #map}, {transform_indices = #map1}]} {
    %mul3A = arith.constant 16 : i32
    %mul3A_0 = arith.muli %arg0, %mul3A : i32
    %add3A = arith.addi %mul3A_0, %arg1 : i32
    %dma_start3A = arith.constant 0 : i32
    %dma_start3A_1 = arith.constant 0 : i32
    %dma_start3A_2 = tpu.memref_slice %arg3[%add3A, %dma_start3A, %dma_start3A_1] : memref<32x83x120xi32, #tpu.memory_space<hbm>> -> memref<1x83x120xi32, #tpu.memory_space<hbm>>
    %dma_start3A_3 = tpu.memref_squeeze %dma_start3A_2 : memref<1x83x120xi32, #tpu.memory_space<hbm>> -> memref<83x120xi32, #tpu.memory_space<hbm>>
    %dma_start3A_4 = arith.constant 0 : i32
    %dma_start3A_5 = arith.constant 0 : i32
    %dma_start3A_6 = tpu.memref_slice %arg3[%add3A, %dma_start3A_4, %dma_start3A_5] : memref<32x83x120xi32, #tpu.memory_space<hbm>> -> memref<1x83x120xi32, #tpu.memory_space<hbm>>
    %dma_start3A_7 = tpu.memref_squeeze %dma_start3A_6 : memref<1x83x120xi32, #tpu.memory_space<hbm>> -> memref<83x120xi32, #tpu.memory_space<hbm>>
    tpu.enqueue_dma source(%dma_start3A_7 : memref<83x120xi32, #tpu.memory_space<hbm>>) target(%arg9 : memref<83x120xi32, #tpu.memory_space<vmem>>) target_semaphore(%arg15 : memref<!tpu.dma_semaphore, #tpu.memory_space<semaphore_mem>>)
    %dma_start3A_8 = arith.constant 0 : i32
    %dma_start3A_9 = arith.constant 0 : i32
    %dma_start3A_10 = tpu.memref_slice %arg4[%add3A, %dma_start3A_8, %dma_start3A_9] : memref<32x83x120xi32, #tpu.memory_space<hbm>> -> memref<1x83x120xi32, #tpu.memory_space<hbm>>
    %dma_start3A_11 = tpu.memref_squeeze %dma_start3A_10 : memref<1x83x120xi32, #tpu.memory_space<hbm>> -> memref<83x120xi32, #tpu.memory_space<hbm>>
    %dma_start3A_12 = arith.constant 0 : i32
    %dma_start3A_13 = arith.constant 0 : i32
    %dma_start3A_14 = tpu.memref_slice %arg4[%add3A, %dma_start3A_12, %dma_start3A_13] : memref<32x83x120xi32, #tpu.memory_space<hbm>> -> memref<1x83x120xi32, #tpu.memory_space<hbm>>
    %dma_start3A_15 = tpu.memref_squeeze %dma_start3A_14 : memref<1x83x120xi32, #tpu.memory_space<hbm>> -> memref<83x120xi32, #tpu.memory_space<hbm>>
    tpu.enqueue_dma source(%dma_start3A_15 : memref<83x120xi32, #tpu.memory_space<hbm>>) target(%arg10 : memref<83x120xi32, #tpu.memory_space<vmem>>) target_semaphore(%arg15 : memref<!tpu.dma_semaphore, #tpu.memory_space<semaphore_mem>>)
    %dma_start3A_16 = arith.constant 0 : i32
    %dma_start3A_17 = tpu.memref_slice %arg5[%add3A, %dma_start3A_16] : memref<32x40xi32, #tpu.memory_space<hbm>> -> memref<1x40xi32, #tpu.memory_space<hbm>>
    %dma_start3A_18 = tpu.memref_squeeze %dma_start3A_17 : memref<1x40xi32, #tpu.memory_space<hbm>> -> memref<40xi32, #tpu.memory_space<hbm>>
    %dma_start3A_19 = arith.constant 0 : i32
    %dma_start3A_20 = tpu.memref_slice %arg5[%add3A, %dma_start3A_19] : memref<32x40xi32, #tpu.memory_space<hbm>> -> memref<1x40xi32, #tpu.memory_space<hbm>>
    %dma_start3A_21 = tpu.memref_squeeze %dma_start3A_20 : memref<1x40xi32, #tpu.memory_space<hbm>> -> memref<40xi32, #tpu.memory_space<hbm>>
    tpu.enqueue_dma source(%dma_start3A_21 : memref<40xi32, #tpu.memory_space<hbm>>) target(%arg11 : memref<40xi32, #tpu.memory_space<vmem>>) target_semaphore(%arg15 : memref<!tpu.dma_semaphore, #tpu.memory_space<semaphore_mem>>)
    %dma_start3A_22 = arith.constant 0 : i32
    %dma_start3A_23 = tpu.memref_slice %arg6[%add3A, %dma_start3A_22] : memref<32x40xi32, #tpu.memory_space<hbm>> -> memref<1x40xi32, #tpu.memory_space<hbm>>
    %dma_start3A_24 = tpu.memref_squeeze %dma_start3A_23 : memref<1x40xi32, #tpu.memory_space<hbm>> -> memref<40xi32, #tpu.memory_space<hbm>>
    %dma_start3A_25 = arith.constant 0 : i32
    %dma_start3A_26 = tpu.memref_slice %arg6[%add3A, %dma_start3A_25] : memref<32x40xi32, #tpu.memory_space<hbm>> -> memref<1x40xi32, #tpu.memory_space<hbm>>
    %dma_start3A_27 = tpu.memref_squeeze %dma_start3A_26 : memref<1x40xi32, #tpu.memory_space<hbm>> -> memref<40xi32, #tpu.memory_space<hbm>>
    tpu.enqueue_dma source(%dma_start3A_27 : memref<40xi32, #tpu.memory_space<hbm>>) target(%arg12 : memref<40xi32, #tpu.memory_space<vmem>>) target_semaphore(%arg15 : memref<!tpu.dma_semaphore, #tpu.memory_space<semaphore_mem>>)
    %mul3A_28 = arith.constant 640 : i32
    %mul3A_29 = arith.muli %arg1, %mul3A_28 : i32
    %mul3A_30 = arith.constant 640 : i32
    %mul3A_31 = arith.muli %arg1, %mul3A_30 : i32
    %dma_start3A_32 = arith.constant 0 : i32
    %dma_start3A_33 = tpu.memref_slice %arg17[%mul3A_31, %dma_start3A_32] : memref<10240x128xf32, #tpu.memory_space<vmem_shared>> -> memref<640x128xf32, #tpu.memory_space<vmem_shared>>
    %dma_start3A_34 = arith.constant 0 : i32
    %dma_start3A_35 = tpu.memref_slice %arg7[%mul3A_29, %dma_start3A_34] : memref<10240x128xf32, #tpu.memory_space<hbm>> -> memref<640x128xf32, #tpu.memory_space<hbm>>
    tpu.enqueue_dma source(%dma_start3A_35 : memref<640x128xf32, #tpu.memory_space<hbm>>) target(%dma_start3A_33 : memref<640x128xf32, #tpu.memory_space<vmem_shared>>) target_semaphore(%arg15 : memref<!tpu.dma_semaphore, #tpu.memory_space<semaphore_mem>>)
    %dma_wait3A = arith.constant 0 : i32
    %dma_wait3A_36 = arith.constant 0 : i32
    %dma_wait3A_37 = tpu.memref_slice %arg3[%add3A, %dma_wait3A, %dma_wait3A_36] : memref<32x83x120xi32, #tpu.memory_space<hbm>> -> memref<1x83x120xi32, #tpu.memory_space<hbm>>
    %dma_wait3A_38 = tpu.memref_squeeze %dma_wait3A_37 : memref<1x83x120xi32, #tpu.memory_space<hbm>> -> memref<83x120xi32, #tpu.memory_space<hbm>>
    %dma_wait3A_39 = arith.constant 0 : i32
    %dma_wait3A_40 = arith.constant 0 : i32
    %dma_wait3A_41 = tpu.memref_slice %arg3[%add3A, %dma_wait3A_39, %dma_wait3A_40] : memref<32x83x120xi32, #tpu.memory_space<hbm>> -> memref<1x83x120xi32, #tpu.memory_space<hbm>>
    %dma_wait3A_42 = tpu.memref_squeeze %dma_wait3A_41 : memref<1x83x120xi32, #tpu.memory_space<hbm>> -> memref<83x120xi32, #tpu.memory_space<hbm>>
    tpu.wait_dma2 semaphore(%arg15 : memref<!tpu.dma_semaphore, #tpu.memory_space<semaphore_mem>>) src(%dma_wait3A_42 : memref<83x120xi32, #tpu.memory_space<hbm>>) dst(%arg9 : memref<83x120xi32, #tpu.memory_space<vmem>>)
    %dma_wait3A_43 = arith.constant 0 : i32
    %dma_wait3A_44 = arith.constant 0 : i32
    %dma_wait3A_45 = tpu.memref_slice %arg4[%add3A, %dma_wait3A_43, %dma_wait3A_44] : memref<32x83x120xi32, #tpu.memory_space<hbm>> -> memref<1x83x120xi32, #tpu.memory_space<hbm>>
    %dma_wait3A_46 = tpu.memref_squeeze %dma_wait3A_45 : memref<1x83x120xi32, #tpu.memory_space<hbm>> -> memref<83x120xi32, #tpu.memory_space<hbm>>
    %dma_wait3A_47 = arith.constant 0 : i32
    %dma_wait3A_48 = arith.constant 0 : i32
    %dma_wait3A_49 = tpu.memref_slice %arg4[%add3A, %dma_wait3A_47, %dma_wait3A_48] : memref<32x83x120xi32, #tpu.memory_space<hbm>> -> memref<1x83x120xi32, #tpu.memory_space<hbm>>
    %dma_wait3A_50 = tpu.memref_squeeze %dma_wait3A_49 : memref<1x83x120xi32, #tpu.memory_space<hbm>> -> memref<83x120xi32, #tpu.memory_space<hbm>>
    tpu.wait_dma2 semaphore(%arg15 : memref<!tpu.dma_semaphore, #tpu.memory_space<semaphore_mem>>) src(%dma_wait3A_50 : memref<83x120xi32, #tpu.memory_space<hbm>>) dst(%arg10 : memref<83x120xi32, #tpu.memory_space<vmem>>)
    %dma_wait3A_51 = arith.constant 0 : i32
    %dma_wait3A_52 = tpu.memref_slice %arg5[%add3A, %dma_wait3A_51] : memref<32x40xi32, #tpu.memory_space<hbm>> -> memref<1x40xi32, #tpu.memory_space<hbm>>
    %dma_wait3A_53 = tpu.memref_squeeze %dma_wait3A_52 : memref<1x40xi32, #tpu.memory_space<hbm>> -> memref<40xi32, #tpu.memory_space<hbm>>
    %dma_wait3A_54 = arith.constant 0 : i32
    %dma_wait3A_55 = tpu.memref_slice %arg5[%add3A, %dma_wait3A_54] : memref<32x40xi32, #tpu.memory_space<hbm>> -> memref<1x40xi32, #tpu.memory_space<hbm>>
    %dma_wait3A_56 = tpu.memref_squeeze %dma_wait3A_55 : memref<1x40xi32, #tpu.memory_space<hbm>> -> memref<40xi32, #tpu.memory_space<hbm>>
    tpu.wait_dma2 semaphore(%arg15 : memref<!tpu.dma_semaphore, #tpu.memory_space<semaphore_mem>>) src(%dma_wait3A_56 : memref<40xi32, #tpu.memory_space<hbm>>) dst(%arg11 : memref<40xi32, #tpu.memory_space<vmem>>)
    %dma_wait3A_57 = arith.constant 0 : i32
    %dma_wait3A_58 = tpu.memref_slice %arg6[%add3A, %dma_wait3A_57] : memref<32x40xi32, #tpu.memory_space<hbm>> -> memref<1x40xi32, #tpu.memory_space<hbm>>
    %dma_wait3A_59 = tpu.memref_squeeze %dma_wait3A_58 : memref<1x40xi32, #tpu.memory_space<hbm>> -> memref<40xi32, #tpu.memory_space<hbm>>
    %dma_wait3A_60 = arith.constant 0 : i32
    %dma_wait3A_61 = tpu.memref_slice %arg6[%add3A, %dma_wait3A_60] : memref<32x40xi32, #tpu.memory_space<hbm>> -> memref<1x40xi32, #tpu.memory_space<hbm>>
    %dma_wait3A_62 = tpu.memref_squeeze %dma_wait3A_61 : memref<1x40xi32, #tpu.memory_space<hbm>> -> memref<40xi32, #tpu.memory_space<hbm>>
    tpu.wait_dma2 semaphore(%arg15 : memref<!tpu.dma_semaphore, #tpu.memory_space<semaphore_mem>>) src(%dma_wait3A_62 : memref<40xi32, #tpu.memory_space<hbm>>) dst(%arg12 : memref<40xi32, #tpu.memory_space<vmem>>)
    %dma_wait3A_63 = arith.constant 0 : i32
    %dma_wait3A_64 = tpu.memref_slice %arg17[%mul3A_31, %dma_wait3A_63] : memref<10240x128xf32, #tpu.memory_space<vmem_shared>> -> memref<640x128xf32, #tpu.memory_space<vmem_shared>>
    %dma_wait3A_65 = arith.constant 0 : i32
    %dma_wait3A_66 = tpu.memref_slice %arg7[%mul3A_29, %dma_wait3A_65] : memref<10240x128xf32, #tpu.memory_space<hbm>> -> memref<640x128xf32, #tpu.memory_space<hbm>>
    tpu.wait_dma2 semaphore(%arg15 : memref<!tpu.dma_semaphore, #tpu.memory_space<semaphore_mem>>) src(%dma_wait3A_66 : memref<640x128xf32, #tpu.memory_space<hbm>>) dst(%dma_wait3A_64 : memref<640x128xf32, #tpu.memory_space<vmem_shared>>)
    %barrier3A = arith.constant 0 : index
    tpu.barrier barrier_id(%barrier3A)
    %dma_start3A_67 = arith.constant 0 : i32
    %dma_start3A_68 = arith.constant 0 : i32
    %dma_start3A_69 = tpu.memref_slice %arg2[%dma_start3A_67, %dma_start3A_68] : memref<10240x128xf32, #tpu.memory_space<hbm>> -> memref<10240x128xf32, #tpu.memory_space<hbm>>
    tpu.enqueue_indirect_dma source(%dma_start3A_69 : memref<10240x128xf32, #tpu.memory_space<hbm>>) target(%arg14 : memref<40x128xf32, #tpu.memory_space<vmem>>) offsets(%arg11 : memref<40xi32, #tpu.memory_space<vmem>>) semaphore(%arg16 : memref<!tpu.dma_semaphore, #tpu.memory_space<semaphore_mem>>)
    %scan3A = arith.constant 0 : i32
    %scan3A_70 = arith.constant 0 : i32
    %scan3A_71 = arith.constant 83 : i32
    %scan3A_72 = arith.addi %scan3A_70, %scan3A_71 : i32
    %scan3A_73 = arith.constant 1 : i32
    scf.for %scan3A_83 = %scan3A_70 to %scan3A_72 step %scan3A_73  : i32 {
      %dma_start3A_84 = arith.constant 0 : i32
      %dma_start3A_85 = tpu.memref_slice %arg9[%scan3A_83, %dma_start3A_84] : memref<83x120xi32, #tpu.memory_space<vmem>> -> memref<1x120xi32, #tpu.memory_space<vmem>>
      %dma_start3A_86 = tpu.memref_squeeze %dma_start3A_85 : memref<1x120xi32, #tpu.memory_space<vmem>> -> memref<120xi32, #tpu.memory_space<vmem>>
      %dma_start3A_87 = arith.constant 0 : i32
      %dma_start3A_88 = arith.constant 0 : i32
      %dma_start3A_89 = tpu.memref_slice %arg2[%dma_start3A_87, %dma_start3A_88] : memref<10240x128xf32, #tpu.memory_space<hbm>> -> memref<10240x128xf32, #tpu.memory_space<hbm>>
      tpu.enqueue_indirect_dma source(%dma_start3A_89 : memref<10240x128xf32, #tpu.memory_space<hbm>>) target(%arg13 : memref<120x128xf32, #tpu.memory_space<vmem>>) offsets(%dma_start3A_86 : memref<120xi32, #tpu.memory_space<vmem>>) semaphore(%arg15 : memref<!tpu.dma_semaphore, #tpu.memory_space<semaphore_mem>>)
      %dma_wait3A_90 = arith.constant 0 : i32
      %dma_wait3A_91 = tpu.memref_slice %arg9[%scan3A_83, %dma_wait3A_90] : memref<83x120xi32, #tpu.memory_space<vmem>> -> memref<1x120xi32, #tpu.memory_space<vmem>>
      %dma_wait3A_92 = tpu.memref_squeeze %dma_wait3A_91 : memref<1x120xi32, #tpu.memory_space<vmem>> -> memref<120xi32, #tpu.memory_space<vmem>>
      %dma_wait3A_93 = arith.constant 0 : i32
      %dma_wait3A_94 = arith.constant 0 : i32
      %dma_wait3A_95 = tpu.memref_slice %arg2[%dma_wait3A_93, %dma_wait3A_94] : memref<10240x128xf32, #tpu.memory_space<hbm>> -> memref<10240x128xf32, #tpu.memory_space<hbm>>
      tpu.wait_indirect_dma semaphore(%arg15 : memref<!tpu.dma_semaphore, #tpu.memory_space<semaphore_mem>>) src(%dma_wait3A_95 : memref<10240x128xf32, #tpu.memory_space<hbm>>) dst(%arg13 : memref<120x128xf32, #tpu.memory_space<vmem>>)
      "tpu.region"() ({
        %run_scoped3A = tpu.sem_alloc : memref<!tpu.dma_semaphore, #tpu.memory_space<semaphore_mem>>
        %dma_start3A_96 = arith.constant 0 : i32
        %dma_start3A_97 = tpu.memref_slice %arg10[%scan3A_83, %dma_start3A_96] : memref<83x120xi32, #tpu.memory_space<vmem>> -> memref<1x120xi32, #tpu.memory_space<vmem>>
        %dma_start3A_98 = tpu.memref_squeeze %dma_start3A_97 : memref<1x120xi32, #tpu.memory_space<vmem>> -> memref<120xi32, #tpu.memory_space<vmem>>
        %dma_start3A_99 = arith.constant 0 : i32
        %dma_start3A_100 = arith.constant 0 : i32
        %dma_start3A_101 = tpu.memref_slice %arg17[%dma_start3A_99, %dma_start3A_100] : memref<10240x128xf32, #tpu.memory_space<vmem_shared>> -> memref<10240x128xf32, #tpu.memory_space<vmem_shared>>
        tpu.enqueue_indirect_dma source(%arg13 : memref<120x128xf32, #tpu.memory_space<vmem>>) target(%dma_start3A_101 : memref<10240x128xf32, #tpu.memory_space<vmem_shared>>) offsets(%dma_start3A_98 : memref<120xi32, #tpu.memory_space<vmem>>) semaphore(%run_scoped3A : memref<!tpu.dma_semaphore, #tpu.memory_space<semaphore_mem>>) {add = true}
        %dma_wait3A_102 = arith.constant 0 : i32
        %dma_wait3A_103 = tpu.memref_slice %arg10[%scan3A_83, %dma_wait3A_102] : memref<83x120xi32, #tpu.memory_space<vmem>> -> memref<1x120xi32, #tpu.memory_space<vmem>>
        %dma_wait3A_104 = tpu.memref_squeeze %dma_wait3A_103 : memref<1x120xi32, #tpu.memory_space<vmem>> -> memref<120xi32, #tpu.memory_space<vmem>>
        %dma_wait3A_105 = arith.constant 0 : i32
        %dma_wait3A_106 = arith.constant 0 : i32
        %dma_wait3A_107 = tpu.memref_slice %arg17[%dma_wait3A_105, %dma_wait3A_106] : memref<10240x128xf32, #tpu.memory_space<vmem_shared>> -> memref<10240x128xf32, #tpu.memory_space<vmem_shared>>
        tpu.wait_indirect_dma semaphore(%run_scoped3A : memref<!tpu.dma_semaphore, #tpu.memory_space<semaphore_mem>>) src(%arg13 : memref<120x128xf32, #tpu.memory_space<vmem>>) dst(%dma_wait3A_107 : memref<10240x128xf32, #tpu.memory_space<vmem_shared>>)
        tpu.yield
      }) : () -> ()
    }
    %scan3A_74 = arith.constant 83 : i32
    %dma_wait3A_75 = arith.constant 0 : i32
    %dma_wait3A_76 = arith.constant 0 : i32
    %dma_wait3A_77 = tpu.memref_slice %arg2[%dma_wait3A_75, %dma_wait3A_76] : memref<10240x128xf32, #tpu.memory_space<hbm>> -> memref<10240x128xf32, #tpu.memory_space<hbm>>
    tpu.wait_indirect_dma semaphore(%arg16 : memref<!tpu.dma_semaphore, #tpu.memory_space<semaphore_mem>>) src(%dma_wait3A_77 : memref<10240x128xf32, #tpu.memory_space<hbm>>) dst(%arg14 : memref<40x128xf32, #tpu.memory_space<vmem>>)
    "tpu.region"() ({
      %run_scoped3A = tpu.sem_alloc : memref<!tpu.dma_semaphore, #tpu.memory_space<semaphore_mem>>
      %dma_start3A_83 = arith.constant 0 : i32
      %dma_start3A_84 = arith.constant 0 : i32
      %dma_start3A_85 = tpu.memref_slice %arg17[%dma_start3A_83, %dma_start3A_84] : memref<10240x128xf32, #tpu.memory_space<vmem_shared>> -> memref<10240x128xf32, #tpu.memory_space<vmem_shared>>
      tpu.enqueue_indirect_dma source(%arg14 : memref<40x128xf32, #tpu.memory_space<vmem>>) target(%dma_start3A_85 : memref<10240x128xf32, #tpu.memory_space<vmem_shared>>) offsets(%arg12 : memref<40xi32, #tpu.memory_space<vmem>>) semaphore(%run_scoped3A : memref<!tpu.dma_semaphore, #tpu.memory_space<semaphore_mem>>) {add = true}
      %dma_wait3A_86 = arith.constant 0 : i32
      %dma_wait3A_87 = arith.constant 0 : i32
      %dma_wait3A_88 = tpu.memref_slice %arg17[%dma_wait3A_86, %dma_wait3A_87] : memref<10240x128xf32, #tpu.memory_space<vmem_shared>> -> memref<10240x128xf32, #tpu.memory_space<vmem_shared>>
      tpu.wait_indirect_dma semaphore(%run_scoped3A : memref<!tpu.dma_semaphore, #tpu.memory_space<semaphore_mem>>) src(%arg14 : memref<40x128xf32, #tpu.memory_space<vmem>>) dst(%dma_wait3A_88 : memref<10240x128xf32, #tpu.memory_space<vmem_shared>>)
      tpu.yield
    }) : () -> ()
    %barrier3A_78 = arith.constant 0 : index
    tpu.barrier barrier_id(%barrier3A_78)
    %mul3A_79 = arith.constant 640 : i32
    %mul3A_80 = arith.muli %arg1, %mul3A_79 : i32
    %mul3A_81 = arith.constant 640 : i32
    %mul3A_82 = arith.muli %arg1, %mul3A_81 : i32
    "tpu.region"() ({
      %run_scoped3A = tpu.sem_alloc : memref<!tpu.dma_semaphore, #tpu.memory_space<semaphore_mem>>
      %dma_start3A_83 = arith.constant 0 : i32
      %dma_start3A_84 = tpu.memref_slice %arg8[%arg0, %mul3A_82, %dma_start3A_83] : memref<2x10240x128xf32, #tpu.memory_space<hbm>> -> memref<1x640x128xf32, #tpu.memory_space<hbm>>
      %dma_start3A_85 = tpu.memref_squeeze %dma_start3A_84 : memref<1x640x128xf32, #tpu.memory_space<hbm>> -> memref<640x128xf32, #tpu.memory_space<hbm>>
      %dma_start3A_86 = arith.constant 0 : i32
      %dma_start3A_87 = tpu.memref_slice %arg17[%mul3A_80, %dma_start3A_86] : memref<10240x128xf32, #tpu.memory_space<vmem_shared>> -> memref<640x128xf32, #tpu.memory_space<vmem_shared>>
      tpu.enqueue_dma source(%dma_start3A_87 : memref<640x128xf32, #tpu.memory_space<vmem_shared>>) target(%dma_start3A_85 : memref<640x128xf32, #tpu.memory_space<hbm>>) target_semaphore(%run_scoped3A : memref<!tpu.dma_semaphore, #tpu.memory_space<semaphore_mem>>)
      %dma_wait3A_88 = arith.constant 0 : i32
      %dma_wait3A_89 = tpu.memref_slice %arg8[%arg0, %mul3A_82, %dma_wait3A_88] : memref<2x10240x128xf32, #tpu.memory_space<hbm>> -> memref<1x640x128xf32, #tpu.memory_space<hbm>>
      %dma_wait3A_90 = tpu.memref_squeeze %dma_wait3A_89 : memref<1x640x128xf32, #tpu.memory_space<hbm>> -> memref<640x128xf32, #tpu.memory_space<hbm>>
      %dma_wait3A_91 = arith.constant 0 : i32
      %dma_wait3A_92 = tpu.memref_slice %arg17[%mul3A_80, %dma_wait3A_91] : memref<10240x128xf32, #tpu.memory_space<vmem_shared>> -> memref<640x128xf32, #tpu.memory_space<vmem_shared>>
      tpu.wait_dma2 semaphore(%run_scoped3A : memref<!tpu.dma_semaphore, #tpu.memory_space<semaphore_mem>>) src(%dma_wait3A_92 : memref<640x128xf32, #tpu.memory_space<vmem_shared>>) dst(%dma_wait3A_90 : memref<640x128xf32, #tpu.memory_space<hbm>>)
      tpu.yield
    }) : () -> ()
    return
  }
}

#map = affine_map<(d0, d1) -> (0, 0)>
#map1 = affine_map<(d0, d1) -> (0, 0, 0)>
module attributes {stable_mosaic.version = 14 : i64} {
  func.func @_hop_body(%arg0: i32, %arg1: i32, %arg2: memref<10240x128xf32, #tpu.memory_space<hbm>>, %arg3: memref<32x83x120xi32, #tpu.memory_space<hbm>>, %arg4: memref<32x83x120xi32, #tpu.memory_space<hbm>>, %arg5: memref<32x40xi32, #tpu.memory_space<hbm>>, %arg6: memref<32x40xi32, #tpu.memory_space<hbm>>, %arg7: memref<10240x128xf32, #tpu.memory_space<hbm>>, %arg8: memref<2x10240x128xf32, #tpu.memory_space<hbm>>, %arg9: memref<83x120xi32, #tpu.memory_space<vmem>>, %arg10: memref<83x120xi32, #tpu.memory_space<vmem>>, %arg11: memref<40xi32, #tpu.memory_space<vmem>>, %arg12: memref<40xi32, #tpu.memory_space<vmem>>, %arg13: memref<120x128xf32, #tpu.memory_space<vmem>>, %arg14: memref<40x128xf32, #tpu.memory_space<vmem>>, %arg15: memref<!tpu.dma_semaphore, #tpu.memory_space<semaphore_mem>>, %arg16: memref<!tpu.dma_semaphore, #tpu.memory_space<semaphore_mem>>, %arg17: memref<10240x128xf32, #tpu.memory_space<vmem_shared>>) attributes {dimension_semantics = [#tpu.dimension_semantics<core_parallel>, #tpu.dimension_semantics<subcore_parallel>], iteration_bounds = array<i64: 2, 16>, scalar_prefetch = 0 : i64, scratch_operands = 9 : i64, tpu.core_type = #tpu.core_type<sc_vector_subcore>, window_params = [{transform_indices = #map}, {transform_indices = #map1}, {transform_indices = #map1}, {transform_indices = #map}, {transform_indices = #map}, {transform_indices = #map}, {transform_indices = #map1}]} {
    %mul3A = arith.constant 16 : i32
    %mul3A_0 = arith.muli %arg0, %mul3A : i32
    %add3A = arith.addi %mul3A_0, %arg1 : i32
    %dma_start3A = arith.constant 0 : i32
    %dma_start3A_1 = arith.constant 0 : i32
    %dma_start3A_2 = tpu.memref_slice %arg3[%add3A, %dma_start3A, %dma_start3A_1] : memref<32x83x120xi32, #tpu.memory_space<hbm>> -> memref<1x83x120xi32, #tpu.memory_space<hbm>>
    %dma_start3A_3 = tpu.memref_squeeze %dma_start3A_2 : memref<1x83x120xi32, #tpu.memory_space<hbm>> -> memref<83x120xi32, #tpu.memory_space<hbm>>
    %dma_start3A_4 = arith.constant 0 : i32
    %dma_start3A_5 = arith.constant 0 : i32
    %dma_start3A_6 = tpu.memref_slice %arg3[%add3A, %dma_start3A_4, %dma_start3A_5] : memref<32x83x120xi32, #tpu.memory_space<hbm>> -> memref<1x83x120xi32, #tpu.memory_space<hbm>>
    %dma_start3A_7 = tpu.memref_squeeze %dma_start3A_6 : memref<1x83x120xi32, #tpu.memory_space<hbm>> -> memref<83x120xi32, #tpu.memory_space<hbm>>
    tpu.enqueue_dma source(%dma_start3A_7 : memref<83x120xi32, #tpu.memory_space<hbm>>) target(%arg9 : memref<83x120xi32, #tpu.memory_space<vmem>>) target_semaphore(%arg15 : memref<!tpu.dma_semaphore, #tpu.memory_space<semaphore_mem>>)
    %dma_start3A_8 = arith.constant 0 : i32
    %dma_start3A_9 = arith.constant 0 : i32
    %dma_start3A_10 = tpu.memref_slice %arg4[%add3A, %dma_start3A_8, %dma_start3A_9] : memref<32x83x120xi32, #tpu.memory_space<hbm>> -> memref<1x83x120xi32, #tpu.memory_space<hbm>>
    %dma_start3A_11 = tpu.memref_squeeze %dma_start3A_10 : memref<1x83x120xi32, #tpu.memory_space<hbm>> -> memref<83x120xi32, #tpu.memory_space<hbm>>
    %dma_start3A_12 = arith.constant 0 : i32
    %dma_start3A_13 = arith.constant 0 : i32
    %dma_start3A_14 = tpu.memref_slice %arg4[%add3A, %dma_start3A_12, %dma_start3A_13] : memref<32x83x120xi32, #tpu.memory_space<hbm>> -> memref<1x83x120xi32, #tpu.memory_space<hbm>>
    %dma_start3A_15 = tpu.memref_squeeze %dma_start3A_14 : memref<1x83x120xi32, #tpu.memory_space<hbm>> -> memref<83x120xi32, #tpu.memory_space<hbm>>
    tpu.enqueue_dma source(%dma_start3A_15 : memref<83x120xi32, #tpu.memory_space<hbm>>) target(%arg10 : memref<83x120xi32, #tpu.memory_space<vmem>>) target_semaphore(%arg15 : memref<!tpu.dma_semaphore, #tpu.memory_space<semaphore_mem>>)
    %dma_start3A_16 = arith.constant 0 : i32
    %dma_start3A_17 = tpu.memref_slice %arg5[%add3A, %dma_start3A_16] : memref<32x40xi32, #tpu.memory_space<hbm>> -> memref<1x40xi32, #tpu.memory_space<hbm>>
    %dma_start3A_18 = tpu.memref_squeeze %dma_start3A_17 : memref<1x40xi32, #tpu.memory_space<hbm>> -> memref<40xi32, #tpu.memory_space<hbm>>
    %dma_start3A_19 = arith.constant 0 : i32
    %dma_start3A_20 = tpu.memref_slice %arg5[%add3A, %dma_start3A_19] : memref<32x40xi32, #tpu.memory_space<hbm>> -> memref<1x40xi32, #tpu.memory_space<hbm>>
    %dma_start3A_21 = tpu.memref_squeeze %dma_start3A_20 : memref<1x40xi32, #tpu.memory_space<hbm>> -> memref<40xi32, #tpu.memory_space<hbm>>
    tpu.enqueue_dma source(%dma_start3A_21 : memref<40xi32, #tpu.memory_space<hbm>>) target(%arg11 : memref<40xi32, #tpu.memory_space<vmem>>) target_semaphore(%arg15 : memref<!tpu.dma_semaphore, #tpu.memory_space<semaphore_mem>>)
    %dma_start3A_22 = arith.constant 0 : i32
    %dma_start3A_23 = tpu.memref_slice %arg6[%add3A, %dma_start3A_22] : memref<32x40xi32, #tpu.memory_space<hbm>> -> memref<1x40xi32, #tpu.memory_space<hbm>>
    %dma_start3A_24 = tpu.memref_squeeze %dma_start3A_23 : memref<1x40xi32, #tpu.memory_space<hbm>> -> memref<40xi32, #tpu.memory_space<hbm>>
    %dma_start3A_25 = arith.constant 0 : i32
    %dma_start3A_26 = tpu.memref_slice %arg6[%add3A, %dma_start3A_25] : memref<32x40xi32, #tpu.memory_space<hbm>> -> memref<1x40xi32, #tpu.memory_space<hbm>>
    %dma_start3A_27 = tpu.memref_squeeze %dma_start3A_26 : memref<1x40xi32, #tpu.memory_space<hbm>> -> memref<40xi32, #tpu.memory_space<hbm>>
    tpu.enqueue_dma source(%dma_start3A_27 : memref<40xi32, #tpu.memory_space<hbm>>) target(%arg12 : memref<40xi32, #tpu.memory_space<vmem>>) target_semaphore(%arg15 : memref<!tpu.dma_semaphore, #tpu.memory_space<semaphore_mem>>)
    %mul3A_28 = arith.constant 640 : i32
    %mul3A_29 = arith.muli %arg1, %mul3A_28 : i32
    %mul3A_30 = arith.constant 640 : i32
    %mul3A_31 = arith.muli %arg1, %mul3A_30 : i32
    %dma_start3A_32 = arith.constant 0 : i32
    %dma_start3A_33 = tpu.memref_slice %arg17[%mul3A_31, %dma_start3A_32] : memref<10240x128xf32, #tpu.memory_space<vmem_shared>> -> memref<640x128xf32, #tpu.memory_space<vmem_shared>>
    %dma_start3A_34 = arith.constant 0 : i32
    %dma_start3A_35 = tpu.memref_slice %arg7[%mul3A_29, %dma_start3A_34] : memref<10240x128xf32, #tpu.memory_space<hbm>> -> memref<640x128xf32, #tpu.memory_space<hbm>>
    tpu.enqueue_dma source(%dma_start3A_35 : memref<640x128xf32, #tpu.memory_space<hbm>>) target(%dma_start3A_33 : memref<640x128xf32, #tpu.memory_space<vmem_shared>>) target_semaphore(%arg15 : memref<!tpu.dma_semaphore, #tpu.memory_space<semaphore_mem>>)
    %dma_wait3A = arith.constant 0 : i32
    %dma_wait3A_36 = arith.constant 0 : i32
    %dma_wait3A_37 = tpu.memref_slice %arg3[%add3A, %dma_wait3A, %dma_wait3A_36] : memref<32x83x120xi32, #tpu.memory_space<hbm>> -> memref<1x83x120xi32, #tpu.memory_space<hbm>>
    %dma_wait3A_38 = tpu.memref_squeeze %dma_wait3A_37 : memref<1x83x120xi32, #tpu.memory_space<hbm>> -> memref<83x120xi32, #tpu.memory_space<hbm>>
    %dma_wait3A_39 = arith.constant 0 : i32
    %dma_wait3A_40 = arith.constant 0 : i32
    %dma_wait3A_41 = tpu.memref_slice %arg3[%add3A, %dma_wait3A_39, %dma_wait3A_40] : memref<32x83x120xi32, #tpu.memory_space<hbm>> -> memref<1x83x120xi32, #tpu.memory_space<hbm>>
    %dma_wait3A_42 = tpu.memref_squeeze %dma_wait3A_41 : memref<1x83x120xi32, #tpu.memory_space<hbm>> -> memref<83x120xi32, #tpu.memory_space<hbm>>
    tpu.wait_dma2 semaphore(%arg15 : memref<!tpu.dma_semaphore, #tpu.memory_space<semaphore_mem>>) src(%dma_wait3A_42 : memref<83x120xi32, #tpu.memory_space<hbm>>) dst(%arg9 : memref<83x120xi32, #tpu.memory_space<vmem>>)
    %dma_wait3A_43 = arith.constant 0 : i32
    %dma_wait3A_44 = arith.constant 0 : i32
    %dma_wait3A_45 = tpu.memref_slice %arg4[%add3A, %dma_wait3A_43, %dma_wait3A_44] : memref<32x83x120xi32, #tpu.memory_space<hbm>> -> memref<1x83x120xi32, #tpu.memory_space<hbm>>
    %dma_wait3A_46 = tpu.memref_squeeze %dma_wait3A_45 : memref<1x83x120xi32, #tpu.memory_space<hbm>> -> memref<83x120xi32, #tpu.memory_space<hbm>>
    %dma_wait3A_47 = arith.constant 0 : i32
    %dma_wait3A_48 = arith.constant 0 : i32
    %dma_wait3A_49 = tpu.memref_slice %arg4[%add3A, %dma_wait3A_47, %dma_wait3A_48] : memref<32x83x120xi32, #tpu.memory_space<hbm>> -> memref<1x83x120xi32, #tpu.memory_space<hbm>>
    %dma_wait3A_50 = tpu.memref_squeeze %dma_wait3A_49 : memref<1x83x120xi32, #tpu.memory_space<hbm>> -> memref<83x120xi32, #tpu.memory_space<hbm>>
    tpu.wait_dma2 semaphore(%arg15 : memref<!tpu.dma_semaphore, #tpu.memory_space<semaphore_mem>>) src(%dma_wait3A_50 : memref<83x120xi32, #tpu.memory_space<hbm>>) dst(%arg10 : memref<83x120xi32, #tpu.memory_space<vmem>>)
    %dma_wait3A_51 = arith.constant 0 : i32
    %dma_wait3A_52 = tpu.memref_slice %arg5[%add3A, %dma_wait3A_51] : memref<32x40xi32, #tpu.memory_space<hbm>> -> memref<1x40xi32, #tpu.memory_space<hbm>>
    %dma_wait3A_53 = tpu.memref_squeeze %dma_wait3A_52 : memref<1x40xi32, #tpu.memory_space<hbm>> -> memref<40xi32, #tpu.memory_space<hbm>>
    %dma_wait3A_54 = arith.constant 0 : i32
    %dma_wait3A_55 = tpu.memref_slice %arg5[%add3A, %dma_wait3A_54] : memref<32x40xi32, #tpu.memory_space<hbm>> -> memref<1x40xi32, #tpu.memory_space<hbm>>
    %dma_wait3A_56 = tpu.memref_squeeze %dma_wait3A_55 : memref<1x40xi32, #tpu.memory_space<hbm>> -> memref<40xi32, #tpu.memory_space<hbm>>
    tpu.wait_dma2 semaphore(%arg15 : memref<!tpu.dma_semaphore, #tpu.memory_space<semaphore_mem>>) src(%dma_wait3A_56 : memref<40xi32, #tpu.memory_space<hbm>>) dst(%arg11 : memref<40xi32, #tpu.memory_space<vmem>>)
    %dma_wait3A_57 = arith.constant 0 : i32
    %dma_wait3A_58 = tpu.memref_slice %arg6[%add3A, %dma_wait3A_57] : memref<32x40xi32, #tpu.memory_space<hbm>> -> memref<1x40xi32, #tpu.memory_space<hbm>>
    %dma_wait3A_59 = tpu.memref_squeeze %dma_wait3A_58 : memref<1x40xi32, #tpu.memory_space<hbm>> -> memref<40xi32, #tpu.memory_space<hbm>>
    %dma_wait3A_60 = arith.constant 0 : i32
    %dma_wait3A_61 = tpu.memref_slice %arg6[%add3A, %dma_wait3A_60] : memref<32x40xi32, #tpu.memory_space<hbm>> -> memref<1x40xi32, #tpu.memory_space<hbm>>
    %dma_wait3A_62 = tpu.memref_squeeze %dma_wait3A_61 : memref<1x40xi32, #tpu.memory_space<hbm>> -> memref<40xi32, #tpu.memory_space<hbm>>
    tpu.wait_dma2 semaphore(%arg15 : memref<!tpu.dma_semaphore, #tpu.memory_space<semaphore_mem>>) src(%dma_wait3A_62 : memref<40xi32, #tpu.memory_space<hbm>>) dst(%arg12 : memref<40xi32, #tpu.memory_space<vmem>>)
    %dma_wait3A_63 = arith.constant 0 : i32
    %dma_wait3A_64 = tpu.memref_slice %arg17[%mul3A_31, %dma_wait3A_63] : memref<10240x128xf32, #tpu.memory_space<vmem_shared>> -> memref<640x128xf32, #tpu.memory_space<vmem_shared>>
    %dma_wait3A_65 = arith.constant 0 : i32
    %dma_wait3A_66 = tpu.memref_slice %arg7[%mul3A_29, %dma_wait3A_65] : memref<10240x128xf32, #tpu.memory_space<hbm>> -> memref<640x128xf32, #tpu.memory_space<hbm>>
    tpu.wait_dma2 semaphore(%arg15 : memref<!tpu.dma_semaphore, #tpu.memory_space<semaphore_mem>>) src(%dma_wait3A_66 : memref<640x128xf32, #tpu.memory_space<hbm>>) dst(%dma_wait3A_64 : memref<640x128xf32, #tpu.memory_space<vmem_shared>>)
    %barrier3A = arith.constant 0 : index
    tpu.barrier barrier_id(%barrier3A)
    %dma_start3A_67 = arith.constant 0 : i32
    %dma_start3A_68 = arith.constant 0 : i32
    %dma_start3A_69 = tpu.memref_slice %arg2[%dma_start3A_67, %dma_start3A_68] : memref<10240x128xf32, #tpu.memory_space<hbm>> -> memref<10240x128xf32, #tpu.memory_space<hbm>>
    tpu.enqueue_indirect_dma source(%dma_start3A_69 : memref<10240x128xf32, #tpu.memory_space<hbm>>) target(%arg14 : memref<40x128xf32, #tpu.memory_space<vmem>>) offsets(%arg11 : memref<40xi32, #tpu.memory_space<vmem>>) semaphore(%arg16 : memref<!tpu.dma_semaphore, #tpu.memory_space<semaphore_mem>>)
    %scan3A = arith.constant 0 : i32
    %scan3A_70 = arith.constant 0 : i32
    %scan3A_71 = arith.constant 83 : i32
    %scan3A_72 = arith.addi %scan3A_70, %scan3A_71 : i32
    %scan3A_73 = arith.constant 1 : i32
    scf.for %scan3A_83 = %scan3A_70 to %scan3A_72 step %scan3A_73  : i32 {
      %dma_start3A_84 = arith.constant 0 : i32
      %dma_start3A_85 = tpu.memref_slice %arg9[%scan3A_83, %dma_start3A_84] : memref<83x120xi32, #tpu.memory_space<vmem>> -> memref<1x120xi32, #tpu.memory_space<vmem>>
      %dma_start3A_86 = tpu.memref_squeeze %dma_start3A_85 : memref<1x120xi32, #tpu.memory_space<vmem>> -> memref<120xi32, #tpu.memory_space<vmem>>
      %dma_start3A_87 = arith.constant 0 : i32
      %dma_start3A_88 = arith.constant 0 : i32
      %dma_start3A_89 = tpu.memref_slice %arg2[%dma_start3A_87, %dma_start3A_88] : memref<10240x128xf32, #tpu.memory_space<hbm>> -> memref<10240x128xf32, #tpu.memory_space<hbm>>
      tpu.enqueue_indirect_dma source(%dma_start3A_89 : memref<10240x128xf32, #tpu.memory_space<hbm>>) target(%arg13 : memref<120x128xf32, #tpu.memory_space<vmem>>) offsets(%dma_start3A_86 : memref<120xi32, #tpu.memory_space<vmem>>) semaphore(%arg15 : memref<!tpu.dma_semaphore, #tpu.memory_space<semaphore_mem>>)
      %dma_wait3A_90 = arith.constant 0 : i32
      %dma_wait3A_91 = tpu.memref_slice %arg9[%scan3A_83, %dma_wait3A_90] : memref<83x120xi32, #tpu.memory_space<vmem>> -> memref<1x120xi32, #tpu.memory_space<vmem>>
      %dma_wait3A_92 = tpu.memref_squeeze %dma_wait3A_91 : memref<1x120xi32, #tpu.memory_space<vmem>> -> memref<120xi32, #tpu.memory_space<vmem>>
      %dma_wait3A_93 = arith.constant 0 : i32
      %dma_wait3A_94 = arith.constant 0 : i32
      %dma_wait3A_95 = tpu.memref_slice %arg2[%dma_wait3A_93, %dma_wait3A_94] : memref<10240x128xf32, #tpu.memory_space<hbm>> -> memref<10240x128xf32, #tpu.memory_space<hbm>>
      tpu.wait_indirect_dma semaphore(%arg15 : memref<!tpu.dma_semaphore, #tpu.memory_space<semaphore_mem>>) src(%dma_wait3A_95 : memref<10240x128xf32, #tpu.memory_space<hbm>>) dst(%arg13 : memref<120x128xf32, #tpu.memory_space<vmem>>)
      "tpu.region"() ({
        %run_scoped3A = tpu.sem_alloc : memref<!tpu.dma_semaphore, #tpu.memory_space<semaphore_mem>>
        %dma_start3A_96 = arith.constant 0 : i32
        %dma_start3A_97 = tpu.memref_slice %arg10[%scan3A_83, %dma_start3A_96] : memref<83x120xi32, #tpu.memory_space<vmem>> -> memref<1x120xi32, #tpu.memory_space<vmem>>
        %dma_start3A_98 = tpu.memref_squeeze %dma_start3A_97 : memref<1x120xi32, #tpu.memory_space<vmem>> -> memref<120xi32, #tpu.memory_space<vmem>>
        %dma_start3A_99 = arith.constant 0 : i32
        %dma_start3A_100 = arith.constant 0 : i32
        %dma_start3A_101 = tpu.memref_slice %arg17[%dma_start3A_99, %dma_start3A_100] : memref<10240x128xf32, #tpu.memory_space<vmem_shared>> -> memref<10240x128xf32, #tpu.memory_space<vmem_shared>>
        tpu.enqueue_indirect_dma source(%arg13 : memref<120x128xf32, #tpu.memory_space<vmem>>) target(%dma_start3A_101 : memref<10240x128xf32, #tpu.memory_space<vmem_shared>>) offsets(%dma_start3A_98 : memref<120xi32, #tpu.memory_space<vmem>>) semaphore(%run_scoped3A : memref<!tpu.dma_semaphore, #tpu.memory_space<semaphore_mem>>) {add = true}
        %dma_wait3A_102 = arith.constant 0 : i32
        %dma_wait3A_103 = tpu.memref_slice %arg10[%scan3A_83, %dma_wait3A_102] : memref<83x120xi32, #tpu.memory_space<vmem>> -> memref<1x120xi32, #tpu.memory_space<vmem>>
        %dma_wait3A_104 = tpu.memref_squeeze %dma_wait3A_103 : memref<1x120xi32, #tpu.memory_space<vmem>> -> memref<120xi32, #tpu.memory_space<vmem>>
        %dma_wait3A_105 = arith.constant 0 : i32
        %dma_wait3A_106 = arith.constant 0 : i32
        %dma_wait3A_107 = tpu.memref_slice %arg17[%dma_wait3A_105, %dma_wait3A_106] : memref<10240x128xf32, #tpu.memory_space<vmem_shared>> -> memref<10240x128xf32, #tpu.memory_space<vmem_shared>>
        tpu.wait_indirect_dma semaphore(%run_scoped3A : memref<!tpu.dma_semaphore, #tpu.memory_space<semaphore_mem>>) src(%arg13 : memref<120x128xf32, #tpu.memory_space<vmem>>) dst(%dma_wait3A_107 : memref<10240x128xf32, #tpu.memory_space<vmem_shared>>)
        tpu.yield
      }) : () -> ()
    }
    %scan3A_74 = arith.constant 83 : i32
    %dma_wait3A_75 = arith.constant 0 : i32
    %dma_wait3A_76 = arith.constant 0 : i32
    %dma_wait3A_77 = tpu.memref_slice %arg2[%dma_wait3A_75, %dma_wait3A_76] : memref<10240x128xf32, #tpu.memory_space<hbm>> -> memref<10240x128xf32, #tpu.memory_space<hbm>>
    tpu.wait_indirect_dma semaphore(%arg16 : memref<!tpu.dma_semaphore, #tpu.memory_space<semaphore_mem>>) src(%dma_wait3A_77 : memref<10240x128xf32, #tpu.memory_space<hbm>>) dst(%arg14 : memref<40x128xf32, #tpu.memory_space<vmem>>)
    "tpu.region"() ({
      %run_scoped3A = tpu.sem_alloc : memref<!tpu.dma_semaphore, #tpu.memory_space<semaphore_mem>>
      %dma_start3A_83 = arith.constant 0 : i32
      %dma_start3A_84 = arith.constant 0 : i32
      %dma_start3A_85 = tpu.memref_slice %arg17[%dma_start3A_83, %dma_start3A_84] : memref<10240x128xf32, #tpu.memory_space<vmem_shared>> -> memref<10240x128xf32, #tpu.memory_space<vmem_shared>>
      tpu.enqueue_indirect_dma source(%arg14 : memref<40x128xf32, #tpu.memory_space<vmem>>) target(%dma_start3A_85 : memref<10240x128xf32, #tpu.memory_space<vmem_shared>>) offsets(%arg12 : memref<40xi32, #tpu.memory_space<vmem>>) semaphore(%run_scoped3A : memref<!tpu.dma_semaphore, #tpu.memory_space<semaphore_mem>>) {add = true}
      %dma_wait3A_86 = arith.constant 0 : i32
      %dma_wait3A_87 = arith.constant 0 : i32
      %dma_wait3A_88 = tpu.memref_slice %arg17[%dma_wait3A_86, %dma_wait3A_87] : memref<10240x128xf32, #tpu.memory_space<vmem_shared>> -> memref<10240x128xf32, #tpu.memory_space<vmem_shared>>
      tpu.wait_indirect_dma semaphore(%run_scoped3A : memref<!tpu.dma_semaphore, #tpu.memory_space<semaphore_mem>>) src(%arg14 : memref<40x128xf32, #tpu.memory_space<vmem>>) dst(%dma_wait3A_88 : memref<10240x128xf32, #tpu.memory_space<vmem_shared>>)
      tpu.yield
    }) : () -> ()
    %barrier3A_78 = arith.constant 0 : index
    tpu.barrier barrier_id(%barrier3A_78)
    %mul3A_79 = arith.constant 640 : i32
    %mul3A_80 = arith.muli %arg1, %mul3A_79 : i32
    %mul3A_81 = arith.constant 640 : i32
    %mul3A_82 = arith.muli %arg1, %mul3A_81 : i32
    "tpu.region"() ({
      %run_scoped3A = tpu.sem_alloc : memref<!tpu.dma_semaphore, #tpu.memory_space<semaphore_mem>>
      %dma_start3A_83 = arith.constant 0 : i32
      %dma_start3A_84 = tpu.memref_slice %arg8[%arg0, %mul3A_82, %dma_start3A_83] : memref<2x10240x128xf32, #tpu.memory_space<hbm>> -> memref<1x640x128xf32, #tpu.memory_space<hbm>>
      %dma_start3A_85 = tpu.memref_squeeze %dma_start3A_84 : memref<1x640x128xf32, #tpu.memory_space<hbm>> -> memref<640x128xf32, #tpu.memory_space<hbm>>
      %dma_start3A_86 = arith.constant 0 : i32
      %dma_start3A_87 = tpu.memref_slice %arg17[%mul3A_80, %dma_start3A_86] : memref<10240x128xf32, #tpu.memory_space<vmem_shared>> -> memref<640x128xf32, #tpu.memory_space<vmem_shared>>
      tpu.enqueue_dma source(%dma_start3A_87 : memref<640x128xf32, #tpu.memory_space<vmem_shared>>) target(%dma_start3A_85 : memref<640x128xf32, #tpu.memory_space<hbm>>) target_semaphore(%run_scoped3A : memref<!tpu.dma_semaphore, #tpu.memory_space<semaphore_mem>>)
      %dma_wait3A_88 = arith.constant 0 : i32
      %dma_wait3A_89 = tpu.memref_slice %arg8[%arg0, %mul3A_82, %dma_wait3A_88] : memref<2x10240x128xf32, #tpu.memory_space<hbm>> -> memref<1x640x128xf32, #tpu.memory_space<hbm>>
      %dma_wait3A_90 = tpu.memref_squeeze %dma_wait3A_89 : memref<1x640x128xf32, #tpu.memory_space<hbm>> -> memref<640x128xf32, #tpu.memory_space<hbm>>
      %dma_wait3A_91 = arith.constant 0 : i32
      %dma_wait3A_92 = tpu.memref_slice %arg17[%mul3A_80, %dma_wait3A_91] : memref<10240x128xf32, #tpu.memory_space<vmem_shared>> -> memref<640x128xf32, #tpu.memory_space<vmem_shared>>
      tpu.wait_dma2 semaphore(%run_scoped3A : memref<!tpu.dma_semaphore, #tpu.memory_space<semaphore_mem>>) src(%dma_wait3A_92 : memref<640x128xf32, #tpu.memory_space<vmem_shared>>) dst(%dma_wait3A_90 : memref<640x128xf32, #tpu.memory_space<hbm>>)
      tpu.yield
    }) : () -> ()
    return
  }
}

#map = affine_map<(d0, d1) -> (0, 0)>
#map1 = affine_map<(d0, d1) -> (0, 0, 0)>
module attributes {stable_mosaic.version = 14 : i64} {
  func.func @_hop_body(%arg0: i32, %arg1: i32, %arg2: memref<10240x128xf32, #tpu.memory_space<hbm>>, %arg3: memref<32x83x120xi32, #tpu.memory_space<hbm>>, %arg4: memref<32x83x120xi32, #tpu.memory_space<hbm>>, %arg5: memref<32x40xi32, #tpu.memory_space<hbm>>, %arg6: memref<32x40xi32, #tpu.memory_space<hbm>>, %arg7: memref<10240x128xf32, #tpu.memory_space<hbm>>, %arg8: memref<2x10240x128xf32, #tpu.memory_space<hbm>>, %arg9: memref<83x120xi32, #tpu.memory_space<vmem>>, %arg10: memref<83x120xi32, #tpu.memory_space<vmem>>, %arg11: memref<40xi32, #tpu.memory_space<vmem>>, %arg12: memref<40xi32, #tpu.memory_space<vmem>>, %arg13: memref<120x128xf32, #tpu.memory_space<vmem>>, %arg14: memref<40x128xf32, #tpu.memory_space<vmem>>, %arg15: memref<!tpu.dma_semaphore, #tpu.memory_space<semaphore_mem>>, %arg16: memref<!tpu.dma_semaphore, #tpu.memory_space<semaphore_mem>>, %arg17: memref<10240x128xf32, #tpu.memory_space<vmem_shared>>) attributes {dimension_semantics = [#tpu.dimension_semantics<core_parallel>, #tpu.dimension_semantics<subcore_parallel>], iteration_bounds = array<i64: 2, 16>, scalar_prefetch = 0 : i64, scratch_operands = 9 : i64, tpu.core_type = #tpu.core_type<sc_vector_subcore>, window_params = [{transform_indices = #map}, {transform_indices = #map1}, {transform_indices = #map1}, {transform_indices = #map}, {transform_indices = #map}, {transform_indices = #map}, {transform_indices = #map1}]} {
    %mul3A = arith.constant 16 : i32
    %mul3A_0 = arith.muli %arg0, %mul3A : i32
    %add3A = arith.addi %mul3A_0, %arg1 : i32
    %dma_start3A = arith.constant 0 : i32
    %dma_start3A_1 = arith.constant 0 : i32
    %dma_start3A_2 = tpu.memref_slice %arg3[%add3A, %dma_start3A, %dma_start3A_1] : memref<32x83x120xi32, #tpu.memory_space<hbm>> -> memref<1x83x120xi32, #tpu.memory_space<hbm>>
    %dma_start3A_3 = tpu.memref_squeeze %dma_start3A_2 : memref<1x83x120xi32, #tpu.memory_space<hbm>> -> memref<83x120xi32, #tpu.memory_space<hbm>>
    %dma_start3A_4 = arith.constant 0 : i32
    %dma_start3A_5 = arith.constant 0 : i32
    %dma_start3A_6 = tpu.memref_slice %arg3[%add3A, %dma_start3A_4, %dma_start3A_5] : memref<32x83x120xi32, #tpu.memory_space<hbm>> -> memref<1x83x120xi32, #tpu.memory_space<hbm>>
    %dma_start3A_7 = tpu.memref_squeeze %dma_start3A_6 : memref<1x83x120xi32, #tpu.memory_space<hbm>> -> memref<83x120xi32, #tpu.memory_space<hbm>>
    tpu.enqueue_dma source(%dma_start3A_7 : memref<83x120xi32, #tpu.memory_space<hbm>>) target(%arg9 : memref<83x120xi32, #tpu.memory_space<vmem>>) target_semaphore(%arg15 : memref<!tpu.dma_semaphore, #tpu.memory_space<semaphore_mem>>)
    %dma_start3A_8 = arith.constant 0 : i32
    %dma_start3A_9 = arith.constant 0 : i32
    %dma_start3A_10 = tpu.memref_slice %arg4[%add3A, %dma_start3A_8, %dma_start3A_9] : memref<32x83x120xi32, #tpu.memory_space<hbm>> -> memref<1x83x120xi32, #tpu.memory_space<hbm>>
    %dma_start3A_11 = tpu.memref_squeeze %dma_start3A_10 : memref<1x83x120xi32, #tpu.memory_space<hbm>> -> memref<83x120xi32, #tpu.memory_space<hbm>>
    %dma_start3A_12 = arith.constant 0 : i32
    %dma_start3A_13 = arith.constant 0 : i32
    %dma_start3A_14 = tpu.memref_slice %arg4[%add3A, %dma_start3A_12, %dma_start3A_13] : memref<32x83x120xi32, #tpu.memory_space<hbm>> -> memref<1x83x120xi32, #tpu.memory_space<hbm>>
    %dma_start3A_15 = tpu.memref_squeeze %dma_start3A_14 : memref<1x83x120xi32, #tpu.memory_space<hbm>> -> memref<83x120xi32, #tpu.memory_space<hbm>>
    tpu.enqueue_dma source(%dma_start3A_15 : memref<83x120xi32, #tpu.memory_space<hbm>>) target(%arg10 : memref<83x120xi32, #tpu.memory_space<vmem>>) target_semaphore(%arg15 : memref<!tpu.dma_semaphore, #tpu.memory_space<semaphore_mem>>)
    %dma_start3A_16 = arith.constant 0 : i32
    %dma_start3A_17 = tpu.memref_slice %arg5[%add3A, %dma_start3A_16] : memref<32x40xi32, #tpu.memory_space<hbm>> -> memref<1x40xi32, #tpu.memory_space<hbm>>
    %dma_start3A_18 = tpu.memref_squeeze %dma_start3A_17 : memref<1x40xi32, #tpu.memory_space<hbm>> -> memref<40xi32, #tpu.memory_space<hbm>>
    %dma_start3A_19 = arith.constant 0 : i32
    %dma_start3A_20 = tpu.memref_slice %arg5[%add3A, %dma_start3A_19] : memref<32x40xi32, #tpu.memory_space<hbm>> -> memref<1x40xi32, #tpu.memory_space<hbm>>
    %dma_start3A_21 = tpu.memref_squeeze %dma_start3A_20 : memref<1x40xi32, #tpu.memory_space<hbm>> -> memref<40xi32, #tpu.memory_space<hbm>>
    tpu.enqueue_dma source(%dma_start3A_21 : memref<40xi32, #tpu.memory_space<hbm>>) target(%arg11 : memref<40xi32, #tpu.memory_space<vmem>>) target_semaphore(%arg15 : memref<!tpu.dma_semaphore, #tpu.memory_space<semaphore_mem>>)
    %dma_start3A_22 = arith.constant 0 : i32
    %dma_start3A_23 = tpu.memref_slice %arg6[%add3A, %dma_start3A_22] : memref<32x40xi32, #tpu.memory_space<hbm>> -> memref<1x40xi32, #tpu.memory_space<hbm>>
    %dma_start3A_24 = tpu.memref_squeeze %dma_start3A_23 : memref<1x40xi32, #tpu.memory_space<hbm>> -> memref<40xi32, #tpu.memory_space<hbm>>
    %dma_start3A_25 = arith.constant 0 : i32
    %dma_start3A_26 = tpu.memref_slice %arg6[%add3A, %dma_start3A_25] : memref<32x40xi32, #tpu.memory_space<hbm>> -> memref<1x40xi32, #tpu.memory_space<hbm>>
    %dma_start3A_27 = tpu.memref_squeeze %dma_start3A_26 : memref<1x40xi32, #tpu.memory_space<hbm>> -> memref<40xi32, #tpu.memory_space<hbm>>
    tpu.enqueue_dma source(%dma_start3A_27 : memref<40xi32, #tpu.memory_space<hbm>>) target(%arg12 : memref<40xi32, #tpu.memory_space<vmem>>) target_semaphore(%arg15 : memref<!tpu.dma_semaphore, #tpu.memory_space<semaphore_mem>>)
    %mul3A_28 = arith.constant 640 : i32
    %mul3A_29 = arith.muli %arg1, %mul3A_28 : i32
    %mul3A_30 = arith.constant 640 : i32
    %mul3A_31 = arith.muli %arg1, %mul3A_30 : i32
    %dma_start3A_32 = arith.constant 0 : i32
    %dma_start3A_33 = tpu.memref_slice %arg17[%mul3A_31, %dma_start3A_32] : memref<10240x128xf32, #tpu.memory_space<vmem_shared>> -> memref<640x128xf32, #tpu.memory_space<vmem_shared>>
    %dma_start3A_34 = arith.constant 0 : i32
    %dma_start3A_35 = tpu.memref_slice %arg7[%mul3A_29, %dma_start3A_34] : memref<10240x128xf32, #tpu.memory_space<hbm>> -> memref<640x128xf32, #tpu.memory_space<hbm>>
    tpu.enqueue_dma source(%dma_start3A_35 : memref<640x128xf32, #tpu.memory_space<hbm>>) target(%dma_start3A_33 : memref<640x128xf32, #tpu.memory_space<vmem_shared>>) target_semaphore(%arg15 : memref<!tpu.dma_semaphore, #tpu.memory_space<semaphore_mem>>)
    %dma_wait3A = arith.constant 0 : i32
    %dma_wait3A_36 = arith.constant 0 : i32
    %dma_wait3A_37 = tpu.memref_slice %arg3[%add3A, %dma_wait3A, %dma_wait3A_36] : memref<32x83x120xi32, #tpu.memory_space<hbm>> -> memref<1x83x120xi32, #tpu.memory_space<hbm>>
    %dma_wait3A_38 = tpu.memref_squeeze %dma_wait3A_37 : memref<1x83x120xi32, #tpu.memory_space<hbm>> -> memref<83x120xi32, #tpu.memory_space<hbm>>
    %dma_wait3A_39 = arith.constant 0 : i32
    %dma_wait3A_40 = arith.constant 0 : i32
    %dma_wait3A_41 = tpu.memref_slice %arg3[%add3A, %dma_wait3A_39, %dma_wait3A_40] : memref<32x83x120xi32, #tpu.memory_space<hbm>> -> memref<1x83x120xi32, #tpu.memory_space<hbm>>
    %dma_wait3A_42 = tpu.memref_squeeze %dma_wait3A_41 : memref<1x83x120xi32, #tpu.memory_space<hbm>> -> memref<83x120xi32, #tpu.memory_space<hbm>>
    tpu.wait_dma2 semaphore(%arg15 : memref<!tpu.dma_semaphore, #tpu.memory_space<semaphore_mem>>) src(%dma_wait3A_42 : memref<83x120xi32, #tpu.memory_space<hbm>>) dst(%arg9 : memref<83x120xi32, #tpu.memory_space<vmem>>)
    %dma_wait3A_43 = arith.constant 0 : i32
    %dma_wait3A_44 = arith.constant 0 : i32
    %dma_wait3A_45 = tpu.memref_slice %arg4[%add3A, %dma_wait3A_43, %dma_wait3A_44] : memref<32x83x120xi32, #tpu.memory_space<hbm>> -> memref<1x83x120xi32, #tpu.memory_space<hbm>>
    %dma_wait3A_46 = tpu.memref_squeeze %dma_wait3A_45 : memref<1x83x120xi32, #tpu.memory_space<hbm>> -> memref<83x120xi32, #tpu.memory_space<hbm>>
    %dma_wait3A_47 = arith.constant 0 : i32
    %dma_wait3A_48 = arith.constant 0 : i32
    %dma_wait3A_49 = tpu.memref_slice %arg4[%add3A, %dma_wait3A_47, %dma_wait3A_48] : memref<32x83x120xi32, #tpu.memory_space<hbm>> -> memref<1x83x120xi32, #tpu.memory_space<hbm>>
    %dma_wait3A_50 = tpu.memref_squeeze %dma_wait3A_49 : memref<1x83x120xi32, #tpu.memory_space<hbm>> -> memref<83x120xi32, #tpu.memory_space<hbm>>
    tpu.wait_dma2 semaphore(%arg15 : memref<!tpu.dma_semaphore, #tpu.memory_space<semaphore_mem>>) src(%dma_wait3A_50 : memref<83x120xi32, #tpu.memory_space<hbm>>) dst(%arg10 : memref<83x120xi32, #tpu.memory_space<vmem>>)
    %dma_wait3A_51 = arith.constant 0 : i32
    %dma_wait3A_52 = tpu.memref_slice %arg5[%add3A, %dma_wait3A_51] : memref<32x40xi32, #tpu.memory_space<hbm>> -> memref<1x40xi32, #tpu.memory_space<hbm>>
    %dma_wait3A_53 = tpu.memref_squeeze %dma_wait3A_52 : memref<1x40xi32, #tpu.memory_space<hbm>> -> memref<40xi32, #tpu.memory_space<hbm>>
    %dma_wait3A_54 = arith.constant 0 : i32
    %dma_wait3A_55 = tpu.memref_slice %arg5[%add3A, %dma_wait3A_54] : memref<32x40xi32, #tpu.memory_space<hbm>> -> memref<1x40xi32, #tpu.memory_space<hbm>>
    %dma_wait3A_56 = tpu.memref_squeeze %dma_wait3A_55 : memref<1x40xi32, #tpu.memory_space<hbm>> -> memref<40xi32, #tpu.memory_space<hbm>>
    tpu.wait_dma2 semaphore(%arg15 : memref<!tpu.dma_semaphore, #tpu.memory_space<semaphore_mem>>) src(%dma_wait3A_56 : memref<40xi32, #tpu.memory_space<hbm>>) dst(%arg11 : memref<40xi32, #tpu.memory_space<vmem>>)
    %dma_wait3A_57 = arith.constant 0 : i32
    %dma_wait3A_58 = tpu.memref_slice %arg6[%add3A, %dma_wait3A_57] : memref<32x40xi32, #tpu.memory_space<hbm>> -> memref<1x40xi32, #tpu.memory_space<hbm>>
    %dma_wait3A_59 = tpu.memref_squeeze %dma_wait3A_58 : memref<1x40xi32, #tpu.memory_space<hbm>> -> memref<40xi32, #tpu.memory_space<hbm>>
    %dma_wait3A_60 = arith.constant 0 : i32
    %dma_wait3A_61 = tpu.memref_slice %arg6[%add3A, %dma_wait3A_60] : memref<32x40xi32, #tpu.memory_space<hbm>> -> memref<1x40xi32, #tpu.memory_space<hbm>>
    %dma_wait3A_62 = tpu.memref_squeeze %dma_wait3A_61 : memref<1x40xi32, #tpu.memory_space<hbm>> -> memref<40xi32, #tpu.memory_space<hbm>>
    tpu.wait_dma2 semaphore(%arg15 : memref<!tpu.dma_semaphore, #tpu.memory_space<semaphore_mem>>) src(%dma_wait3A_62 : memref<40xi32, #tpu.memory_space<hbm>>) dst(%arg12 : memref<40xi32, #tpu.memory_space<vmem>>)
    %dma_wait3A_63 = arith.constant 0 : i32
    %dma_wait3A_64 = tpu.memref_slice %arg17[%mul3A_31, %dma_wait3A_63] : memref<10240x128xf32, #tpu.memory_space<vmem_shared>> -> memref<640x128xf32, #tpu.memory_space<vmem_shared>>
    %dma_wait3A_65 = arith.constant 0 : i32
    %dma_wait3A_66 = tpu.memref_slice %arg7[%mul3A_29, %dma_wait3A_65] : memref<10240x128xf32, #tpu.memory_space<hbm>> -> memref<640x128xf32, #tpu.memory_space<hbm>>
    tpu.wait_dma2 semaphore(%arg15 : memref<!tpu.dma_semaphore, #tpu.memory_space<semaphore_mem>>) src(%dma_wait3A_66 : memref<640x128xf32, #tpu.memory_space<hbm>>) dst(%dma_wait3A_64 : memref<640x128xf32, #tpu.memory_space<vmem_shared>>)
    %barrier3A = arith.constant 0 : index
    tpu.barrier barrier_id(%barrier3A)
    %dma_start3A_67 = arith.constant 0 : i32
    %dma_start3A_68 = arith.constant 0 : i32
    %dma_start3A_69 = tpu.memref_slice %arg2[%dma_start3A_67, %dma_start3A_68] : memref<10240x128xf32, #tpu.memory_space<hbm>> -> memref<10240x128xf32, #tpu.memory_space<hbm>>
    tpu.enqueue_indirect_dma source(%dma_start3A_69 : memref<10240x128xf32, #tpu.memory_space<hbm>>) target(%arg14 : memref<40x128xf32, #tpu.memory_space<vmem>>) offsets(%arg11 : memref<40xi32, #tpu.memory_space<vmem>>) semaphore(%arg16 : memref<!tpu.dma_semaphore, #tpu.memory_space<semaphore_mem>>)
    %scan3A = arith.constant 0 : i32
    %scan3A_70 = arith.constant 0 : i32
    %scan3A_71 = arith.constant 83 : i32
    %scan3A_72 = arith.addi %scan3A_70, %scan3A_71 : i32
    %scan3A_73 = arith.constant 1 : i32
    scf.for %scan3A_83 = %scan3A_70 to %scan3A_72 step %scan3A_73  : i32 {
      %dma_start3A_84 = arith.constant 0 : i32
      %dma_start3A_85 = tpu.memref_slice %arg9[%scan3A_83, %dma_start3A_84] : memref<83x120xi32, #tpu.memory_space<vmem>> -> memref<1x120xi32, #tpu.memory_space<vmem>>
      %dma_start3A_86 = tpu.memref_squeeze %dma_start3A_85 : memref<1x120xi32, #tpu.memory_space<vmem>> -> memref<120xi32, #tpu.memory_space<vmem>>
      %dma_start3A_87 = arith.constant 0 : i32
      %dma_start3A_88 = arith.constant 0 : i32
      %dma_start3A_89 = tpu.memref_slice %arg2[%dma_start3A_87, %dma_start3A_88] : memref<10240x128xf32, #tpu.memory_space<hbm>> -> memref<10240x128xf32, #tpu.memory_space<hbm>>
      tpu.enqueue_indirect_dma source(%dma_start3A_89 : memref<10240x128xf32, #tpu.memory_space<hbm>>) target(%arg13 : memref<120x128xf32, #tpu.memory_space<vmem>>) offsets(%dma_start3A_86 : memref<120xi32, #tpu.memory_space<vmem>>) semaphore(%arg15 : memref<!tpu.dma_semaphore, #tpu.memory_space<semaphore_mem>>)
      %dma_wait3A_90 = arith.constant 0 : i32
      %dma_wait3A_91 = tpu.memref_slice %arg9[%scan3A_83, %dma_wait3A_90] : memref<83x120xi32, #tpu.memory_space<vmem>> -> memref<1x120xi32, #tpu.memory_space<vmem>>
      %dma_wait3A_92 = tpu.memref_squeeze %dma_wait3A_91 : memref<1x120xi32, #tpu.memory_space<vmem>> -> memref<120xi32, #tpu.memory_space<vmem>>
      %dma_wait3A_93 = arith.constant 0 : i32
      %dma_wait3A_94 = arith.constant 0 : i32
      %dma_wait3A_95 = tpu.memref_slice %arg2[%dma_wait3A_93, %dma_wait3A_94] : memref<10240x128xf32, #tpu.memory_space<hbm>> -> memref<10240x128xf32, #tpu.memory_space<hbm>>
      tpu.wait_indirect_dma semaphore(%arg15 : memref<!tpu.dma_semaphore, #tpu.memory_space<semaphore_mem>>) src(%dma_wait3A_95 : memref<10240x128xf32, #tpu.memory_space<hbm>>) dst(%arg13 : memref<120x128xf32, #tpu.memory_space<vmem>>)
      "tpu.region"() ({
        %run_scoped3A = tpu.sem_alloc : memref<!tpu.dma_semaphore, #tpu.memory_space<semaphore_mem>>
        %dma_start3A_96 = arith.constant 0 : i32
        %dma_start3A_97 = tpu.memref_slice %arg10[%scan3A_83, %dma_start3A_96] : memref<83x120xi32, #tpu.memory_space<vmem>> -> memref<1x120xi32, #tpu.memory_space<vmem>>
        %dma_start3A_98 = tpu.memref_squeeze %dma_start3A_97 : memref<1x120xi32, #tpu.memory_space<vmem>> -> memref<120xi32, #tpu.memory_space<vmem>>
        %dma_start3A_99 = arith.constant 0 : i32
        %dma_start3A_100 = arith.constant 0 : i32
        %dma_start3A_101 = tpu.memref_slice %arg17[%dma_start3A_99, %dma_start3A_100] : memref<10240x128xf32, #tpu.memory_space<vmem_shared>> -> memref<10240x128xf32, #tpu.memory_space<vmem_shared>>
        tpu.enqueue_indirect_dma source(%arg13 : memref<120x128xf32, #tpu.memory_space<vmem>>) target(%dma_start3A_101 : memref<10240x128xf32, #tpu.memory_space<vmem_shared>>) offsets(%dma_start3A_98 : memref<120xi32, #tpu.memory_space<vmem>>) semaphore(%run_scoped3A : memref<!tpu.dma_semaphore, #tpu.memory_space<semaphore_mem>>) {add = true}
        %dma_wait3A_102 = arith.constant 0 : i32
        %dma_wait3A_103 = tpu.memref_slice %arg10[%scan3A_83, %dma_wait3A_102] : memref<83x120xi32, #tpu.memory_space<vmem>> -> memref<1x120xi32, #tpu.memory_space<vmem>>
        %dma_wait3A_104 = tpu.memref_squeeze %dma_wait3A_103 : memref<1x120xi32, #tpu.memory_space<vmem>> -> memref<120xi32, #tpu.memory_space<vmem>>
        %dma_wait3A_105 = arith.constant 0 : i32
        %dma_wait3A_106 = arith.constant 0 : i32
        %dma_wait3A_107 = tpu.memref_slice %arg17[%dma_wait3A_105, %dma_wait3A_106] : memref<10240x128xf32, #tpu.memory_space<vmem_shared>> -> memref<10240x128xf32, #tpu.memory_space<vmem_shared>>
        tpu.wait_indirect_dma semaphore(%run_scoped3A : memref<!tpu.dma_semaphore, #tpu.memory_space<semaphore_mem>>) src(%arg13 : memref<120x128xf32, #tpu.memory_space<vmem>>) dst(%dma_wait3A_107 : memref<10240x128xf32, #tpu.memory_space<vmem_shared>>)
        tpu.yield
      }) : () -> ()
    }
    %scan3A_74 = arith.constant 83 : i32
    %dma_wait3A_75 = arith.constant 0 : i32
    %dma_wait3A_76 = arith.constant 0 : i32
    %dma_wait3A_77 = tpu.memref_slice %arg2[%dma_wait3A_75, %dma_wait3A_76] : memref<10240x128xf32, #tpu.memory_space<hbm>> -> memref<10240x128xf32, #tpu.memory_space<hbm>>
    tpu.wait_indirect_dma semaphore(%arg16 : memref<!tpu.dma_semaphore, #tpu.memory_space<semaphore_mem>>) src(%dma_wait3A_77 : memref<10240x128xf32, #tpu.memory_space<hbm>>) dst(%arg14 : memref<40x128xf32, #tpu.memory_space<vmem>>)
    "tpu.region"() ({
      %run_scoped3A = tpu.sem_alloc : memref<!tpu.dma_semaphore, #tpu.memory_space<semaphore_mem>>
      %dma_start3A_83 = arith.constant 0 : i32
      %dma_start3A_84 = arith.constant 0 : i32
      %dma_start3A_85 = tpu.memref_slice %arg17[%dma_start3A_83, %dma_start3A_84] : memref<10240x128xf32, #tpu.memory_space<vmem_shared>> -> memref<10240x128xf32, #tpu.memory_space<vmem_shared>>
      tpu.enqueue_indirect_dma source(%arg14 : memref<40x128xf32, #tpu.memory_space<vmem>>) target(%dma_start3A_85 : memref<10240x128xf32, #tpu.memory_space<vmem_shared>>) offsets(%arg12 : memref<40xi32, #tpu.memory_space<vmem>>) semaphore(%run_scoped3A : memref<!tpu.dma_semaphore, #tpu.memory_space<semaphore_mem>>) {add = true}
      %dma_wait3A_86 = arith.constant 0 : i32
      %dma_wait3A_87 = arith.constant 0 : i32
      %dma_wait3A_88 = tpu.memref_slice %arg17[%dma_wait3A_86, %dma_wait3A_87] : memref<10240x128xf32, #tpu.memory_space<vmem_shared>> -> memref<10240x128xf32, #tpu.memory_space<vmem_shared>>
      tpu.wait_indirect_dma semaphore(%run_scoped3A : memref<!tpu.dma_semaphore, #tpu.memory_space<semaphore_mem>>) src(%arg14 : memref<40x128xf32, #tpu.memory_space<vmem>>) dst(%dma_wait3A_88 : memref<10240x128xf32, #tpu.memory_space<vmem_shared>>)
      tpu.yield
    }) : () -> ()
    %barrier3A_78 = arith.constant 0 : index
    tpu.barrier barrier_id(%barrier3A_78)
    %mul3A_79 = arith.constant 640 : i32
    %mul3A_80 = arith.muli %arg1, %mul3A_79 : i32
    %mul3A_81 = arith.constant 640 : i32
    %mul3A_82 = arith.muli %arg1, %mul3A_81 : i32
    "tpu.region"() ({
      %run_scoped3A = tpu.sem_alloc : memref<!tpu.dma_semaphore, #tpu.memory_space<semaphore_mem>>
      %dma_start3A_83 = arith.constant 0 : i32
      %dma_start3A_84 = tpu.memref_slice %arg8[%arg0, %mul3A_82, %dma_start3A_83] : memref<2x10240x128xf32, #tpu.memory_space<hbm>> -> memref<1x640x128xf32, #tpu.memory_space<hbm>>
      %dma_start3A_85 = tpu.memref_squeeze %dma_start3A_84 : memref<1x640x128xf32, #tpu.memory_space<hbm>> -> memref<640x128xf32, #tpu.memory_space<hbm>>
      %dma_start3A_86 = arith.constant 0 : i32
      %dma_start3A_87 = tpu.memref_slice %arg17[%mul3A_80, %dma_start3A_86] : memref<10240x128xf32, #tpu.memory_space<vmem_shared>> -> memref<640x128xf32, #tpu.memory_space<vmem_shared>>
      tpu.enqueue_dma source(%dma_start3A_87 : memref<640x128xf32, #tpu.memory_space<vmem_shared>>) target(%dma_start3A_85 : memref<640x128xf32, #tpu.memory_space<hbm>>) target_semaphore(%run_scoped3A : memref<!tpu.dma_semaphore, #tpu.memory_space<semaphore_mem>>)
      %dma_wait3A_88 = arith.constant 0 : i32
      %dma_wait3A_89 = tpu.memref_slice %arg8[%arg0, %mul3A_82, %dma_wait3A_88] : memref<2x10240x128xf32, #tpu.memory_space<hbm>> -> memref<1x640x128xf32, #tpu.memory_space<hbm>>
      %dma_wait3A_90 = tpu.memref_squeeze %dma_wait3A_89 : memref<1x640x128xf32, #tpu.memory_space<hbm>> -> memref<640x128xf32, #tpu.memory_space<hbm>>
      %dma_wait3A_91 = arith.constant 0 : i32
      %dma_wait3A_92 = tpu.memref_slice %arg17[%mul3A_80, %dma_wait3A_91] : memref<10240x128xf32, #tpu.memory_space<vmem_shared>> -> memref<640x128xf32, #tpu.memory_space<vmem_shared>>
      tpu.wait_dma2 semaphore(%run_scoped3A : memref<!tpu.dma_semaphore, #tpu.memory_space<semaphore_mem>>) src(%dma_wait3A_92 : memref<640x128xf32, #tpu.memory_space<vmem_shared>>) dst(%dma_wait3A_90 : memref<640x128xf32, #tpu.memory_space<hbm>>)
      tpu.yield
    }) : () -> ()
    return
  }
}

module attributes {stable_mosaic.version = 14 : i64} {
  func.func @_prep_body(%arg0: memref<10240x2xf32, #tpu.memory_space<vmem>>, %arg1: memref<10240x128xf32, #tpu.memory_space<vmem>>, %arg2: memref<10240x128xf32, #tpu.memory_space<vmem>>, %arg3: memref<10240x1xf32, #tpu.memory_space<vmem>>, %arg4: memref<10240x128xf32, #tpu.memory_space<vmem>>, %arg5: memref<10240x1xf32, #tpu.memory_space<vmem>>) attributes {dimension_semantics = [], scalar_prefetch = 0 : i64, scratch_operands = 0 : i64, tpu.core_type = #tpu.core_type<tc>} {
    %get3A = arith.constant 0 : index
    %get3A_0 = arith.constant 0 : index
    %get3A_1 = vector.load %arg0[%get3A, %get3A_0] : memref<10240x2xf32, #tpu.memory_space<vmem>>, vector<10240x2xf32>
    %reduce_sum3A = arith.constant dense<0.000000e+00> : vector<10240xf32>
    %reduce_sum3A_2 = vector.multi_reduction <add>, %get3A_1, %reduce_sum3A [1] : vector<10240x2xf32> to vector<10240xf32>
    %broadcast_in_dim3A = vector.shape_cast %reduce_sum3A_2 : vector<10240xf32> to vector<10240x1xf32>
    %gt3A = arith.constant 0.000000e+00 : f32
    %gt3A_3 = vector.broadcast %gt3A : f32 to vector<10240x1xf32>
    %gt3A_4 = arith.cmpf ogt, %broadcast_in_dim3A, %gt3A_3 : vector<10240x1xf32>
    %jit3A = arith.constant 1.000000e+00 : f32
    %broadcast_in_dim3A_5 = vector.broadcast %jit3A : f32 to vector<10240x1xf32>
    %select_n3A = arith.select %gt3A_4, %broadcast_in_dim3A, %broadcast_in_dim3A_5 : vector<10240x1xi1>, vector<10240x1xf32>
    %rsqrt3A = math.rsqrt %select_n3A : vector<10240x1xf32>
    %get3A_6 = arith.constant 0 : index
    %get3A_7 = arith.constant 0 : index
    %get3A_8 = vector.load %arg1[%get3A_6, %get3A_7] : memref<10240x128xf32, #tpu.memory_space<vmem>>, vector<10240x128xf32>
    %swap3A = arith.constant 0 : index
    %swap3A_9 = arith.constant 0 : index
    %swap3A_10 = vector.load %arg5[%swap3A, %swap3A_9] : memref<10240x1xf32, #tpu.memory_space<vmem>>, vector<10240x1xf32>
    tpu.vector_store %arg5[%swap3A, %swap3A_9], %rsqrt3A {strides = array<i32>} : memref<10240x1xf32, #tpu.memory_space<vmem>>, vector<10240x1xf32>,
    %mul3A = arith.constant 0.899999976 : f32
    %mul3A_11 = vector.broadcast %mul3A : f32 to vector<10240x1xf32>
    %mul3A_12 = arith.mulf %mul3A_11, %rsqrt3A : vector<10240x1xf32>
    %mul3A_13 = arith.mulf %mul3A_12, %rsqrt3A : vector<10240x1xf32>
    %swap3A_14 = arith.constant 0 : index
    %swap3A_15 = arith.constant 0 : index
    %swap3A_16 = vector.load %arg3[%swap3A_14, %swap3A_15] : memref<10240x1xf32, #tpu.memory_space<vmem>>, vector<10240x1xf32>
    tpu.vector_store %arg3[%swap3A_14, %swap3A_15], %mul3A_13 {strides = array<i32>} : memref<10240x1xf32, #tpu.memory_space<vmem>>, vector<10240x1xf32>,
    %mul3A_17 = vector.broadcast %rsqrt3A : vector<10240x1xf32> to vector<10240x128xf32>
    %mul3A_18 = arith.mulf %get3A_8, %mul3A_17 : vector<10240x128xf32>
    %swap3A_19 = arith.constant 0 : index
    %swap3A_20 = arith.constant 0 : index
    %swap3A_21 = vector.load %arg2[%swap3A_19, %swap3A_20] : memref<10240x128xf32, #tpu.memory_space<vmem>>, vector<10240x128xf32>
    tpu.vector_store %arg2[%swap3A_19, %swap3A_20], %mul3A_18 {strides = array<i32>} : memref<10240x128xf32, #tpu.memory_space<vmem>>, vector<10240x128xf32>,
    %mul3A_22 = arith.constant 1.000000e-01 : f32
    %mul3A_23 = vector.broadcast %mul3A_22 : f32 to vector<10240x1xf32>
    %mul3A_24 = arith.mulf %mul3A_23, %rsqrt3A : vector<10240x1xf32>
    %mul3A_25 = vector.broadcast %mul3A_24 : vector<10240x1xf32> to vector<10240x128xf32>
    %mul3A_26 = arith.mulf %mul3A_25, %get3A_8 : vector<10240x128xf32>
    %swap3A_27 = arith.constant 0 : index
    %swap3A_28 = arith.constant 0 : index
    %swap3A_29 = vector.load %arg4[%swap3A_27, %swap3A_28] : memref<10240x128xf32, #tpu.memory_space<vmem>>, vector<10240x128xf32>
    tpu.vector_store %arg4[%swap3A_27, %swap3A_28], %mul3A_26 {strides = array<i32>} : memref<10240x128xf32, #tpu.memory_space<vmem>>, vector<10240x128xf32>,
    return
  }
}

module attributes {stable_mosaic.version = 14 : i64} {
  func.func @_comb_body(%arg0: i32, %arg1: memref<2x2048x128xf32, #tpu.memory_space<vmem>>, %arg2: memref<2048x1xf32, #tpu.memory_space<vmem>>, %arg3: memref<2048x128xf32, #tpu.memory_space<vmem>>, %arg4: memref<2048x128xf32, #tpu.memory_space<vmem>>) attributes {dimension_semantics = [#tpu.dimension_semantics<arbitrary>], iteration_bounds = array<i64: 5>, scalar_prefetch = 0 : i64, scratch_operands = 0 : i64, tpu.core_type = #tpu.core_type<tc>, window_params = [{transform_indices = @transform_0, window_bounds = array<i64: 2, 2048, 128>}, {transform_indices = @transform_1, window_bounds = array<i64: 2048, 1>}, {transform_indices = @transform_2, window_bounds = array<i64: 2048, 128>}, {transform_indices = @transform_3, window_bounds = array<i64: 2048, 128>}]} {
    %get3A = arith.constant 0 : index
    %get3A_0 = arith.constant 0 : index
    %get3A_1 = vector.load %arg2[%get3A, %get3A_0] : memref<2048x1xf32, #tpu.memory_space<vmem>>, vector<2048x1xf32>
    %get3A_2 = arith.constant 0 : index
    %get3A_3 = arith.constant 0 : index
    %get3A_4 = arith.constant 0 : index
    %get3A_5 = vector.load %arg1[%get3A_2, %get3A_3, %get3A_4] : memref<2x2048x128xf32, #tpu.memory_space<vmem>>, vector<1x2048x128xf32>
    %get3A_6 = vector.shape_cast %get3A_5 : vector<1x2048x128xf32> to vector<2048x128xf32>
    %get3A_7 = arith.constant 1 : index
    %get3A_8 = arith.constant 0 : index
    %get3A_9 = arith.constant 0 : index
    %get3A_10 = vector.load %arg1[%get3A_7, %get3A_8, %get3A_9] : memref<2x2048x128xf32, #tpu.memory_space<vmem>>, vector<1x2048x128xf32>
    %get3A_11 = vector.shape_cast %get3A_10 : vector<1x2048x128xf32> to vector<2048x128xf32>
    %add3A = arith.addf %get3A_6, %get3A_11 : vector<2048x128xf32>
    %mul3A = vector.broadcast %get3A_1 : vector<2048x1xf32> to vector<2048x128xf32>
    %mul3A_12 = arith.mulf %mul3A, %add3A : vector<2048x128xf32>
    %get3A_13 = arith.constant 0 : index
    %get3A_14 = arith.constant 0 : index
    %get3A_15 = vector.load %arg3[%get3A_13, %get3A_14] : memref<2048x128xf32, #tpu.memory_space<vmem>>, vector<2048x128xf32>
    %add3A_16 = arith.addf %mul3A_12, %get3A_15 : vector<2048x128xf32>
    %swap3A = arith.constant 0 : index
    %swap3A_17 = arith.constant 0 : index
    %swap3A_18 = vector.load %arg4[%swap3A, %swap3A_17] : memref<2048x128xf32, #tpu.memory_space<vmem>>, vector<2048x128xf32>
    tpu.vector_store %arg4[%swap3A, %swap3A_17], %add3A_16 {strides = array<i32>} : memref<2048x128xf32, #tpu.memory_space<vmem>>, vector<2048x128xf32>,
    return
  }
  func.func @transform_0(%arg0: i32) -> (i32, i32, i32) {
    %c0_i32 = arith.constant 0 : i32
    %c0_i32_0 = arith.constant 0 : i32
    %c0_i32_1 = arith.constant 0 : i32
    return %c0_i32, %arg0, %c0_i32_0 : i32, i32, i32
  }
  func.func @transform_1(%arg0: i32) -> (i32, i32) {
    %c0_i32 = arith.constant 0 : i32
    %c0_i32_0 = arith.constant 0 : i32
    return %arg0, %c0_i32 : i32, i32
  }
  func.func @transform_2(%arg0: i32) -> (i32, i32) {
    %c0_i32 = arith.constant 0 : i32
    %c0_i32_0 = arith.constant 0 : i32
    return %arg0, %c0_i32 : i32, i32
  }
  func.func @transform_3(%arg0: i32) -> (i32, i32) {
    %c0_i32 = arith.constant 0 : i32
    %c0_i32_0 = arith.constant 0 : i32
    return %arg0, %c0_i32 : i32, i32
  }
}

module attributes {stable_mosaic.version = 14 : i64} {
  func.func @_final_body(%arg0: i32, %arg1: memref<2x2048x128xf32, #tpu.memory_space<vmem>>, %arg2: memref<2048x128xf32, #tpu.memory_space<vmem>>, %arg3: memref<2048x1xf32, #tpu.memory_space<vmem>>, %arg4: memref<128x128xf32, #tpu.memory_space<vmem>>, %arg5: memref<1x128xf32, #tpu.memory_space<vmem>>, %arg6: memref<128x128xf32, #tpu.memory_space<vmem>>, %arg7: memref<1x128xf32, #tpu.memory_space<vmem>>, %arg8: memref<1x128xf32, #tpu.memory_space<vmem>>, %arg9: memref<1x128xf32, #tpu.memory_space<vmem>>, %arg10: memref<2048x128xf32, #tpu.memory_space<vmem>>, %arg11: memref<2048x128xf32, #tpu.memory_space<vmem>>) attributes {dimension_semantics = [#tpu.dimension_semantics<arbitrary>], iteration_bounds = array<i64: 5>, scalar_prefetch = 0 : i64, scratch_operands = 0 : i64, tpu.core_type = #tpu.core_type<tc>, window_params = [{transform_indices = @transform_0, window_bounds = array<i64: 2, 2048, 128>}, {transform_indices = @transform_1, window_bounds = array<i64: 2048, 128>}, {transform_indices = @transform_2, window_bounds = array<i64: 2048, 1>}, {pipeline_mode = #tpu.pipeline_mode<synchronous>, transform_indices = @transform_3, window_bounds = array<i64: 128, 128>}, {pipeline_mode = #tpu.pipeline_mode<synchronous>, transform_indices = @transform_4, window_bounds = array<i64: 1, 128>}, {pipeline_mode = #tpu.pipeline_mode<synchronous>, transform_indices = @transform_5, window_bounds = array<i64: 128, 128>}, {pipeline_mode = #tpu.pipeline_mode<synchronous>, transform_indices = @transform_6, window_bounds = array<i64: 1, 128>}, {pipeline_mode = #tpu.pipeline_mode<synchronous>, transform_indices = @transform_7, window_bounds = array<i64: 1, 128>}, {pipeline_mode = #tpu.pipeline_mode<synchronous>, transform_indices = @transform_8, window_bounds = array<i64: 1, 128>}, {transform_indices = @transform_9, window_bounds = array<i64: 2048, 128>}, {transform_indices = @transform_10, window_bounds = array<i64: 2048, 128>}]} {
    %get3A = arith.constant 0 : index
    %get3A_0 = arith.constant 0 : index
    %get3A_1 = arith.constant 0 : index
    %get3A_2 = vector.load %arg1[%get3A, %get3A_0, %get3A_1] : memref<2x2048x128xf32, #tpu.memory_space<vmem>>, vector<1x2048x128xf32>
    %get3A_3 = vector.shape_cast %get3A_2 : vector<1x2048x128xf32> to vector<2048x128xf32>
    %get3A_4 = arith.constant 1 : index
    %get3A_5 = arith.constant 0 : index
    %get3A_6 = arith.constant 0 : index
    %get3A_7 = vector.load %arg1[%get3A_4, %get3A_5, %get3A_6] : memref<2x2048x128xf32, #tpu.memory_space<vmem>>, vector<1x2048x128xf32>
    %get3A_8 = vector.shape_cast %get3A_7 : vector<1x2048x128xf32> to vector<2048x128xf32>
    %add3A = arith.addf %get3A_3, %get3A_8 : vector<2048x128xf32>
    %get3A_9 = arith.constant 0 : index
    %get3A_10 = arith.constant 0 : index
    %get3A_11 = vector.load %arg2[%get3A_9, %get3A_10] : memref<2048x128xf32, #tpu.memory_space<vmem>>, vector<2048x128xf32>
    %get3A_12 = arith.constant 0 : index
    %get3A_13 = arith.constant 0 : index
    %get3A_14 = vector.load %arg3[%get3A_12, %get3A_13] : memref<2048x1xf32, #tpu.memory_space<vmem>>, vector<2048x1xf32>
    %mul3A = arith.constant 0.899999976 : f32
    %mul3A_15 = vector.broadcast %mul3A : f32 to vector<2048x1xf32>
    %mul3A_16 = arith.mulf %mul3A_15, %get3A_14 : vector<2048x1xf32>
    %mul3A_17 = vector.broadcast %mul3A_16 : vector<2048x1xf32> to vector<2048x128xf32>
    %mul3A_18 = arith.mulf %mul3A_17, %add3A : vector<2048x128xf32>
    %mul3A_19 = arith.constant 1.000000e-01 : f32
    %mul3A_20 = vector.broadcast %mul3A_19 : f32 to vector<2048x128xf32>
    %mul3A_21 = arith.mulf %mul3A_20, %get3A_11 : vector<2048x128xf32>
    %add3A_22 = arith.addf %mul3A_18, %mul3A_21 : vector<2048x128xf32>
    %swap3A = arith.constant 0 : index
    %swap3A_23 = arith.constant 0 : index
    %swap3A_24 = vector.load %arg10[%swap3A, %swap3A_23] : memref<2048x128xf32, #tpu.memory_space<vmem>>, vector<2048x128xf32>
    tpu.vector_store %arg10[%swap3A, %swap3A_23], %add3A_22 {strides = array<i32>} : memref<2048x128xf32, #tpu.memory_space<vmem>>, vector<2048x128xf32>,
    %reduce_sum3A = arith.constant dense<0.000000e+00> : vector<2048xf32>
    %reduce_sum3A_25 = vector.multi_reduction <add>, %add3A_22, %reduce_sum3A [1] : vector<2048x128xf32> to vector<2048xf32>
    %broadcast_in_dim3A = vector.shape_cast %reduce_sum3A_25 : vector<2048xf32> to vector<2048x1xf32>
    %div3A = arith.constant 1.280000e+02 : f32
    %div3A_26 = vector.broadcast %div3A : f32 to vector<2048x1xf32>
    %div3A_27 = arith.divf %broadcast_in_dim3A, %div3A_26 : vector<2048x1xf32>
    %sub3A = vector.broadcast %div3A_27 : vector<2048x1xf32> to vector<2048x128xf32>
    %sub3A_28 = arith.subf %add3A_22, %sub3A : vector<2048x128xf32>
    %integer_pow3A = arith.mulf %sub3A_28, %sub3A_28 : vector<2048x128xf32>
    %reduce_sum3A_29 = arith.constant dense<0.000000e+00> : vector<2048xf32>
    %reduce_sum3A_30 = vector.multi_reduction <add>, %integer_pow3A, %reduce_sum3A_29 [1] : vector<2048x128xf32> to vector<2048xf32>
    %broadcast_in_dim3A_31 = vector.shape_cast %reduce_sum3A_30 : vector<2048xf32> to vector<2048x1xf32>
    %div3A_32 = arith.constant 1.280000e+02 : f32
    %div3A_33 = vector.broadcast %div3A_32 : f32 to vector<2048x1xf32>
    %div3A_34 = arith.divf %broadcast_in_dim3A_31, %div3A_33 : vector<2048x1xf32>
    %sub3A_35 = vector.broadcast %div3A_27 : vector<2048x1xf32> to vector<2048x128xf32>
    %sub3A_36 = arith.subf %add3A_22, %sub3A_35 : vector<2048x128xf32>
    %add3A_37 = arith.constant 9.99999974E-6 : f32
    %add3A_38 = vector.broadcast %add3A_37 : f32 to vector<2048x1xf32>
    %add3A_39 = arith.addf %div3A_34, %add3A_38 : vector<2048x1xf32>
    %rsqrt3A = math.rsqrt %add3A_39 : vector<2048x1xf32>
    %mul3A_40 = vector.broadcast %rsqrt3A : vector<2048x1xf32> to vector<2048x128xf32>
    %mul3A_41 = arith.mulf %sub3A_36, %mul3A_40 : vector<2048x128xf32>
    %get3A_42 = arith.constant 0 : index
    %get3A_43 = arith.constant 0 : index
    %get3A_44 = vector.load %arg8[%get3A_42, %get3A_43] : memref<1x128xf32, #tpu.memory_space<vmem>>, vector<1x128xf32>
    %mul3A_45 = vector.broadcast %get3A_44 : vector<1x128xf32> to vector<2048x128xf32>
    %mul3A_46 = arith.mulf %mul3A_41, %mul3A_45 : vector<2048x128xf32>
    %get3A_47 = arith.constant 0 : index
    %get3A_48 = arith.constant 0 : index
    %get3A_49 = vector.load %arg9[%get3A_47, %get3A_48] : memref<1x128xf32, #tpu.memory_space<vmem>>, vector<1x128xf32>
    %add3A_50 = vector.broadcast %get3A_49 : vector<1x128xf32> to vector<2048x128xf32>
    %add3A_51 = arith.addf %mul3A_46, %add3A_50 : vector<2048x128xf32>
    %get3A_52 = arith.constant 0 : index
    %get3A_53 = arith.constant 0 : index
    %get3A_54 = vector.load %arg4[%get3A_52, %get3A_53] : memref<128x128xf32, #tpu.memory_space<vmem>>, vector<128x128xf32>
    %dot_general3A = arith.constant dense<0.000000e+00> : vector<2048x128xf32>
    %dot_general3A_55 = tpu.matmul %add3A_51, %get3A_54, %dot_general3A {dimension_numbers = #tpu.dot_dimension_numbers<[1], [0], [0], [1], [0, 0, 1, 1], [], []>, transpose_lhs_hint = false} : vector<2048x128xf32>, vector<128x128xf32>, vector<2048x128xf32> -> vector<2048x128xf32>
    %get3A_56 = arith.constant 0 : index
    %get3A_57 = arith.constant 0 : index
    %get3A_58 = vector.load %arg5[%get3A_56, %get3A_57] : memref<1x128xf32, #tpu.memory_space<vmem>>, vector<1x128xf32>
    %add3A_59 = vector.broadcast %get3A_58 : vector<1x128xf32> to vector<2048x128xf32>
    %add3A_60 = arith.addf %dot_general3A_55, %add3A_59 : vector<2048x128xf32>
    %max3A = arith.constant 0.000000e+00 : f32
    %max3A_61 = vector.broadcast %max3A : f32 to vector<2048x128xf32>
    %max3A_62 = arith.maximumf %add3A_60, %max3A_61 : vector<2048x128xf32>
    %get3A_63 = arith.constant 0 : index
    %get3A_64 = arith.constant 0 : index
    %get3A_65 = vector.load %arg6[%get3A_63, %get3A_64] : memref<128x128xf32, #tpu.memory_space<vmem>>, vector<128x128xf32>
    %dot_general3A_66 = arith.constant dense<0.000000e+00> : vector<2048x128xf32>
    %dot_general3A_67 = tpu.matmul %max3A_62, %get3A_65, %dot_general3A_66 {dimension_numbers = #tpu.dot_dimension_numbers<[1], [0], [0], [1], [0, 0, 1, 1], [], []>, transpose_lhs_hint = false} : vector<2048x128xf32>, vector<128x128xf32>, vector<2048x128xf32> -> vector<2048x128xf32>
    %get3A_68 = arith.constant 0 : index
    %get3A_69 = arith.constant 0 : index
    %get3A_70 = vector.load %arg7[%get3A_68, %get3A_69] : memref<1x128xf32, #tpu.memory_space<vmem>>, vector<1x128xf32>
    %add3A_71 = vector.broadcast %get3A_70 : vector<1x128xf32> to vector<2048x128xf32>
    %add3A_72 = arith.addf %dot_general3A_67, %add3A_71 : vector<2048x128xf32>
    %add3A_73 = arith.addf %add3A_72, %get3A_11 : vector<2048x128xf32>
    %swap3A_74 = arith.constant 0 : index
    %swap3A_75 = arith.constant 0 : index
    %swap3A_76 = vector.load %arg11[%swap3A_74, %swap3A_75] : memref<2048x128xf32, #tpu.memory_space<vmem>>, vector<2048x128xf32>
    tpu.vector_store %arg11[%swap3A_74, %swap3A_75], %add3A_73 {strides = array<i32>} : memref<2048x128xf32, #tpu.memory_space<vmem>>, vector<2048x128xf32>,
    return
  }
  func.func @transform_0(%arg0: i32) -> (i32, i32, i32) {
    %c0_i32 = arith.constant 0 : i32
    %c0_i32_0 = arith.constant 0 : i32
    %c0_i32_1 = arith.constant 0 : i32
    return %c0_i32, %arg0, %c0_i32_0 : i32, i32, i32
  }
  func.func @transform_1(%arg0: i32) -> (i32, i32) {
    %c0_i32 = arith.constant 0 : i32
    %c0_i32_0 = arith.constant 0 : i32
    return %arg0, %c0_i32 : i32, i32
  }
  func.func @transform_2(%arg0: i32) -> (i32, i32) {
    %c0_i32 = arith.constant 0 : i32
    %c0_i32_0 = arith.constant 0 : i32
    return %arg0, %c0_i32 : i32, i32
  }
  func.func @transform_3(%arg0: i32) -> (i32, i32) {
    %c0_i32 = arith.constant 0 : i32
    %c0_i32_0 = arith.constant 0 : i32
    %c0_i32_1 = arith.constant 0 : i32
    return %c0_i32, %c0_i32_0 : i32, i32
  }
  func.func @transform_4(%arg0: i32) -> (i32, i32) {
    %c0_i32 = arith.constant 0 : i32
    %c0_i32_0 = arith.constant 0 : i32
    %c0_i32_1 = arith.constant 0 : i32
    return %c0_i32, %c0_i32_0 : i32, i32
  }
  func.func @transform_5(%arg0: i32) -> (i32, i32) {
    %c0_i32 = arith.constant 0 : i32
    %c0_i32_0 = arith.constant 0 : i32
    %c0_i32_1 = arith.constant 0 : i32
    return %c0_i32, %c0_i32_0 : i32, i32
  }
  func.func @transform_6(%arg0: i32) -> (i32, i32) {
    %c0_i32 = arith.constant 0 : i32
    %c0_i32_0 = arith.constant 0 : i32
    %c0_i32_1 = arith.constant 0 : i32
    return %c0_i32, %c0_i32_0 : i32, i32
  }
  func.func @transform_7(%arg0: i32) -> (i32, i32) {
    %c0_i32 = arith.constant 0 : i32
    %c0_i32_0 = arith.constant 0 : i32
    %c0_i32_1 = arith.constant 0 : i32
    return %c0_i32, %c0_i32_0 : i32, i32
  }
  func.func @transform_8(%arg0: i32) -> (i32, i32) {
    %c0_i32 = arith.constant 0 : i32
    %c0_i32_0 = arith.constant 0 : i32
    %c0_i32_1 = arith.constant 0 : i32
    return %c0_i32, %c0_i32_0 : i32, i32
  }
  func.func @transform_9(%arg0: i32) -> (i32, i32) {
    %c0_i32 = arith.constant 0 : i32
    %c0_i32_0 = arith.constant 0 : i32
    return %arg0, %c0_i32 : i32, i32
  }
  func.func @transform_10(%arg0: i32) -> (i32, i32) {
    %c0_i32 = arith.constant 0 : i32
    %c0_i32_0 = arith.constant 0 : i32
    return %arg0, %c0_i32 : i32, i32
  }
}

</mosaic_0001>

<sc_bundles>
// kernel: kernel.24.cloned.1.call-start
scs
__scs_entry_jumppad:
0x0: {  	(pc) =	sbr.rel $0x88, $3  }
0x1: {  	(tag) =	ssettag $0x0;
	lr =	simm.s32 $0x1  }
0x2: {  	[smem:$0x3F99] =	sst lr;
	_ =	strace $0xD0000000  }
0x3: {  	_ = 	snop  }
0x4: {  	_ = 	snop  }
0x5: {  	_ = 	snop  }
0x6: {  	_ = 	snop  }
0x7: {  	_ = 	snop  }
__scs_overlays_trampoline_lowered:
0x8: {  	[smem:$0x3FA8] =	sst s0  }
0x9: {  	[smem:$0x3FA9] =	sst s1  }
0xa: {  	[smem:$0x3FAA] =	sst s2  }
0xb: {  	[smem:$0x3FAB] =	sst s3  }
0xc: {  	[smem:$0x3FAC] =	sst s4  }
0xd: {  	[smem:$0x3FAD] =	sst s5  }
0xe: {  	[smem:$0x3FAE] =	sst s6  }
0xf: {  	[smem:$0x3FAF] =	sst s7  }
0x10: {  	[smem:$0x3FB0] =	sst s8  }
0x11: {  	[smem:$0x3FB1] =	sst s9;
	s0 =	simm.s32 @!p0 $0x0  }
0x12: {  	s1 =	sld [smem:$0x3F97];
	s0 =	simm.s32 @p0 $0x1  }
0x13: {  	[smem:$0x3FB2] =	sst s0;
	s0 =	simm.s32 @!p1 $0x0  }
0x14: {  	s2 =	sld [smem:$0x3F96];
	s0 =	simm.s32 @p1 $0x1  }
0x15: {  	[smem:$0x3FB3] =	sst s0;
	s0 =	simm.s32 @!p2 $0x0  }
0x16: {  	s3 =	sld [smem:$0x3FDB];
	s0 =	simm.s32 @p2 $0x1  }
0x17: {  	s4 =	simm.s32 $0x1BF5;
	[smem:$0x3FB5] =	sst s0  }
0x18: {  	s0 =	sld [smem:$0x3F98];
	_ =	swait.ge [sflag:s4], $0x0  }
0x19: {  	s7 =	sld [smem:$0x3F99]  }
0x1a: {  	s8 =	sadd.s32 $0xFFFFE003, lr  }
0x1b: {  	s9 =	sadd.s32 $0xFFFFFEF7, lr;
	s5 =	simm.s32 $0xFFFFFFFF;
	p2 =	slt.u32 s8, $0xFFFFF086  }
0x1c: {  	p1 =	slt.u32 s9, $0xF7A;
	s5 =	simm.s32 @!p2 $0x0  }
0x1d: {  	s5 =	simm.s32 @p1 $0x1;
	p0 =	seq.s32 s7, s2  }
0x1e: {  	s7 =	smul.u32 @!p0 $0xF7A, s2;
	p2 =	seq.s32 @!p0 s5, $0x0  }
0x1f: {  	s9 =	smul.u32 $0xF7A, s1;
	s8 =	simm.s32 @!p0 $0x1BF5;
	p2 =	por !p2, p0  }
0x20: {  	[sflag:s8] =	ssyncset.s32 @!p0 $0xFFFFF086;
	s6 =	sadd.s32 @!p0 s3, s7;
	s7 =	simm.s32 @!p0 $0x108  }
0x21: {  	s3 =	sadd.s32 s3, s9;
	s6 =	sadd.s32 @!p0 $0x88, s6;
	s7 =	simm.s32 @p2 $0x1082  }
0x22: {  	[simem:s7], [sflag:s8] =	dma.local @!p0 [hbm:s6], $0xF7A  }
0x23: {  	s9 =	sor.u32 $0xD0000000, s2;
	s6 =	simm.s32 $0x108;
	_ =	swait.ge @!p0 [sflag:s8], $0x0  }
0x24: {  	s3 =	sadd.s32 $0x88, s3;
	s6 =	simm.s32 @!p1 $0x1082;
	[sflag:s4] =	ssyncset.s32 $0xFFFFF086  }
0x25: {  	[simem:s6], [sflag:s4] =	dma.local [hbm:s3], $0xF7A  }
0x26: {  	[smem:$0x3F99] =	sst s1;
	(tag) =	ssettag s2;
	_ =	strace s9  }
0x27: {  	s1 =	sld [smem:$0x3FA9]  }
0x28: {  	s2 =	sld [smem:$0x3FAA]  }
0x29: {  	s4 =	sld [smem:$0x3FAC]  }
0x2a: {  	p0 =	seq.s32 s5, $0x0;
	s5 =	sld [smem:$0x3FAD]  }
0x2b: {  	s6 =	sld [smem:$0x3FAE]  }
0x2c: {  	s7 =	sld [smem:$0x3FAF]  }
0x2d: {  	s3 =	simm.s32 $0x108;
	s8 =	sld [smem:$0x3FB0]  }
0x2e: {  	s3 =	simm.s32 @!p0 $0x1082;
	s9 =	sld [smem:$0x3FB1]  }
0x2f: {  	lr =	sadd.s32 s0, s3;
	s0 =	sld [smem:$0x3FA8]  }
0x30: {  	s3 =	sld [smem:$0x3FAB]  }
0x31: {  	[smem:$0x3FB4] =	sst s10  }
0x32: {  	s10 =	sld [smem:$0x3FB2];
	_ =	sdelay $0x3  }
0x33: {  	p0 =	seq.s32 s10, $0x1;
	s10 =	sld [smem:$0x3FB4];
	_ =	sdelay $0x3  }
0x34: {  	[smem:$0x3FB4] =	sst s10  }
0x35: {  	s10 =	sld [smem:$0x3FB3];
	_ =	sdelay $0x3  }
0x36: {  	p1 =	seq.s32 s10, $0x1;
	s10 =	sld [smem:$0x3FB4];
	_ =	sdelay $0x3  }
0x37: {  	[smem:$0x3FB4] =	sst s10  }
0x38: {  	s10 =	sld [smem:$0x3FB5]  }
0x39: {  	_ = 	snop;
	(pc) =	sbr.ind lr, $3  }
0x3a: {  	_ = 	snop  }
0x3b: {  	_ = 	snop  }
0x3c: {  	p2 =	seq.s32 s10, $0x1;
	s10 =	sld [smem:$0x3FB4]  }
0x3d: {  	_ =	shalt  }
0x3e: {  	_ =	shalt  }
0x3f: {  	_ =	shalt  }
0x40: {  	_ =	shalt  }
0x41: {  	_ =	shalt  }
0x42: {  	_ =	shalt  }
0x43: {  	_ =	shalt  }
0x44: {  	_ =	shalt  }
0x45: {  	_ =	shalt  }
0x46: {  	_ =	shalt  }
0x47: {  	_ =	shalt  }
0x48: {  	_ =	shalt  }
0x49: {  	_ =	shalt  }
0x4a: {  	_ =	shalt  }
0x4b: {  	_ =	shalt  }
0x4c: {  	_ =	shalt  }
0x4d: {  	_ =	shalt  }
0x4e: {  	_ =	shalt  }
0x4f: {  	_ =	shalt  }
0x50: {  	_ =	shalt  }
0x51: {  	_ =	shalt  }
0x52: {  	_ =	shalt  }
0x53: {  	_ =	shalt  }
0x54: {  	_ =	shalt  }
0x55: {  	_ =	shalt  }
0x56: {  	_ =	shalt  }
0x57: {  	_ =	shalt  }
0x58: {  	_ =	shalt  }
0x59: {  	_ =	shalt  }
0x5a: {  	_ =	shalt  }
0x5b: {  	_ =	shalt  }
0x5c: {  	_ =	shalt  }
0x5d: {  	_ =	shalt  }
0x5e: {  	_ =	shalt  }
0x5f: {  	_ =	shalt  }
0x60: {  	_ =	shalt  }
0x61: {  	_ =	shalt  }
0x62: {  	_ =	shalt  }
0x63: {  	_ =	shalt  }
0x64: {  	_ =	shalt  }
0x65: {  	_ =	shalt  }
0x66: {  	_ =	shalt  }
0x67: {  	_ =	shalt  }
0x68: {  	_ =	shalt  }
0x69: {  	_ =	shalt  }
0x6a: {  	_ =	shalt  }
0x6b: {  	_ =	shalt  }
0x6c: {  	_ =	shalt  }
0x6d: {  	_ =	shalt  }
0x6e: {  	_ =	shalt  }
0x6f: {  	_ =	shalt  }
0x70: {  	_ =	shalt  }
0x71: {  	_ =	shalt  }
0x72: {  	_ =	shalt  }
0x73: {  	_ =	shalt  }
0x74: {  	_ =	shalt  }
0x75: {  	_ =	shalt  }
0x76: {  	_ =	shalt  }
0x77: {  	_ =	shalt  }
0x78: {  	_ =	shalt  }
0x79: {  	_ =	shalt  }
0x7a: {  	_ =	shalt  }
0x7b: {  	_ =	shalt  }
0x7c: {  	_ =	shalt  }
0x7d: {  	_ =	shalt  }
0x7e: {  	_ =	shalt  }
0x7f: {  	_ =	shalt  }
0x80: {  	_ =	shalt  }
0x81: {  	_ =	shalt  }
0x82: {  	_ =	shalt  }
0x83: {  	_ =	shalt  }
0x84: {  	_ =	shalt  }
0x85: {  	_ =	shalt  }
0x86: {  	_ =	shalt  }
0x87: {  	_ =	shalt  }
.Lfunc_end0:
.L_simem_size_0:
called_computation_lowered:
.L_overlay_start_0:
0x88: {  	s2 =	sld [smem:$0x3FD9]  }
0x89: {  	s3 =	sld [smem:$0x3FFE];
	_ =	sdelay $0x1  }
0x8a: {  	s1 =	srdreg.scid  }
0x8b: {  	s0 =	sand.u32 $0x1, s1  }
0x8c: {  	s14 =	sshll.u32 s0, $0xA;
	s2 =	sadd.s32 s3, s2  }
0x8d: {  	s2 =	sadd.s32 s2, s14  }
0x8e: {  	[smem:$0x3FC0] =	sst s2  }
0x8f: {  	_ = 	snop  }
0x90: {  	s2 =	sld [smem:$0x3FD0];
	_ =	sdelay $0x2  }
0x91: {  	s15 =	simm.s32 $0xA;
	s4 =	simm.s32 $0x10  }
0x92: {  	[smem:s4], [sflag:s15] =	dma.local [hbm:s2], $0x1  }
0x93: {  	_ =	swait.eq [sflag:s15], $0x1  }
0x94: {  	[sflag:s15] =	ssyncset.done $0x0  }
0x95: {  	[sflag:s15] =	ssyncadd.s32 $0xFFFFFFFF  }
0x96: {  	s16 =	sld [smem:$0x11];
	(tm) =	ssettm $0x1  }
0x97: {  	s17 =	sld [smem:$0x3FFB];
	_ =	sdelay $0x3  }
0x98: {  	_ =	strace s17  }
0x99: {  	s3 =	sld [smem:$0x3FFC];
	_ =	sdelay $0x3  }
0x9a: {  	_ =	strace s3  }
0x9b: {  	s3 =	sld [smem:$0x3FFD];
	_ =	sdelay $0x3  }
0x9c: {  	_ =	strace s3  }
0x9d: {  	_ =	strace $0x8FFFFFFF  }
0x9e: {  	s18 =	sld [smem:$0x3FDB];
	_ =	sdelay $0x1  }
0x9f: {  	s19 =	simm.s32 $_scs_section_size  }
0xa0: {  	s5 =	simm.s32 $_size__tile_overlayer_lowered;
	s6 =	simm.s32 $_tile_overlayer_lowered  }
0xa1: {  	s22 =	simm.s32 $0x1BFF;
	s21 =	sshll.u32 s6, $0x1;
	s3 =	sadd.s32 s19, s18  }
0xa2: {  	s7 =	simm.s32 $0x0;
	s20 =	sshll.u32 s5, $0x1;
	s5 =	sadd.s32 s21, s3  }
0xa3: {  	[timem:s7], [sflag:s22] =	dma.local [hbm:s5], s20  }
0xa4: {  	_ =	swait.ge [sflag:s22], s20  }
0xa5: {  	s4 =	ssub.s32 $0x0, s20;
	[sflag:s22] =	ssyncset.done $0x0  }
0xa6: {  	[sflag:s22] =	ssyncadd.s32 s4;
	_ =	sdelay $0x1  }
0xa7: {  	s23 =	simm.s32 $0x1B8B  }
0xa8: {  	_ =	swait.ge [sflag:s23], $0x1  }
0xa9: {  	[sflag:s23] =	ssyncset.done $0x0  }
0xaa: {  	s25 =	simm.s32 $0x1B8E;
	s24 =	sld [smem:$0x3FFE];
	[sflag:s23] =	ssyncadd.s32 $0xFFFFFFFF  }
0xab: {  	s26 =	simm.s32 $execute0_lowered;
	[smem:$0x3FD2] =	sst s25  }
0xac: {  	s5 =	sshll.u32 s26, $0x1;
	_ =	strace $0x80000046;
	[dreg:$0x1] =	wrdreg $0xFFFFFFFF  }
0xad: {  	s28 =	simm.s32 $_size_execute0_lowered;
	s3 =	sadd.s32 s3, s5;
	[dreg:$0x0] =	wrdreg $0x0  }
0xae: {  	s5 =	sshll.u32 s28, $0x1;
	[dreg:$0x2] =	wrdreg s3  }
0xaf: {  	[dreg:$0x3] =	wrdreg s5  }
0xb0: {  	[dreg:$0x4] =	wrdreg $0xC0  }
0xb1: {  	_ =	task [dreg:s7], $0x5FFFF  }
0xb2: {  	[dreg:$0x1] =	wrdreg $0xFFFFFFFF  }
0xb3: {  	[dreg:$0x0] =	wrdreg $0x60  }
0xb4: {  	[dreg:$0x2] =	wrdreg s16  }
0xb5: {  	[dreg:$0x3] =	wrdreg s24  }
0xb6: {  	[dreg:$0x4] =	wrdreg $0x40800  }
0xb7: {  	[dreg:$0x5] =	wrdreg $0x9  }
0xb8: {  	_ =	task.clear_ibuf [dreg:s7], $0x6FFFF;
	_ =	strace $0x90000046  }
0xb9: {  	s29 =	simm.s32 $0x9;
	_ =	strace $0x80000048  }
0xba: {  	_ =	swait.ge [sflag:s29], $0x1  }
0xbb: {  	[sflag:s29] =	ssyncadd.s32 $0xFFFFFFFF  }
0xbc: {  	_ =	strace $0x90000048  }
0xbd: {  	_ =	sfence  }
0xbe: {  	s30 =	sld [smem:$0x0];
	_ =	sdelay $0x2  }
0xbf: {  	s31 =	sshll.u32 s1, $0xD;
	s1 =	sshrl.u32 s1, $0x2  }
0xc0: {  	s3 =	sand.u32 $0x4000, s31;
	s1 =	sadd.s32 s1, s30  }
0xc1: {  	s0 =	sor.u32 s3, s0;
	s1 =	sshll.u32 s1, $0x11  }
0xc2: {  	s0 =	sor.u32 s1, s0  }
0xc3: {  	s0 =	sadd.s32 $0x8F2B, s0  }
0xc4: {  	[sflag:s0] =	ssyncadd.remote.s32 $0x1  }
0xc5: {  	_ =	sfence.sel $0xFFFF  }
0xc6: {  	[dreg:$0x0] =	wrdreg $0xFFFFFFFF;
	(pc) =	sbr.abs _section_cstart, $3  }
0xc7: {  	[dreg:$0x1] =	wrdreg $0xFFFFFFFF  }
0xc8: {  	_ =	task.clear_ibuf [dreg:s7], $0x2FFFF;
	_ =	strace $0x9FFFFFFF  }
0xc9: {  	(tm) =	ssettm $0x7FFFFFFF  }
tec
execute0_lowered:
.L_overlay_start_1:
0x0: {  	(tag) =	ssettag $0x1  }
0x1: {  	s5 =	rddreg [dreg:$0x0]  }
0x2: {  	s4 =	rddreg [dreg:$0x1]  }
0x3: {  	s2 =	rddreg [dreg:$0x2]  }
0x4: {  	s0 =	rddreg [dreg:$0x3]  }
0x5: {  	s1 =	stileid.u32;
	s6 =	srdreg.scid  }
0x6: {  	s3 =	simm.s32 $0x0;
	s12 =	simm.s32 $0x4000;
	s13 =	simm.s32 $0x1  }
0x7: {  	s14 =	simm.s32 $0x20;
	s15 =	simm.s32 $0x10;
	s16 =	simm.s32 $0x0  }
0x8: {  	s6 =	sand.u32 $0x1, s6;
	s7 =	smul.u32 $0x500, s1;
	[smem:$0x7FF] =	sst s3  }
0x9: {  	s8 =	smul.u32 $0x280, s1;
	s30 =	sshll.u32 s1, $0xB;
	s31 =	sshll.u32 s1, $0x6  }
0xa: {  	s9 =	sshll.u32 s6, $0x7;
	_ =	strace $0x80000047;
	s28 =	ssub.s32 $0x2, s6  }
0xb: {  	s6 =	sshll.u32 s6, $0xF;
	s7 =	sor.u32 s9, s7;
	s10 =	sshrl.u32 s8, $0x3  }
0xc: {  	s11 =	sshrl.u32 s28, $0x1;
	s29 =	sadd.s32 s8, s2;
	s8 =	sadd.s32 s5, s30  }
0xd: {  	s5 =	sor.u32 $0x1C02, s31;
	s7 =	sshrl.u32 s7, $0x3;
	s10 =	sadd.s32 s10, s4  }
0xe: {  	s9 =	ssub.s32 s28, s11;
	s6 =	sadd.s32 s6, s8;
	s11 =	simm.s32 $0x50  }
0xf: {  	s7 =	sadd.s32 s7, s4;
	s4 =	sadd.s32 $0x6200, s10;
	s8 =	smax.u32 s9, $0x1  }
0x10: {  	v0 =	vimm.f32 $1.000000000e+00;
	s9 =	sshrl.u32 s29, $0x3;
	s10 =	simm.s32 $0x2;
	s7 =	sadd.s32 $0x6800, s7  }
.LBB2_1:
0x11: {  	[tilespmem:$0x4000] =	vst v0  }
0x12: {  	[tilespmem:$0x4010] =	vst v0  }
0x13: {  	[tilespmem:$0x4020] =	vst v0  }
0x14: {  	[tilespmem:$0x4030] =	vst v0  }
0x15: {  	[tilespmem:$0x4040] =	vst v0  }
0x16: {  	[spmem:s9], [sflag:s5] =	dma.local [hbm:s4], $0x50  }
0x17: {  	_ =	swait.ge [sflag:s10], $0x50  }
0x18: {  	[sflag:s10] =	ssyncset.done $0x0  }
0x19: {  	[sflag:s10] =	ssyncadd.s32 $0xFFFFFFB0  }
0x1a: {  	[bflag:$0x0] =	sbarrier.arrive $0xFFFF  }
0x1b: {  	[tilespmem:s3], [sflag:$0x2] =	stream.linear.gather [hbm4b:s6+s3], $0x3E80, $0x38;
	[tilespmem:$0x4300] =	vst v63  }
0x1c: {  	_ =	swait.ge [sflag:s10], $0x3E80  }
0x1d: {  	[sflag:s10] =	ssyncset.done $0x0  }
0x1e: {  	s17 =	simm.s32 $0x0;
	[sflag:s10] =	ssyncadd.s32 $0xFFFFC180  }
.LBB2_2:
0x1f: {  	p0 =	sne.s32 s17, $0xF800  }
.Ltmp0:
0x20: {  	_ = 	snop;
	(pc) =	sbr.rel @p0 .LBB2_2-.Ltmp0, $3  }
0x21: {  	_ =	sdelay $0x1  }
0x22: {  	s18 =	sshra.s32 s17, $0x2;
	s17 =	sadd.s32 $0x200, s17  }
0x23: {  	[spmem:s2] =	stream.indirect.scatter.add.f32 [tilespmem:s12], [sflag:$0x1], $0x1, s18, s11, $0xb8;
	[tilespmem:$0x4300] =	vst v63  }
0x24: {  	_ =	swait.ge [sflag:s13], $0x50  }
0x25: {  	s17 =	simm.s32 $0x7C;
	[sflag:s13] =	ssyncset.done $0x0  }
.LBB2_4:
0x26: {  	p0 =	sne.s32 s17, $0x1;
	s17 =	sadd.s32 $0xFFFFFFFF, s17;
	[sflag:s13] =	ssyncadd.s32 $0xFFFFFFB0  }
.Ltmp1:
0x27: {  	(pc) =	sbr.rel @p0 .LBB2_4-.Ltmp1, $3  }
0x28: {  	_ =	sdelay $0x1  }
0x29: {  	_ =	swait.ge [sflag:s13], $0x50  }
0x2a: {  	[sflag:s13] =	ssyncset.done $0x0  }
0x2b: {  	s16 =	sadd.s32 $0x1, s16  }
0x2c: {  	[sflag:s13] =	ssyncadd.s32 $0xFFFFFFB0;
	p0 =	sne.s32 s16, s8  }
.Ltmp2:
0x2d: {  	[bflag:$0x0] =	sbarrier.arrive $0xFFFF;
	(pc) =	sbr.rel @p0 .LBB2_1-.Ltmp2, $4  }
0x2e: {  	[hbm:s7@s14], [sflag:s5] =	dma.strided [spmem:s9@s15], $0x50, s13, $0x10   }
0x2f: {  	_ =	swait.ge [sflag:s10], $0x50  }
0x30: {  	[sflag:s10] =	ssyncset.done $0x0  }
0x31: {  	[sflag:s10] =	ssyncadd.s32 $0xFFFFFFB0  }
0x32: {  	_ =	sfence.sel $0x180000  }
0x33: {  	[bflag:$0x0] =	sbarrier.arrive $0xFFFF  }
0x34: {  	p0 =	sne.s32 s1, $0x0;
	_ =	strace $0x90000047  }
0x35: {  	s0 =	sadd.s32 @!p0 $0x100000, s0;
	[bflag:$0x2] =	sbarrier.arrive $0xFFFF  }
0x36: {  	[sflag:s0] =	ssyncadd.tile.s32 @!p0 $0x1;
	_ =	shalt  }
.Lfunc_end2:
_tile_overlayer_lowered:
.L_overlay_start_2:
0x37: {  	(tag) =	ssettag $0x2  }
0x38: {  	s0 =	rddreg [dreg:$0x0];
	s2 =	stileid.u32  }
0x39: {  	s1 =	rddreg [dreg:$0x1];
	p0 =	sne.s32 s2, $0x0  }
0x3a: {  	s3 =	rddreg [dreg:$0x2];
	[bflag:$0x3] =	sbarrier.arrive $0xFFFF;
	s2 =	simm.s32 @!p0 $0x1C02  }
0x3b: {  	[timem:s3], [sflag:s2] =	dma.local @!p0 [hbm:s0], s1  }
0x3c: {  	s0 =	simm.s32 @!p0 $0x2  }
0x3d: {  	_ =	swait.ge @!p0 [sflag:s0], s1  }
0x3e: {  	s1 =	ssub.s32 @!p0 $0x0, s1;
	[sflag:s0] =	ssyncset.done @!p0 $0x0  }
0x3f: {  	[sflag:s0] =	ssyncadd.s32 @!p0 s1  }
0x40: {  	[bflag:$0x3] =	sbarrier.arrive $0xFFFF  }
0x41: {  	_ =	shalt  }

// kernel: kernel.27.cloned.1.call-start
scs
__scs_entry_jumppad:
0x0: {  	(pc) =	sbr.rel $0x88, $3  }
0x1: {  	(tag) =	ssettag $0x0;
	lr =	simm.s32 $0x1  }
0x2: {  	[smem:$0x3F99] =	sst lr;
	_ =	strace $0xD0000000  }
0x3: {  	_ = 	snop  }
0x4: {  	_ = 	snop  }
0x5: {  	_ = 	snop  }
0x6: {  	_ = 	snop  }
0x7: {  	_ = 	snop  }
__scs_overlays_trampoline_lowered:
0x8: {  	[smem:$0x3FA8] =	sst s0  }
0x9: {  	[smem:$0x3FA9] =	sst s1  }
0xa: {  	[smem:$0x3FAA] =	sst s2  }
0xb: {  	[smem:$0x3FAB] =	sst s3  }
0xc: {  	[smem:$0x3FAC] =	sst s4  }
0xd: {  	[smem:$0x3FAD] =	sst s5  }
0xe: {  	[smem:$0x3FAE] =	sst s6  }
0xf: {  	[smem:$0x3FAF] =	sst s7  }
0x10: {  	[smem:$0x3FB0] =	sst s8  }
0x11: {  	[smem:$0x3FB1] =	sst s9;
	s0 =	simm.s32 @!p0 $0x0  }
0x12: {  	s1 =	sld [smem:$0x3F97];
	s0 =	simm.s32 @p0 $0x1  }
0x13: {  	[smem:$0x3FB2] =	sst s0;
	s0 =	simm.s32 @!p1 $0x0  }
0x14: {  	s2 =	sld [smem:$0x3F96];
	s0 =	simm.s32 @p1 $0x1  }
0x15: {  	[smem:$0x3FB3] =	sst s0;
	s0 =	simm.s32 @!p2 $0x0  }
0x16: {  	s3 =	sld [smem:$0x3FDB];
	s0 =	simm.s32 @p2 $0x1  }
0x17: {  	s4 =	simm.s32 $0x1BF5;
	[smem:$0x3FB5] =	sst s0  }
0x18: {  	s0 =	sld [smem:$0x3F98];
	_ =	swait.ge [sflag:s4], $0x0  }
0x19: {  	s7 =	sld [smem:$0x3F99]  }
0x1a: {  	s8 =	sadd.s32 $0xFFFFE003, lr  }
0x1b: {  	s9 =	sadd.s32 $0xFFFFFEF7, lr;
	s5 =	simm.s32 $0xFFFFFFFF;
	p2 =	slt.u32 s8, $0xFFFFF086  }
0x1c: {  	p1 =	slt.u32 s9, $0xF7A;
	s5 =	simm.s32 @!p2 $0x0  }
0x1d: {  	s5 =	simm.s32 @p1 $0x1;
	p0 =	seq.s32 s7, s2  }
0x1e: {  	s7 =	smul.u32 @!p0 $0xF7A, s2;
	p2 =	seq.s32 @!p0 s5, $0x0  }
0x1f: {  	s9 =	smul.u32 $0xF7A, s1;
	s8 =	simm.s32 @!p0 $0x1BF5;
	p2 =	por !p2, p0  }
0x20: {  	[sflag:s8] =	ssyncset.s32 @!p0 $0xFFFFF086;
	s6 =	sadd.s32 @!p0 s3, s7;
	s7 =	simm.s32 @!p0 $0x108  }
0x21: {  	s3 =	sadd.s32 s3, s9;
	s6 =	sadd.s32 @!p0 $0x88, s6;
	s7 =	simm.s32 @p2 $0x1082  }
0x22: {  	[simem:s7], [sflag:s8] =	dma.local @!p0 [hbm:s6], $0xF7A  }
0x23: {  	s9 =	sor.u32 $0xD0000000, s2;
	s6 =	simm.s32 $0x108;
	_ =	swait.ge @!p0 [sflag:s8], $0x0  }
0x24: {  	s3 =	sadd.s32 $0x88, s3;
	s6 =	simm.s32 @!p1 $0x1082;
	[sflag:s4] =	ssyncset.s32 $0xFFFFF086  }
0x25: {  	[simem:s6], [sflag:s4] =	dma.local [hbm:s3], $0xF7A  }
0x26: {  	[smem:$0x3F99] =	sst s1;
	(tag) =	ssettag s2;
	_ =	strace s9  }
0x27: {  	s1 =	sld [smem:$0x3FA9]  }
0x28: {  	s2 =	sld [smem:$0x3FAA]  }
0x29: {  	s4 =	sld [smem:$0x3FAC]  }
0x2a: {  	p0 =	seq.s32 s5, $0x0;
	s5 =	sld [smem:$0x3FAD]  }
0x2b: {  	s6 =	sld [smem:$0x3FAE]  }
0x2c: {  	s7 =	sld [smem:$0x3FAF]  }
0x2d: {  	s3 =	simm.s32 $0x108;
	s8 =	sld [smem:$0x3FB0]  }
0x2e: {  	s3 =	simm.s32 @!p0 $0x1082;
	s9 =	sld [smem:$0x3FB1]  }
0x2f: {  	lr =	sadd.s32 s0, s3;
	s0 =	sld [smem:$0x3FA8]  }
0x30: {  	s3 =	sld [smem:$0x3FAB]  }
0x31: {  	[smem:$0x3FB4] =	sst s10  }
0x32: {  	s10 =	sld [smem:$0x3FB2];
	_ =	sdelay $0x3  }
0x33: {  	p0 =	seq.s32 s10, $0x1;
	s10 =	sld [smem:$0x3FB4];
	_ =	sdelay $0x3  }
0x34: {  	[smem:$0x3FB4] =	sst s10  }
0x35: {  	s10 =	sld [smem:$0x3FB3];
	_ =	sdelay $0x3  }
0x36: {  	p1 =	seq.s32 s10, $0x1;
	s10 =	sld [smem:$0x3FB4];
	_ =	sdelay $0x3  }
0x37: {  	[smem:$0x3FB4] =	sst s10  }
0x38: {  	s10 =	sld [smem:$0x3FB5]  }
0x39: {  	_ = 	snop;
	(pc) =	sbr.ind lr, $3  }
0x3a: {  	_ = 	snop  }
0x3b: {  	_ = 	snop  }
0x3c: {  	p2 =	seq.s32 s10, $0x1;
	s10 =	sld [smem:$0x3FB4]  }
0x3d: {  	_ =	shalt  }
0x3e: {  	_ =	shalt  }
0x3f: {  	_ =	shalt  }
0x40: {  	_ =	shalt  }
0x41: {  	_ =	shalt  }
0x42: {  	_ =	shalt  }
0x43: {  	_ =	shalt  }
0x44: {  	_ =	shalt  }
0x45: {  	_ =	shalt  }
0x46: {  	_ =	shalt  }
0x47: {  	_ =	shalt  }
0x48: {  	_ =	shalt  }
0x49: {  	_ =	shalt  }
0x4a: {  	_ =	shalt  }
0x4b: {  	_ =	shalt  }
0x4c: {  	_ =	shalt  }
0x4d: {  	_ =	shalt  }
0x4e: {  	_ =	shalt  }
0x4f: {  	_ =	shalt  }
0x50: {  	_ =	shalt  }
0x51: {  	_ =	shalt  }
0x52: {  	_ =	shalt  }
0x53: {  	_ =	shalt  }
0x54: {  	_ =	shalt  }
0x55: {  	_ =	shalt  }
0x56: {  	_ =	shalt  }
0x57: {  	_ =	shalt  }
0x58: {  	_ =	shalt  }
0x59: {  	_ =	shalt  }
0x5a: {  	_ =	shalt  }
0x5b: {  	_ =	shalt  }
0x5c: {  	_ =	shalt  }
0x5d: {  	_ =	shalt  }
0x5e: {  	_ =	shalt  }
0x5f: {  	_ =	shalt  }
0x60: {  	_ =	shalt  }
0x61: {  	_ =	shalt  }
0x62: {  	_ =	shalt  }
0x63: {  	_ =	shalt  }
0x64: {  	_ =	shalt  }
0x65: {  	_ =	shalt  }
0x66: {  	_ =	shalt  }
0x67: {  	_ =	shalt  }
0x68: {  	_ =	shalt  }
0x69: {  	_ =	shalt  }
0x6a: {  	_ =	shalt  }
0x6b: {  	_ =	shalt  }
0x6c: {  	_ =	shalt  }
0x6d: {  	_ =	shalt  }
0x6e: {  	_ =	shalt  }
0x6f: {  	_ =	shalt  }
0x70: {  	_ =	shalt  }
0x71: {  	_ =	shalt  }
0x72: {  	_ =	shalt  }
0x73: {  	_ =	shalt  }
0x74: {  	_ =	shalt  }
0x75: {  	_ =	shalt  }
0x76: {  	_ =	shalt  }
0x77: {  	_ =	shalt  }
0x78: {  	_ =	shalt  }
0x79: {  	_ =	shalt  }
0x7a: {  	_ =	shalt  }
0x7b: {  	_ =	shalt  }
0x7c: {  	_ =	shalt  }
0x7d: {  	_ =	shalt  }
0x7e: {  	_ =	shalt  }
0x7f: {  	_ =	shalt  }
0x80: {  	_ =	shalt  }
0x81: {  	_ =	shalt  }
0x82: {  	_ =	shalt  }
0x83: {  	_ =	shalt  }
0x84: {  	_ =	shalt  }
0x85: {  	_ =	shalt  }
0x86: {  	_ =	shalt  }
0x87: {  	_ =	shalt  }
.Lfunc_end0:
.L_simem_size_0:
called_computation.1_lowered:
.L_overlay_start_0:
0x88: {  	s2 =	sld [smem:$0x3FD9]  }
0x89: {  	s3 =	sld [smem:$0x3FFE];
	_ =	sdelay $0x1  }
0x8a: {  	s1 =	srdreg.scid  }
0x8b: {  	s0 =	sand.u32 $0x1, s1  }
0x8c: {  	s14 =	sshll.u32 s0, $0xA;
	s2 =	sadd.s32 s3, s2  }
0x8d: {  	s2 =	sadd.s32 s2, s14  }
0x8e: {  	[smem:$0x3FC0] =	sst s2  }
0x8f: {  	_ = 	snop  }
0x90: {  	s2 =	sld [smem:$0x3FD0];
	_ =	sdelay $0x2  }
0x91: {  	s15 =	simm.s32 $0xA;
	s4 =	simm.s32 $0x10  }
0x92: {  	[smem:s4], [sflag:s15] =	dma.local [hbm:s2], $0x1  }
0x93: {  	_ =	swait.eq [sflag:s15], $0x1  }
0x94: {  	[sflag:s15] =	ssyncset.done $0x0  }
0x95: {  	[sflag:s15] =	ssyncadd.s32 $0xFFFFFFFF  }
0x96: {  	s16 =	sld [smem:$0x10];
	(tm) =	ssettm $0x1  }
0x97: {  	s17 =	sld [smem:$0x3FFB];
	_ =	sdelay $0x3  }
0x98: {  	_ =	strace s17  }
0x99: {  	s3 =	sld [smem:$0x3FFC];
	_ =	sdelay $0x3  }
0x9a: {  	_ =	strace s3  }
0x9b: {  	s3 =	sld [smem:$0x3FFD];
	_ =	sdelay $0x3  }
0x9c: {  	_ =	strace s3  }
0x9d: {  	_ =	strace $0x8FFFFFFF  }
0x9e: {  	s18 =	sld [smem:$0x3FDB];
	_ =	sdelay $0x1  }
0x9f: {  	s19 =	simm.s32 $_scs_section_size  }
0xa0: {  	s5 =	simm.s32 $_size__tile_overlayer_lowered;
	s6 =	simm.s32 $_tile_overlayer_lowered  }
0xa1: {  	s22 =	simm.s32 $0x1BFF;
	s21 =	sshll.u32 s6, $0x1;
	s3 =	sadd.s32 s19, s18  }
0xa2: {  	s7 =	simm.s32 $0x0;
	s20 =	sshll.u32 s5, $0x1;
	s5 =	sadd.s32 s21, s3  }
0xa3: {  	[timem:s7], [sflag:s22] =	dma.local [hbm:s5], s20  }
0xa4: {  	_ =	swait.ge [sflag:s22], s20  }
0xa5: {  	s4 =	ssub.s32 $0x0, s20;
	[sflag:s22] =	ssyncset.done $0x0  }
0xa6: {  	[sflag:s22] =	ssyncadd.s32 s4;
	_ =	sdelay $0x1  }
0xa7: {  	s23 =	simm.s32 $0x1B8B  }
0xa8: {  	_ =	swait.ge [sflag:s23], $0x1  }
0xa9: {  	[sflag:s23] =	ssyncset.done $0x0  }
0xaa: {  	s25 =	simm.s32 $0x1B8E;
	s24 =	sld [smem:$0x3FFE];
	[sflag:s23] =	ssyncadd.s32 $0xFFFFFFFF  }
0xab: {  	s26 =	simm.s32 $execute0_lowered;
	[smem:$0x3FD2] =	sst s25  }
0xac: {  	s5 =	sshll.u32 s26, $0x1;
	_ =	strace $0x80000049;
	[dreg:$0x1] =	wrdreg $0xFFFFFFFF  }
0xad: {  	s28 =	simm.s32 $_size_execute0_lowered;
	s3 =	sadd.s32 s3, s5;
	[dreg:$0x0] =	wrdreg $0x0  }
0xae: {  	s5 =	sshll.u32 s28, $0x1;
	[dreg:$0x2] =	wrdreg s3  }
0xaf: {  	[dreg:$0x3] =	wrdreg s5  }
0xb0: {  	[dreg:$0x4] =	wrdreg $0xC0  }
0xb1: {  	_ =	task [dreg:s7], $0x5FFFF  }
0xb2: {  	[dreg:$0x1] =	wrdreg $0xFFFFFFFF  }
0xb3: {  	[dreg:$0x0] =	wrdreg $0x60  }
0xb4: {  	[dreg:$0x2] =	wrdreg s24  }
0xb5: {  	[dreg:$0x3] =	wrdreg s16  }
0xb6: {  	[dreg:$0x4] =	wrdreg $0xA9000  }
0xb7: {  	[dreg:$0x5] =	wrdreg $0x9  }
0xb8: {  	_ =	task.clear_ibuf [dreg:s7], $0x6FFFF;
	_ =	strace $0x90000049  }
0xb9: {  	s29 =	simm.s32 $0x9;
	_ =	strace $0x8000004B  }
0xba: {  	_ =	swait.ge [sflag:s29], $0x1  }
0xbb: {  	[sflag:s29] =	ssyncadd.s32 $0xFFFFFFFF  }
0xbc: {  	_ =	strace $0x9000004B  }
0xbd: {  	_ =	sfence  }
0xbe: {  	s30 =	sld [smem:$0x0];
	_ =	sdelay $0x2  }
0xbf: {  	s31 =	sshll.u32 s1, $0xD;
	s1 =	sshrl.u32 s1, $0x2  }
0xc0: {  	s3 =	sand.u32 $0x4000, s31;
	s1 =	sadd.s32 s1, s30  }
0xc1: {  	s0 =	sor.u32 s3, s0;
	s1 =	sshll.u32 s1, $0x11  }
0xc2: {  	s0 =	sor.u32 s1, s0  }
0xc3: {  	s0 =	sadd.s32 $0x8F2B, s0  }
0xc4: {  	[sflag:s0] =	ssyncadd.remote.s32 $0x1  }
0xc5: {  	_ =	sfence.sel $0xFFFF  }
0xc6: {  	[dreg:$0x0] =	wrdreg $0xFFFFFFFF;
	(pc) =	sbr.abs _section_cstart, $3  }
0xc7: {  	[dreg:$0x1] =	wrdreg $0xFFFFFFFF  }
0xc8: {  	_ =	task.clear_ibuf [dreg:s7], $0x2FFFF;
	_ =	strace $0x9FFFFFFF  }
0xc9: {  	(tm) =	ssettm $0x7FFFFFFF  }
tec
execute0_lowered:
.L_overlay_start_1:
0x0: {  	(tag) =	ssettag $0x1  }
0x1: {  	s5 =	rddreg [dreg:$0x0]  }
0x2: {  	s6 =	rddreg [dreg:$0x1]  }
0x3: {  	s1 =	rddreg [dreg:$0x2];
	s2 =	srdreg.scid  }
0x4: {  	s0 =	rddreg [dreg:$0x3];
	s3 =	simm.s32 $0x0;
	s15 =	simm.s32 $0x5800  }
0x5: {  	s16 =	simm.s32 $0x5880;
	s18 =	simm.s32 $0x1;
	s19 =	simm.s32 $0x28  }
0x6: {  	s20 =	simm.s32 $0x9500;
	s21 =	simm.s32 $0x78;
	s22 =	simm.s32 $0x5900  }
0x7: {  	s23 =	simm.s32 $0x3;
	s24 =	simm.s32 $0x2;
	s25 =	simm.s32 $0x0  }
0x8: {  	s7 =	sand.u32 $0x1, s2;
	s2 =	stileid.u32;
	[smem:$0x7FF] =	sst s3  }
0x9: {  	s4 =	sshll.u32 s7, $0x4;
	_ =	strace $0x8000004A;
	s10 =	smul.u32 $0x14000, s2  }
0xa: {  	s9 =	sshll.u32 s2, $0x4;
	s12 =	smul.u32 $0x140000, s7;
	s7 =	ssub.s32 $0x2, s7  }
0xb: {  	s30 =	smul.u32 $0x50000, s2;
	s4 =	sor.u32 s2, s4;
	s9 =	sand.u32 $0x70, s9  }
0xc: {  	s29 =	sshrl.u32 s7, $0x1;
	s8 =	smul.u32 $0x580, s4;
	s4 =	sshll.u32 s4, $0x4  }
0xd: {  	s26 =	sshrl.u32 s10, $0x3;
	s10 =	sadd.s32 s10, s12;
	s14 =	ssub.s32 s7, s29  }
0xe: {  	s31 =	sshrl.u32 s30, $0x2;
	s11 =	sand.u32 $0x180, s4;
	s4 =	sadd.s32 $0x3A600, s5  }
0xf: {  	s10 =	sshrl.u32 s10, $0x3;
	s17 =	sadd.s32 s31, s1;
	s13 =	sadd.s32 s8, s5  }
0x10: {  	s9 =	sor.u32 s9, s11;
	s11 =	sadd.s32 s26, s5;
	s28 =	sadd.s32 s10, s5  }
0x11: {  	s10 =	sshll.u32 s2, $0x6;
	s17 =	sshrl.u32 s17, $0x3;
	s9 =	sadd.s32 s9, s5  }
0x12: {  	s5 =	sadd.s32 s6, s8;
	s6 =	sadd.s32 $0x7600, s13;
	s12 =	sadd.s32 $0xB2600, s28  }
0x13: {  	s13 =	smax.u32 s14, $0x1;
	s14 =	simm.s32 $0x2C00;
	s7 =	sadd.s32 $0x7200, s9  }
0x14: {  	s8 =	sadd.s32 $0x7400, s9;
	s9 =	sadd.s32 $0x8A600, s11;
	s11 =	sor.u32 $0x1C01, s10  }
.LBB2_1:
0x15: {  	[tilespmem:s3], [sflag:$0x1] =	stream.linear.gather [hbm4b:s5+s3], $0x2980, $0x38;
	[tilespmem:$0x1E900] =	vst v63  }
0x16: {  	_ = 	snop  }
0x17: {  	[tilespmem:s14], [sflag:$0x1] =	stream.linear.gather [hbm4b:s6+s3], $0x2980, $0x38;
	[tilespmem:$0x1E900] =	vst v63  }
0x18: {  	_ = 	snop  }
0x19: {  	[tilespmem:s15], [sflag:$0x1] =	stream.linear.gather [hbm4b:s7+s3], $0x80, $0x38;
	[tilespmem:$0x1E900] =	vst v63  }
0x1a: {  	_ = 	snop  }
0x1b: {  	[tilespmem:s16], [sflag:$0x1] =	stream.linear.gather [hbm4b:s8+s3], $0x80, $0x38;
	[tilespmem:$0x1E900] =	vst v63  }
0x1c: {  	[spmem:s17], [sflag:s11] =	dma.local [hbm:s9], $0x2800  }
0x1d: {  	_ =	swait.ge [sflag:s18], $0x2980  }
0x1e: {  	[sflag:s18] =	ssyncset.done $0x0  }
0x1f: {  	[sflag:s18] =	ssyncadd.s32 $0xFFFFD680  }
0x20: {  	_ =	swait.ge [sflag:s18], $0x2980  }
0x21: {  	[sflag:s18] =	ssyncset.done $0x0  }
0x22: {  	[sflag:s18] =	ssyncadd.s32 $0xFFFFD680  }
0x23: {  	_ =	swait.ge [sflag:s18], $0x80  }
0x24: {  	[sflag:s18] =	ssyncset.done $0x0  }
0x25: {  	[sflag:s18] =	ssyncadd.s32 $0xFFFFFF80  }
0x26: {  	_ =	swait.ge [sflag:s18], $0x80  }
0x27: {  	[sflag:s18] =	ssyncset.done $0x0  }
0x28: {  	[sflag:s18] =	ssyncadd.s32 $0xFFFFFF80  }
0x29: {  	_ =	swait.ge [sflag:s18], $0x2800  }
0x2a: {  	[sflag:s18] =	ssyncset.done $0x0  }
0x2b: {  	[sflag:s18] =	ssyncadd.s32 $0xFFFFD800  }
0x2c: {  	[bflag:$0x0] =	sbarrier.arrive $0xFFFF  }
0x2d: {  	[tilespmem:s20], [sflag:$0x2] =	stream.indirect.gather [hbm4b:s4+s19], $0x80, s15, s19, $0xb8;
	[tilespmem:$0x1E900] =	vst v63  }
0x2e: {  	s26 =	simm.s32 $0x0  }
0x2f: {  	[tilespmem:s22], [sflag:$0x1] =	stream.indirect.gather [hbm4b:s4+s21], $0x80, s26, s21, $0xb8;
	[tilespmem:$0x1E900] =	vst v63  }
0x30: {  	_ =	swait.ge [sflag:s18], $0x3C00  }
0x31: {  	[sflag:s18] =	ssyncset.done $0x0  }
0x32: {  	s31 =	simm.s32 $0x2C00;
	[sflag:s18] =	ssyncadd.s32 $0xFFFFC400  }
0x33: {  	[spmem:s1] =	stream.indirect.scatter.add.f32 [tilespmem:s22], [sflag:$0x3], $0x80, s31, s21, $0xb8;
	[tilespmem:$0x1E900] =	vst v63  }
0x34: {  	_ =	swait.ge [sflag:s23], $0x3C00  }
0x35: {  	s28 =	simm.s32 $0x400;
	s26 =	simm.s32 $0x200;
	[sflag:s23] =	ssyncset.done $0x0  }
.LBB2_2:
0x36: {  	s29 =	sshra.s32 s26, $0x2  }
0x37: {  	[sflag:s23] =	ssyncadd.s32 $0xFFFFC400;
	s26 =	smov.u32 s28;
	s30 =	sadd.s32 $0x200, s28  }
0x38: {  	[tilespmem:s22], [sflag:$0x1] =	stream.indirect.gather [hbm4b:s4+s21], $0x80, s29, s21, $0xb8;
	[tilespmem:$0x1E900] =	vst v63  }
0x39: {  	p0 =	sne.s32 s28, $0xA400;
	_ =	swait.ge [sflag:s18], $0x3C00  }
.Ltmp0:
0x3a: {  	[sflag:s18] =	ssyncset.done $0x0;
	(pc) =	sbr.rel @p0 .LBB2_2-.Ltmp0, $4  }
0x3b: {  	s28 =	sadd.s32 $0x2C00, s29;
	[sflag:s18] =	ssyncadd.s32 $0xFFFFC400  }
0x3c: {  	[spmem:s1] =	stream.indirect.scatter.add.f32 [tilespmem:s22], [sflag:$0x3], $0x80, s28, s21, $0xb8;
	[tilespmem:$0x1E900] =	vst v63  }
0x3d: {  	_ =	swait.ge [sflag:s23], $0x3C00  }
0x3e: {  	s28 =	smov.u32 s30;
	[sflag:s23] =	ssyncset.done $0x0  }
0x3f: {  	s26 =	sshra.s32 s26, $0x2;
	[sflag:s23] =	ssyncadd.s32 $0xFFFFC400  }
0x40: {  	[tilespmem:s22], [sflag:$0x1] =	stream.indirect.gather [hbm4b:s4+s21], $0x80, s26, s21, $0xb8;
	[tilespmem:$0x1E900] =	vst v63  }
0x41: {  	_ =	swait.ge [sflag:s18], $0x3C00  }
0x42: {  	[sflag:s18] =	ssyncset.done $0x0  }
0x43: {  	s26 =	sadd.s32 $0x2C00, s26;
	[sflag:s18] =	ssyncadd.s32 $0xFFFFC400  }
0x44: {  	[spmem:s1] =	stream.indirect.scatter.add.f32 [tilespmem:s22], [sflag:$0x3], $0x80, s26, s21, $0xb8;
	[tilespmem:$0x1E900] =	vst v63  }
0x45: {  	_ =	swait.ge [sflag:s23], $0x3C00  }
0x46: {  	[sflag:s23] =	ssyncset.done $0x0  }
0x47: {  	[sflag:s23] =	ssyncadd.s32 $0xFFFFC400  }
0x48: {  	_ =	swait.ge [sflag:s24], $0x1400  }
0x49: {  	[sflag:s24] =	ssyncset.done $0x0  }
0x4a: {  	[sflag:s24] =	ssyncadd.s32 $0xFFFFEC00  }
0x4b: {  	[spmem:s1] =	stream.indirect.scatter.add.f32 [tilespmem:s20], [sflag:$0x3], $0x80, s16, s19, $0xb8;
	[tilespmem:$0x1E900] =	vst v63  }
0x4c: {  	_ =	swait.ge [sflag:s23], $0x1400  }
0x4d: {  	s25 =	sadd.s32 $0x1, s25;
	[sflag:s23] =	ssyncset.done $0x0  }
0x4e: {  	p0 =	sne.s32 s25, s13;
	[sflag:s23] =	ssyncadd.s32 $0xFFFFEC00  }
.Ltmp1:
0x4f: {  	s31 =	sor.u32 $0x1C03, s10;
	[bflag:$0x0] =	sbarrier.arrive $0xFFFF;
	(pc) =	sbr.rel @p0 .LBB2_1-.Ltmp1, $4  }
0x50: {  	[hbm:s12], [sflag:s31] =	dma.local [spmem:s17], $0x2800  }
0x51: {  	_ =	swait.ge [sflag:s23], $0x2800  }
0x52: {  	[sflag:s23] =	ssyncset.done $0x0  }
0x53: {  	[sflag:s23] =	ssyncadd.s32 $0xFFFFD800  }
0x54: {  	_ =	sfence.sel $0x180000  }
0x55: {  	[bflag:$0x0] =	sbarrier.arrive $0xFFFF  }
0x56: {  	p0 =	sne.s32 s2, $0x0;
	_ =	strace $0x9000004A  }
0x57: {  	s0 =	sadd.s32 @!p0 $0x100000, s0;
	[bflag:$0x2] =	sbarrier.arrive $0xFFFF  }
0x58: {  	[sflag:s0] =	ssyncadd.tile.s32 @!p0 $0x1;
	_ =	shalt  }
.Lfunc_end2:
_tile_overlayer_lowered:
.L_overlay_start_2:
0x59: {  	(tag) =	ssettag $0x2  }
0x5a: {  	s0 =	rddreg [dreg:$0x0];
	s2 =	stileid.u32  }
0x5b: {  	s1 =	rddreg [dreg:$0x1];
	p0 =	sne.s32 s2, $0x0  }
0x5c: {  	s3 =	rddreg [dreg:$0x2];
	[bflag:$0x3] =	sbarrier.arrive $0xFFFF;
	s2 =	simm.s32 @!p0 $0x1C03  }
0x5d: {  	[timem:s3], [sflag:s2] =	dma.local @!p0 [hbm:s0], s1  }
0x5e: {  	s0 =	simm.s32 @!p0 $0x3  }
0x5f: {  	_ =	swait.ge @!p0 [sflag:s0], s1  }
0x60: {  	s1 =	ssub.s32 @!p0 $0x0, s1;
	[sflag:s0] =	ssyncset.done @!p0 $0x0  }
0x61: {  	[sflag:s0] =	ssyncadd.s32 @!p0 s1  }
0x62: {  	[bflag:$0x3] =	sbarrier.arrive $0xFFFF  }
0x63: {  	_ =	shalt  }

// kernel: kernel.30.cloned.1.call-start
scs
__scs_entry_jumppad:
0x0: {  	(pc) =	sbr.rel $0x88, $3  }
0x1: {  	(tag) =	ssettag $0x0;
	lr =	simm.s32 $0x1  }
0x2: {  	[smem:$0x3F99] =	sst lr;
	_ =	strace $0xD0000000  }
0x3: {  	_ = 	snop  }
0x4: {  	_ = 	snop  }
0x5: {  	_ = 	snop  }
0x6: {  	_ = 	snop  }
0x7: {  	_ = 	snop  }
__scs_overlays_trampoline_lowered:
0x8: {  	[smem:$0x3FA8] =	sst s0  }
0x9: {  	[smem:$0x3FA9] =	sst s1  }
0xa: {  	[smem:$0x3FAA] =	sst s2  }
0xb: {  	[smem:$0x3FAB] =	sst s3  }
0xc: {  	[smem:$0x3FAC] =	sst s4  }
0xd: {  	[smem:$0x3FAD] =	sst s5  }
0xe: {  	[smem:$0x3FAE] =	sst s6  }
0xf: {  	[smem:$0x3FAF] =	sst s7  }
0x10: {  	[smem:$0x3FB0] =	sst s8  }
0x11: {  	[smem:$0x3FB1] =	sst s9;
	s0 =	simm.s32 @!p0 $0x0  }
0x12: {  	s1 =	sld [smem:$0x3F97];
	s0 =	simm.s32 @p0 $0x1  }
0x13: {  	[smem:$0x3FB2] =	sst s0;
	s0 =	simm.s32 @!p1 $0x0  }
0x14: {  	s2 =	sld [smem:$0x3F96];
	s0 =	simm.s32 @p1 $0x1  }
0x15: {  	[smem:$0x3FB3] =	sst s0;
	s0 =	simm.s32 @!p2 $0x0  }
0x16: {  	s3 =	sld [smem:$0x3FDB];
	s0 =	simm.s32 @p2 $0x1  }
0x17: {  	s4 =	simm.s32 $0x1BF5;
	[smem:$0x3FB5] =	sst s0  }
0x18: {  	s0 =	sld [smem:$0x3F98];
	_ =	swait.ge [sflag:s4], $0x0  }
0x19: {  	s7 =	sld [smem:$0x3F99]  }
0x1a: {  	s8 =	sadd.s32 $0xFFFFE003, lr  }
0x1b: {  	s9 =	sadd.s32 $0xFFFFFEF7, lr;
	s5 =	simm.s32 $0xFFFFFFFF;
	p2 =	slt.u32 s8, $0xFFFFF086  }
0x1c: {  	p1 =	slt.u32 s9, $0xF7A;
	s5 =	simm.s32 @!p2 $0x0  }
0x1d: {  	s5 =	simm.s32 @p1 $0x1;
	p0 =	seq.s32 s7, s2  }
0x1e: {  	s7 =	smul.u32 @!p0 $0xF7A, s2;
	p2 =	seq.s32 @!p0 s5, $0x0  }
0x1f: {  	s9 =	smul.u32 $0xF7A, s1;
	s8 =	simm.s32 @!p0 $0x1BF5;
	p2 =	por !p2, p0  }
0x20: {  	[sflag:s8] =	ssyncset.s32 @!p0 $0xFFFFF086;
	s6 =	sadd.s32 @!p0 s3, s7;
	s7 =	simm.s32 @!p0 $0x108  }
0x21: {  	s3 =	sadd.s32 s3, s9;
	s6 =	sadd.s32 @!p0 $0x88, s6;
	s7 =	simm.s32 @p2 $0x1082  }
0x22: {  	[simem:s7], [sflag:s8] =	dma.local @!p0 [hbm:s6], $0xF7A  }
0x23: {  	s9 =	sor.u32 $0xD0000000, s2;
	s6 =	simm.s32 $0x108;
	_ =	swait.ge @!p0 [sflag:s8], $0x0  }
0x24: {  	s3 =	sadd.s32 $0x88, s3;
	s6 =	simm.s32 @!p1 $0x1082;
	[sflag:s4] =	ssyncset.s32 $0xFFFFF086  }
0x25: {  	[simem:s6], [sflag:s4] =	dma.local [hbm:s3], $0xF7A  }
0x26: {  	[smem:$0x3F99] =	sst s1;
	(tag) =	ssettag s2;
	_ =	strace s9  }
0x27: {  	s1 =	sld [smem:$0x3FA9]  }
0x28: {  	s2 =	sld [smem:$0x3FAA]  }
0x29: {  	s4 =	sld [smem:$0x3FAC]  }
0x2a: {  	p0 =	seq.s32 s5, $0x0;
	s5 =	sld [smem:$0x3FAD]  }
0x2b: {  	s6 =	sld [smem:$0x3FAE]  }
0x2c: {  	s7 =	sld [smem:$0x3FAF]  }
0x2d: {  	s3 =	simm.s32 $0x108;
	s8 =	sld [smem:$0x3FB0]  }
0x2e: {  	s3 =	simm.s32 @!p0 $0x1082;
	s9 =	sld [smem:$0x3FB1]  }
0x2f: {  	lr =	sadd.s32 s0, s3;
	s0 =	sld [smem:$0x3FA8]  }
0x30: {  	s3 =	sld [smem:$0x3FAB]  }
0x31: {  	[smem:$0x3FB4] =	sst s10  }
0x32: {  	s10 =	sld [smem:$0x3FB2];
	_ =	sdelay $0x3  }
0x33: {  	p0 =	seq.s32 s10, $0x1;
	s10 =	sld [smem:$0x3FB4];
	_ =	sdelay $0x3  }
0x34: {  	[smem:$0x3FB4] =	sst s10  }
0x35: {  	s10 =	sld [smem:$0x3FB3];
	_ =	sdelay $0x3  }
0x36: {  	p1 =	seq.s32 s10, $0x1;
	s10 =	sld [smem:$0x3FB4];
	_ =	sdelay $0x3  }
0x37: {  	[smem:$0x3FB4] =	sst s10  }
0x38: {  	s10 =	sld [smem:$0x3FB5]  }
0x39: {  	_ = 	snop;
	(pc) =	sbr.ind lr, $3  }
0x3a: {  	_ = 	snop  }
0x3b: {  	_ = 	snop  }
0x3c: {  	p2 =	seq.s32 s10, $0x1;
	s10 =	sld [smem:$0x3FB4]  }
0x3d: {  	_ =	shalt  }
0x3e: {  	_ =	shalt  }
0x3f: {  	_ =	shalt  }
0x40: {  	_ =	shalt  }
0x41: {  	_ =	shalt  }
0x42: {  	_ =	shalt  }
0x43: {  	_ =	shalt  }
0x44: {  	_ =	shalt  }
0x45: {  	_ =	shalt  }
0x46: {  	_ =	shalt  }
0x47: {  	_ =	shalt  }
0x48: {  	_ =	shalt  }
0x49: {  	_ =	shalt  }
0x4a: {  	_ =	shalt  }
0x4b: {  	_ =	shalt  }
0x4c: {  	_ =	shalt  }
0x4d: {  	_ =	shalt  }
0x4e: {  	_ =	shalt  }
0x4f: {  	_ =	shalt  }
0x50: {  	_ =	shalt  }
0x51: {  	_ =	shalt  }
0x52: {  	_ =	shalt  }
0x53: {  	_ =	shalt  }
0x54: {  	_ =	shalt  }
0x55: {  	_ =	shalt  }
0x56: {  	_ =	shalt  }
0x57: {  	_ =	shalt  }
0x58: {  	_ =	shalt  }
0x59: {  	_ =	shalt  }
0x5a: {  	_ =	shalt  }
0x5b: {  	_ =	shalt  }
0x5c: {  	_ =	shalt  }
0x5d: {  	_ =	shalt  }
0x5e: {  	_ =	shalt  }
0x5f: {  	_ =	shalt  }
0x60: {  	_ =	shalt  }
0x61: {  	_ =	shalt  }
0x62: {  	_ =	shalt  }
0x63: {  	_ =	shalt  }
0x64: {  	_ =	shalt  }
0x65: {  	_ =	shalt  }
0x66: {  	_ =	shalt  }
0x67: {  	_ =	shalt  }
0x68: {  	_ =	shalt  }
0x69: {  	_ =	shalt  }
0x6a: {  	_ =	shalt  }
0x6b: {  	_ =	shalt  }
0x6c: {  	_ =	shalt  }
0x6d: {  	_ =	shalt  }
0x6e: {  	_ =	shalt  }
0x6f: {  	_ =	shalt  }
0x70: {  	_ =	shalt  }
0x71: {  	_ =	shalt  }
0x72: {  	_ =	shalt  }
0x73: {  	_ =	shalt  }
0x74: {  	_ =	shalt  }
0x75: {  	_ =	shalt  }
0x76: {  	_ =	shalt  }
0x77: {  	_ =	shalt  }
0x78: {  	_ =	shalt  }
0x79: {  	_ =	shalt  }
0x7a: {  	_ =	shalt  }
0x7b: {  	_ =	shalt  }
0x7c: {  	_ =	shalt  }
0x7d: {  	_ =	shalt  }
0x7e: {  	_ =	shalt  }
0x7f: {  	_ =	shalt  }
0x80: {  	_ =	shalt  }
0x81: {  	_ =	shalt  }
0x82: {  	_ =	shalt  }
0x83: {  	_ =	shalt  }
0x84: {  	_ =	shalt  }
0x85: {  	_ =	shalt  }
0x86: {  	_ =	shalt  }
0x87: {  	_ =	shalt  }
.Lfunc_end0:
.L_simem_size_0:
called_computation.2_lowered:
.L_overlay_start_0:
0x88: {  	s2 =	sld [smem:$0x3FD9]  }
0x89: {  	s3 =	sld [smem:$0x3FFE];
	_ =	sdelay $0x1  }
0x8a: {  	s1 =	srdreg.scid  }
0x8b: {  	s0 =	sand.u32 $0x1, s1  }
0x8c: {  	s14 =	sshll.u32 s0, $0xA;
	s2 =	sadd.s32 s3, s2  }
0x8d: {  	s2 =	sadd.s32 s2, s14  }
0x8e: {  	[smem:$0x3FC0] =	sst s2  }
0x8f: {  	_ = 	snop  }
0x90: {  	s2 =	sld [smem:$0x3FD0];
	_ =	sdelay $0x2  }
0x91: {  	s15 =	simm.s32 $0xA;
	s4 =	simm.s32 $0x10  }
0x92: {  	[smem:s4], [sflag:s15] =	dma.local [hbm:s2], $0x1  }
0x93: {  	_ =	swait.eq [sflag:s15], $0x1  }
0x94: {  	[sflag:s15] =	ssyncset.done $0x0  }
0x95: {  	[sflag:s15] =	ssyncadd.s32 $0xFFFFFFFF  }
0x96: {  	s16 =	sld [smem:$0x10];
	(tm) =	ssettm $0x1  }
0x97: {  	s17 =	sld [smem:$0x3FFB];
	_ =	sdelay $0x3  }
0x98: {  	_ =	strace s17  }
0x99: {  	s3 =	sld [smem:$0x3FFC];
	_ =	sdelay $0x3  }
0x9a: {  	_ =	strace s3  }
0x9b: {  	s3 =	sld [smem:$0x3FFD];
	_ =	sdelay $0x3  }
0x9c: {  	_ =	strace s3  }
0x9d: {  	_ =	strace $0x8FFFFFFF  }
0x9e: {  	s18 =	sld [smem:$0x3FDB];
	_ =	sdelay $0x1  }
0x9f: {  	s19 =	simm.s32 $_scs_section_size  }
0xa0: {  	s5 =	simm.s32 $_size__tile_overlayer_lowered;
	s6 =	simm.s32 $_tile_overlayer_lowered  }
0xa1: {  	s22 =	simm.s32 $0x1BFF;
	s21 =	sshll.u32 s6, $0x1;
	s3 =	sadd.s32 s19, s18  }
0xa2: {  	s7 =	simm.s32 $0x0;
	s20 =	sshll.u32 s5, $0x1;
	s5 =	sadd.s32 s21, s3  }
0xa3: {  	[timem:s7], [sflag:s22] =	dma.local [hbm:s5], s20  }
0xa4: {  	_ =	swait.ge [sflag:s22], s20  }
0xa5: {  	s4 =	ssub.s32 $0x0, s20;
	[sflag:s22] =	ssyncset.done $0x0  }
0xa6: {  	[sflag:s22] =	ssyncadd.s32 s4;
	_ =	sdelay $0x1  }
0xa7: {  	s23 =	simm.s32 $0x1B8B  }
0xa8: {  	_ =	swait.ge [sflag:s23], $0x1  }
0xa9: {  	[sflag:s23] =	ssyncset.done $0x0  }
0xaa: {  	s25 =	simm.s32 $0x1B8E;
	s24 =	sld [smem:$0x3FFE];
	[sflag:s23] =	ssyncadd.s32 $0xFFFFFFFF  }
0xab: {  	s26 =	simm.s32 $execute0_lowered;
	[smem:$0x3FD2] =	sst s25  }
0xac: {  	s5 =	sshll.u32 s26, $0x1;
	_ =	strace $0x8000004C;
	[dreg:$0x1] =	wrdreg $0xFFFFFFFF  }
0xad: {  	s28 =	simm.s32 $_size_execute0_lowered;
	s3 =	sadd.s32 s3, s5;
	[dreg:$0x0] =	wrdreg $0x0  }
0xae: {  	s5 =	sshll.u32 s28, $0x1;
	[dreg:$0x2] =	wrdreg s3  }
0xaf: {  	[dreg:$0x3] =	wrdreg s5  }
0xb0: {  	[dreg:$0x4] =	wrdreg $0xC0  }
0xb1: {  	_ =	task [dreg:s7], $0x5FFFF  }
0xb2: {  	[dreg:$0x1] =	wrdreg $0xFFFFFFFF  }
0xb3: {  	[dreg:$0x0] =	wrdreg $0x60  }
0xb4: {  	[dreg:$0x2] =	wrdreg s24  }
0xb5: {  	[dreg:$0x3] =	wrdreg s16  }
0xb6: {  	[dreg:$0x4] =	wrdreg $0xA9000  }
0xb7: {  	[dreg:$0x5] =	wrdreg $0x9  }
0xb8: {  	_ =	task.clear_ibuf [dreg:s7], $0x6FFFF;
	_ =	strace $0x9000004C  }
0xb9: {  	s29 =	simm.s32 $0x9;
	_ =	strace $0x8000004E  }
0xba: {  	_ =	swait.ge [sflag:s29], $0x1  }
0xbb: {  	[sflag:s29] =	ssyncadd.s32 $0xFFFFFFFF  }
0xbc: {  	_ =	strace $0x9000004E  }
0xbd: {  	_ =	sfence  }
0xbe: {  	s30 =	sld [smem:$0x0];
	_ =	sdelay $0x2  }
0xbf: {  	s31 =	sshll.u32 s1, $0xD;
	s1 =	sshrl.u32 s1, $0x2  }
0xc0: {  	s3 =	sand.u32 $0x4000, s31;
	s1 =	sadd.s32 s1, s30  }
0xc1: {  	s0 =	sor.u32 s3, s0;
	s1 =	sshll.u32 s1, $0x11  }
0xc2: {  	s0 =	sor.u32 s1, s0  }
0xc3: {  	s0 =	sadd.s32 $0x8F2B, s0  }
0xc4: {  	[sflag:s0] =	ssyncadd.remote.s32 $0x1  }
0xc5: {  	_ =	sfence.sel $0xFFFF  }
0xc6: {  	[dreg:$0x0] =	wrdreg $0xFFFFFFFF;
	(pc) =	sbr.abs _section_cstart, $3  }
0xc7: {  	[dreg:$0x1] =	wrdreg $0xFFFFFFFF  }
0xc8: {  	_ =	task.clear_ibuf [dreg:s7], $0x2FFFF;
	_ =	strace $0x9FFFFFFF  }
0xc9: {  	(tm) =	ssettm $0x7FFFFFFF  }
tec
execute0_lowered:
.L_overlay_start_1:
0x0: {  	(tag) =	ssettag $0x1  }
0x1: {  	s5 =	rddreg [dreg:$0x0]  }
0x2: {  	s6 =	rddreg [dreg:$0x1]  }
0x3: {  	s1 =	rddreg [dreg:$0x2];
	s2 =	srdreg.scid  }
0x4: {  	s0 =	rddreg [dreg:$0x3];
	s3 =	simm.s32 $0x0;
	s15 =	simm.s32 $0x5800  }
0x5: {  	s16 =	simm.s32 $0x5880;
	s18 =	simm.s32 $0x1;
	s19 =	simm.s32 $0x28  }
0x6: {  	s20 =	simm.s32 $0x9500;
	s21 =	simm.s32 $0x78;
	s22 =	simm.s32 $0x5900  }
0x7: {  	s23 =	simm.s32 $0x3;
	s24 =	simm.s32 $0x2;
	s25 =	simm.s32 $0x0  }
0x8: {  	s7 =	sand.u32 $0x1, s2;
	s2 =	stileid.u32;
	[smem:$0x7FF] =	sst s3  }
0x9: {  	s4 =	sshll.u32 s7, $0x4;
	_ =	strace $0x8000004D;
	s10 =	smul.u32 $0x14000, s2  }
0xa: {  	s9 =	sshll.u32 s2, $0x4;
	s12 =	smul.u32 $0x140000, s7;
	s7 =	ssub.s32 $0x2, s7  }
0xb: {  	s30 =	smul.u32 $0x50000, s2;
	s4 =	sor.u32 s2, s4;
	s9 =	sand.u32 $0x70, s9  }
0xc: {  	s29 =	sshrl.u32 s7, $0x1;
	s8 =	smul.u32 $0x580, s4;
	s4 =	sshll.u32 s4, $0x4  }
0xd: {  	s26 =	sshrl.u32 s10, $0x3;
	s10 =	sadd.s32 s10, s12;
	s14 =	ssub.s32 s7, s29  }
0xe: {  	s31 =	sshrl.u32 s30, $0x2;
	s11 =	sand.u32 $0x180, s4;
	s4 =	sadd.s32 $0x3A600, s5  }
0xf: {  	s10 =	sshrl.u32 s10, $0x3;
	s17 =	sadd.s32 s31, s1;
	s13 =	sadd.s32 s8, s5  }
0x10: {  	s9 =	sor.u32 s9, s11;
	s11 =	sadd.s32 s26, s5;
	s28 =	sadd.s32 s10, s5  }
0x11: {  	s10 =	sshll.u32 s2, $0x6;
	s17 =	sshrl.u32 s17, $0x3;
	s9 =	sadd.s32 s9, s5  }
0x12: {  	s5 =	sadd.s32 s6, s8;
	s6 =	sadd.s32 $0x7600, s13;
	s12 =	sadd.s32 $0xB2600, s28  }
0x13: {  	s13 =	smax.u32 s14, $0x1;
	s14 =	simm.s32 $0x2C00;
	s7 =	sadd.s32 $0x7200, s9  }
0x14: {  	s8 =	sadd.s32 $0x7400, s9;
	s9 =	sadd.s32 $0x8A600, s11;
	s11 =	sor.u32 $0x1C01, s10  }
.LBB2_1:
0x15: {  	[tilespmem:s3], [sflag:$0x1] =	stream.linear.gather [hbm4b:s5+s3], $0x2980, $0x38;
	[tilespmem:$0x1E900] =	vst v63  }
0x16: {  	_ = 	snop  }
0x17: {  	[tilespmem:s14], [sflag:$0x1] =	stream.linear.gather [hbm4b:s6+s3], $0x2980, $0x38;
	[tilespmem:$0x1E900] =	vst v63  }
0x18: {  	_ = 	snop  }
0x19: {  	[tilespmem:s15], [sflag:$0x1] =	stream.linear.gather [hbm4b:s7+s3], $0x80, $0x38;
	[tilespmem:$0x1E900] =	vst v63  }
0x1a: {  	_ = 	snop  }
0x1b: {  	[tilespmem:s16], [sflag:$0x1] =	stream.linear.gather [hbm4b:s8+s3], $0x80, $0x38;
	[tilespmem:$0x1E900] =	vst v63  }
0x1c: {  	[spmem:s17], [sflag:s11] =	dma.local [hbm:s9], $0x2800  }
0x1d: {  	_ =	swait.ge [sflag:s18], $0x2980  }
0x1e: {  	[sflag:s18] =	ssyncset.done $0x0  }
0x1f: {  	[sflag:s18] =	ssyncadd.s32 $0xFFFFD680  }
0x20: {  	_ =	swait.ge [sflag:s18], $0x2980  }
0x21: {  	[sflag:s18] =	ssyncset.done $0x0  }
0x22: {  	[sflag:s18] =	ssyncadd.s32 $0xFFFFD680  }
0x23: {  	_ =	swait.ge [sflag:s18], $0x80  }
0x24: {  	[sflag:s18] =	ssyncset.done $0x0  }
0x25: {  	[sflag:s18] =	ssyncadd.s32 $0xFFFFFF80  }
0x26: {  	_ =	swait.ge [sflag:s18], $0x80  }
0x27: {  	[sflag:s18] =	ssyncset.done $0x0  }
0x28: {  	[sflag:s18] =	ssyncadd.s32 $0xFFFFFF80  }
0x29: {  	_ =	swait.ge [sflag:s18], $0x2800  }
0x2a: {  	[sflag:s18] =	ssyncset.done $0x0  }
0x2b: {  	[sflag:s18] =	ssyncadd.s32 $0xFFFFD800  }
0x2c: {  	[bflag:$0x0] =	sbarrier.arrive $0xFFFF  }
0x2d: {  	[tilespmem:s20], [sflag:$0x2] =	stream.indirect.gather [hbm4b:s4+s19], $0x80, s15, s19, $0xb8;
	[tilespmem:$0x1E900] =	vst v63  }
0x2e: {  	s26 =	simm.s32 $0x0  }
0x2f: {  	[tilespmem:s22], [sflag:$0x1] =	stream.indirect.gather [hbm4b:s4+s21], $0x80, s26, s21, $0xb8;
	[tilespmem:$0x1E900] =	vst v63  }
0x30: {  	_ =	swait.ge [sflag:s18], $0x3C00  }
0x31: {  	[sflag:s18] =	ssyncset.done $0x0  }
0x32: {  	s31 =	simm.s32 $0x2C00;
	[sflag:s18] =	ssyncadd.s32 $0xFFFFC400  }
0x33: {  	[spmem:s1] =	stream.indirect.scatter.add.f32 [tilespmem:s22], [sflag:$0x3], $0x80, s31, s21, $0xb8;
	[tilespmem:$0x1E900] =	vst v63  }
0x34: {  	_ =	swait.ge [sflag:s23], $0x3C00  }
0x35: {  	s28 =	simm.s32 $0x400;
	s26 =	simm.s32 $0x200;
	[sflag:s23] =	ssyncset.done $0x0  }
.LBB2_2:
0x36: {  	s29 =	sshra.s32 s26, $0x2  }
0x37: {  	[sflag:s23] =	ssyncadd.s32 $0xFFFFC400;
	s26 =	smov.u32 s28;
	s30 =	sadd.s32 $0x200, s28  }
0x38: {  	[tilespmem:s22], [sflag:$0x1] =	stream.indirect.gather [hbm4b:s4+s21], $0x80, s29, s21, $0xb8;
	[tilespmem:$0x1E900] =	vst v63  }
0x39: {  	p0 =	sne.s32 s28, $0xA400;
	_ =	swait.ge [sflag:s18], $0x3C00  }
.Ltmp0:
0x3a: {  	[sflag:s18] =	ssyncset.done $0x0;
	(pc) =	sbr.rel @p0 .LBB2_2-.Ltmp0, $4  }
0x3b: {  	s28 =	sadd.s32 $0x2C00, s29;
	[sflag:s18] =	ssyncadd.s32 $0xFFFFC400  }
0x3c: {  	[spmem:s1] =	stream.indirect.scatter.add.f32 [tilespmem:s22], [sflag:$0x3], $0x80, s28, s21, $0xb8;
	[tilespmem:$0x1E900] =	vst v63  }
0x3d: {  	_ =	swait.ge [sflag:s23], $0x3C00  }
0x3e: {  	s28 =	smov.u32 s30;
	[sflag:s23] =	ssyncset.done $0x0  }
0x3f: {  	s26 =	sshra.s32 s26, $0x2;
	[sflag:s23] =	ssyncadd.s32 $0xFFFFC400  }
0x40: {  	[tilespmem:s22], [sflag:$0x1] =	stream.indirect.gather [hbm4b:s4+s21], $0x80, s26, s21, $0xb8;
	[tilespmem:$0x1E900] =	vst v63  }
0x41: {  	_ =	swait.ge [sflag:s18], $0x3C00  }
0x42: {  	[sflag:s18] =	ssyncset.done $0x0  }
0x43: {  	s26 =	sadd.s32 $0x2C00, s26;
	[sflag:s18] =	ssyncadd.s32 $0xFFFFC400  }
0x44: {  	[spmem:s1] =	stream.indirect.scatter.add.f32 [tilespmem:s22], [sflag:$0x3], $0x80, s26, s21, $0xb8;
	[tilespmem:$0x1E900] =	vst v63  }
0x45: {  	_ =	swait.ge [sflag:s23], $0x3C00  }
0x46: {  	[sflag:s23] =	ssyncset.done $0x0  }
0x47: {  	[sflag:s23] =	ssyncadd.s32 $0xFFFFC400  }
0x48: {  	_ =	swait.ge [sflag:s24], $0x1400  }
0x49: {  	[sflag:s24] =	ssyncset.done $0x0  }
0x4a: {  	[sflag:s24] =	ssyncadd.s32 $0xFFFFEC00  }
0x4b: {  	[spmem:s1] =	stream.indirect.scatter.add.f32 [tilespmem:s20], [sflag:$0x3], $0x80, s16, s19, $0xb8;
	[tilespmem:$0x1E900] =	vst v63  }
0x4c: {  	_ =	swait.ge [sflag:s23], $0x1400  }
0x4d: {  	s25 =	sadd.s32 $0x1, s25;
	[sflag:s23] =	ssyncset.done $0x0  }
0x4e: {  	p0 =	sne.s32 s25, s13;
	[sflag:s23] =	ssyncadd.s32 $0xFFFFEC00  }
.Ltmp1:
0x4f: {  	s31 =	sor.u32 $0x1C03, s10;
	[bflag:$0x0] =	sbarrier.arrive $0xFFFF;
	(pc) =	sbr.rel @p0 .LBB2_1-.Ltmp1, $4  }
0x50: {  	[hbm:s12], [sflag:s31] =	dma.local [spmem:s17], $0x2800  }
0x51: {  	_ =	swait.ge [sflag:s23], $0x2800  }
0x52: {  	[sflag:s23] =	ssyncset.done $0x0  }
0x53: {  	[sflag:s23] =	ssyncadd.s32 $0xFFFFD800  }
0x54: {  	_ =	sfence.sel $0x180000  }
0x55: {  	[bflag:$0x0] =	sbarrier.arrive $0xFFFF  }
0x56: {  	p0 =	sne.s32 s2, $0x0;
	_ =	strace $0x9000004D  }
0x57: {  	s0 =	sadd.s32 @!p0 $0x100000, s0;
	[bflag:$0x2] =	sbarrier.arrive $0xFFFF  }
0x58: {  	[sflag:s0] =	ssyncadd.tile.s32 @!p0 $0x1;
	_ =	shalt  }
.Lfunc_end2:
_tile_overlayer_lowered:
.L_overlay_start_2:
0x59: {  	(tag) =	ssettag $0x2  }
0x5a: {  	s0 =	rddreg [dreg:$0x0];
	s2 =	stileid.u32  }
0x5b: {  	s1 =	rddreg [dreg:$0x1];
	p0 =	sne.s32 s2, $0x0  }
0x5c: {  	s3 =	rddreg [dreg:$0x2];
	[bflag:$0x3] =	sbarrier.arrive $0xFFFF;
	s2 =	simm.s32 @!p0 $0x1C03  }
0x5d: {  	[timem:s3], [sflag:s2] =	dma.local @!p0 [hbm:s0], s1  }
0x5e: {  	s0 =	simm.s32 @!p0 $0x3  }
0x5f: {  	_ =	swait.ge @!p0 [sflag:s0], s1  }
0x60: {  	s1 =	ssub.s32 @!p0 $0x0, s1;
	[sflag:s0] =	ssyncset.done @!p0 $0x0  }
0x61: {  	[sflag:s0] =	ssyncadd.s32 @!p0 s1  }
0x62: {  	[bflag:$0x3] =	sbarrier.arrive $0xFFFF  }
0x63: {  	_ =	shalt  }

// kernel: kernel.33.cloned.1.call-start
scs
__scs_entry_jumppad:
0x0: {  	(pc) =	sbr.rel $0x88, $3  }
0x1: {  	(tag) =	ssettag $0x0;
	lr =	simm.s32 $0x1  }
0x2: {  	[smem:$0x3F99] =	sst lr;
	_ =	strace $0xD0000000  }
0x3: {  	_ = 	snop  }
0x4: {  	_ = 	snop  }
0x5: {  	_ = 	snop  }
0x6: {  	_ = 	snop  }
0x7: {  	_ = 	snop  }
__scs_overlays_trampoline_lowered:
0x8: {  	[smem:$0x3FA8] =	sst s0  }
0x9: {  	[smem:$0x3FA9] =	sst s1  }
0xa: {  	[smem:$0x3FAA] =	sst s2  }
0xb: {  	[smem:$0x3FAB] =	sst s3  }
0xc: {  	[smem:$0x3FAC] =	sst s4  }
0xd: {  	[smem:$0x3FAD] =	sst s5  }
0xe: {  	[smem:$0x3FAE] =	sst s6  }
0xf: {  	[smem:$0x3FAF] =	sst s7  }
0x10: {  	[smem:$0x3FB0] =	sst s8  }
0x11: {  	[smem:$0x3FB1] =	sst s9;
	s0 =	simm.s32 @!p0 $0x0  }
0x12: {  	s1 =	sld [smem:$0x3F97];
	s0 =	simm.s32 @p0 $0x1  }
0x13: {  	[smem:$0x3FB2] =	sst s0;
	s0 =	simm.s32 @!p1 $0x0  }
0x14: {  	s2 =	sld [smem:$0x3F96];
	s0 =	simm.s32 @p1 $0x1  }
0x15: {  	[smem:$0x3FB3] =	sst s0;
	s0 =	simm.s32 @!p2 $0x0  }
0x16: {  	s3 =	sld [smem:$0x3FDB];
	s0 =	simm.s32 @p2 $0x1  }
0x17: {  	s4 =	simm.s32 $0x1BF5;
	[smem:$0x3FB5] =	sst s0  }
0x18: {  	s0 =	sld [smem:$0x3F98];
	_ =	swait.ge [sflag:s4], $0x0  }
0x19: {  	s7 =	sld [smem:$0x3F99]  }
0x1a: {  	s8 =	sadd.s32 $0xFFFFE003, lr  }
0x1b: {  	s9 =	sadd.s32 $0xFFFFFEF7, lr;
	s5 =	simm.s32 $0xFFFFFFFF;
	p2 =	slt.u32 s8, $0xFFFFF086  }
0x1c: {  	p1 =	slt.u32 s9, $0xF7A;
	s5 =	simm.s32 @!p2 $0x0  }
0x1d: {  	s5 =	simm.s32 @p1 $0x1;
	p0 =	seq.s32 s7, s2  }
0x1e: {  	s7 =	smul.u32 @!p0 $0xF7A, s2;
	p2 =	seq.s32 @!p0 s5, $0x0  }
0x1f: {  	s9 =	smul.u32 $0xF7A, s1;
	s8 =	simm.s32 @!p0 $0x1BF5;
	p2 =	por !p2, p0  }
0x20: {  	[sflag:s8] =	ssyncset.s32 @!p0 $0xFFFFF086;
	s6 =	sadd.s32 @!p0 s3, s7;
	s7 =	simm.s32 @!p0 $0x108  }
0x21: {  	s3 =	sadd.s32 s3, s9;
	s6 =	sadd.s32 @!p0 $0x88, s6;
	s7 =	simm.s32 @p2 $0x1082  }
0x22: {  	[simem:s7], [sflag:s8] =	dma.local @!p0 [hbm:s6], $0xF7A  }
0x23: {  	s9 =	sor.u32 $0xD0000000, s2;
	s6 =	simm.s32 $0x108;
	_ =	swait.ge @!p0 [sflag:s8], $0x0  }
0x24: {  	s3 =	sadd.s32 $0x88, s3;
	s6 =	simm.s32 @!p1 $0x1082;
	[sflag:s4] =	ssyncset.s32 $0xFFFFF086  }
0x25: {  	[simem:s6], [sflag:s4] =	dma.local [hbm:s3], $0xF7A  }
0x26: {  	[smem:$0x3F99] =	sst s1;
	(tag) =	ssettag s2;
	_ =	strace s9  }
0x27: {  	s1 =	sld [smem:$0x3FA9]  }
0x28: {  	s2 =	sld [smem:$0x3FAA]  }
0x29: {  	s4 =	sld [smem:$0x3FAC]  }
0x2a: {  	p0 =	seq.s32 s5, $0x0;
	s5 =	sld [smem:$0x3FAD]  }
0x2b: {  	s6 =	sld [smem:$0x3FAE]  }
0x2c: {  	s7 =	sld [smem:$0x3FAF]  }
0x2d: {  	s3 =	simm.s32 $0x108;
	s8 =	sld [smem:$0x3FB0]  }
0x2e: {  	s3 =	simm.s32 @!p0 $0x1082;
	s9 =	sld [smem:$0x3FB1]  }
0x2f: {  	lr =	sadd.s32 s0, s3;
	s0 =	sld [smem:$0x3FA8]  }
0x30: {  	s3 =	sld [smem:$0x3FAB]  }
0x31: {  	[smem:$0x3FB4] =	sst s10  }
0x32: {  	s10 =	sld [smem:$0x3FB2];
	_ =	sdelay $0x3  }
0x33: {  	p0 =	seq.s32 s10, $0x1;
	s10 =	sld [smem:$0x3FB4];
	_ =	sdelay $0x3  }
0x34: {  	[smem:$0x3FB4] =	sst s10  }
0x35: {  	s10 =	sld [smem:$0x3FB3];
	_ =	sdelay $0x3  }
0x36: {  	p1 =	seq.s32 s10, $0x1;
	s10 =	sld [smem:$0x3FB4];
	_ =	sdelay $0x3  }
0x37: {  	[smem:$0x3FB4] =	sst s10  }
0x38: {  	s10 =	sld [smem:$0x3FB5]  }
0x39: {  	_ = 	snop;
	(pc) =	sbr.ind lr, $3  }
0x3a: {  	_ = 	snop  }
0x3b: {  	_ = 	snop  }
0x3c: {  	p2 =	seq.s32 s10, $0x1;
	s10 =	sld [smem:$0x3FB4]  }
0x3d: {  	_ =	shalt  }
0x3e: {  	_ =	shalt  }
0x3f: {  	_ =	shalt  }
0x40: {  	_ =	shalt  }
0x41: {  	_ =	shalt  }
0x42: {  	_ =	shalt  }
0x43: {  	_ =	shalt  }
0x44: {  	_ =	shalt  }
0x45: {  	_ =	shalt  }
0x46: {  	_ =	shalt  }
0x47: {  	_ =	shalt  }
0x48: {  	_ =	shalt  }
0x49: {  	_ =	shalt  }
0x4a: {  	_ =	shalt  }
0x4b: {  	_ =	shalt  }
0x4c: {  	_ =	shalt  }
0x4d: {  	_ =	shalt  }
0x4e: {  	_ =	shalt  }
0x4f: {  	_ =	shalt  }
0x50: {  	_ =	shalt  }
0x51: {  	_ =	shalt  }
0x52: {  	_ =	shalt  }
0x53: {  	_ =	shalt  }
0x54: {  	_ =	shalt  }
0x55: {  	_ =	shalt  }
0x56: {  	_ =	shalt  }
0x57: {  	_ =	shalt  }
0x58: {  	_ =	shalt  }
0x59: {  	_ =	shalt  }
0x5a: {  	_ =	shalt  }
0x5b: {  	_ =	shalt  }
0x5c: {  	_ =	shalt  }
0x5d: {  	_ =	shalt  }
0x5e: {  	_ =	shalt  }
0x5f: {  	_ =	shalt  }
0x60: {  	_ =	shalt  }
0x61: {  	_ =	shalt  }
0x62: {  	_ =	shalt  }
0x63: {  	_ =	shalt  }
0x64: {  	_ =	shalt  }
0x65: {  	_ =	shalt  }
0x66: {  	_ =	shalt  }
0x67: {  	_ =	shalt  }
0x68: {  	_ =	shalt  }
0x69: {  	_ =	shalt  }
0x6a: {  	_ =	shalt  }
0x6b: {  	_ =	shalt  }
0x6c: {  	_ =	shalt  }
0x6d: {  	_ =	shalt  }
0x6e: {  	_ =	shalt  }
0x6f: {  	_ =	shalt  }
0x70: {  	_ =	shalt  }
0x71: {  	_ =	shalt  }
0x72: {  	_ =	shalt  }
0x73: {  	_ =	shalt  }
0x74: {  	_ =	shalt  }
0x75: {  	_ =	shalt  }
0x76: {  	_ =	shalt  }
0x77: {  	_ =	shalt  }
0x78: {  	_ =	shalt  }
0x79: {  	_ =	shalt  }
0x7a: {  	_ =	shalt  }
0x7b: {  	_ =	shalt  }
0x7c: {  	_ =	shalt  }
0x7d: {  	_ =	shalt  }
0x7e: {  	_ =	shalt  }
0x7f: {  	_ =	shalt  }
0x80: {  	_ =	shalt  }
0x81: {  	_ =	shalt  }
0x82: {  	_ =	shalt  }
0x83: {  	_ =	shalt  }
0x84: {  	_ =	shalt  }
0x85: {  	_ =	shalt  }
0x86: {  	_ =	shalt  }
0x87: {  	_ =	shalt  }
.Lfunc_end0:
.L_simem_size_0:
called_computation.3_lowered:
.L_overlay_start_0:
0x88: {  	s2 =	sld [smem:$0x3FD9]  }
0x89: {  	s3 =	sld [smem:$0x3FFE];
	_ =	sdelay $0x1  }
0x8a: {  	s1 =	srdreg.scid  }
0x8b: {  	s0 =	sand.u32 $0x1, s1  }
0x8c: {  	s14 =	sshll.u32 s0, $0xA;
	s2 =	sadd.s32 s3, s2  }
0x8d: {  	s2 =	sadd.s32 s2, s14  }
0x8e: {  	[smem:$0x3FC0] =	sst s2  }
0x8f: {  	_ = 	snop  }
0x90: {  	s2 =	sld [smem:$0x3FD0];
	_ =	sdelay $0x2  }
0x91: {  	s15 =	simm.s32 $0xA;
	s4 =	simm.s32 $0x10  }
0x92: {  	[smem:s4], [sflag:s15] =	dma.local [hbm:s2], $0x1  }
0x93: {  	_ =	swait.eq [sflag:s15], $0x1  }
0x94: {  	[sflag:s15] =	ssyncset.done $0x0  }
0x95: {  	[sflag:s15] =	ssyncadd.s32 $0xFFFFFFFF  }
0x96: {  	s16 =	sld [smem:$0x10];
	(tm) =	ssettm $0x1  }
0x97: {  	s17 =	sld [smem:$0x3FFB];
	_ =	sdelay $0x3  }
0x98: {  	_ =	strace s17  }
0x99: {  	s3 =	sld [smem:$0x3FFC];
	_ =	sdelay $0x3  }
0x9a: {  	_ =	strace s3  }
0x9b: {  	s3 =	sld [smem:$0x3FFD];
	_ =	sdelay $0x3  }
0x9c: {  	_ =	strace s3  }
0x9d: {  	_ =	strace $0x8FFFFFFF  }
0x9e: {  	s18 =	sld [smem:$0x3FDB];
	_ =	sdelay $0x1  }
0x9f: {  	s19 =	simm.s32 $_scs_section_size  }
0xa0: {  	s5 =	simm.s32 $_size__tile_overlayer_lowered;
	s6 =	simm.s32 $_tile_overlayer_lowered  }
0xa1: {  	s22 =	simm.s32 $0x1BFF;
	s21 =	sshll.u32 s6, $0x1;
	s3 =	sadd.s32 s19, s18  }
0xa2: {  	s7 =	simm.s32 $0x0;
	s20 =	sshll.u32 s5, $0x1;
	s5 =	sadd.s32 s21, s3  }
0xa3: {  	[timem:s7], [sflag:s22] =	dma.local [hbm:s5], s20  }
0xa4: {  	_ =	swait.ge [sflag:s22], s20  }
0xa5: {  	s4 =	ssub.s32 $0x0, s20;
	[sflag:s22] =	ssyncset.done $0x0  }
0xa6: {  	[sflag:s22] =	ssyncadd.s32 s4;
	_ =	sdelay $0x1  }
0xa7: {  	s23 =	simm.s32 $0x1B8B  }
0xa8: {  	_ =	swait.ge [sflag:s23], $0x1  }
0xa9: {  	[sflag:s23] =	ssyncset.done $0x0  }
0xaa: {  	s25 =	simm.s32 $0x1B8E;
	s24 =	sld [smem:$0x3FFE];
	[sflag:s23] =	ssyncadd.s32 $0xFFFFFFFF  }
0xab: {  	s26 =	simm.s32 $execute0_lowered;
	[smem:$0x3FD2] =	sst s25  }
0xac: {  	s5 =	sshll.u32 s26, $0x1;
	_ =	strace $0x8000004F;
	[dreg:$0x1] =	wrdreg $0xFFFFFFFF  }
0xad: {  	s28 =	simm.s32 $_size_execute0_lowered;
	s3 =	sadd.s32 s3, s5;
	[dreg:$0x0] =	wrdreg $0x0  }
0xae: {  	s5 =	sshll.u32 s28, $0x1;
	[dreg:$0x2] =	wrdreg s3  }
0xaf: {  	[dreg:$0x3] =	wrdreg s5  }
0xb0: {  	[dreg:$0x4] =	wrdreg $0xC0  }
0xb1: {  	_ =	task [dreg:s7], $0x5FFFF  }
0xb2: {  	[dreg:$0x1] =	wrdreg $0xFFFFFFFF  }
0xb3: {  	[dreg:$0x0] =	wrdreg $0x60  }
0xb4: {  	[dreg:$0x2] =	wrdreg s24  }
0xb5: {  	[dreg:$0x3] =	wrdreg s16  }
0xb6: {  	[dreg:$0x4] =	wrdreg $0xA9000  }
0xb7: {  	[dreg:$0x5] =	wrdreg $0x9  }
0xb8: {  	_ =	task.clear_ibuf [dreg:s7], $0x6FFFF;
	_ =	strace $0x9000004F  }
0xb9: {  	s29 =	simm.s32 $0x9;
	_ =	strace $0x80000051  }
0xba: {  	_ =	swait.ge [sflag:s29], $0x1  }
0xbb: {  	[sflag:s29] =	ssyncadd.s32 $0xFFFFFFFF  }
0xbc: {  	_ =	strace $0x90000051  }
0xbd: {  	_ =	sfence  }
0xbe: {  	s30 =	sld [smem:$0x0];
	_ =	sdelay $0x2  }
0xbf: {  	s31 =	sshll.u32 s1, $0xD;
	s1 =	sshrl.u32 s1, $0x2  }
0xc0: {  	s3 =	sand.u32 $0x4000, s31;
	s1 =	sadd.s32 s1, s30  }
0xc1: {  	s0 =	sor.u32 s3, s0;
	s1 =	sshll.u32 s1, $0x11  }
0xc2: {  	s0 =	sor.u32 s1, s0  }
0xc3: {  	s0 =	sadd.s32 $0x8F2B, s0  }
0xc4: {  	[sflag:s0] =	ssyncadd.remote.s32 $0x1  }
0xc5: {  	_ =	sfence.sel $0xFFFF  }
0xc6: {  	[dreg:$0x0] =	wrdreg $0xFFFFFFFF;
	(pc) =	sbr.abs _section_cstart, $3  }
0xc7: {  	[dreg:$0x1] =	wrdreg $0xFFFFFFFF  }
0xc8: {  	_ =	task.clear_ibuf [dreg:s7], $0x2FFFF;
	_ =	strace $0x9FFFFFFF  }
0xc9: {  	(tm) =	ssettm $0x7FFFFFFF  }
tec
execute0_lowered:
.L_overlay_start_1:
0x0: {  	(tag) =	ssettag $0x1  }
0x1: {  	s5 =	rddreg [dreg:$0x0]  }
0x2: {  	s6 =	rddreg [dreg:$0x1]  }
0x3: {  	s1 =	rddreg [dreg:$0x2];
	s2 =	srdreg.scid  }
0x4: {  	s0 =	rddreg [dreg:$0x3];
	s3 =	simm.s32 $0x0;
	s15 =	simm.s32 $0x5800  }
0x5: {  	s16 =	simm.s32 $0x5880;
	s18 =	simm.s32 $0x1;
	s19 =	simm.s32 $0x28  }
0x6: {  	s20 =	simm.s32 $0x9500;
	s21 =	simm.s32 $0x78;
	s22 =	simm.s32 $0x5900  }
0x7: {  	s23 =	simm.s32 $0x3;
	s24 =	simm.s32 $0x2;
	s25 =	simm.s32 $0x0  }
0x8: {  	s7 =	sand.u32 $0x1, s2;
	s2 =	stileid.u32;
	[smem:$0x7FF] =	sst s3  }
0x9: {  	s4 =	sshll.u32 s7, $0x4;
	_ =	strace $0x80000050;
	s10 =	smul.u32 $0x14000, s2  }
0xa: {  	s9 =	sshll.u32 s2, $0x4;
	s12 =	smul.u32 $0x140000, s7;
	s7 =	ssub.s32 $0x2, s7  }
0xb: {  	s30 =	smul.u32 $0x50000, s2;
	s4 =	sor.u32 s2, s4;
	s9 =	sand.u32 $0x70, s9  }
0xc: {  	s29 =	sshrl.u32 s7, $0x1;
	s8 =	smul.u32 $0x580, s4;
	s4 =	sshll.u32 s4, $0x4  }
0xd: {  	s26 =	sshrl.u32 s10, $0x3;
	s10 =	sadd.s32 s10, s12;
	s14 =	ssub.s32 s7, s29  }
0xe: {  	s31 =	sshrl.u32 s30, $0x2;
	s11 =	sand.u32 $0x180, s4;
	s4 =	sadd.s32 $0x3A600, s5  }
0xf: {  	s10 =	sshrl.u32 s10, $0x3;
	s17 =	sadd.s32 s31, s1;
	s13 =	sadd.s32 s8, s5  }
0x10: {  	s9 =	sor.u32 s9, s11;
	s11 =	sadd.s32 s26, s5;
	s28 =	sadd.s32 s10, s5  }
0x11: {  	s10 =	sshll.u32 s2, $0x6;
	s17 =	sshrl.u32 s17, $0x3;
	s9 =	sadd.s32 s9, s5  }
0x12: {  	s5 =	sadd.s32 s6, s8;
	s6 =	sadd.s32 $0x7600, s13;
	s12 =	sadd.s32 $0xB2600, s28  }
0x13: {  	s13 =	smax.u32 s14, $0x1;
	s14 =	simm.s32 $0x2C00;
	s7 =	sadd.s32 $0x7200, s9  }
0x14: {  	s8 =	sadd.s32 $0x7400, s9;
	s9 =	sadd.s32 $0x8A600, s11;
	s11 =	sor.u32 $0x1C01, s10  }
.LBB2_1:
0x15: {  	[tilespmem:s3], [sflag:$0x1] =	stream.linear.gather [hbm4b:s5+s3], $0x2980, $0x38;
	[tilespmem:$0x1E900] =	vst v63  }
0x16: {  	_ = 	snop  }
0x17: {  	[tilespmem:s14], [sflag:$0x1] =	stream.linear.gather [hbm4b:s6+s3], $0x2980, $0x38;
	[tilespmem:$0x1E900] =	vst v63  }
0x18: {  	_ = 	snop  }
0x19: {  	[tilespmem:s15], [sflag:$0x1] =	stream.linear.gather [hbm4b:s7+s3], $0x80, $0x38;
	[tilespmem:$0x1E900] =	vst v63  }
0x1a: {  	_ = 	snop  }
0x1b: {  	[tilespmem:s16], [sflag:$0x1] =	stream.linear.gather [hbm4b:s8+s3], $0x80, $0x38;
	[tilespmem:$0x1E900] =	vst v63  }
0x1c: {  	[spmem:s17], [sflag:s11] =	dma.local [hbm:s9], $0x2800  }
0x1d: {  	_ =	swait.ge [sflag:s18], $0x2980  }
0x1e: {  	[sflag:s18] =	ssyncset.done $0x0  }
0x1f: {  	[sflag:s18] =	ssyncadd.s32 $0xFFFFD680  }
0x20: {  	_ =	swait.ge [sflag:s18], $0x2980  }
0x21: {  	[sflag:s18] =	ssyncset.done $0x0  }
0x22: {  	[sflag:s18] =	ssyncadd.s32 $0xFFFFD680  }
0x23: {  	_ =	swait.ge [sflag:s18], $0x80  }
0x24: {  	[sflag:s18] =	ssyncset.done $0x0  }
0x25: {  	[sflag:s18] =	ssyncadd.s32 $0xFFFFFF80  }
0x26: {  	_ =	swait.ge [sflag:s18], $0x80  }
0x27: {  	[sflag:s18] =	ssyncset.done $0x0  }
0x28: {  	[sflag:s18] =	ssyncadd.s32 $0xFFFFFF80  }
0x29: {  	_ =	swait.ge [sflag:s18], $0x2800  }
0x2a: {  	[sflag:s18] =	ssyncset.done $0x0  }
0x2b: {  	[sflag:s18] =	ssyncadd.s32 $0xFFFFD800  }
0x2c: {  	[bflag:$0x0] =	sbarrier.arrive $0xFFFF  }
0x2d: {  	[tilespmem:s20], [sflag:$0x2] =	stream.indirect.gather [hbm4b:s4+s19], $0x80, s15, s19, $0xb8;
	[tilespmem:$0x1E900] =	vst v63  }
0x2e: {  	s26 =	simm.s32 $0x0  }
0x2f: {  	[tilespmem:s22], [sflag:$0x1] =	stream.indirect.gather [hbm4b:s4+s21], $0x80, s26, s21, $0xb8;
	[tilespmem:$0x1E900] =	vst v63  }
0x30: {  	_ =	swait.ge [sflag:s18], $0x3C00  }
0x31: {  	[sflag:s18] =	ssyncset.done $0x0  }
0x32: {  	s31 =	simm.s32 $0x2C00;
	[sflag:s18] =	ssyncadd.s32 $0xFFFFC400  }
0x33: {  	[spmem:s1] =	stream.indirect.scatter.add.f32 [tilespmem:s22], [sflag:$0x3], $0x80, s31, s21, $0xb8;
	[tilespmem:$0x1E900] =	vst v63  }
0x34: {  	_ =	swait.ge [sflag:s23], $0x3C00  }
0x35: {  	s28 =	simm.s32 $0x400;
	s26 =	simm.s32 $0x200;
	[sflag:s23] =	ssyncset.done $0x0  }
.LBB2_2:
0x36: {  	s29 =	sshra.s32 s26, $0x2  }
0x37: {  	[sflag:s23] =	ssyncadd.s32 $0xFFFFC400;
	s26 =	smov.u32 s28;
	s30 =	sadd.s32 $0x200, s28  }
0x38: {  	[tilespmem:s22], [sflag:$0x1] =	stream.indirect.gather [hbm4b:s4+s21], $0x80, s29, s21, $0xb8;
	[tilespmem:$0x1E900] =	vst v63  }
0x39: {  	p0 =	sne.s32 s28, $0xA400;
	_ =	swait.ge [sflag:s18], $0x3C00  }
.Ltmp0:
0x3a: {  	[sflag:s18] =	ssyncset.done $0x0;
	(pc) =	sbr.rel @p0 .LBB2_2-.Ltmp0, $4  }
0x3b: {  	s28 =	sadd.s32 $0x2C00, s29;
	[sflag:s18] =	ssyncadd.s32 $0xFFFFC400  }
0x3c: {  	[spmem:s1] =	stream.indirect.scatter.add.f32 [tilespmem:s22], [sflag:$0x3], $0x80, s28, s21, $0xb8;
	[tilespmem:$0x1E900] =	vst v63  }
0x3d: {  	_ =	swait.ge [sflag:s23], $0x3C00  }
0x3e: {  	s28 =	smov.u32 s30;
	[sflag:s23] =	ssyncset.done $0x0  }
0x3f: {  	s26 =	sshra.s32 s26, $0x2;
	[sflag:s23] =	ssyncadd.s32 $0xFFFFC400  }
0x40: {  	[tilespmem:s22], [sflag:$0x1] =	stream.indirect.gather [hbm4b:s4+s21], $0x80, s26, s21, $0xb8;
	[tilespmem:$0x1E900] =	vst v63  }
0x41: {  	_ =	swait.ge [sflag:s18], $0x3C00  }
0x42: {  	[sflag:s18] =	ssyncset.done $0x0  }
0x43: {  	s26 =	sadd.s32 $0x2C00, s26;
	[sflag:s18] =	ssyncadd.s32 $0xFFFFC400  }
0x44: {  	[spmem:s1] =	stream.indirect.scatter.add.f32 [tilespmem:s22], [sflag:$0x3], $0x80, s26, s21, $0xb8;
	[tilespmem:$0x1E900] =	vst v63  }
0x45: {  	_ =	swait.ge [sflag:s23], $0x3C00  }
0x46: {  	[sflag:s23] =	ssyncset.done $0x0  }
0x47: {  	[sflag:s23] =	ssyncadd.s32 $0xFFFFC400  }
0x48: {  	_ =	swait.ge [sflag:s24], $0x1400  }
0x49: {  	[sflag:s24] =	ssyncset.done $0x0  }
0x4a: {  	[sflag:s24] =	ssyncadd.s32 $0xFFFFEC00  }
0x4b: {  	[spmem:s1] =	stream.indirect.scatter.add.f32 [tilespmem:s20], [sflag:$0x3], $0x80, s16, s19, $0xb8;
	[tilespmem:$0x1E900] =	vst v63  }
0x4c: {  	_ =	swait.ge [sflag:s23], $0x1400  }
0x4d: {  	s25 =	sadd.s32 $0x1, s25;
	[sflag:s23] =	ssyncset.done $0x0  }
0x4e: {  	p0 =	sne.s32 s25, s13;
	[sflag:s23] =	ssyncadd.s32 $0xFFFFEC00  }
.Ltmp1:
0x4f: {  	s31 =	sor.u32 $0x1C03, s10;
	[bflag:$0x0] =	sbarrier.arrive $0xFFFF;
	(pc) =	sbr.rel @p0 .LBB2_1-.Ltmp1, $4  }
0x50: {  	[hbm:s12], [sflag:s31] =	dma.local [spmem:s17], $0x2800  }
0x51: {  	_ =	swait.ge [sflag:s23], $0x2800  }
0x52: {  	[sflag:s23] =	ssyncset.done $0x0  }
0x53: {  	[sflag:s23] =	ssyncadd.s32 $0xFFFFD800  }
0x54: {  	_ =	sfence.sel $0x180000  }
0x55: {  	[bflag:$0x0] =	sbarrier.arrive $0xFFFF  }
0x56: {  	p0 =	sne.s32 s2, $0x0;
	_ =	strace $0x90000050  }
0x57: {  	s0 =	sadd.s32 @!p0 $0x100000, s0;
	[bflag:$0x2] =	sbarrier.arrive $0xFFFF  }
0x58: {  	[sflag:s0] =	ssyncadd.tile.s32 @!p0 $0x1;
	_ =	shalt  }
.Lfunc_end2:
_tile_overlayer_lowered:
.L_overlay_start_2:
0x59: {  	(tag) =	ssettag $0x2  }
0x5a: {  	s0 =	rddreg [dreg:$0x0];
	s2 =	stileid.u32  }
0x5b: {  	s1 =	rddreg [dreg:$0x1];
	p0 =	sne.s32 s2, $0x0  }
0x5c: {  	s3 =	rddreg [dreg:$0x2];
	[bflag:$0x3] =	sbarrier.arrive $0xFFFF;
	s2 =	simm.s32 @!p0 $0x1C03  }
0x5d: {  	[timem:s3], [sflag:s2] =	dma.local @!p0 [hbm:s0], s1  }
0x5e: {  	s0 =	simm.s32 @!p0 $0x3  }
0x5f: {  	_ =	swait.ge @!p0 [sflag:s0], s1  }
0x60: {  	s1 =	ssub.s32 @!p0 $0x0, s1;
	[sflag:s0] =	ssyncset.done @!p0 $0x0  }
0x61: {  	[sflag:s0] =	ssyncadd.s32 @!p0 s1  }
0x62: {  	[bflag:$0x3] =	sbarrier.arrive $0xFFFF  }
0x63: {  	_ =	shalt  }

// kernel: kernel.36.cloned.1.call-start
scs
__scs_entry_jumppad:
0x0: {  	(pc) =	sbr.rel $0x88, $3  }
0x1: {  	(tag) =	ssettag $0x0;
	lr =	simm.s32 $0x1  }
0x2: {  	[smem:$0x3F99] =	sst lr;
	_ =	strace $0xD0000000  }
0x3: {  	_ = 	snop  }
0x4: {  	_ = 	snop  }
0x5: {  	_ = 	snop  }
0x6: {  	_ = 	snop  }
0x7: {  	_ = 	snop  }
__scs_overlays_trampoline_lowered:
0x8: {  	[smem:$0x3FA8] =	sst s0  }
0x9: {  	[smem:$0x3FA9] =	sst s1  }
0xa: {  	[smem:$0x3FAA] =	sst s2  }
0xb: {  	[smem:$0x3FAB] =	sst s3  }
0xc: {  	[smem:$0x3FAC] =	sst s4  }
0xd: {  	[smem:$0x3FAD] =	sst s5  }
0xe: {  	[smem:$0x3FAE] =	sst s6  }
0xf: {  	[smem:$0x3FAF] =	sst s7  }
0x10: {  	[smem:$0x3FB0] =	sst s8  }
0x11: {  	[smem:$0x3FB1] =	sst s9;
	s0 =	simm.s32 @!p0 $0x0  }
0x12: {  	s1 =	sld [smem:$0x3F97];
	s0 =	simm.s32 @p0 $0x1  }
0x13: {  	[smem:$0x3FB2] =	sst s0;
	s0 =	simm.s32 @!p1 $0x0  }
0x14: {  	s2 =	sld [smem:$0x3F96];
	s0 =	simm.s32 @p1 $0x1  }
0x15: {  	[smem:$0x3FB3] =	sst s0;
	s0 =	simm.s32 @!p2 $0x0  }
0x16: {  	s3 =	sld [smem:$0x3FDB];
	s0 =	simm.s32 @p2 $0x1  }
0x17: {  	s4 =	simm.s32 $0x1BF5;
	[smem:$0x3FB5] =	sst s0  }
0x18: {  	s0 =	sld [smem:$0x3F98];
	_ =	swait.ge [sflag:s4], $0x0  }
0x19: {  	s7 =	sld [smem:$0x3F99]  }
0x1a: {  	s8 =	sadd.s32 $0xFFFFE003, lr  }
0x1b: {  	s9 =	sadd.s32 $0xFFFFFEF7, lr;
	s5 =	simm.s32 $0xFFFFFFFF;
	p2 =	slt.u32 s8, $0xFFFFF086  }
0x1c: {  	p1 =	slt.u32 s9, $0xF7A;
	s5 =	simm.s32 @!p2 $0x0  }
0x1d: {  	s5 =	simm.s32 @p1 $0x1;
	p0 =	seq.s32 s7, s2  }
0x1e: {  	s7 =	smul.u32 @!p0 $0xF7A, s2;
	p2 =	seq.s32 @!p0 s5, $0x0  }
0x1f: {  	s9 =	smul.u32 $0xF7A, s1;
	s8 =	simm.s32 @!p0 $0x1BF5;
	p2 =	por !p2, p0  }
0x20: {  	[sflag:s8] =	ssyncset.s32 @!p0 $0xFFFFF086;
	s6 =	sadd.s32 @!p0 s3, s7;
	s7 =	simm.s32 @!p0 $0x108  }
0x21: {  	s3 =	sadd.s32 s3, s9;
	s6 =	sadd.s32 @!p0 $0x88, s6;
	s7 =	simm.s32 @p2 $0x1082  }
0x22: {  	[simem:s7], [sflag:s8] =	dma.local @!p0 [hbm:s6], $0xF7A  }
0x23: {  	s9 =	sor.u32 $0xD0000000, s2;
	s6 =	simm.s32 $0x108;
	_ =	swait.ge @!p0 [sflag:s8], $0x0  }
0x24: {  	s3 =	sadd.s32 $0x88, s3;
	s6 =	simm.s32 @!p1 $0x1082;
	[sflag:s4] =	ssyncset.s32 $0xFFFFF086  }
0x25: {  	[simem:s6], [sflag:s4] =	dma.local [hbm:s3], $0xF7A  }
0x26: {  	[smem:$0x3F99] =	sst s1;
	(tag) =	ssettag s2;
	_ =	strace s9  }
0x27: {  	s1 =	sld [smem:$0x3FA9]  }
0x28: {  	s2 =	sld [smem:$0x3FAA]  }
0x29: {  	s4 =	sld [smem:$0x3FAC]  }
0x2a: {  	p0 =	seq.s32 s5, $0x0;
	s5 =	sld [smem:$0x3FAD]  }
0x2b: {  	s6 =	sld [smem:$0x3FAE]  }
0x2c: {  	s7 =	sld [smem:$0x3FAF]  }
0x2d: {  	s3 =	simm.s32 $0x108;
	s8 =	sld [smem:$0x3FB0]  }
0x2e: {  	s3 =	simm.s32 @!p0 $0x1082;
	s9 =	sld [smem:$0x3FB1]  }
0x2f: {  	lr =	sadd.s32 s0, s3;
	s0 =	sld [smem:$0x3FA8]  }
0x30: {  	s3 =	sld [smem:$0x3FAB]  }
0x31: {  	[smem:$0x3FB4] =	sst s10  }
0x32: {  	s10 =	sld [smem:$0x3FB2];
	_ =	sdelay $0x3  }
0x33: {  	p0 =	seq.s32 s10, $0x1;
	s10 =	sld [smem:$0x3FB4];
	_ =	sdelay $0x3  }
0x34: {  	[smem:$0x3FB4] =	sst s10  }
0x35: {  	s10 =	sld [smem:$0x3FB3];
	_ =	sdelay $0x3  }
0x36: {  	p1 =	seq.s32 s10, $0x1;
	s10 =	sld [smem:$0x3FB4];
	_ =	sdelay $0x3  }
0x37: {  	[smem:$0x3FB4] =	sst s10  }
0x38: {  	s10 =	sld [smem:$0x3FB5]  }
0x39: {  	_ = 	snop;
	(pc) =	sbr.ind lr, $3  }
0x3a: {  	_ = 	snop  }
0x3b: {  	_ = 	snop  }
0x3c: {  	p2 =	seq.s32 s10, $0x1;
	s10 =	sld [smem:$0x3FB4]  }
0x3d: {  	_ =	shalt  }
0x3e: {  	_ =	shalt  }
0x3f: {  	_ =	shalt  }
0x40: {  	_ =	shalt  }
0x41: {  	_ =	shalt  }
0x42: {  	_ =	shalt  }
0x43: {  	_ =	shalt  }
0x44: {  	_ =	shalt  }
0x45: {  	_ =	shalt  }
0x46: {  	_ =	shalt  }
0x47: {  	_ =	shalt  }
0x48: {  	_ =	shalt  }
0x49: {  	_ =	shalt  }
0x4a: {  	_ =	shalt  }
0x4b: {  	_ =	shalt  }
0x4c: {  	_ =	shalt  }
0x4d: {  	_ =	shalt  }
0x4e: {  	_ =	shalt  }
0x4f: {  	_ =	shalt  }
0x50: {  	_ =	shalt  }
0x51: {  	_ =	shalt  }
0x52: {  	_ =	shalt  }
0x53: {  	_ =	shalt  }
0x54: {  	_ =	shalt  }
0x55: {  	_ =	shalt  }
0x56: {  	_ =	shalt  }
0x57: {  	_ =	shalt  }
0x58: {  	_ =	shalt  }
0x59: {  	_ =	shalt  }
0x5a: {  	_ =	shalt  }
0x5b: {  	_ =	shalt  }
0x5c: {  	_ =	shalt  }
0x5d: {  	_ =	shalt  }
0x5e: {  	_ =	shalt  }
0x5f: {  	_ =	shalt  }
0x60: {  	_ =	shalt  }
0x61: {  	_ =	shalt  }
0x62: {  	_ =	shalt  }
0x63: {  	_ =	shalt  }
0x64: {  	_ =	shalt  }
0x65: {  	_ =	shalt  }
0x66: {  	_ =	shalt  }
0x67: {  	_ =	shalt  }
0x68: {  	_ =	shalt  }
0x69: {  	_ =	shalt  }
0x6a: {  	_ =	shalt  }
0x6b: {  	_ =	shalt  }
0x6c: {  	_ =	shalt  }
0x6d: {  	_ =	shalt  }
0x6e: {  	_ =	shalt  }
0x6f: {  	_ =	shalt  }
0x70: {  	_ =	shalt  }
0x71: {  	_ =	shalt  }
0x72: {  	_ =	shalt  }
0x73: {  	_ =	shalt  }
0x74: {  	_ =	shalt  }
0x75: {  	_ =	shalt  }
0x76: {  	_ =	shalt  }
0x77: {  	_ =	shalt  }
0x78: {  	_ =	shalt  }
0x79: {  	_ =	shalt  }
0x7a: {  	_ =	shalt  }
0x7b: {  	_ =	shalt  }
0x7c: {  	_ =	shalt  }
0x7d: {  	_ =	shalt  }
0x7e: {  	_ =	shalt  }
0x7f: {  	_ =	shalt  }
0x80: {  	_ =	shalt  }
0x81: {  	_ =	shalt  }
0x82: {  	_ =	shalt  }
0x83: {  	_ =	shalt  }
0x84: {  	_ =	shalt  }
0x85: {  	_ =	shalt  }
0x86: {  	_ =	shalt  }
0x87: {  	_ =	shalt  }
.Lfunc_end0:
.L_simem_size_0:
called_computation.4_lowered:
.L_overlay_start_0:
0x88: {  	s2 =	sld [smem:$0x3FD9]  }
0x89: {  	s3 =	sld [smem:$0x3FFE];
	_ =	sdelay $0x1  }
0x8a: {  	s1 =	srdreg.scid  }
0x8b: {  	s0 =	sand.u32 $0x1, s1  }
0x8c: {  	s14 =	sshll.u32 s0, $0xA;
	s2 =	sadd.s32 s3, s2  }
0x8d: {  	s2 =	sadd.s32 s2, s14  }
0x8e: {  	[smem:$0x3FC0] =	sst s2  }
0x8f: {  	_ = 	snop  }
0x90: {  	s2 =	sld [smem:$0x3FD0];
	_ =	sdelay $0x2  }
0x91: {  	s15 =	simm.s32 $0xA;
	s4 =	simm.s32 $0x10  }
0x92: {  	[smem:s4], [sflag:s15] =	dma.local [hbm:s2], $0x1  }
0x93: {  	_ =	swait.eq [sflag:s15], $0x1  }
0x94: {  	[sflag:s15] =	ssyncset.done $0x0  }
0x95: {  	[sflag:s15] =	ssyncadd.s32 $0xFFFFFFFF  }
0x96: {  	s16 =	sld [smem:$0x10];
	(tm) =	ssettm $0x1  }
0x97: {  	s17 =	sld [smem:$0x3FFB];
	_ =	sdelay $0x3  }
0x98: {  	_ =	strace s17  }
0x99: {  	s3 =	sld [smem:$0x3FFC];
	_ =	sdelay $0x3  }
0x9a: {  	_ =	strace s3  }
0x9b: {  	s3 =	sld [smem:$0x3FFD];
	_ =	sdelay $0x3  }
0x9c: {  	_ =	strace s3  }
0x9d: {  	_ =	strace $0x8FFFFFFF  }
0x9e: {  	s18 =	sld [smem:$0x3FDB];
	_ =	sdelay $0x1  }
0x9f: {  	s19 =	simm.s32 $_scs_section_size  }
0xa0: {  	s5 =	simm.s32 $_size__tile_overlayer_lowered;
	s6 =	simm.s32 $_tile_overlayer_lowered  }
0xa1: {  	s22 =	simm.s32 $0x1BFF;
	s21 =	sshll.u32 s6, $0x1;
	s3 =	sadd.s32 s19, s18  }
0xa2: {  	s7 =	simm.s32 $0x0;
	s20 =	sshll.u32 s5, $0x1;
	s5 =	sadd.s32 s21, s3  }
0xa3: {  	[timem:s7], [sflag:s22] =	dma.local [hbm:s5], s20  }
0xa4: {  	_ =	swait.ge [sflag:s22], s20  }
0xa5: {  	s4 =	ssub.s32 $0x0, s20;
	[sflag:s22] =	ssyncset.done $0x0  }
0xa6: {  	[sflag:s22] =	ssyncadd.s32 s4;
	_ =	sdelay $0x1  }
0xa7: {  	s23 =	simm.s32 $0x1B8B  }
0xa8: {  	_ =	swait.ge [sflag:s23], $0x1  }
0xa9: {  	[sflag:s23] =	ssyncset.done $0x0  }
0xaa: {  	s25 =	simm.s32 $0x1B8E;
	s24 =	sld [smem:$0x3FFE];
	[sflag:s23] =	ssyncadd.s32 $0xFFFFFFFF  }
0xab: {  	s26 =	simm.s32 $execute0_lowered;
	[smem:$0x3FD2] =	sst s25  }
0xac: {  	s5 =	sshll.u32 s26, $0x1;
	_ =	strace $0x80000052;
	[dreg:$0x1] =	wrdreg $0xFFFFFFFF  }
0xad: {  	s28 =	simm.s32 $_size_execute0_lowered;
	s3 =	sadd.s32 s3, s5;
	[dreg:$0x0] =	wrdreg $0x0  }
0xae: {  	s5 =	sshll.u32 s28, $0x1;
	[dreg:$0x2] =	wrdreg s3  }
0xaf: {  	[dreg:$0x3] =	wrdreg s5  }
0xb0: {  	[dreg:$0x4] =	wrdreg $0xC0  }
0xb1: {  	_ =	task [dreg:s7], $0x5FFFF  }
0xb2: {  	[dreg:$0x1] =	wrdreg $0xFFFFFFFF  }
0xb3: {  	[dreg:$0x0] =	wrdreg $0x60  }
0xb4: {  	[dreg:$0x2] =	wrdreg s24  }
0xb5: {  	[dreg:$0x3] =	wrdreg s16  }
0xb6: {  	[dreg:$0x4] =	wrdreg $0xA9000  }
0xb7: {  	[dreg:$0x5] =	wrdreg $0x9  }
0xb8: {  	_ =	task.clear_ibuf [dreg:s7], $0x6FFFF;
	_ =	strace $0x90000052  }
0xb9: {  	s29 =	simm.s32 $0x9;
	_ =	strace $0x80000054  }
0xba: {  	_ =	swait.ge [sflag:s29], $0x1  }
0xbb: {  	[sflag:s29] =	ssyncadd.s32 $0xFFFFFFFF  }
0xbc: {  	_ =	strace $0x90000054  }
0xbd: {  	_ =	sfence  }
0xbe: {  	s30 =	sld [smem:$0x0];
	_ =	sdelay $0x2  }
0xbf: {  	s31 =	sshll.u32 s1, $0xD;
	s1 =	sshrl.u32 s1, $0x2  }
0xc0: {  	s3 =	sand.u32 $0x4000, s31;
	s1 =	sadd.s32 s1, s30  }
0xc1: {  	s0 =	sor.u32 s3, s0;
	s1 =	sshll.u32 s1, $0x11  }
0xc2: {  	s0 =	sor.u32 s1, s0  }
0xc3: {  	s0 =	sadd.s32 $0x8F2B, s0  }
0xc4: {  	[sflag:s0] =	ssyncadd.remote.s32 $0x1  }
0xc5: {  	_ =	sfence.sel $0xFFFF  }
0xc6: {  	[dreg:$0x0] =	wrdreg $0xFFFFFFFF;
	(pc) =	sbr.abs _section_cstart, $3  }
0xc7: {  	[dreg:$0x1] =	wrdreg $0xFFFFFFFF  }
0xc8: {  	_ =	task.clear_ibuf [dreg:s7], $0x2FFFF;
	_ =	strace $0x9FFFFFFF  }
0xc9: {  	(tm) =	ssettm $0x7FFFFFFF  }
tec
execute0_lowered:
.L_overlay_start_1:
0x0: {  	(tag) =	ssettag $0x1  }
0x1: {  	s5 =	rddreg [dreg:$0x0]  }
0x2: {  	s6 =	rddreg [dreg:$0x1]  }
0x3: {  	s1 =	rddreg [dreg:$0x2];
	s2 =	srdreg.scid  }
0x4: {  	s0 =	rddreg [dreg:$0x3];
	s3 =	simm.s32 $0x0;
	s15 =	simm.s32 $0x5800  }
0x5: {  	s16 =	simm.s32 $0x5880;
	s18 =	simm.s32 $0x1;
	s19 =	simm.s32 $0x28  }
0x6: {  	s20 =	simm.s32 $0x9500;
	s21 =	simm.s32 $0x78;
	s22 =	simm.s32 $0x5900  }
0x7: {  	s23 =	simm.s32 $0x3;
	s24 =	simm.s32 $0x2;
	s25 =	simm.s32 $0x0  }
0x8: {  	s7 =	sand.u32 $0x1, s2;
	s2 =	stileid.u32;
	[smem:$0x7FF] =	sst s3  }
0x9: {  	s4 =	sshll.u32 s7, $0x4;
	_ =	strace $0x80000053;
	s10 =	smul.u32 $0x14000, s2  }
0xa: {  	s9 =	sshll.u32 s2, $0x4;
	s12 =	smul.u32 $0x140000, s7;
	s7 =	ssub.s32 $0x2, s7  }
0xb: {  	s30 =	smul.u32 $0x50000, s2;
	s4 =	sor.u32 s2, s4;
	s9 =	sand.u32 $0x70, s9  }
0xc: {  	s29 =	sshrl.u32 s7, $0x1;
	s8 =	smul.u32 $0x580, s4;
	s4 =	sshll.u32 s4, $0x4  }
0xd: {  	s26 =	sshrl.u32 s10, $0x3;
	s10 =	sadd.s32 s10, s12;
	s14 =	ssub.s32 s7, s29  }
0xe: {  	s31 =	sshrl.u32 s30, $0x2;
	s11 =	sand.u32 $0x180, s4;
	s4 =	sadd.s32 $0x3A600, s5  }
0xf: {  	s10 =	sshrl.u32 s10, $0x3;
	s17 =	sadd.s32 s31, s1;
	s13 =	sadd.s32 s8, s5  }
0x10: {  	s9 =	sor.u32 s9, s11;
	s11 =	sadd.s32 s26, s5;
	s28 =	sadd.s32 s10, s5  }
0x11: {  	s10 =	sshll.u32 s2, $0x6;
	s17 =	sshrl.u32 s17, $0x3;
	s9 =	sadd.s32 s9, s5  }
0x12: {  	s5 =	sadd.s32 s6, s8;
	s6 =	sadd.s32 $0x7600, s13;
	s12 =	sadd.s32 $0xB2600, s28  }
0x13: {  	s13 =	smax.u32 s14, $0x1;
	s14 =	simm.s32 $0x2C00;
	s7 =	sadd.s32 $0x7200, s9  }
0x14: {  	s8 =	sadd.s32 $0x7400, s9;
	s9 =	sadd.s32 $0x8A600, s11;
	s11 =	sor.u32 $0x1C01, s10  }
.LBB2_1:
0x15: {  	[tilespmem:s3], [sflag:$0x1] =	stream.linear.gather [hbm4b:s5+s3], $0x2980, $0x38;
	[tilespmem:$0x1E900] =	vst v63  }
0x16: {  	_ = 	snop  }
0x17: {  	[tilespmem:s14], [sflag:$0x1] =	stream.linear.gather [hbm4b:s6+s3], $0x2980, $0x38;
	[tilespmem:$0x1E900] =	vst v63  }
0x18: {  	_ = 	snop  }
0x19: {  	[tilespmem:s15], [sflag:$0x1] =	stream.linear.gather [hbm4b:s7+s3], $0x80, $0x38;
	[tilespmem:$0x1E900] =	vst v63  }
0x1a: {  	_ = 	snop  }
0x1b: {  	[tilespmem:s16], [sflag:$0x1] =	stream.linear.gather [hbm4b:s8+s3], $0x80, $0x38;
	[tilespmem:$0x1E900] =	vst v63  }
0x1c: {  	[spmem:s17], [sflag:s11] =	dma.local [hbm:s9], $0x2800  }
0x1d: {  	_ =	swait.ge [sflag:s18], $0x2980  }
0x1e: {  	[sflag:s18] =	ssyncset.done $0x0  }
0x1f: {  	[sflag:s18] =	ssyncadd.s32 $0xFFFFD680  }
0x20: {  	_ =	swait.ge [sflag:s18], $0x2980  }
0x21: {  	[sflag:s18] =	ssyncset.done $0x0  }
0x22: {  	[sflag:s18] =	ssyncadd.s32 $0xFFFFD680  }
0x23: {  	_ =	swait.ge [sflag:s18], $0x80  }
0x24: {  	[sflag:s18] =	ssyncset.done $0x0  }
0x25: {  	[sflag:s18] =	ssyncadd.s32 $0xFFFFFF80  }
0x26: {  	_ =	swait.ge [sflag:s18], $0x80  }
0x27: {  	[sflag:s18] =	ssyncset.done $0x0  }
0x28: {  	[sflag:s18] =	ssyncadd.s32 $0xFFFFFF80  }
0x29: {  	_ =	swait.ge [sflag:s18], $0x2800  }
0x2a: {  	[sflag:s18] =	ssyncset.done $0x0  }
0x2b: {  	[sflag:s18] =	ssyncadd.s32 $0xFFFFD800  }
0x2c: {  	[bflag:$0x0] =	sbarrier.arrive $0xFFFF  }
0x2d: {  	[tilespmem:s20], [sflag:$0x2] =	stream.indirect.gather [hbm4b:s4+s19], $0x80, s15, s19, $0xb8;
	[tilespmem:$0x1E900] =	vst v63  }
0x2e: {  	s26 =	simm.s32 $0x0  }
0x2f: {  	[tilespmem:s22], [sflag:$0x1] =	stream.indirect.gather [hbm4b:s4+s21], $0x80, s26, s21, $0xb8;
	[tilespmem:$0x1E900] =	vst v63  }
0x30: {  	_ =	swait.ge [sflag:s18], $0x3C00  }
0x31: {  	[sflag:s18] =	ssyncset.done $0x0  }
0x32: {  	s31 =	simm.s32 $0x2C00;
	[sflag:s18] =	ssyncadd.s32 $0xFFFFC400  }
0x33: {  	[spmem:s1] =	stream.indirect.scatter.add.f32 [tilespmem:s22], [sflag:$0x3], $0x80, s31, s21, $0xb8;
	[tilespmem:$0x1E900] =	vst v63  }
0x34: {  	_ =	swait.ge [sflag:s23], $0x3C00  }
0x35: {  	s28 =	simm.s32 $0x400;
	s26 =	simm.s32 $0x200;
	[sflag:s23] =	ssyncset.done $0x0  }
.LBB2_2:
0x36: {  	s29 =	sshra.s32 s26, $0x2  }
0x37: {  	[sflag:s23] =	ssyncadd.s32 $0xFFFFC400;
	s26 =	smov.u32 s28;
	s30 =	sadd.s32 $0x200, s28  }
0x38: {  	[tilespmem:s22], [sflag:$0x1] =	stream.indirect.gather [hbm4b:s4+s21], $0x80, s29, s21, $0xb8;
	[tilespmem:$0x1E900] =	vst v63  }
0x39: {  	p0 =	sne.s32 s28, $0xA400;
	_ =	swait.ge [sflag:s18], $0x3C00  }
.Ltmp0:
0x3a: {  	[sflag:s18] =	ssyncset.done $0x0;
	(pc) =	sbr.rel @p0 .LBB2_2-.Ltmp0, $4  }
0x3b: {  	s28 =	sadd.s32 $0x2C00, s29;
	[sflag:s18] =	ssyncadd.s32 $0xFFFFC400  }
0x3c: {  	[spmem:s1] =	stream.indirect.scatter.add.f32 [tilespmem:s22], [sflag:$0x3], $0x80, s28, s21, $0xb8;
	[tilespmem:$0x1E900] =	vst v63  }
0x3d: {  	_ =	swait.ge [sflag:s23], $0x3C00  }
0x3e: {  	s28 =	smov.u32 s30;
	[sflag:s23] =	ssyncset.done $0x0  }
0x3f: {  	s26 =	sshra.s32 s26, $0x2;
	[sflag:s23] =	ssyncadd.s32 $0xFFFFC400  }
0x40: {  	[tilespmem:s22], [sflag:$0x1] =	stream.indirect.gather [hbm4b:s4+s21], $0x80, s26, s21, $0xb8;
	[tilespmem:$0x1E900] =	vst v63  }
0x41: {  	_ =	swait.ge [sflag:s18], $0x3C00  }
0x42: {  	[sflag:s18] =	ssyncset.done $0x0  }
0x43: {  	s26 =	sadd.s32 $0x2C00, s26;
	[sflag:s18] =	ssyncadd.s32 $0xFFFFC400  }
0x44: {  	[spmem:s1] =	stream.indirect.scatter.add.f32 [tilespmem:s22], [sflag:$0x3], $0x80, s26, s21, $0xb8;
	[tilespmem:$0x1E900] =	vst v63  }
0x45: {  	_ =	swait.ge [sflag:s23], $0x3C00  }
0x46: {  	[sflag:s23] =	ssyncset.done $0x0  }
0x47: {  	[sflag:s23] =	ssyncadd.s32 $0xFFFFC400  }
0x48: {  	_ =	swait.ge [sflag:s24], $0x1400  }
0x49: {  	[sflag:s24] =	ssyncset.done $0x0  }
0x4a: {  	[sflag:s24] =	ssyncadd.s32 $0xFFFFEC00  }
0x4b: {  	[spmem:s1] =	stream.indirect.scatter.add.f32 [tilespmem:s20], [sflag:$0x3], $0x80, s16, s19, $0xb8;
	[tilespmem:$0x1E900] =	vst v63  }
0x4c: {  	_ =	swait.ge [sflag:s23], $0x1400  }
0x4d: {  	s25 =	sadd.s32 $0x1, s25;
	[sflag:s23] =	ssyncset.done $0x0  }
0x4e: {  	p0 =	sne.s32 s25, s13;
	[sflag:s23] =	ssyncadd.s32 $0xFFFFEC00  }
.Ltmp1:
0x4f: {  	s31 =	sor.u32 $0x1C03, s10;
	[bflag:$0x0] =	sbarrier.arrive $0xFFFF;
	(pc) =	sbr.rel @p0 .LBB2_1-.Ltmp1, $4  }
0x50: {  	[hbm:s12], [sflag:s31] =	dma.local [spmem:s17], $0x2800  }
0x51: {  	_ =	swait.ge [sflag:s23], $0x2800  }
0x52: {  	[sflag:s23] =	ssyncset.done $0x0  }
0x53: {  	[sflag:s23] =	ssyncadd.s32 $0xFFFFD800  }
0x54: {  	_ =	sfence.sel $0x180000  }
0x55: {  	[bflag:$0x0] =	sbarrier.arrive $0xFFFF  }
0x56: {  	p0 =	sne.s32 s2, $0x0;
	_ =	strace $0x90000053  }
0x57: {  	s0 =	sadd.s32 @!p0 $0x100000, s0;
	[bflag:$0x2] =	sbarrier.arrive $0xFFFF  }
0x58: {  	[sflag:s0] =	ssyncadd.tile.s32 @!p0 $0x1;
	_ =	shalt  }
.Lfunc_end2:
_tile_overlayer_lowered:
.L_overlay_start_2:
0x59: {  	(tag) =	ssettag $0x2  }
0x5a: {  	s0 =	rddreg [dreg:$0x0];
	s2 =	stileid.u32  }
0x5b: {  	s1 =	rddreg [dreg:$0x1];
	p0 =	sne.s32 s2, $0x0  }
0x5c: {  	s3 =	rddreg [dreg:$0x2];
	[bflag:$0x3] =	sbarrier.arrive $0xFFFF;
	s2 =	simm.s32 @!p0 $0x1C03  }
0x5d: {  	[timem:s3], [sflag:s2] =	dma.local @!p0 [hbm:s0], s1  }
0x5e: {  	s0 =	simm.s32 @!p0 $0x3  }
0x5f: {  	_ =	swait.ge @!p0 [sflag:s0], s1  }
0x60: {  	s1 =	ssub.s32 @!p0 $0x0, s1;
	[sflag:s0] =	ssyncset.done @!p0 $0x0  }
0x61: {  	[sflag:s0] =	ssyncadd.s32 @!p0 s1  }
0x62: {  	[bflag:$0x3] =	sbarrier.arrive $0xFFFF  }
0x63: {  	_ =	shalt  }

// kernel: kernel.39.cloned.1.call-start
scs
__scs_entry_jumppad:
0x0: {  	(pc) =	sbr.rel $0x88, $3  }
0x1: {  	(tag) =	ssettag $0x0;
	lr =	simm.s32 $0x1  }
0x2: {  	[smem:$0x3F99] =	sst lr;
	_ =	strace $0xD0000000  }
0x3: {  	_ = 	snop  }
0x4: {  	_ = 	snop  }
0x5: {  	_ = 	snop  }
0x6: {  	_ = 	snop  }
0x7: {  	_ = 	snop  }
__scs_overlays_trampoline_lowered:
0x8: {  	[smem:$0x3FA8] =	sst s0  }
0x9: {  	[smem:$0x3FA9] =	sst s1  }
0xa: {  	[smem:$0x3FAA] =	sst s2  }
0xb: {  	[smem:$0x3FAB] =	sst s3  }
0xc: {  	[smem:$0x3FAC] =	sst s4  }
0xd: {  	[smem:$0x3FAD] =	sst s5  }
0xe: {  	[smem:$0x3FAE] =	sst s6  }
0xf: {  	[smem:$0x3FAF] =	sst s7  }
0x10: {  	[smem:$0x3FB0] =	sst s8  }
0x11: {  	[smem:$0x3FB1] =	sst s9;
	s0 =	simm.s32 @!p0 $0x0  }
0x12: {  	s1 =	sld [smem:$0x3F97];
	s0 =	simm.s32 @p0 $0x1  }
0x13: {  	[smem:$0x3FB2] =	sst s0;
	s0 =	simm.s32 @!p1 $0x0  }
0x14: {  	s2 =	sld [smem:$0x3F96];
	s0 =	simm.s32 @p1 $0x1  }
0x15: {  	[smem:$0x3FB3] =	sst s0;
	s0 =	simm.s32 @!p2 $0x0  }
0x16: {  	s3 =	sld [smem:$0x3FDB];
	s0 =	simm.s32 @p2 $0x1  }
0x17: {  	s4 =	simm.s32 $0x1BF5;
	[smem:$0x3FB5] =	sst s0  }
0x18: {  	s0 =	sld [smem:$0x3F98];
	_ =	swait.ge [sflag:s4], $0x0  }
0x19: {  	s7 =	sld [smem:$0x3F99]  }
0x1a: {  	s8 =	sadd.s32 $0xFFFFE003, lr  }
0x1b: {  	s9 =	sadd.s32 $0xFFFFFEF7, lr;
	s5 =	simm.s32 $0xFFFFFFFF;
	p2 =	slt.u32 s8, $0xFFFFF086  }
0x1c: {  	p1 =	slt.u32 s9, $0xF7A;
	s5 =	simm.s32 @!p2 $0x0  }
0x1d: {  	s5 =	simm.s32 @p1 $0x1;
	p0 =	seq.s32 s7, s2  }
0x1e: {  	s7 =	smul.u32 @!p0 $0xF7A, s2;
	p2 =	seq.s32 @!p0 s5, $0x0  }
0x1f: {  	s9 =	smul.u32 $0xF7A, s1;
	s8 =	simm.s32 @!p0 $0x1BF5;
	p2 =	por !p2, p0  }
0x20: {  	[sflag:s8] =	ssyncset.s32 @!p0 $0xFFFFF086;
	s6 =	sadd.s32 @!p0 s3, s7;
	s7 =	simm.s32 @!p0 $0x108  }
0x21: {  	s3 =	sadd.s32 s3, s9;
	s6 =	sadd.s32 @!p0 $0x88, s6;
	s7 =	simm.s32 @p2 $0x1082  }
0x22: {  	[simem:s7], [sflag:s8] =	dma.local @!p0 [hbm:s6], $0xF7A  }
0x23: {  	s9 =	sor.u32 $0xD0000000, s2;
	s6 =	simm.s32 $0x108;
	_ =	swait.ge @!p0 [sflag:s8], $0x0  }
0x24: {  	s3 =	sadd.s32 $0x88, s3;
	s6 =	simm.s32 @!p1 $0x1082;
	[sflag:s4] =	ssyncset.s32 $0xFFFFF086  }
0x25: {  	[simem:s6], [sflag:s4] =	dma.local [hbm:s3], $0xF7A  }
0x26: {  	[smem:$0x3F99] =	sst s1;
	(tag) =	ssettag s2;
	_ =	strace s9  }
0x27: {  	s1 =	sld [smem:$0x3FA9]  }
0x28: {  	s2 =	sld [smem:$0x3FAA]  }
0x29: {  	s4 =	sld [smem:$0x3FAC]  }
0x2a: {  	p0 =	seq.s32 s5, $0x0;
	s5 =	sld [smem:$0x3FAD]  }
0x2b: {  	s6 =	sld [smem:$0x3FAE]  }
0x2c: {  	s7 =	sld [smem:$0x3FAF]  }
0x2d: {  	s3 =	simm.s32 $0x108;
	s8 =	sld [smem:$0x3FB0]  }
0x2e: {  	s3 =	simm.s32 @!p0 $0x1082;
	s9 =	sld [smem:$0x3FB1]  }
0x2f: {  	lr =	sadd.s32 s0, s3;
	s0 =	sld [smem:$0x3FA8]  }
0x30: {  	s3 =	sld [smem:$0x3FAB]  }
0x31: {  	[smem:$0x3FB4] =	sst s10  }
0x32: {  	s10 =	sld [smem:$0x3FB2];
	_ =	sdelay $0x3  }
0x33: {  	p0 =	seq.s32 s10, $0x1;
	s10 =	sld [smem:$0x3FB4];
	_ =	sdelay $0x3  }
0x34: {  	[smem:$0x3FB4] =	sst s10  }
0x35: {  	s10 =	sld [smem:$0x3FB3];
	_ =	sdelay $0x3  }
0x36: {  	p1 =	seq.s32 s10, $0x1;
	s10 =	sld [smem:$0x3FB4];
	_ =	sdelay $0x3  }
0x37: {  	[smem:$0x3FB4] =	sst s10  }
0x38: {  	s10 =	sld [smem:$0x3FB5]  }
0x39: {  	_ = 	snop;
	(pc) =	sbr.ind lr, $3  }
0x3a: {  	_ = 	snop  }
0x3b: {  	_ = 	snop  }
0x3c: {  	p2 =	seq.s32 s10, $0x1;
	s10 =	sld [smem:$0x3FB4]  }
0x3d: {  	_ =	shalt  }
0x3e: {  	_ =	shalt  }
0x3f: {  	_ =	shalt  }
0x40: {  	_ =	shalt  }
0x41: {  	_ =	shalt  }
0x42: {  	_ =	shalt  }
0x43: {  	_ =	shalt  }
0x44: {  	_ =	shalt  }
0x45: {  	_ =	shalt  }
0x46: {  	_ =	shalt  }
0x47: {  	_ =	shalt  }
0x48: {  	_ =	shalt  }
0x49: {  	_ =	shalt  }
0x4a: {  	_ =	shalt  }
0x4b: {  	_ =	shalt  }
0x4c: {  	_ =	shalt  }
0x4d: {  	_ =	shalt  }
0x4e: {  	_ =	shalt  }
0x4f: {  	_ =	shalt  }
0x50: {  	_ =	shalt  }
0x51: {  	_ =	shalt  }
0x52: {  	_ =	shalt  }
0x53: {  	_ =	shalt  }
0x54: {  	_ =	shalt  }
0x55: {  	_ =	shalt  }
0x56: {  	_ =	shalt  }
0x57: {  	_ =	shalt  }
0x58: {  	_ =	shalt  }
0x59: {  	_ =	shalt  }
0x5a: {  	_ =	shalt  }
0x5b: {  	_ =	shalt  }
0x5c: {  	_ =	shalt  }
0x5d: {  	_ =	shalt  }
0x5e: {  	_ =	shalt  }
0x5f: {  	_ =	shalt  }
0x60: {  	_ =	shalt  }
0x61: {  	_ =	shalt  }
0x62: {  	_ =	shalt  }
0x63: {  	_ =	shalt  }
0x64: {  	_ =	shalt  }
0x65: {  	_ =	shalt  }
0x66: {  	_ =	shalt  }
0x67: {  	_ =	shalt  }
0x68: {  	_ =	shalt  }
0x69: {  	_ =	shalt  }
0x6a: {  	_ =	shalt  }
0x6b: {  	_ =	shalt  }
0x6c: {  	_ =	shalt  }
0x6d: {  	_ =	shalt  }
0x6e: {  	_ =	shalt  }
0x6f: {  	_ =	shalt  }
0x70: {  	_ =	shalt  }
0x71: {  	_ =	shalt  }
0x72: {  	_ =	shalt  }
0x73: {  	_ =	shalt  }
0x74: {  	_ =	shalt  }
0x75: {  	_ =	shalt  }
0x76: {  	_ =	shalt  }
0x77: {  	_ =	shalt  }
0x78: {  	_ =	shalt  }
0x79: {  	_ =	shalt  }
0x7a: {  	_ =	shalt  }
0x7b: {  	_ =	shalt  }
0x7c: {  	_ =	shalt  }
0x7d: {  	_ =	shalt  }
0x7e: {  	_ =	shalt  }
0x7f: {  	_ =	shalt  }
0x80: {  	_ =	shalt  }
0x81: {  	_ =	shalt  }
0x82: {  	_ =	shalt  }
0x83: {  	_ =	shalt  }
0x84: {  	_ =	shalt  }
0x85: {  	_ =	shalt  }
0x86: {  	_ =	shalt  }
0x87: {  	_ =	shalt  }
.Lfunc_end0:
.L_simem_size_0:
called_computation.5_lowered:
.L_overlay_start_0:
0x88: {  	s2 =	sld [smem:$0x3FD9]  }
0x89: {  	s3 =	sld [smem:$0x3FFE];
	_ =	sdelay $0x1  }
0x8a: {  	s1 =	srdreg.scid  }
0x8b: {  	s0 =	sand.u32 $0x1, s1  }
0x8c: {  	s14 =	sshll.u32 s0, $0xA;
	s2 =	sadd.s32 s3, s2  }
0x8d: {  	s2 =	sadd.s32 s2, s14  }
0x8e: {  	[smem:$0x3FC0] =	sst s2  }
0x8f: {  	_ = 	snop  }
0x90: {  	s2 =	sld [smem:$0x3FD0];
	_ =	sdelay $0x2  }
0x91: {  	s15 =	simm.s32 $0xA;
	s4 =	simm.s32 $0x10  }
0x92: {  	[smem:s4], [sflag:s15] =	dma.local [hbm:s2], $0x1  }
0x93: {  	_ =	swait.eq [sflag:s15], $0x1  }
0x94: {  	[sflag:s15] =	ssyncset.done $0x0  }
0x95: {  	[sflag:s15] =	ssyncadd.s32 $0xFFFFFFFF  }
0x96: {  	s16 =	sld [smem:$0x10];
	(tm) =	ssettm $0x1  }
0x97: {  	s17 =	sld [smem:$0x3FFB];
	_ =	sdelay $0x3  }
0x98: {  	_ =	strace s17  }
0x99: {  	s3 =	sld [smem:$0x3FFC];
	_ =	sdelay $0x3  }
0x9a: {  	_ =	strace s3  }
0x9b: {  	s3 =	sld [smem:$0x3FFD];
	_ =	sdelay $0x3  }
0x9c: {  	_ =	strace s3  }
0x9d: {  	_ =	strace $0x8FFFFFFF  }
0x9e: {  	s18 =	sld [smem:$0x3FDB];
	_ =	sdelay $0x1  }
0x9f: {  	s19 =	simm.s32 $_scs_section_size  }
0xa0: {  	s5 =	simm.s32 $_size__tile_overlayer_lowered;
	s6 =	simm.s32 $_tile_overlayer_lowered  }
0xa1: {  	s22 =	simm.s32 $0x1BFF;
	s21 =	sshll.u32 s6, $0x1;
	s3 =	sadd.s32 s19, s18  }
0xa2: {  	s7 =	simm.s32 $0x0;
	s20 =	sshll.u32 s5, $0x1;
	s5 =	sadd.s32 s21, s3  }
0xa3: {  	[timem:s7], [sflag:s22] =	dma.local [hbm:s5], s20  }
0xa4: {  	_ =	swait.ge [sflag:s22], s20  }
0xa5: {  	s4 =	ssub.s32 $0x0, s20;
	[sflag:s22] =	ssyncset.done $0x0  }
0xa6: {  	[sflag:s22] =	ssyncadd.s32 s4;
	_ =	sdelay $0x1  }
0xa7: {  	s23 =	simm.s32 $0x1B8B  }
0xa8: {  	_ =	swait.ge [sflag:s23], $0x1  }
0xa9: {  	[sflag:s23] =	ssyncset.done $0x0  }
0xaa: {  	s25 =	simm.s32 $0x1B8E;
	s24 =	sld [smem:$0x3FFE];
	[sflag:s23] =	ssyncadd.s32 $0xFFFFFFFF  }
0xab: {  	s26 =	simm.s32 $execute0_lowered;
	[smem:$0x3FD2] =	sst s25  }
0xac: {  	s5 =	sshll.u32 s26, $0x1;
	_ =	strace $0x80000055;
	[dreg:$0x1] =	wrdreg $0xFFFFFFFF  }
0xad: {  	s28 =	simm.s32 $_size_execute0_lowered;
	s3 =	sadd.s32 s3, s5;
	[dreg:$0x0] =	wrdreg $0x0  }
0xae: {  	s5 =	sshll.u32 s28, $0x1;
	[dreg:$0x2] =	wrdreg s3  }
0xaf: {  	[dreg:$0x3] =	wrdreg s5  }
0xb0: {  	[dreg:$0x4] =	wrdreg $0xC0  }
0xb1: {  	_ =	task [dreg:s7], $0x5FFFF  }
0xb2: {  	[dreg:$0x1] =	wrdreg $0xFFFFFFFF  }
0xb3: {  	[dreg:$0x0] =	wrdreg $0x60  }
0xb4: {  	[dreg:$0x2] =	wrdreg s24  }
0xb5: {  	[dreg:$0x3] =	wrdreg s16  }
0xb6: {  	[dreg:$0x4] =	wrdreg $0xA9000  }
0xb7: {  	[dreg:$0x5] =	wrdreg $0x9  }
0xb8: {  	_ =	task.clear_ibuf [dreg:s7], $0x6FFFF;
	_ =	strace $0x90000055  }
0xb9: {  	s29 =	simm.s32 $0x9;
	_ =	strace $0x80000057  }
0xba: {  	_ =	swait.ge [sflag:s29], $0x1  }
0xbb: {  	[sflag:s29] =	ssyncadd.s32 $0xFFFFFFFF  }
0xbc: {  	_ =	strace $0x90000057  }
0xbd: {  	_ =	sfence  }
0xbe: {  	s30 =	sld [smem:$0x0];
	_ =	sdelay $0x2  }
0xbf: {  	s31 =	sshll.u32 s1, $0xD;
	s1 =	sshrl.u32 s1, $0x2  }
0xc0: {  	s3 =	sand.u32 $0x4000, s31;
	s1 =	sadd.s32 s1, s30  }
0xc1: {  	s0 =	sor.u32 s3, s0;
	s1 =	sshll.u32 s1, $0x11  }
0xc2: {  	s0 =	sor.u32 s1, s0  }
0xc3: {  	s0 =	sadd.s32 $0x8F2B, s0  }
0xc4: {  	[sflag:s0] =	ssyncadd.remote.s32 $0x1  }
0xc5: {  	_ =	sfence.sel $0xFFFF  }
0xc6: {  	[dreg:$0x0] =	wrdreg $0xFFFFFFFF;
	(pc) =	sbr.abs _section_cstart, $3  }
0xc7: {  	[dreg:$0x1] =	wrdreg $0xFFFFFFFF  }
0xc8: {  	_ =	task.clear_ibuf [dreg:s7], $0x2FFFF;
	_ =	strace $0x9FFFFFFF  }
0xc9: {  	(tm) =	ssettm $0x7FFFFFFF  }
tec
execute0_lowered:
.L_overlay_start_1:
0x0: {  	(tag) =	ssettag $0x1  }
0x1: {  	s5 =	rddreg [dreg:$0x0]  }
0x2: {  	s6 =	rddreg [dreg:$0x1]  }
0x3: {  	s1 =	rddreg [dreg:$0x2];
	s2 =	srdreg.scid  }
0x4: {  	s0 =	rddreg [dreg:$0x3];
	s3 =	simm.s32 $0x0;
	s15 =	simm.s32 $0x5800  }
0x5: {  	s16 =	simm.s32 $0x5880;
	s18 =	simm.s32 $0x1;
	s19 =	simm.s32 $0x28  }
0x6: {  	s20 =	simm.s32 $0x9500;
	s21 =	simm.s32 $0x78;
	s22 =	simm.s32 $0x5900  }
0x7: {  	s23 =	simm.s32 $0x3;
	s24 =	simm.s32 $0x2;
	s25 =	simm.s32 $0x0  }
0x8: {  	s7 =	sand.u32 $0x1, s2;
	s2 =	stileid.u32;
	[smem:$0x7FF] =	sst s3  }
0x9: {  	s4 =	sshll.u32 s7, $0x4;
	_ =	strace $0x80000056;
	s10 =	smul.u32 $0x14000, s2  }
0xa: {  	s9 =	sshll.u32 s2, $0x4;
	s12 =	smul.u32 $0x140000, s7;
	s7 =	ssub.s32 $0x2, s7  }
0xb: {  	s30 =	smul.u32 $0x50000, s2;
	s4 =	sor.u32 s2, s4;
	s9 =	sand.u32 $0x70, s9  }
0xc: {  	s29 =	sshrl.u32 s7, $0x1;
	s8 =	smul.u32 $0x580, s4;
	s4 =	sshll.u32 s4, $0x4  }
0xd: {  	s26 =	sshrl.u32 s10, $0x3;
	s10 =	sadd.s32 s10, s12;
	s14 =	ssub.s32 s7, s29  }
0xe: {  	s31 =	sshrl.u32 s30, $0x2;
	s11 =	sand.u32 $0x180, s4;
	s4 =	sadd.s32 $0x3A600, s5  }
0xf: {  	s10 =	sshrl.u32 s10, $0x3;
	s17 =	sadd.s32 s31, s1;
	s13 =	sadd.s32 s8, s5  }
0x10: {  	s9 =	sor.u32 s9, s11;
	s11 =	sadd.s32 s26, s5;
	s28 =	sadd.s32 s10, s5  }
0x11: {  	s10 =	sshll.u32 s2, $0x6;
	s17 =	sshrl.u32 s17, $0x3;
	s9 =	sadd.s32 s9, s5  }
0x12: {  	s5 =	sadd.s32 s6, s8;
	s6 =	sadd.s32 $0x7600, s13;
	s12 =	sadd.s32 $0xB2600, s28  }
0x13: {  	s13 =	smax.u32 s14, $0x1;
	s14 =	simm.s32 $0x2C00;
	s7 =	sadd.s32 $0x7200, s9  }
0x14: {  	s8 =	sadd.s32 $0x7400, s9;
	s9 =	sadd.s32 $0x8A600, s11;
	s11 =	sor.u32 $0x1C01, s10  }
.LBB2_1:
0x15: {  	[tilespmem:s3], [sflag:$0x1] =	stream.linear.gather [hbm4b:s5+s3], $0x2980, $0x38;
	[tilespmem:$0x1E900] =	vst v63  }
0x16: {  	_ = 	snop  }
0x17: {  	[tilespmem:s14], [sflag:$0x1] =	stream.linear.gather [hbm4b:s6+s3], $0x2980, $0x38;
	[tilespmem:$0x1E900] =	vst v63  }
0x18: {  	_ = 	snop  }
0x19: {  	[tilespmem:s15], [sflag:$0x1] =	stream.linear.gather [hbm4b:s7+s3], $0x80, $0x38;
	[tilespmem:$0x1E900] =	vst v63  }
0x1a: {  	_ = 	snop  }
0x1b: {  	[tilespmem:s16], [sflag:$0x1] =	stream.linear.gather [hbm4b:s8+s3], $0x80, $0x38;
	[tilespmem:$0x1E900] =	vst v63  }
0x1c: {  	[spmem:s17], [sflag:s11] =	dma.local [hbm:s9], $0x2800  }
0x1d: {  	_ =	swait.ge [sflag:s18], $0x2980  }
0x1e: {  	[sflag:s18] =	ssyncset.done $0x0  }
0x1f: {  	[sflag:s18] =	ssyncadd.s32 $0xFFFFD680  }
0x20: {  	_ =	swait.ge [sflag:s18], $0x2980  }
0x21: {  	[sflag:s18] =	ssyncset.done $0x0  }
0x22: {  	[sflag:s18] =	ssyncadd.s32 $0xFFFFD680  }
0x23: {  	_ =	swait.ge [sflag:s18], $0x80  }
0x24: {  	[sflag:s18] =	ssyncset.done $0x0  }
0x25: {  	[sflag:s18] =	ssyncadd.s32 $0xFFFFFF80  }
0x26: {  	_ =	swait.ge [sflag:s18], $0x80  }
0x27: {  	[sflag:s18] =	ssyncset.done $0x0  }
0x28: {  	[sflag:s18] =	ssyncadd.s32 $0xFFFFFF80  }
0x29: {  	_ =	swait.ge [sflag:s18], $0x2800  }
0x2a: {  	[sflag:s18] =	ssyncset.done $0x0  }
0x2b: {  	[sflag:s18] =	ssyncadd.s32 $0xFFFFD800  }
0x2c: {  	[bflag:$0x0] =	sbarrier.arrive $0xFFFF  }
0x2d: {  	[tilespmem:s20], [sflag:$0x2] =	stream.indirect.gather [hbm4b:s4+s19], $0x80, s15, s19, $0xb8;
	[tilespmem:$0x1E900] =	vst v63  }
0x2e: {  	s26 =	simm.s32 $0x0  }
0x2f: {  	[tilespmem:s22], [sflag:$0x1] =	stream.indirect.gather [hbm4b:s4+s21], $0x80, s26, s21, $0xb8;
	[tilespmem:$0x1E900] =	vst v63  }
0x30: {  	_ =	swait.ge [sflag:s18], $0x3C00  }
0x31: {  	[sflag:s18] =	ssyncset.done $0x0  }
0x32: {  	s31 =	simm.s32 $0x2C00;
	[sflag:s18] =	ssyncadd.s32 $0xFFFFC400  }
0x33: {  	[spmem:s1] =	stream.indirect.scatter.add.f32 [tilespmem:s22], [sflag:$0x3], $0x80, s31, s21, $0xb8;
	[tilespmem:$0x1E900] =	vst v63  }
0x34: {  	_ =	swait.ge [sflag:s23], $0x3C00  }
0x35: {  	s28 =	simm.s32 $0x400;
	s26 =	simm.s32 $0x200;
	[sflag:s23] =	ssyncset.done $0x0  }
.LBB2_2:
0x36: {  	s29 =	sshra.s32 s26, $0x2  }
0x37: {  	[sflag:s23] =	ssyncadd.s32 $0xFFFFC400;
	s26 =	smov.u32 s28;
	s30 =	sadd.s32 $0x200, s28  }
0x38: {  	[tilespmem:s22], [sflag:$0x1] =	stream.indirect.gather [hbm4b:s4+s21], $0x80, s29, s21, $0xb8;
	[tilespmem:$0x1E900] =	vst v63  }
0x39: {  	p0 =	sne.s32 s28, $0xA400;
	_ =	swait.ge [sflag:s18], $0x3C00  }
.Ltmp0:
0x3a: {  	[sflag:s18] =	ssyncset.done $0x0;
	(pc) =	sbr.rel @p0 .LBB2_2-.Ltmp0, $4  }
0x3b: {  	s28 =	sadd.s32 $0x2C00, s29;
	[sflag:s18] =	ssyncadd.s32 $0xFFFFC400  }
0x3c: {  	[spmem:s1] =	stream.indirect.scatter.add.f32 [tilespmem:s22], [sflag:$0x3], $0x80, s28, s21, $0xb8;
	[tilespmem:$0x1E900] =	vst v63  }
0x3d: {  	_ =	swait.ge [sflag:s23], $0x3C00  }
0x3e: {  	s28 =	smov.u32 s30;
	[sflag:s23] =	ssyncset.done $0x0  }
0x3f: {  	s26 =	sshra.s32 s26, $0x2;
	[sflag:s23] =	ssyncadd.s32 $0xFFFFC400  }
0x40: {  	[tilespmem:s22], [sflag:$0x1] =	stream.indirect.gather [hbm4b:s4+s21], $0x80, s26, s21, $0xb8;
	[tilespmem:$0x1E900] =	vst v63  }
0x41: {  	_ =	swait.ge [sflag:s18], $0x3C00  }
0x42: {  	[sflag:s18] =	ssyncset.done $0x0  }
0x43: {  	s26 =	sadd.s32 $0x2C00, s26;
	[sflag:s18] =	ssyncadd.s32 $0xFFFFC400  }
0x44: {  	[spmem:s1] =	stream.indirect.scatter.add.f32 [tilespmem:s22], [sflag:$0x3], $0x80, s26, s21, $0xb8;
	[tilespmem:$0x1E900] =	vst v63  }
0x45: {  	_ =	swait.ge [sflag:s23], $0x3C00  }
0x46: {  	[sflag:s23] =	ssyncset.done $0x0  }
0x47: {  	[sflag:s23] =	ssyncadd.s32 $0xFFFFC400  }
0x48: {  	_ =	swait.ge [sflag:s24], $0x1400  }
0x49: {  	[sflag:s24] =	ssyncset.done $0x0  }
0x4a: {  	[sflag:s24] =	ssyncadd.s32 $0xFFFFEC00  }
0x4b: {  	[spmem:s1] =	stream.indirect.scatter.add.f32 [tilespmem:s20], [sflag:$0x3], $0x80, s16, s19, $0xb8;
	[tilespmem:$0x1E900] =	vst v63  }
0x4c: {  	_ =	swait.ge [sflag:s23], $0x1400  }
0x4d: {  	s25 =	sadd.s32 $0x1, s25;
	[sflag:s23] =	ssyncset.done $0x0  }
0x4e: {  	p0 =	sne.s32 s25, s13;
	[sflag:s23] =	ssyncadd.s32 $0xFFFFEC00  }
.Ltmp1:
0x4f: {  	s31 =	sor.u32 $0x1C03, s10;
	[bflag:$0x0] =	sbarrier.arrive $0xFFFF;
	(pc) =	sbr.rel @p0 .LBB2_1-.Ltmp1, $4  }
0x50: {  	[hbm:s12], [sflag:s31] =	dma.local [spmem:s17], $0x2800  }
0x51: {  	_ =	swait.ge [sflag:s23], $0x2800  }
0x52: {  	[sflag:s23] =	ssyncset.done $0x0  }
0x53: {  	[sflag:s23] =	ssyncadd.s32 $0xFFFFD800  }
0x54: {  	_ =	sfence.sel $0x180000  }
0x55: {  	[bflag:$0x0] =	sbarrier.arrive $0xFFFF  }
0x56: {  	p0 =	sne.s32 s2, $0x0;
	_ =	strace $0x90000056  }
0x57: {  	s0 =	sadd.s32 @!p0 $0x100000, s0;
	[bflag:$0x2] =	sbarrier.arrive $0xFFFF  }
0x58: {  	[sflag:s0] =	ssyncadd.tile.s32 @!p0 $0x1;
	_ =	shalt  }
.Lfunc_end2:
_tile_overlayer_lowered:
.L_overlay_start_2:
0x59: {  	(tag) =	ssettag $0x2  }
0x5a: {  	s0 =	rddreg [dreg:$0x0];
	s2 =	stileid.u32  }
0x5b: {  	s1 =	rddreg [dreg:$0x1];
	p0 =	sne.s32 s2, $0x0  }
0x5c: {  	s3 =	rddreg [dreg:$0x2];
	[bflag:$0x3] =	sbarrier.arrive $0xFFFF;
	s2 =	simm.s32 @!p0 $0x1C03  }
0x5d: {  	[timem:s3], [sflag:s2] =	dma.local @!p0 [hbm:s0], s1  }
0x5e: {  	s0 =	simm.s32 @!p0 $0x3  }
0x5f: {  	_ =	swait.ge @!p0 [sflag:s0], s1  }
0x60: {  	s1 =	ssub.s32 @!p0 $0x0, s1;
	[sflag:s0] =	ssyncset.done @!p0 $0x0  }
0x61: {  	[sflag:s0] =	ssyncadd.s32 @!p0 s1  }
0x62: {  	[bflag:$0x3] =	sbarrier.arrive $0xFFFF  }
0x63: {  	_ =	shalt  }

// kernel: kernel.42.cloned.1.call-start
scs
__scs_entry_jumppad:
0x0: {  	(pc) =	sbr.rel $0x88, $3  }
0x1: {  	(tag) =	ssettag $0x0;
	lr =	simm.s32 $0x1  }
0x2: {  	[smem:$0x3F99] =	sst lr;
	_ =	strace $0xD0000000  }
0x3: {  	_ = 	snop  }
0x4: {  	_ = 	snop  }
0x5: {  	_ = 	snop  }
0x6: {  	_ = 	snop  }
0x7: {  	_ = 	snop  }
__scs_overlays_trampoline_lowered:
0x8: {  	[smem:$0x3FA8] =	sst s0  }
0x9: {  	[smem:$0x3FA9] =	sst s1  }
0xa: {  	[smem:$0x3FAA] =	sst s2  }
0xb: {  	[smem:$0x3FAB] =	sst s3  }
0xc: {  	[smem:$0x3FAC] =	sst s4  }
0xd: {  	[smem:$0x3FAD] =	sst s5  }
0xe: {  	[smem:$0x3FAE] =	sst s6  }
0xf: {  	[smem:$0x3FAF] =	sst s7  }
0x10: {  	[smem:$0x3FB0] =	sst s8  }
0x11: {  	[smem:$0x3FB1] =	sst s9;
	s0 =	simm.s32 @!p0 $0x0  }
0x12: {  	s1 =	sld [smem:$0x3F97];
	s0 =	simm.s32 @p0 $0x1  }
0x13: {  	[smem:$0x3FB2] =	sst s0;
	s0 =	simm.s32 @!p1 $0x0  }
0x14: {  	s2 =	sld [smem:$0x3F96];
	s0 =	simm.s32 @p1 $0x1  }
0x15: {  	[smem:$0x3FB3] =	sst s0;
	s0 =	simm.s32 @!p2 $0x0  }
0x16: {  	s3 =	sld [smem:$0x3FDB];
	s0 =	simm.s32 @p2 $0x1  }
0x17: {  	s4 =	simm.s32 $0x1BF5;
	[smem:$0x3FB5] =	sst s0  }
0x18: {  	s0 =	sld [smem:$0x3F98];
	_ =	swait.ge [sflag:s4], $0x0  }
0x19: {  	s7 =	sld [smem:$0x3F99]  }
0x1a: {  	s8 =	sadd.s32 $0xFFFFE003, lr  }
0x1b: {  	s9 =	sadd.s32 $0xFFFFFEF7, lr;
	s5 =	simm.s32 $0xFFFFFFFF;
	p2 =	slt.u32 s8, $0xFFFFF086  }
0x1c: {  	p1 =	slt.u32 s9, $0xF7A;
	s5 =	simm.s32 @!p2 $0x0  }
0x1d: {  	s5 =	simm.s32 @p1 $0x1;
	p0 =	seq.s32 s7, s2  }
0x1e: {  	s7 =	smul.u32 @!p0 $0xF7A, s2;
	p2 =	seq.s32 @!p0 s5, $0x0  }
0x1f: {  	s9 =	smul.u32 $0xF7A, s1;
	s8 =	simm.s32 @!p0 $0x1BF5;
	p2 =	por !p2, p0  }
0x20: {  	[sflag:s8] =	ssyncset.s32 @!p0 $0xFFFFF086;
	s6 =	sadd.s32 @!p0 s3, s7;
	s7 =	simm.s32 @!p0 $0x108  }
0x21: {  	s3 =	sadd.s32 s3, s9;
	s6 =	sadd.s32 @!p0 $0x88, s6;
	s7 =	simm.s32 @p2 $0x1082  }
0x22: {  	[simem:s7], [sflag:s8] =	dma.local @!p0 [hbm:s6], $0xF7A  }
0x23: {  	s9 =	sor.u32 $0xD0000000, s2;
	s6 =	simm.s32 $0x108;
	_ =	swait.ge @!p0 [sflag:s8], $0x0  }
0x24: {  	s3 =	sadd.s32 $0x88, s3;
	s6 =	simm.s32 @!p1 $0x1082;
	[sflag:s4] =	ssyncset.s32 $0xFFFFF086  }
0x25: {  	[simem:s6], [sflag:s4] =	dma.local [hbm:s3], $0xF7A  }
0x26: {  	[smem:$0x3F99] =	sst s1;
	(tag) =	ssettag s2;
	_ =	strace s9  }
0x27: {  	s1 =	sld [smem:$0x3FA9]  }
0x28: {  	s2 =	sld [smem:$0x3FAA]  }
0x29: {  	s4 =	sld [smem:$0x3FAC]  }
0x2a: {  	p0 =	seq.s32 s5, $0x0;
	s5 =	sld [smem:$0x3FAD]  }
0x2b: {  	s6 =	sld [smem:$0x3FAE]  }
0x2c: {  	s7 =	sld [smem:$0x3FAF]  }
0x2d: {  	s3 =	simm.s32 $0x108;
	s8 =	sld [smem:$0x3FB0]  }
0x2e: {  	s3 =	simm.s32 @!p0 $0x1082;
	s9 =	sld [smem:$0x3FB1]  }
0x2f: {  	lr =	sadd.s32 s0, s3;
	s0 =	sld [smem:$0x3FA8]  }
0x30: {  	s3 =	sld [smem:$0x3FAB]  }
0x31: {  	[smem:$0x3FB4] =	sst s10  }
0x32: {  	s10 =	sld [smem:$0x3FB2];
	_ =	sdelay $0x3  }
0x33: {  	p0 =	seq.s32 s10, $0x1;
	s10 =	sld [smem:$0x3FB4];
	_ =	sdelay $0x3  }
0x34: {  	[smem:$0x3FB4] =	sst s10  }
0x35: {  	s10 =	sld [smem:$0x3FB3];
	_ =	sdelay $0x3  }
0x36: {  	p1 =	seq.s32 s10, $0x1;
	s10 =	sld [smem:$0x3FB4];
	_ =	sdelay $0x3  }
0x37: {  	[smem:$0x3FB4] =	sst s10  }
0x38: {  	s10 =	sld [smem:$0x3FB5]  }
0x39: {  	_ = 	snop;
	(pc) =	sbr.ind lr, $3  }
0x3a: {  	_ = 	snop  }
0x3b: {  	_ = 	snop  }
0x3c: {  	p2 =	seq.s32 s10, $0x1;
	s10 =	sld [smem:$0x3FB4]  }
0x3d: {  	_ =	shalt  }
0x3e: {  	_ =	shalt  }
0x3f: {  	_ =	shalt  }
0x40: {  	_ =	shalt  }
0x41: {  	_ =	shalt  }
0x42: {  	_ =	shalt  }
0x43: {  	_ =	shalt  }
0x44: {  	_ =	shalt  }
0x45: {  	_ =	shalt  }
0x46: {  	_ =	shalt  }
0x47: {  	_ =	shalt  }
0x48: {  	_ =	shalt  }
0x49: {  	_ =	shalt  }
0x4a: {  	_ =	shalt  }
0x4b: {  	_ =	shalt  }
0x4c: {  	_ =	shalt  }
0x4d: {  	_ =	shalt  }
0x4e: {  	_ =	shalt  }
0x4f: {  	_ =	shalt  }
0x50: {  	_ =	shalt  }
0x51: {  	_ =	shalt  }
0x52: {  	_ =	shalt  }
0x53: {  	_ =	shalt  }
0x54: {  	_ =	shalt  }
0x55: {  	_ =	shalt  }
0x56: {  	_ =	shalt  }
0x57: {  	_ =	shalt  }
0x58: {  	_ =	shalt  }
0x59: {  	_ =	shalt  }
0x5a: {  	_ =	shalt  }
0x5b: {  	_ =	shalt  }
0x5c: {  	_ =	shalt  }
0x5d: {  	_ =	shalt  }
0x5e: {  	_ =	shalt  }
0x5f: {  	_ =	shalt  }
0x60: {  	_ =	shalt  }
0x61: {  	_ =	shalt  }
0x62: {  	_ =	shalt  }
0x63: {  	_ =	shalt  }
0x64: {  	_ =	shalt  }
0x65: {  	_ =	shalt  }
0x66: {  	_ =	shalt  }
0x67: {  	_ =	shalt  }
0x68: {  	_ =	shalt  }
0x69: {  	_ =	shalt  }
0x6a: {  	_ =	shalt  }
0x6b: {  	_ =	shalt  }
0x6c: {  	_ =	shalt  }
0x6d: {  	_ =	shalt  }
0x6e: {  	_ =	shalt  }
0x6f: {  	_ =	shalt  }
0x70: {  	_ =	shalt  }
0x71: {  	_ =	shalt  }
0x72: {  	_ =	shalt  }
0x73: {  	_ =	shalt  }
0x74: {  	_ =	shalt  }
0x75: {  	_ =	shalt  }
0x76: {  	_ =	shalt  }
0x77: {  	_ =	shalt  }
0x78: {  	_ =	shalt  }
0x79: {  	_ =	shalt  }
0x7a: {  	_ =	shalt  }
0x7b: {  	_ =	shalt  }
0x7c: {  	_ =	shalt  }
0x7d: {  	_ =	shalt  }
0x7e: {  	_ =	shalt  }
0x7f: {  	_ =	shalt  }
0x80: {  	_ =	shalt  }
0x81: {  	_ =	shalt  }
0x82: {  	_ =	shalt  }
0x83: {  	_ =	shalt  }
0x84: {  	_ =	shalt  }
0x85: {  	_ =	shalt  }
0x86: {  	_ =	shalt  }
0x87: {  	_ =	shalt  }
.Lfunc_end0:
.L_simem_size_0:
called_computation.6_lowered:
.L_overlay_start_0:
0x88: {  	s2 =	sld [smem:$0x3FD9]  }
0x89: {  	s3 =	sld [smem:$0x3FFE];
	_ =	sdelay $0x1  }
0x8a: {  	s1 =	srdreg.scid  }
0x8b: {  	s0 =	sand.u32 $0x1, s1  }
0x8c: {  	s14 =	sshll.u32 s0, $0xA;
	s2 =	sadd.s32 s3, s2  }
0x8d: {  	s2 =	sadd.s32 s2, s14  }
0x8e: {  	[smem:$0x3FC0] =	sst s2  }
0x8f: {  	_ = 	snop  }
0x90: {  	s2 =	sld [smem:$0x3FD0];
	_ =	sdelay $0x2  }
0x91: {  	s15 =	simm.s32 $0xA;
	s4 =	simm.s32 $0x10  }
0x92: {  	[smem:s4], [sflag:s15] =	dma.local [hbm:s2], $0x1  }
0x93: {  	_ =	swait.eq [sflag:s15], $0x1  }
0x94: {  	[sflag:s15] =	ssyncset.done $0x0  }
0x95: {  	[sflag:s15] =	ssyncadd.s32 $0xFFFFFFFF  }
0x96: {  	s16 =	sld [smem:$0x10];
	(tm) =	ssettm $0x1  }
0x97: {  	s17 =	sld [smem:$0x3FFB];
	_ =	sdelay $0x3  }
0x98: {  	_ =	strace s17  }
0x99: {  	s3 =	sld [smem:$0x3FFC];
	_ =	sdelay $0x3  }
0x9a: {  	_ =	strace s3  }
0x9b: {  	s3 =	sld [smem:$0x3FFD];
	_ =	sdelay $0x3  }
0x9c: {  	_ =	strace s3  }
0x9d: {  	_ =	strace $0x8FFFFFFF  }
0x9e: {  	s18 =	sld [smem:$0x3FDB];
	_ =	sdelay $0x1  }
0x9f: {  	s19 =	simm.s32 $_scs_section_size  }
0xa0: {  	s5 =	simm.s32 $_size__tile_overlayer_lowered;
	s6 =	simm.s32 $_tile_overlayer_lowered  }
0xa1: {  	s22 =	simm.s32 $0x1BFF;
	s21 =	sshll.u32 s6, $0x1;
	s3 =	sadd.s32 s19, s18  }
0xa2: {  	s7 =	simm.s32 $0x0;
	s20 =	sshll.u32 s5, $0x1;
	s5 =	sadd.s32 s21, s3  }
0xa3: {  	[timem:s7], [sflag:s22] =	dma.local [hbm:s5], s20  }
0xa4: {  	_ =	swait.ge [sflag:s22], s20  }
0xa5: {  	s4 =	ssub.s32 $0x0, s20;
	[sflag:s22] =	ssyncset.done $0x0  }
0xa6: {  	[sflag:s22] =	ssyncadd.s32 s4;
	_ =	sdelay $0x1  }
0xa7: {  	s23 =	simm.s32 $0x1B8B  }
0xa8: {  	_ =	swait.ge [sflag:s23], $0x1  }
0xa9: {  	[sflag:s23] =	ssyncset.done $0x0  }
0xaa: {  	s25 =	simm.s32 $0x1B8E;
	s24 =	sld [smem:$0x3FFE];
	[sflag:s23] =	ssyncadd.s32 $0xFFFFFFFF  }
0xab: {  	s26 =	simm.s32 $execute0_lowered;
	[smem:$0x3FD2] =	sst s25  }
0xac: {  	s5 =	sshll.u32 s26, $0x1;
	_ =	strace $0x80000058;
	[dreg:$0x1] =	wrdreg $0xFFFFFFFF  }
0xad: {  	s28 =	simm.s32 $_size_execute0_lowered;
	s3 =	sadd.s32 s3, s5;
	[dreg:$0x0] =	wrdreg $0x0  }
0xae: {  	s5 =	sshll.u32 s28, $0x1;
	[dreg:$0x2] =	wrdreg s3  }
0xaf: {  	[dreg:$0x3] =	wrdreg s5  }
0xb0: {  	[dreg:$0x4] =	wrdreg $0xC0  }
0xb1: {  	_ =	task [dreg:s7], $0x5FFFF  }
0xb2: {  	[dreg:$0x1] =	wrdreg $0xFFFFFFFF  }
0xb3: {  	[dreg:$0x0] =	wrdreg $0x60  }
0xb4: {  	[dreg:$0x2] =	wrdreg s24  }
0xb5: {  	[dreg:$0x3] =	wrdreg s16  }
0xb6: {  	[dreg:$0x4] =	wrdreg $0xA9000  }
0xb7: {  	[dreg:$0x5] =	wrdreg $0x9  }
0xb8: {  	_ =	task.clear_ibuf [dreg:s7], $0x6FFFF;
	_ =	strace $0x90000058  }
0xb9: {  	s29 =	simm.s32 $0x9;
	_ =	strace $0x8000005A  }
0xba: {  	_ =	swait.ge [sflag:s29], $0x1  }
0xbb: {  	[sflag:s29] =	ssyncadd.s32 $0xFFFFFFFF  }
0xbc: {  	_ =	strace $0x9000005A  }
0xbd: {  	_ =	sfence  }
0xbe: {  	s30 =	sld [smem:$0x0];
	_ =	sdelay $0x2  }
0xbf: {  	s31 =	sshll.u32 s1, $0xD;
	s1 =	sshrl.u32 s1, $0x2  }
0xc0: {  	s3 =	sand.u32 $0x4000, s31;
	s1 =	sadd.s32 s1, s30  }
0xc1: {  	s0 =	sor.u32 s3, s0;
	s1 =	sshll.u32 s1, $0x11  }
0xc2: {  	s0 =	sor.u32 s1, s0  }
0xc3: {  	s0 =	sadd.s32 $0x8F2B, s0  }
0xc4: {  	[sflag:s0] =	ssyncadd.remote.s32 $0x1  }
0xc5: {  	_ =	sfence.sel $0xFFFF  }
0xc6: {  	[dreg:$0x0] =	wrdreg $0xFFFFFFFF;
	(pc) =	sbr.abs _section_cstart, $3  }
0xc7: {  	[dreg:$0x1] =	wrdreg $0xFFFFFFFF  }
0xc8: {  	_ =	task.clear_ibuf [dreg:s7], $0x2FFFF;
	_ =	strace $0x9FFFFFFF  }
0xc9: {  	(tm) =	ssettm $0x7FFFFFFF  }
tec
execute0_lowered:
.L_overlay_start_1:
0x0: {  	(tag) =	ssettag $0x1  }
0x1: {  	s5 =	rddreg [dreg:$0x0]  }
0x2: {  	s6 =	rddreg [dreg:$0x1]  }
0x3: {  	s1 =	rddreg [dreg:$0x2];
	s2 =	srdreg.scid  }
0x4: {  	s0 =	rddreg [dreg:$0x3];
	s3 =	simm.s32 $0x0;
	s15 =	simm.s32 $0x5800  }
0x5: {  	s16 =	simm.s32 $0x5880;
	s18 =	simm.s32 $0x1;
	s19 =	simm.s32 $0x28  }
0x6: {  	s20 =	simm.s32 $0x9500;
	s21 =	simm.s32 $0x78;
	s22 =	simm.s32 $0x5900  }
0x7: {  	s23 =	simm.s32 $0x3;
	s24 =	simm.s32 $0x2;
	s25 =	simm.s32 $0x0  }
0x8: {  	s7 =	sand.u32 $0x1, s2;
	s2 =	stileid.u32;
	[smem:$0x7FF] =	sst s3  }
0x9: {  	s4 =	sshll.u32 s7, $0x4;
	_ =	strace $0x80000059;
	s10 =	smul.u32 $0x14000, s2  }
0xa: {  	s9 =	sshll.u32 s2, $0x4;
	s12 =	smul.u32 $0x140000, s7;
	s7 =	ssub.s32 $0x2, s7  }
0xb: {  	s30 =	smul.u32 $0x50000, s2;
	s4 =	sor.u32 s2, s4;
	s9 =	sand.u32 $0x70, s9  }
0xc: {  	s29 =	sshrl.u32 s7, $0x1;
	s8 =	smul.u32 $0x580, s4;
	s4 =	sshll.u32 s4, $0x4  }
0xd: {  	s26 =	sshrl.u32 s10, $0x3;
	s10 =	sadd.s32 s10, s12;
	s14 =	ssub.s32 s7, s29  }
0xe: {  	s31 =	sshrl.u32 s30, $0x2;
	s11 =	sand.u32 $0x180, s4;
	s4 =	sadd.s32 $0x3A600, s5  }
0xf: {  	s10 =	sshrl.u32 s10, $0x3;
	s17 =	sadd.s32 s31, s1;
	s13 =	sadd.s32 s8, s5  }
0x10: {  	s9 =	sor.u32 s9, s11;
	s11 =	sadd.s32 s26, s5;
	s28 =	sadd.s32 s10, s5  }
0x11: {  	s10 =	sshll.u32 s2, $0x6;
	s17 =	sshrl.u32 s17, $0x3;
	s9 =	sadd.s32 s9, s5  }
0x12: {  	s5 =	sadd.s32 s6, s8;
	s6 =	sadd.s32 $0x7600, s13;
	s12 =	sadd.s32 $0xB2600, s28  }
0x13: {  	s13 =	smax.u32 s14, $0x1;
	s14 =	simm.s32 $0x2C00;
	s7 =	sadd.s32 $0x7200, s9  }
0x14: {  	s8 =	sadd.s32 $0x7400, s9;
	s9 =	sadd.s32 $0x8A600, s11;
	s11 =	sor.u32 $0x1C01, s10  }
.LBB2_1:
0x15: {  	[tilespmem:s3], [sflag:$0x1] =	stream.linear.gather [hbm4b:s5+s3], $0x2980, $0x38;
	[tilespmem:$0x1E900] =	vst v63  }
0x16: {  	_ = 	snop  }
0x17: {  	[tilespmem:s14], [sflag:$0x1] =	stream.linear.gather [hbm4b:s6+s3], $0x2980, $0x38;
	[tilespmem:$0x1E900] =	vst v63  }
0x18: {  	_ = 	snop  }
0x19: {  	[tilespmem:s15], [sflag:$0x1] =	stream.linear.gather [hbm4b:s7+s3], $0x80, $0x38;
	[tilespmem:$0x1E900] =	vst v63  }
0x1a: {  	_ = 	snop  }
0x1b: {  	[tilespmem:s16], [sflag:$0x1] =	stream.linear.gather [hbm4b:s8+s3], $0x80, $0x38;
	[tilespmem:$0x1E900] =	vst v63  }
0x1c: {  	[spmem:s17], [sflag:s11] =	dma.local [hbm:s9], $0x2800  }
0x1d: {  	_ =	swait.ge [sflag:s18], $0x2980  }
0x1e: {  	[sflag:s18] =	ssyncset.done $0x0  }
0x1f: {  	[sflag:s18] =	ssyncadd.s32 $0xFFFFD680  }
0x20: {  	_ =	swait.ge [sflag:s18], $0x2980  }
0x21: {  	[sflag:s18] =	ssyncset.done $0x0  }
0x22: {  	[sflag:s18] =	ssyncadd.s32 $0xFFFFD680  }
0x23: {  	_ =	swait.ge [sflag:s18], $0x80  }
0x24: {  	[sflag:s18] =	ssyncset.done $0x0  }
0x25: {  	[sflag:s18] =	ssyncadd.s32 $0xFFFFFF80  }
0x26: {  	_ =	swait.ge [sflag:s18], $0x80  }
0x27: {  	[sflag:s18] =	ssyncset.done $0x0  }
0x28: {  	[sflag:s18] =	ssyncadd.s32 $0xFFFFFF80  }
0x29: {  	_ =	swait.ge [sflag:s18], $0x2800  }
0x2a: {  	[sflag:s18] =	ssyncset.done $0x0  }
0x2b: {  	[sflag:s18] =	ssyncadd.s32 $0xFFFFD800  }
0x2c: {  	[bflag:$0x0] =	sbarrier.arrive $0xFFFF  }
0x2d: {  	[tilespmem:s20], [sflag:$0x2] =	stream.indirect.gather [hbm4b:s4+s19], $0x80, s15, s19, $0xb8;
	[tilespmem:$0x1E900] =	vst v63  }
0x2e: {  	s26 =	simm.s32 $0x0  }
0x2f: {  	[tilespmem:s22], [sflag:$0x1] =	stream.indirect.gather [hbm4b:s4+s21], $0x80, s26, s21, $0xb8;
	[tilespmem:$0x1E900] =	vst v63  }
0x30: {  	_ =	swait.ge [sflag:s18], $0x3C00  }
0x31: {  	[sflag:s18] =	ssyncset.done $0x0  }
0x32: {  	s31 =	simm.s32 $0x2C00;
	[sflag:s18] =	ssyncadd.s32 $0xFFFFC400  }
0x33: {  	[spmem:s1] =	stream.indirect.scatter.add.f32 [tilespmem:s22], [sflag:$0x3], $0x80, s31, s21, $0xb8;
	[tilespmem:$0x1E900] =	vst v63  }
0x34: {  	_ =	swait.ge [sflag:s23], $0x3C00  }
0x35: {  	s28 =	simm.s32 $0x400;
	s26 =	simm.s32 $0x200;
	[sflag:s23] =	ssyncset.done $0x0  }
.LBB2_2:
0x36: {  	s29 =	sshra.s32 s26, $0x2  }
0x37: {  	[sflag:s23] =	ssyncadd.s32 $0xFFFFC400;
	s26 =	smov.u32 s28;
	s30 =	sadd.s32 $0x200, s28  }
0x38: {  	[tilespmem:s22], [sflag:$0x1] =	stream.indirect.gather [hbm4b:s4+s21], $0x80, s29, s21, $0xb8;
	[tilespmem:$0x1E900] =	vst v63  }
0x39: {  	p0 =	sne.s32 s28, $0xA400;
	_ =	swait.ge [sflag:s18], $0x3C00  }
.Ltmp0:
0x3a: {  	[sflag:s18] =	ssyncset.done $0x0;
	(pc) =	sbr.rel @p0 .LBB2_2-.Ltmp0, $4  }
0x3b: {  	s28 =	sadd.s32 $0x2C00, s29;
	[sflag:s18] =	ssyncadd.s32 $0xFFFFC400  }
0x3c: {  	[spmem:s1] =	stream.indirect.scatter.add.f32 [tilespmem:s22], [sflag:$0x3], $0x80, s28, s21, $0xb8;
	[tilespmem:$0x1E900] =	vst v63  }
0x3d: {  	_ =	swait.ge [sflag:s23], $0x3C00  }
0x3e: {  	s28 =	smov.u32 s30;
	[sflag:s23] =	ssyncset.done $0x0  }
0x3f: {  	s26 =	sshra.s32 s26, $0x2;
	[sflag:s23] =	ssyncadd.s32 $0xFFFFC400  }
0x40: {  	[tilespmem:s22], [sflag:$0x1] =	stream.indirect.gather [hbm4b:s4+s21], $0x80, s26, s21, $0xb8;
	[tilespmem:$0x1E900] =	vst v63  }
0x41: {  	_ =	swait.ge [sflag:s18], $0x3C00  }
0x42: {  	[sflag:s18] =	ssyncset.done $0x0  }
0x43: {  	s26 =	sadd.s32 $0x2C00, s26;
	[sflag:s18] =	ssyncadd.s32 $0xFFFFC400  }
0x44: {  	[spmem:s1] =	stream.indirect.scatter.add.f32 [tilespmem:s22], [sflag:$0x3], $0x80, s26, s21, $0xb8;
	[tilespmem:$0x1E900] =	vst v63  }
0x45: {  	_ =	swait.ge [sflag:s23], $0x3C00  }
0x46: {  	[sflag:s23] =	ssyncset.done $0x0  }
0x47: {  	[sflag:s23] =	ssyncadd.s32 $0xFFFFC400  }
0x48: {  	_ =	swait.ge [sflag:s24], $0x1400  }
0x49: {  	[sflag:s24] =	ssyncset.done $0x0  }
0x4a: {  	[sflag:s24] =	ssyncadd.s32 $0xFFFFEC00  }
0x4b: {  	[spmem:s1] =	stream.indirect.scatter.add.f32 [tilespmem:s20], [sflag:$0x3], $0x80, s16, s19, $0xb8;
	[tilespmem:$0x1E900] =	vst v63  }
0x4c: {  	_ =	swait.ge [sflag:s23], $0x1400  }
0x4d: {  	s25 =	sadd.s32 $0x1, s25;
	[sflag:s23] =	ssyncset.done $0x0  }
0x4e: {  	p0 =	sne.s32 s25, s13;
	[sflag:s23] =	ssyncadd.s32 $0xFFFFEC00  }
.Ltmp1:
0x4f: {  	s31 =	sor.u32 $0x1C03, s10;
	[bflag:$0x0] =	sbarrier.arrive $0xFFFF;
	(pc) =	sbr.rel @p0 .LBB2_1-.Ltmp1, $4  }
0x50: {  	[hbm:s12], [sflag:s31] =	dma.local [spmem:s17], $0x2800  }
0x51: {  	_ =	swait.ge [sflag:s23], $0x2800  }
0x52: {  	[sflag:s23] =	ssyncset.done $0x0  }
0x53: {  	[sflag:s23] =	ssyncadd.s32 $0xFFFFD800  }
0x54: {  	_ =	sfence.sel $0x180000  }
0x55: {  	[bflag:$0x0] =	sbarrier.arrive $0xFFFF  }
0x56: {  	p0 =	sne.s32 s2, $0x0;
	_ =	strace $0x90000059  }
0x57: {  	s0 =	sadd.s32 @!p0 $0x100000, s0;
	[bflag:$0x2] =	sbarrier.arrive $0xFFFF  }
0x58: {  	[sflag:s0] =	ssyncadd.tile.s32 @!p0 $0x1;
	_ =	shalt  }
.Lfunc_end2:
_tile_overlayer_lowered:
.L_overlay_start_2:
0x59: {  	(tag) =	ssettag $0x2  }
0x5a: {  	s0 =	rddreg [dreg:$0x0];
	s2 =	stileid.u32  }
0x5b: {  	s1 =	rddreg [dreg:$0x1];
	p0 =	sne.s32 s2, $0x0  }
0x5c: {  	s3 =	rddreg [dreg:$0x2];
	[bflag:$0x3] =	sbarrier.arrive $0xFFFF;
	s2 =	simm.s32 @!p0 $0x1C03  }
0x5d: {  	[timem:s3], [sflag:s2] =	dma.local @!p0 [hbm:s0], s1  }
0x5e: {  	s0 =	simm.s32 @!p0 $0x3  }
0x5f: {  	_ =	swait.ge @!p0 [sflag:s0], s1  }
0x60: {  	s1 =	ssub.s32 @!p0 $0x0, s1;
	[sflag:s0] =	ssyncset.done @!p0 $0x0  }
0x61: {  	[sflag:s0] =	ssyncadd.s32 @!p0 s1  }
0x62: {  	[bflag:$0x3] =	sbarrier.arrive $0xFFFF  }
0x63: {  	_ =	shalt  }

// kernel: kernel.45.cloned.1.call-start
scs
__scs_entry_jumppad:
0x0: {  	(pc) =	sbr.rel $0x88, $3  }
0x1: {  	(tag) =	ssettag $0x0;
	lr =	simm.s32 $0x1  }
0x2: {  	[smem:$0x3F99] =	sst lr;
	_ =	strace $0xD0000000  }
0x3: {  	_ = 	snop  }
0x4: {  	_ = 	snop  }
0x5: {  	_ = 	snop  }
0x6: {  	_ = 	snop  }
0x7: {  	_ = 	snop  }
__scs_overlays_trampoline_lowered:
0x8: {  	[smem:$0x3FA8] =	sst s0  }
0x9: {  	[smem:$0x3FA9] =	sst s1  }
0xa: {  	[smem:$0x3FAA] =	sst s2  }
0xb: {  	[smem:$0x3FAB] =	sst s3  }
0xc: {  	[smem:$0x3FAC] =	sst s4  }
0xd: {  	[smem:$0x3FAD] =	sst s5  }
0xe: {  	[smem:$0x3FAE] =	sst s6  }
0xf: {  	[smem:$0x3FAF] =	sst s7  }
0x10: {  	[smem:$0x3FB0] =	sst s8  }
0x11: {  	[smem:$0x3FB1] =	sst s9;
	s0 =	simm.s32 @!p0 $0x0  }
0x12: {  	s1 =	sld [smem:$0x3F97];
	s0 =	simm.s32 @p0 $0x1  }
0x13: {  	[smem:$0x3FB2] =	sst s0;
	s0 =	simm.s32 @!p1 $0x0  }
0x14: {  	s2 =	sld [smem:$0x3F96];
	s0 =	simm.s32 @p1 $0x1  }
0x15: {  	[smem:$0x3FB3] =	sst s0;
	s0 =	simm.s32 @!p2 $0x0  }
0x16: {  	s3 =	sld [smem:$0x3FDB];
	s0 =	simm.s32 @p2 $0x1  }
0x17: {  	s4 =	simm.s32 $0x1BF5;
	[smem:$0x3FB5] =	sst s0  }
0x18: {  	s0 =	sld [smem:$0x3F98];
	_ =	swait.ge [sflag:s4], $0x0  }
0x19: {  	s7 =	sld [smem:$0x3F99]  }
0x1a: {  	s8 =	sadd.s32 $0xFFFFE003, lr  }
0x1b: {  	s9 =	sadd.s32 $0xFFFFFEF7, lr;
	s5 =	simm.s32 $0xFFFFFFFF;
	p2 =	slt.u32 s8, $0xFFFFF086  }
0x1c: {  	p1 =	slt.u32 s9, $0xF7A;
	s5 =	simm.s32 @!p2 $0x0  }
0x1d: {  	s5 =	simm.s32 @p1 $0x1;
	p0 =	seq.s32 s7, s2  }
0x1e: {  	s7 =	smul.u32 @!p0 $0xF7A, s2;
	p2 =	seq.s32 @!p0 s5, $0x0  }
0x1f: {  	s9 =	smul.u32 $0xF7A, s1;
	s8 =	simm.s32 @!p0 $0x1BF5;
	p2 =	por !p2, p0  }
0x20: {  	[sflag:s8] =	ssyncset.s32 @!p0 $0xFFFFF086;
	s6 =	sadd.s32 @!p0 s3, s7;
	s7 =	simm.s32 @!p0 $0x108  }
0x21: {  	s3 =	sadd.s32 s3, s9;
	s6 =	sadd.s32 @!p0 $0x88, s6;
	s7 =	simm.s32 @p2 $0x1082  }
0x22: {  	[simem:s7], [sflag:s8] =	dma.local @!p0 [hbm:s6], $0xF7A  }
0x23: {  	s9 =	sor.u32 $0xD0000000, s2;
	s6 =	simm.s32 $0x108;
	_ =	swait.ge @!p0 [sflag:s8], $0x0  }
0x24: {  	s3 =	sadd.s32 $0x88, s3;
	s6 =	simm.s32 @!p1 $0x1082;
	[sflag:s4] =	ssyncset.s32 $0xFFFFF086  }
0x25: {  	[simem:s6], [sflag:s4] =	dma.local [hbm:s3], $0xF7A  }
0x26: {  	[smem:$0x3F99] =	sst s1;
	(tag) =	ssettag s2;
	_ =	strace s9  }
0x27: {  	s1 =	sld [smem:$0x3FA9]  }
0x28: {  	s2 =	sld [smem:$0x3FAA]  }
0x29: {  	s4 =	sld [smem:$0x3FAC]  }
0x2a: {  	p0 =	seq.s32 s5, $0x0;
	s5 =	sld [smem:$0x3FAD]  }
0x2b: {  	s6 =	sld [smem:$0x3FAE]  }
0x2c: {  	s7 =	sld [smem:$0x3FAF]  }
0x2d: {  	s3 =	simm.s32 $0x108;
	s8 =	sld [smem:$0x3FB0]  }
0x2e: {  	s3 =	simm.s32 @!p0 $0x1082;
	s9 =	sld [smem:$0x3FB1]  }
0x2f: {  	lr =	sadd.s32 s0, s3;
	s0 =	sld [smem:$0x3FA8]  }
0x30: {  	s3 =	sld [smem:$0x3FAB]  }
0x31: {  	[smem:$0x3FB4] =	sst s10  }
0x32: {  	s10 =	sld [smem:$0x3FB2];
	_ =	sdelay $0x3  }
0x33: {  	p0 =	seq.s32 s10, $0x1;
	s10 =	sld [smem:$0x3FB4];
	_ =	sdelay $0x3  }
0x34: {  	[smem:$0x3FB4] =	sst s10  }
0x35: {  	s10 =	sld [smem:$0x3FB3];
	_ =	sdelay $0x3  }
0x36: {  	p1 =	seq.s32 s10, $0x1;
	s10 =	sld [smem:$0x3FB4];
	_ =	sdelay $0x3  }
0x37: {  	[smem:$0x3FB4] =	sst s10  }
0x38: {  	s10 =	sld [smem:$0x3FB5]  }
0x39: {  	_ = 	snop;
	(pc) =	sbr.ind lr, $3  }
0x3a: {  	_ = 	snop  }
0x3b: {  	_ = 	snop  }
0x3c: {  	p2 =	seq.s32 s10, $0x1;
	s10 =	sld [smem:$0x3FB4]  }
0x3d: {  	_ =	shalt  }
0x3e: {  	_ =	shalt  }
0x3f: {  	_ =	shalt  }
0x40: {  	_ =	shalt  }
0x41: {  	_ =	shalt  }
0x42: {  	_ =	shalt  }
0x43: {  	_ =	shalt  }
0x44: {  	_ =	shalt  }
0x45: {  	_ =	shalt  }
0x46: {  	_ =	shalt  }
0x47: {  	_ =	shalt  }
0x48: {  	_ =	shalt  }
0x49: {  	_ =	shalt  }
0x4a: {  	_ =	shalt  }
0x4b: {  	_ =	shalt  }
0x4c: {  	_ =	shalt  }
0x4d: {  	_ =	shalt  }
0x4e: {  	_ =	shalt  }
0x4f: {  	_ =	shalt  }
0x50: {  	_ =	shalt  }
0x51: {  	_ =	shalt  }
0x52: {  	_ =	shalt  }
0x53: {  	_ =	shalt  }
0x54: {  	_ =	shalt  }
0x55: {  	_ =	shalt  }
0x56: {  	_ =	shalt  }
0x57: {  	_ =	shalt  }
0x58: {  	_ =	shalt  }
0x59: {  	_ =	shalt  }
0x5a: {  	_ =	shalt  }
0x5b: {  	_ =	shalt  }
0x5c: {  	_ =	shalt  }
0x5d: {  	_ =	shalt  }
0x5e: {  	_ =	shalt  }
0x5f: {  	_ =	shalt  }
0x60: {  	_ =	shalt  }
0x61: {  	_ =	shalt  }
0x62: {  	_ =	shalt  }
0x63: {  	_ =	shalt  }
0x64: {  	_ =	shalt  }
0x65: {  	_ =	shalt  }
0x66: {  	_ =	shalt  }
0x67: {  	_ =	shalt  }
0x68: {  	_ =	shalt  }
0x69: {  	_ =	shalt  }
0x6a: {  	_ =	shalt  }
0x6b: {  	_ =	shalt  }
0x6c: {  	_ =	shalt  }
0x6d: {  	_ =	shalt  }
0x6e: {  	_ =	shalt  }
0x6f: {  	_ =	shalt  }
0x70: {  	_ =	shalt  }
0x71: {  	_ =	shalt  }
0x72: {  	_ =	shalt  }
0x73: {  	_ =	shalt  }
0x74: {  	_ =	shalt  }
0x75: {  	_ =	shalt  }
0x76: {  	_ =	shalt  }
0x77: {  	_ =	shalt  }
0x78: {  	_ =	shalt  }
0x79: {  	_ =	shalt  }
0x7a: {  	_ =	shalt  }
0x7b: {  	_ =	shalt  }
0x7c: {  	_ =	shalt  }
0x7d: {  	_ =	shalt  }
0x7e: {  	_ =	shalt  }
0x7f: {  	_ =	shalt  }
0x80: {  	_ =	shalt  }
0x81: {  	_ =	shalt  }
0x82: {  	_ =	shalt  }
0x83: {  	_ =	shalt  }
0x84: {  	_ =	shalt  }
0x85: {  	_ =	shalt  }
0x86: {  	_ =	shalt  }
0x87: {  	_ =	shalt  }
.Lfunc_end0:
.L_simem_size_0:
called_computation.7_lowered:
.L_overlay_start_0:
0x88: {  	s2 =	sld [smem:$0x3FD9]  }
0x89: {  	s3 =	sld [smem:$0x3FFE];
	_ =	sdelay $0x1  }
0x8a: {  	s1 =	srdreg.scid  }
0x8b: {  	s0 =	sand.u32 $0x1, s1  }
0x8c: {  	s14 =	sshll.u32 s0, $0xA;
	s2 =	sadd.s32 s3, s2  }
0x8d: {  	s2 =	sadd.s32 s2, s14  }
0x8e: {  	[smem:$0x3FC0] =	sst s2  }
0x8f: {  	_ = 	snop  }
0x90: {  	s2 =	sld [smem:$0x3FD0];
	_ =	sdelay $0x2  }
0x91: {  	s15 =	simm.s32 $0xA;
	s4 =	simm.s32 $0x10  }
0x92: {  	[smem:s4], [sflag:s15] =	dma.local [hbm:s2], $0x1  }
0x93: {  	_ =	swait.eq [sflag:s15], $0x1  }
0x94: {  	[sflag:s15] =	ssyncset.done $0x0  }
0x95: {  	[sflag:s15] =	ssyncadd.s32 $0xFFFFFFFF  }
0x96: {  	s16 =	sld [smem:$0x10];
	(tm) =	ssettm $0x1  }
0x97: {  	s17 =	sld [smem:$0x3FFB];
	_ =	sdelay $0x3  }
0x98: {  	_ =	strace s17  }
0x99: {  	s3 =	sld [smem:$0x3FFC];
	_ =	sdelay $0x3  }
0x9a: {  	_ =	strace s3  }
0x9b: {  	s3 =	sld [smem:$0x3FFD];
	_ =	sdelay $0x3  }
0x9c: {  	_ =	strace s3  }
0x9d: {  	_ =	strace $0x8FFFFFFF  }
0x9e: {  	s18 =	sld [smem:$0x3FDB];
	_ =	sdelay $0x1  }
0x9f: {  	s19 =	simm.s32 $_scs_section_size  }
0xa0: {  	s5 =	simm.s32 $_size__tile_overlayer_lowered;
	s6 =	simm.s32 $_tile_overlayer_lowered  }
0xa1: {  	s22 =	simm.s32 $0x1BFF;
	s21 =	sshll.u32 s6, $0x1;
	s3 =	sadd.s32 s19, s18  }
0xa2: {  	s7 =	simm.s32 $0x0;
	s20 =	sshll.u32 s5, $0x1;
	s5 =	sadd.s32 s21, s3  }
0xa3: {  	[timem:s7], [sflag:s22] =	dma.local [hbm:s5], s20  }
0xa4: {  	_ =	swait.ge [sflag:s22], s20  }
0xa5: {  	s4 =	ssub.s32 $0x0, s20;
	[sflag:s22] =	ssyncset.done $0x0  }
0xa6: {  	[sflag:s22] =	ssyncadd.s32 s4;
	_ =	sdelay $0x1  }
0xa7: {  	s23 =	simm.s32 $0x1B8B  }
0xa8: {  	_ =	swait.ge [sflag:s23], $0x1  }
0xa9: {  	[sflag:s23] =	ssyncset.done $0x0  }
0xaa: {  	s25 =	simm.s32 $0x1B8E;
	s24 =	sld [smem:$0x3FFE];
	[sflag:s23] =	ssyncadd.s32 $0xFFFFFFFF  }
0xab: {  	s26 =	simm.s32 $execute0_lowered;
	[smem:$0x3FD2] =	sst s25  }
0xac: {  	s5 =	sshll.u32 s26, $0x1;
	_ =	strace $0x8000005B;
	[dreg:$0x1] =	wrdreg $0xFFFFFFFF  }
0xad: {  	s28 =	simm.s32 $_size_execute0_lowered;
	s3 =	sadd.s32 s3, s5;
	[dreg:$0x0] =	wrdreg $0x0  }
0xae: {  	s5 =	sshll.u32 s28, $0x1;
	[dreg:$0x2] =	wrdreg s3  }
0xaf: {  	[dreg:$0x3] =	wrdreg s5  }
0xb0: {  	[dreg:$0x4] =	wrdreg $0xC0  }
0xb1: {  	_ =	task [dreg:s7], $0x5FFFF  }
0xb2: {  	[dreg:$0x1] =	wrdreg $0xFFFFFFFF  }
0xb3: {  	[dreg:$0x0] =	wrdreg $0x60  }
0xb4: {  	[dreg:$0x2] =	wrdreg s24  }
0xb5: {  	[dreg:$0x3] =	wrdreg s16  }
0xb6: {  	[dreg:$0x4] =	wrdreg $0xA9000  }
0xb7: {  	[dreg:$0x5] =	wrdreg $0x9  }
0xb8: {  	_ =	task.clear_ibuf [dreg:s7], $0x6FFFF;
	_ =	strace $0x9000005B  }
0xb9: {  	s29 =	simm.s32 $0x9;
	_ =	strace $0x8000005D  }
0xba: {  	_ =	swait.ge [sflag:s29], $0x1  }
0xbb: {  	[sflag:s29] =	ssyncadd.s32 $0xFFFFFFFF  }
0xbc: {  	_ =	strace $0x9000005D  }
0xbd: {  	_ =	sfence  }
0xbe: {  	s30 =	sld [smem:$0x0];
	_ =	sdelay $0x2  }
0xbf: {  	s31 =	sshll.u32 s1, $0xD;
	s1 =	sshrl.u32 s1, $0x2  }
0xc0: {  	s3 =	sand.u32 $0x4000, s31;
	s1 =	sadd.s32 s1, s30  }
0xc1: {  	s0 =	sor.u32 s3, s0;
	s1 =	sshll.u32 s1, $0x11  }
0xc2: {  	s0 =	sor.u32 s1, s0  }
0xc3: {  	s0 =	sadd.s32 $0x8F2B, s0  }
0xc4: {  	[sflag:s0] =	ssyncadd.remote.s32 $0x1  }
0xc5: {  	_ =	sfence.sel $0xFFFF  }
0xc6: {  	[dreg:$0x0] =	wrdreg $0xFFFFFFFF;
	(pc) =	sbr.abs _section_cstart, $3  }
0xc7: {  	[dreg:$0x1] =	wrdreg $0xFFFFFFFF  }
0xc8: {  	_ =	task.clear_ibuf [dreg:s7], $0x2FFFF;
	_ =	strace $0x9FFFFFFF  }
0xc9: {  	(tm) =	ssettm $0x7FFFFFFF  }
tec
execute0_lowered:
.L_overlay_start_1:
0x0: {  	(tag) =	ssettag $0x1  }
0x1: {  	s5 =	rddreg [dreg:$0x0]  }
0x2: {  	s6 =	rddreg [dreg:$0x1]  }
0x3: {  	s1 =	rddreg [dreg:$0x2];
	s2 =	srdreg.scid  }
0x4: {  	s0 =	rddreg [dreg:$0x3];
	s3 =	simm.s32 $0x0;
	s15 =	simm.s32 $0x5800  }
0x5: {  	s16 =	simm.s32 $0x5880;
	s18 =	simm.s32 $0x1;
	s19 =	simm.s32 $0x28  }
0x6: {  	s20 =	simm.s32 $0x9500;
	s21 =	simm.s32 $0x78;
	s22 =	simm.s32 $0x5900  }
0x7: {  	s23 =	simm.s32 $0x3;
	s24 =	simm.s32 $0x2;
	s25 =	simm.s32 $0x0  }
0x8: {  	s7 =	sand.u32 $0x1, s2;
	s2 =	stileid.u32;
	[smem:$0x7FF] =	sst s3  }
0x9: {  	s4 =	sshll.u32 s7, $0x4;
	_ =	strace $0x8000005C;
	s10 =	smul.u32 $0x14000, s2  }
0xa: {  	s9 =	sshll.u32 s2, $0x4;
	s12 =	smul.u32 $0x140000, s7;
	s7 =	ssub.s32 $0x2, s7  }
0xb: {  	s30 =	smul.u32 $0x50000, s2;
	s4 =	sor.u32 s2, s4;
	s9 =	sand.u32 $0x70, s9  }
0xc: {  	s29 =	sshrl.u32 s7, $0x1;
	s8 =	smul.u32 $0x580, s4;
	s4 =	sshll.u32 s4, $0x4  }
0xd: {  	s26 =	sshrl.u32 s10, $0x3;
	s10 =	sadd.s32 s10, s12;
	s14 =	ssub.s32 s7, s29  }
0xe: {  	s31 =	sshrl.u32 s30, $0x2;
	s11 =	sand.u32 $0x180, s4;
	s4 =	sadd.s32 $0x3A600, s5  }
0xf: {  	s10 =	sshrl.u32 s10, $0x3;
	s17 =	sadd.s32 s31, s1;
	s13 =	sadd.s32 s8, s5  }
0x10: {  	s9 =	sor.u32 s9, s11;
	s11 =	sadd.s32 s26, s5;
	s28 =	sadd.s32 s10, s5  }
0x11: {  	s10 =	sshll.u32 s2, $0x6;
	s17 =	sshrl.u32 s17, $0x3;
	s9 =	sadd.s32 s9, s5  }
0x12: {  	s5 =	sadd.s32 s6, s8;
	s6 =	sadd.s32 $0x7600, s13;
	s12 =	sadd.s32 $0xB2600, s28  }
0x13: {  	s13 =	smax.u32 s14, $0x1;
	s14 =	simm.s32 $0x2C00;
	s7 =	sadd.s32 $0x7200, s9  }
0x14: {  	s8 =	sadd.s32 $0x7400, s9;
	s9 =	sadd.s32 $0x8A600, s11;
	s11 =	sor.u32 $0x1C01, s10  }
.LBB2_1:
0x15: {  	[tilespmem:s3], [sflag:$0x1] =	stream.linear.gather [hbm4b:s5+s3], $0x2980, $0x38;
	[tilespmem:$0x1E900] =	vst v63  }
0x16: {  	_ = 	snop  }
0x17: {  	[tilespmem:s14], [sflag:$0x1] =	stream.linear.gather [hbm4b:s6+s3], $0x2980, $0x38;
	[tilespmem:$0x1E900] =	vst v63  }
0x18: {  	_ = 	snop  }
0x19: {  	[tilespmem:s15], [sflag:$0x1] =	stream.linear.gather [hbm4b:s7+s3], $0x80, $0x38;
	[tilespmem:$0x1E900] =	vst v63  }
0x1a: {  	_ = 	snop  }
0x1b: {  	[tilespmem:s16], [sflag:$0x1] =	stream.linear.gather [hbm4b:s8+s3], $0x80, $0x38;
	[tilespmem:$0x1E900] =	vst v63  }
0x1c: {  	[spmem:s17], [sflag:s11] =	dma.local [hbm:s9], $0x2800  }
0x1d: {  	_ =	swait.ge [sflag:s18], $0x2980  }
0x1e: {  	[sflag:s18] =	ssyncset.done $0x0  }
0x1f: {  	[sflag:s18] =	ssyncadd.s32 $0xFFFFD680  }
0x20: {  	_ =	swait.ge [sflag:s18], $0x2980  }
0x21: {  	[sflag:s18] =	ssyncset.done $0x0  }
0x22: {  	[sflag:s18] =	ssyncadd.s32 $0xFFFFD680  }
0x23: {  	_ =	swait.ge [sflag:s18], $0x80  }
0x24: {  	[sflag:s18] =	ssyncset.done $0x0  }
0x25: {  	[sflag:s18] =	ssyncadd.s32 $0xFFFFFF80  }
0x26: {  	_ =	swait.ge [sflag:s18], $0x80  }
0x27: {  	[sflag:s18] =	ssyncset.done $0x0  }
0x28: {  	[sflag:s18] =	ssyncadd.s32 $0xFFFFFF80  }
0x29: {  	_ =	swait.ge [sflag:s18], $0x2800  }
0x2a: {  	[sflag:s18] =	ssyncset.done $0x0  }
0x2b: {  	[sflag:s18] =	ssyncadd.s32 $0xFFFFD800  }
0x2c: {  	[bflag:$0x0] =	sbarrier.arrive $0xFFFF  }
0x2d: {  	[tilespmem:s20], [sflag:$0x2] =	stream.indirect.gather [hbm4b:s4+s19], $0x80, s15, s19, $0xb8;
	[tilespmem:$0x1E900] =	vst v63  }
0x2e: {  	s26 =	simm.s32 $0x0  }
0x2f: {  	[tilespmem:s22], [sflag:$0x1] =	stream.indirect.gather [hbm4b:s4+s21], $0x80, s26, s21, $0xb8;
	[tilespmem:$0x1E900] =	vst v63  }
0x30: {  	_ =	swait.ge [sflag:s18], $0x3C00  }
0x31: {  	[sflag:s18] =	ssyncset.done $0x0  }
0x32: {  	s31 =	simm.s32 $0x2C00;
	[sflag:s18] =	ssyncadd.s32 $0xFFFFC400  }
0x33: {  	[spmem:s1] =	stream.indirect.scatter.add.f32 [tilespmem:s22], [sflag:$0x3], $0x80, s31, s21, $0xb8;
	[tilespmem:$0x1E900] =	vst v63  }
0x34: {  	_ =	swait.ge [sflag:s23], $0x3C00  }
0x35: {  	s28 =	simm.s32 $0x400;
	s26 =	simm.s32 $0x200;
	[sflag:s23] =	ssyncset.done $0x0  }
.LBB2_2:
0x36: {  	s29 =	sshra.s32 s26, $0x2  }
0x37: {  	[sflag:s23] =	ssyncadd.s32 $0xFFFFC400;
	s26 =	smov.u32 s28;
	s30 =	sadd.s32 $0x200, s28  }
0x38: {  	[tilespmem:s22], [sflag:$0x1] =	stream.indirect.gather [hbm4b:s4+s21], $0x80, s29, s21, $0xb8;
	[tilespmem:$0x1E900] =	vst v63  }
0x39: {  	p0 =	sne.s32 s28, $0xA400;
	_ =	swait.ge [sflag:s18], $0x3C00  }
.Ltmp0:
0x3a: {  	[sflag:s18] =	ssyncset.done $0x0;
	(pc) =	sbr.rel @p0 .LBB2_2-.Ltmp0, $4  }
0x3b: {  	s28 =	sadd.s32 $0x2C00, s29;
	[sflag:s18] =	ssyncadd.s32 $0xFFFFC400  }
0x3c: {  	[spmem:s1] =	stream.indirect.scatter.add.f32 [tilespmem:s22], [sflag:$0x3], $0x80, s28, s21, $0xb8;
	[tilespmem:$0x1E900] =	vst v63  }
0x3d: {  	_ =	swait.ge [sflag:s23], $0x3C00  }
0x3e: {  	s28 =	smov.u32 s30;
	[sflag:s23] =	ssyncset.done $0x0  }
0x3f: {  	s26 =	sshra.s32 s26, $0x2;
	[sflag:s23] =	ssyncadd.s32 $0xFFFFC400  }
0x40: {  	[tilespmem:s22], [sflag:$0x1] =	stream.indirect.gather [hbm4b:s4+s21], $0x80, s26, s21, $0xb8;
	[tilespmem:$0x1E900] =	vst v63  }
0x41: {  	_ =	swait.ge [sflag:s18], $0x3C00  }
0x42: {  	[sflag:s18] =	ssyncset.done $0x0  }
0x43: {  	s26 =	sadd.s32 $0x2C00, s26;
	[sflag:s18] =	ssyncadd.s32 $0xFFFFC400  }
0x44: {  	[spmem:s1] =	stream.indirect.scatter.add.f32 [tilespmem:s22], [sflag:$0x3], $0x80, s26, s21, $0xb8;
	[tilespmem:$0x1E900] =	vst v63  }
0x45: {  	_ =	swait.ge [sflag:s23], $0x3C00  }
0x46: {  	[sflag:s23] =	ssyncset.done $0x0  }
0x47: {  	[sflag:s23] =	ssyncadd.s32 $0xFFFFC400  }
0x48: {  	_ =	swait.ge [sflag:s24], $0x1400  }
0x49: {  	[sflag:s24] =	ssyncset.done $0x0  }
0x4a: {  	[sflag:s24] =	ssyncadd.s32 $0xFFFFEC00  }
0x4b: {  	[spmem:s1] =	stream.indirect.scatter.add.f32 [tilespmem:s20], [sflag:$0x3], $0x80, s16, s19, $0xb8;
	[tilespmem:$0x1E900] =	vst v63  }
0x4c: {  	_ =	swait.ge [sflag:s23], $0x1400  }
0x4d: {  	s25 =	sadd.s32 $0x1, s25;
	[sflag:s23] =	ssyncset.done $0x0  }
0x4e: {  	p0 =	sne.s32 s25, s13;
	[sflag:s23] =	ssyncadd.s32 $0xFFFFEC00  }
.Ltmp1:
0x4f: {  	s31 =	sor.u32 $0x1C03, s10;
	[bflag:$0x0] =	sbarrier.arrive $0xFFFF;
	(pc) =	sbr.rel @p0 .LBB2_1-.Ltmp1, $4  }
0x50: {  	[hbm:s12], [sflag:s31] =	dma.local [spmem:s17], $0x2800  }
0x51: {  	_ =	swait.ge [sflag:s23], $0x2800  }
0x52: {  	[sflag:s23] =	ssyncset.done $0x0  }
0x53: {  	[sflag:s23] =	ssyncadd.s32 $0xFFFFD800  }
0x54: {  	_ =	sfence.sel $0x180000  }
0x55: {  	[bflag:$0x0] =	sbarrier.arrive $0xFFFF  }
0x56: {  	p0 =	sne.s32 s2, $0x0;
	_ =	strace $0x9000005C  }
0x57: {  	s0 =	sadd.s32 @!p0 $0x100000, s0;
	[bflag:$0x2] =	sbarrier.arrive $0xFFFF  }
0x58: {  	[sflag:s0] =	ssyncadd.tile.s32 @!p0 $0x1;
	_ =	shalt  }
.Lfunc_end2:
_tile_overlayer_lowered:
.L_overlay_start_2:
0x59: {  	(tag) =	ssettag $0x2  }
0x5a: {  	s0 =	rddreg [dreg:$0x0];
	s2 =	stileid.u32  }
0x5b: {  	s1 =	rddreg [dreg:$0x1];
	p0 =	sne.s32 s2, $0x0  }
0x5c: {  	s3 =	rddreg [dreg:$0x2];
	[bflag:$0x3] =	sbarrier.arrive $0xFFFF;
	s2 =	simm.s32 @!p0 $0x1C03  }
0x5d: {  	[timem:s3], [sflag:s2] =	dma.local @!p0 [hbm:s0], s1  }
0x5e: {  	s0 =	simm.s32 @!p0 $0x3  }
0x5f: {  	_ =	swait.ge @!p0 [sflag:s0], s1  }
0x60: {  	s1 =	ssub.s32 @!p0 $0x0, s1;
	[sflag:s0] =	ssyncset.done @!p0 $0x0  }
0x61: {  	[sflag:s0] =	ssyncadd.s32 @!p0 s1  }
0x62: {  	[bflag:$0x3] =	sbarrier.arrive $0xFFFF  }
0x63: {  	_ =	shalt  }

// kernel: kernel.48.cloned.1.call-start
scs
__scs_entry_jumppad:
0x0: {  	(pc) =	sbr.rel $0x88, $3  }
0x1: {  	(tag) =	ssettag $0x0;
	lr =	simm.s32 $0x1  }
0x2: {  	[smem:$0x3F99] =	sst lr;
	_ =	strace $0xD0000000  }
0x3: {  	_ = 	snop  }
0x4: {  	_ = 	snop  }
0x5: {  	_ = 	snop  }
0x6: {  	_ = 	snop  }
0x7: {  	_ = 	snop  }
__scs_overlays_trampoline_lowered:
0x8: {  	[smem:$0x3FA8] =	sst s0  }
0x9: {  	[smem:$0x3FA9] =	sst s1  }
0xa: {  	[smem:$0x3FAA] =	sst s2  }
0xb: {  	[smem:$0x3FAB] =	sst s3  }
0xc: {  	[smem:$0x3FAC] =	sst s4  }
0xd: {  	[smem:$0x3FAD] =	sst s5  }
0xe: {  	[smem:$0x3FAE] =	sst s6  }
0xf: {  	[smem:$0x3FAF] =	sst s7  }
0x10: {  	[smem:$0x3FB0] =	sst s8  }
0x11: {  	[smem:$0x3FB1] =	sst s9;
	s0 =	simm.s32 @!p0 $0x0  }
0x12: {  	s1 =	sld [smem:$0x3F97];
	s0 =	simm.s32 @p0 $0x1  }
0x13: {  	[smem:$0x3FB2] =	sst s0;
	s0 =	simm.s32 @!p1 $0x0  }
0x14: {  	s2 =	sld [smem:$0x3F96];
	s0 =	simm.s32 @p1 $0x1  }
0x15: {  	[smem:$0x3FB3] =	sst s0;
	s0 =	simm.s32 @!p2 $0x0  }
0x16: {  	s3 =	sld [smem:$0x3FDB];
	s0 =	simm.s32 @p2 $0x1  }
0x17: {  	s4 =	simm.s32 $0x1BF5;
	[smem:$0x3FB5] =	sst s0  }
0x18: {  	s0 =	sld [smem:$0x3F98];
	_ =	swait.ge [sflag:s4], $0x0  }
0x19: {  	s7 =	sld [smem:$0x3F99]  }
0x1a: {  	s8 =	sadd.s32 $0xFFFFE003, lr  }
0x1b: {  	s9 =	sadd.s32 $0xFFFFFEF7, lr;
	s5 =	simm.s32 $0xFFFFFFFF;
	p2 =	slt.u32 s8, $0xFFFFF086  }
0x1c: {  	p1 =	slt.u32 s9, $0xF7A;
	s5 =	simm.s32 @!p2 $0x0  }
0x1d: {  	s5 =	simm.s32 @p1 $0x1;
	p0 =	seq.s32 s7, s2  }
0x1e: {  	s7 =	smul.u32 @!p0 $0xF7A, s2;
	p2 =	seq.s32 @!p0 s5, $0x0  }
0x1f: {  	s9 =	smul.u32 $0xF7A, s1;
	s8 =	simm.s32 @!p0 $0x1BF5;
	p2 =	por !p2, p0  }
0x20: {  	[sflag:s8] =	ssyncset.s32 @!p0 $0xFFFFF086;
	s6 =	sadd.s32 @!p0 s3, s7;
	s7 =	simm.s32 @!p0 $0x108  }
0x21: {  	s3 =	sadd.s32 s3, s9;
	s6 =	sadd.s32 @!p0 $0x88, s6;
	s7 =	simm.s32 @p2 $0x1082  }
0x22: {  	[simem:s7], [sflag:s8] =	dma.local @!p0 [hbm:s6], $0xF7A  }
0x23: {  	s9 =	sor.u32 $0xD0000000, s2;
	s6 =	simm.s32 $0x108;
	_ =	swait.ge @!p0 [sflag:s8], $0x0  }
0x24: {  	s3 =	sadd.s32 $0x88, s3;
	s6 =	simm.s32 @!p1 $0x1082;
	[sflag:s4] =	ssyncset.s32 $0xFFFFF086  }
0x25: {  	[simem:s6], [sflag:s4] =	dma.local [hbm:s3], $0xF7A  }
0x26: {  	[smem:$0x3F99] =	sst s1;
	(tag) =	ssettag s2;
	_ =	strace s9  }
0x27: {  	s1 =	sld [smem:$0x3FA9]  }
0x28: {  	s2 =	sld [smem:$0x3FAA]  }
0x29: {  	s4 =	sld [smem:$0x3FAC]  }
0x2a: {  	p0 =	seq.s32 s5, $0x0;
	s5 =	sld [smem:$0x3FAD]  }
0x2b: {  	s6 =	sld [smem:$0x3FAE]  }
0x2c: {  	s7 =	sld [smem:$0x3FAF]  }
0x2d: {  	s3 =	simm.s32 $0x108;
	s8 =	sld [smem:$0x3FB0]  }
0x2e: {  	s3 =	simm.s32 @!p0 $0x1082;
	s9 =	sld [smem:$0x3FB1]  }
0x2f: {  	lr =	sadd.s32 s0, s3;
	s0 =	sld [smem:$0x3FA8]  }
0x30: {  	s3 =	sld [smem:$0x3FAB]  }
0x31: {  	[smem:$0x3FB4] =	sst s10  }
0x32: {  	s10 =	sld [smem:$0x3FB2];
	_ =	sdelay $0x3  }
0x33: {  	p0 =	seq.s32 s10, $0x1;
	s10 =	sld [smem:$0x3FB4];
	_ =	sdelay $0x3  }
0x34: {  	[smem:$0x3FB4] =	sst s10  }
0x35: {  	s10 =	sld [smem:$0x3FB3];
	_ =	sdelay $0x3  }
0x36: {  	p1 =	seq.s32 s10, $0x1;
	s10 =	sld [smem:$0x3FB4];
	_ =	sdelay $0x3  }
0x37: {  	[smem:$0x3FB4] =	sst s10  }
0x38: {  	s10 =	sld [smem:$0x3FB5]  }
0x39: {  	_ = 	snop;
	(pc) =	sbr.ind lr, $3  }
0x3a: {  	_ = 	snop  }
0x3b: {  	_ = 	snop  }
0x3c: {  	p2 =	seq.s32 s10, $0x1;
	s10 =	sld [smem:$0x3FB4]  }
0x3d: {  	_ =	shalt  }
0x3e: {  	_ =	shalt  }
0x3f: {  	_ =	shalt  }
0x40: {  	_ =	shalt  }
0x41: {  	_ =	shalt  }
0x42: {  	_ =	shalt  }
0x43: {  	_ =	shalt  }
0x44: {  	_ =	shalt  }
0x45: {  	_ =	shalt  }
0x46: {  	_ =	shalt  }
0x47: {  	_ =	shalt  }
0x48: {  	_ =	shalt  }
0x49: {  	_ =	shalt  }
0x4a: {  	_ =	shalt  }
0x4b: {  	_ =	shalt  }
0x4c: {  	_ =	shalt  }
0x4d: {  	_ =	shalt  }
0x4e: {  	_ =	shalt  }
0x4f: {  	_ =	shalt  }
0x50: {  	_ =	shalt  }
0x51: {  	_ =	shalt  }
0x52: {  	_ =	shalt  }
0x53: {  	_ =	shalt  }
0x54: {  	_ =	shalt  }
0x55: {  	_ =	shalt  }
0x56: {  	_ =	shalt  }
0x57: {  	_ =	shalt  }
0x58: {  	_ =	shalt  }
0x59: {  	_ =	shalt  }
0x5a: {  	_ =	shalt  }
0x5b: {  	_ =	shalt  }
0x5c: {  	_ =	shalt  }
0x5d: {  	_ =	shalt  }
0x5e: {  	_ =	shalt  }
0x5f: {  	_ =	shalt  }
0x60: {  	_ =	shalt  }
0x61: {  	_ =	shalt  }
0x62: {  	_ =	shalt  }
0x63: {  	_ =	shalt  }
0x64: {  	_ =	shalt  }
0x65: {  	_ =	shalt  }
0x66: {  	_ =	shalt  }
0x67: {  	_ =	shalt  }
0x68: {  	_ =	shalt  }
0x69: {  	_ =	shalt  }
0x6a: {  	_ =	shalt  }
0x6b: {  	_ =	shalt  }
0x6c: {  	_ =	shalt  }
0x6d: {  	_ =	shalt  }
0x6e: {  	_ =	shalt  }
0x6f: {  	_ =	shalt  }
0x70: {  	_ =	shalt  }
0x71: {  	_ =	shalt  }
0x72: {  	_ =	shalt  }
0x73: {  	_ =	shalt  }
0x74: {  	_ =	shalt  }
0x75: {  	_ =	shalt  }
0x76: {  	_ =	shalt  }
0x77: {  	_ =	shalt  }
0x78: {  	_ =	shalt  }
0x79: {  	_ =	shalt  }
0x7a: {  	_ =	shalt  }
0x7b: {  	_ =	shalt  }
0x7c: {  	_ =	shalt  }
0x7d: {  	_ =	shalt  }
0x7e: {  	_ =	shalt  }
0x7f: {  	_ =	shalt  }
0x80: {  	_ =	shalt  }
0x81: {  	_ =	shalt  }
0x82: {  	_ =	shalt  }
0x83: {  	_ =	shalt  }
0x84: {  	_ =	shalt  }
0x85: {  	_ =	shalt  }
0x86: {  	_ =	shalt  }
0x87: {  	_ =	shalt  }
.Lfunc_end0:
.L_simem_size_0:
called_computation.8_lowered:
.L_overlay_start_0:
0x88: {  	s2 =	sld [smem:$0x3FD9]  }
0x89: {  	s3 =	sld [smem:$0x3FFE];
	_ =	sdelay $0x1  }
0x8a: {  	s1 =	srdreg.scid  }
0x8b: {  	s0 =	sand.u32 $0x1, s1  }
0x8c: {  	s14 =	sshll.u32 s0, $0xA;
	s2 =	sadd.s32 s3, s2  }
0x8d: {  	s2 =	sadd.s32 s2, s14  }
0x8e: {  	[smem:$0x3FC0] =	sst s2  }
0x8f: {  	_ = 	snop  }
0x90: {  	s2 =	sld [smem:$0x3FD0];
	_ =	sdelay $0x2  }
0x91: {  	s15 =	simm.s32 $0xA;
	s4 =	simm.s32 $0x10  }
0x92: {  	[smem:s4], [sflag:s15] =	dma.local [hbm:s2], $0x1  }
0x93: {  	_ =	swait.eq [sflag:s15], $0x1  }
0x94: {  	[sflag:s15] =	ssyncset.done $0x0  }
0x95: {  	[sflag:s15] =	ssyncadd.s32 $0xFFFFFFFF  }
0x96: {  	s16 =	sld [smem:$0x10];
	(tm) =	ssettm $0x1  }
0x97: {  	s17 =	sld [smem:$0x3FFB];
	_ =	sdelay $0x3  }
0x98: {  	_ =	strace s17  }
0x99: {  	s3 =	sld [smem:$0x3FFC];
	_ =	sdelay $0x3  }
0x9a: {  	_ =	strace s3  }
0x9b: {  	s3 =	sld [smem:$0x3FFD];
	_ =	sdelay $0x3  }
0x9c: {  	_ =	strace s3  }
0x9d: {  	_ =	strace $0x8FFFFFFF  }
0x9e: {  	s18 =	sld [smem:$0x3FDB];
	_ =	sdelay $0x1  }
0x9f: {  	s19 =	simm.s32 $_scs_section_size  }
0xa0: {  	s5 =	simm.s32 $_size__tile_overlayer_lowered;
	s6 =	simm.s32 $_tile_overlayer_lowered  }
0xa1: {  	s22 =	simm.s32 $0x1BFF;
	s21 =	sshll.u32 s6, $0x1;
	s3 =	sadd.s32 s19, s18  }
0xa2: {  	s7 =	simm.s32 $0x0;
	s20 =	sshll.u32 s5, $0x1;
	s5 =	sadd.s32 s21, s3  }
0xa3: {  	[timem:s7], [sflag:s22] =	dma.local [hbm:s5], s20  }
0xa4: {  	_ =	swait.ge [sflag:s22], s20  }
0xa5: {  	s4 =	ssub.s32 $0x0, s20;
	[sflag:s22] =	ssyncset.done $0x0  }
0xa6: {  	[sflag:s22] =	ssyncadd.s32 s4;
	_ =	sdelay $0x1  }
0xa7: {  	s23 =	simm.s32 $0x1B8B  }
0xa8: {  	_ =	swait.ge [sflag:s23], $0x1  }
0xa9: {  	[sflag:s23] =	ssyncset.done $0x0  }
0xaa: {  	s25 =	simm.s32 $0x1B8E;
	s24 =	sld [smem:$0x3FFE];
	[sflag:s23] =	ssyncadd.s32 $0xFFFFFFFF  }
0xab: {  	s26 =	simm.s32 $execute0_lowered;
	[smem:$0x3FD2] =	sst s25  }
0xac: {  	s5 =	sshll.u32 s26, $0x1;
	_ =	strace $0x8000005E;
	[dreg:$0x1] =	wrdreg $0xFFFFFFFF  }
0xad: {  	s28 =	simm.s32 $_size_execute0_lowered;
	s3 =	sadd.s32 s3, s5;
	[dreg:$0x0] =	wrdreg $0x0  }
0xae: {  	s5 =	sshll.u32 s28, $0x1;
	[dreg:$0x2] =	wrdreg s3  }
0xaf: {  	[dreg:$0x3] =	wrdreg s5  }
0xb0: {  	[dreg:$0x4] =	wrdreg $0xC0  }
0xb1: {  	_ =	task [dreg:s7], $0x5FFFF  }
0xb2: {  	[dreg:$0x1] =	wrdreg $0xFFFFFFFF  }
0xb3: {  	[dreg:$0x0] =	wrdreg $0x60  }
0xb4: {  	[dreg:$0x2] =	wrdreg s24  }
0xb5: {  	[dreg:$0x3] =	wrdreg s16  }
0xb6: {  	[dreg:$0x4] =	wrdreg $0xA9000  }
0xb7: {  	[dreg:$0x5] =	wrdreg $0x9  }
0xb8: {  	_ =	task.clear_ibuf [dreg:s7], $0x6FFFF;
	_ =	strace $0x9000005E  }
0xb9: {  	s29 =	simm.s32 $0x9;
	_ =	strace $0x80000060  }
0xba: {  	_ =	swait.ge [sflag:s29], $0x1  }
0xbb: {  	[sflag:s29] =	ssyncadd.s32 $0xFFFFFFFF  }
0xbc: {  	_ =	strace $0x90000060  }
0xbd: {  	_ =	sfence  }
0xbe: {  	s30 =	sld [smem:$0x0];
	_ =	sdelay $0x2  }
0xbf: {  	s31 =	sshll.u32 s1, $0xD;
	s1 =	sshrl.u32 s1, $0x2  }
0xc0: {  	s3 =	sand.u32 $0x4000, s31;
	s1 =	sadd.s32 s1, s30  }
0xc1: {  	s0 =	sor.u32 s3, s0;
	s1 =	sshll.u32 s1, $0x11  }
0xc2: {  	s0 =	sor.u32 s1, s0  }
0xc3: {  	s0 =	sadd.s32 $0x8F2B, s0  }
0xc4: {  	[sflag:s0] =	ssyncadd.remote.s32 $0x1  }
0xc5: {  	_ =	sfence.sel $0xFFFF  }
0xc6: {  	[dreg:$0x0] =	wrdreg $0xFFFFFFFF;
	(pc) =	sbr.abs _section_cstart, $3  }
0xc7: {  	[dreg:$0x1] =	wrdreg $0xFFFFFFFF  }
0xc8: {  	_ =	task.clear_ibuf [dreg:s7], $0x2FFFF;
	_ =	strace $0x9FFFFFFF  }
0xc9: {  	(tm) =	ssettm $0x7FFFFFFF  }
tec
execute0_lowered:
.L_overlay_start_1:
0x0: {  	(tag) =	ssettag $0x1  }
0x1: {  	s5 =	rddreg [dreg:$0x0]  }
0x2: {  	s6 =	rddreg [dreg:$0x1]  }
0x3: {  	s1 =	rddreg [dreg:$0x2];
	s2 =	srdreg.scid  }
0x4: {  	s0 =	rddreg [dreg:$0x3];
	s3 =	simm.s32 $0x0;
	s15 =	simm.s32 $0x5800  }
0x5: {  	s16 =	simm.s32 $0x5880;
	s18 =	simm.s32 $0x1;
	s19 =	simm.s32 $0x28  }
0x6: {  	s20 =	simm.s32 $0x9500;
	s21 =	simm.s32 $0x78;
	s22 =	simm.s32 $0x5900  }
0x7: {  	s23 =	simm.s32 $0x3;
	s24 =	simm.s32 $0x2;
	s25 =	simm.s32 $0x0  }
0x8: {  	s7 =	sand.u32 $0x1, s2;
	s2 =	stileid.u32;
	[smem:$0x7FF] =	sst s3  }
0x9: {  	s4 =	sshll.u32 s7, $0x4;
	_ =	strace $0x8000005F;
	s10 =	smul.u32 $0x14000, s2  }
0xa: {  	s9 =	sshll.u32 s2, $0x4;
	s12 =	smul.u32 $0x140000, s7;
	s7 =	ssub.s32 $0x2, s7  }
0xb: {  	s30 =	smul.u32 $0x50000, s2;
	s4 =	sor.u32 s2, s4;
	s9 =	sand.u32 $0x70, s9  }
0xc: {  	s29 =	sshrl.u32 s7, $0x1;
	s8 =	smul.u32 $0x580, s4;
	s4 =	sshll.u32 s4, $0x4  }
0xd: {  	s26 =	sshrl.u32 s10, $0x3;
	s10 =	sadd.s32 s10, s12;
	s14 =	ssub.s32 s7, s29  }
0xe: {  	s31 =	sshrl.u32 s30, $0x2;
	s11 =	sand.u32 $0x180, s4;
	s4 =	sadd.s32 $0x3A600, s5  }
0xf: {  	s10 =	sshrl.u32 s10, $0x3;
	s17 =	sadd.s32 s31, s1;
	s13 =	sadd.s32 s8, s5  }
0x10: {  	s9 =	sor.u32 s9, s11;
	s11 =	sadd.s32 s26, s5;
	s28 =	sadd.s32 s10, s5  }
0x11: {  	s10 =	sshll.u32 s2, $0x6;
	s17 =	sshrl.u32 s17, $0x3;
	s9 =	sadd.s32 s9, s5  }
0x12: {  	s5 =	sadd.s32 s6, s8;
	s6 =	sadd.s32 $0x7600, s13;
	s12 =	sadd.s32 $0xB2600, s28  }
0x13: {  	s13 =	smax.u32 s14, $0x1;
	s14 =	simm.s32 $0x2C00;
	s7 =	sadd.s32 $0x7200, s9  }
0x14: {  	s8 =	sadd.s32 $0x7400, s9;
	s9 =	sadd.s32 $0x8A600, s11;
	s11 =	sor.u32 $0x1C01, s10  }
.LBB2_1:
0x15: {  	[tilespmem:s3], [sflag:$0x1] =	stream.linear.gather [hbm4b:s5+s3], $0x2980, $0x38;
	[tilespmem:$0x1E900] =	vst v63  }
0x16: {  	_ = 	snop  }
0x17: {  	[tilespmem:s14], [sflag:$0x1] =	stream.linear.gather [hbm4b:s6+s3], $0x2980, $0x38;
	[tilespmem:$0x1E900] =	vst v63  }
0x18: {  	_ = 	snop  }
0x19: {  	[tilespmem:s15], [sflag:$0x1] =	stream.linear.gather [hbm4b:s7+s3], $0x80, $0x38;
	[tilespmem:$0x1E900] =	vst v63  }
0x1a: {  	_ = 	snop  }
0x1b: {  	[tilespmem:s16], [sflag:$0x1] =	stream.linear.gather [hbm4b:s8+s3], $0x80, $0x38;
	[tilespmem:$0x1E900] =	vst v63  }
0x1c: {  	[spmem:s17], [sflag:s11] =	dma.local [hbm:s9], $0x2800  }
0x1d: {  	_ =	swait.ge [sflag:s18], $0x2980  }
0x1e: {  	[sflag:s18] =	ssyncset.done $0x0  }
0x1f: {  	[sflag:s18] =	ssyncadd.s32 $0xFFFFD680  }
0x20: {  	_ =	swait.ge [sflag:s18], $0x2980  }
0x21: {  	[sflag:s18] =	ssyncset.done $0x0  }
0x22: {  	[sflag:s18] =	ssyncadd.s32 $0xFFFFD680  }
0x23: {  	_ =	swait.ge [sflag:s18], $0x80  }
0x24: {  	[sflag:s18] =	ssyncset.done $0x0  }
0x25: {  	[sflag:s18] =	ssyncadd.s32 $0xFFFFFF80  }
0x26: {  	_ =	swait.ge [sflag:s18], $0x80  }
0x27: {  	[sflag:s18] =	ssyncset.done $0x0  }
0x28: {  	[sflag:s18] =	ssyncadd.s32 $0xFFFFFF80  }
0x29: {  	_ =	swait.ge [sflag:s18], $0x2800  }
0x2a: {  	[sflag:s18] =	ssyncset.done $0x0  }
0x2b: {  	[sflag:s18] =	ssyncadd.s32 $0xFFFFD800  }
0x2c: {  	[bflag:$0x0] =	sbarrier.arrive $0xFFFF  }
0x2d: {  	[tilespmem:s20], [sflag:$0x2] =	stream.indirect.gather [hbm4b:s4+s19], $0x80, s15, s19, $0xb8;
	[tilespmem:$0x1E900] =	vst v63  }
0x2e: {  	s26 =	simm.s32 $0x0  }
0x2f: {  	[tilespmem:s22], [sflag:$0x1] =	stream.indirect.gather [hbm4b:s4+s21], $0x80, s26, s21, $0xb8;
	[tilespmem:$0x1E900] =	vst v63  }
0x30: {  	_ =	swait.ge [sflag:s18], $0x3C00  }
0x31: {  	[sflag:s18] =	ssyncset.done $0x0  }
0x32: {  	s31 =	simm.s32 $0x2C00;
	[sflag:s18] =	ssyncadd.s32 $0xFFFFC400  }
0x33: {  	[spmem:s1] =	stream.indirect.scatter.add.f32 [tilespmem:s22], [sflag:$0x3], $0x80, s31, s21, $0xb8;
	[tilespmem:$0x1E900] =	vst v63  }
0x34: {  	_ =	swait.ge [sflag:s23], $0x3C00  }
0x35: {  	s28 =	simm.s32 $0x400;
	s26 =	simm.s32 $0x200;
	[sflag:s23] =	ssyncset.done $0x0  }
.LBB2_2:
0x36: {  	s29 =	sshra.s32 s26, $0x2  }
0x37: {  	[sflag:s23] =	ssyncadd.s32 $0xFFFFC400;
	s26 =	smov.u32 s28;
	s30 =	sadd.s32 $0x200, s28  }
0x38: {  	[tilespmem:s22], [sflag:$0x1] =	stream.indirect.gather [hbm4b:s4+s21], $0x80, s29, s21, $0xb8;
	[tilespmem:$0x1E900] =	vst v63  }
0x39: {  	p0 =	sne.s32 s28, $0xA400;
	_ =	swait.ge [sflag:s18], $0x3C00  }
.Ltmp0:
0x3a: {  	[sflag:s18] =	ssyncset.done $0x0;
	(pc) =	sbr.rel @p0 .LBB2_2-.Ltmp0, $4  }
0x3b: {  	s28 =	sadd.s32 $0x2C00, s29;
	[sflag:s18] =	ssyncadd.s32 $0xFFFFC400  }
0x3c: {  	[spmem:s1] =	stream.indirect.scatter.add.f32 [tilespmem:s22], [sflag:$0x3], $0x80, s28, s21, $0xb8;
	[tilespmem:$0x1E900] =	vst v63  }
0x3d: {  	_ =	swait.ge [sflag:s23], $0x3C00  }
0x3e: {  	s28 =	smov.u32 s30;
	[sflag:s23] =	ssyncset.done $0x0  }
0x3f: {  	s26 =	sshra.s32 s26, $0x2;
	[sflag:s23] =	ssyncadd.s32 $0xFFFFC400  }
0x40: {  	[tilespmem:s22], [sflag:$0x1] =	stream.indirect.gather [hbm4b:s4+s21], $0x80, s26, s21, $0xb8;
	[tilespmem:$0x1E900] =	vst v63  }
0x41: {  	_ =	swait.ge [sflag:s18], $0x3C00  }
0x42: {  	[sflag:s18] =	ssyncset.done $0x0  }
0x43: {  	s26 =	sadd.s32 $0x2C00, s26;
	[sflag:s18] =	ssyncadd.s32 $0xFFFFC400  }
0x44: {  	[spmem:s1] =	stream.indirect.scatter.add.f32 [tilespmem:s22], [sflag:$0x3], $0x80, s26, s21, $0xb8;
	[tilespmem:$0x1E900] =	vst v63  }
0x45: {  	_ =	swait.ge [sflag:s23], $0x3C00  }
0x46: {  	[sflag:s23] =	ssyncset.done $0x0  }
0x47: {  	[sflag:s23] =	ssyncadd.s32 $0xFFFFC400  }
0x48: {  	_ =	swait.ge [sflag:s24], $0x1400  }
0x49: {  	[sflag:s24] =	ssyncset.done $0x0  }
0x4a: {  	[sflag:s24] =	ssyncadd.s32 $0xFFFFEC00  }
0x4b: {  	[spmem:s1] =	stream.indirect.scatter.add.f32 [tilespmem:s20], [sflag:$0x3], $0x80, s16, s19, $0xb8;
	[tilespmem:$0x1E900] =	vst v63  }
0x4c: {  	_ =	swait.ge [sflag:s23], $0x1400  }
0x4d: {  	s25 =	sadd.s32 $0x1, s25;
	[sflag:s23] =	ssyncset.done $0x0  }
0x4e: {  	p0 =	sne.s32 s25, s13;
	[sflag:s23] =	ssyncadd.s32 $0xFFFFEC00  }
.Ltmp1:
0x4f: {  	s31 =	sor.u32 $0x1C03, s10;
	[bflag:$0x0] =	sbarrier.arrive $0xFFFF;
	(pc) =	sbr.rel @p0 .LBB2_1-.Ltmp1, $4  }
0x50: {  	[hbm:s12], [sflag:s31] =	dma.local [spmem:s17], $0x2800  }
0x51: {  	_ =	swait.ge [sflag:s23], $0x2800  }
0x52: {  	[sflag:s23] =	ssyncset.done $0x0  }
0x53: {  	[sflag:s23] =	ssyncadd.s32 $0xFFFFD800  }
0x54: {  	_ =	sfence.sel $0x180000  }
0x55: {  	[bflag:$0x0] =	sbarrier.arrive $0xFFFF  }
0x56: {  	p0 =	sne.s32 s2, $0x0;
	_ =	strace $0x9000005F  }
0x57: {  	s0 =	sadd.s32 @!p0 $0x100000, s0;
	[bflag:$0x2] =	sbarrier.arrive $0xFFFF  }
0x58: {  	[sflag:s0] =	ssyncadd.tile.s32 @!p0 $0x1;
	_ =	shalt  }
.Lfunc_end2:
_tile_overlayer_lowered:
.L_overlay_start_2:
0x59: {  	(tag) =	ssettag $0x2  }
0x5a: {  	s0 =	rddreg [dreg:$0x0];
	s2 =	stileid.u32  }
0x5b: {  	s1 =	rddreg [dreg:$0x1];
	p0 =	sne.s32 s2, $0x0  }
0x5c: {  	s3 =	rddreg [dreg:$0x2];
	[bflag:$0x3] =	sbarrier.arrive $0xFFFF;
	s2 =	simm.s32 @!p0 $0x1C03  }
0x5d: {  	[timem:s3], [sflag:s2] =	dma.local @!p0 [hbm:s0], s1  }
0x5e: {  	s0 =	simm.s32 @!p0 $0x3  }
0x5f: {  	_ =	swait.ge @!p0 [sflag:s0], s1  }
0x60: {  	s1 =	ssub.s32 @!p0 $0x0, s1;
	[sflag:s0] =	ssyncset.done @!p0 $0x0  }
0x61: {  	[sflag:s0] =	ssyncadd.s32 @!p0 s1  }
0x62: {  	[bflag:$0x3] =	sbarrier.arrive $0xFFFF  }
0x63: {  	_ =	shalt  }

// kernel: kernel.51.cloned.1.call-start
scs
__scs_entry_jumppad:
0x0: {  	(pc) =	sbr.rel $0x88, $3  }
0x1: {  	(tag) =	ssettag $0x0;
	lr =	simm.s32 $0x1  }
0x2: {  	[smem:$0x3F99] =	sst lr;
	_ =	strace $0xD0000000  }
0x3: {  	_ = 	snop  }
0x4: {  	_ = 	snop  }
0x5: {  	_ = 	snop  }
0x6: {  	_ = 	snop  }
0x7: {  	_ = 	snop  }
__scs_overlays_trampoline_lowered:
0x8: {  	[smem:$0x3FA8] =	sst s0  }
0x9: {  	[smem:$0x3FA9] =	sst s1  }
0xa: {  	[smem:$0x3FAA] =	sst s2  }
0xb: {  	[smem:$0x3FAB] =	sst s3  }
0xc: {  	[smem:$0x3FAC] =	sst s4  }
0xd: {  	[smem:$0x3FAD] =	sst s5  }
0xe: {  	[smem:$0x3FAE] =	sst s6  }
0xf: {  	[smem:$0x3FAF] =	sst s7  }
0x10: {  	[smem:$0x3FB0] =	sst s8  }
0x11: {  	[smem:$0x3FB1] =	sst s9;
	s0 =	simm.s32 @!p0 $0x0  }
0x12: {  	s1 =	sld [smem:$0x3F97];
	s0 =	simm.s32 @p0 $0x1  }
0x13: {  	[smem:$0x3FB2] =	sst s0;
	s0 =	simm.s32 @!p1 $0x0  }
0x14: {  	s2 =	sld [smem:$0x3F96];
	s0 =	simm.s32 @p1 $0x1  }
0x15: {  	[smem:$0x3FB3] =	sst s0;
	s0 =	simm.s32 @!p2 $0x0  }
0x16: {  	s3 =	sld [smem:$0x3FDB];
	s0 =	simm.s32 @p2 $0x1  }
0x17: {  	s4 =	simm.s32 $0x1BF5;
	[smem:$0x3FB5] =	sst s0  }
0x18: {  	s0 =	sld [smem:$0x3F98];
	_ =	swait.ge [sflag:s4], $0x0  }
0x19: {  	s7 =	sld [smem:$0x3F99]  }
0x1a: {  	s8 =	sadd.s32 $0xFFFFE003, lr  }
0x1b: {  	s9 =	sadd.s32 $0xFFFFFEF7, lr;
	s5 =	simm.s32 $0xFFFFFFFF;
	p2 =	slt.u32 s8, $0xFFFFF086  }
0x1c: {  	p1 =	slt.u32 s9, $0xF7A;
	s5 =	simm.s32 @!p2 $0x0  }
0x1d: {  	s5 =	simm.s32 @p1 $0x1;
	p0 =	seq.s32 s7, s2  }
0x1e: {  	s7 =	smul.u32 @!p0 $0xF7A, s2;
	p2 =	seq.s32 @!p0 s5, $0x0  }
0x1f: {  	s9 =	smul.u32 $0xF7A, s1;
	s8 =	simm.s32 @!p0 $0x1BF5;
	p2 =	por !p2, p0  }
0x20: {  	[sflag:s8] =	ssyncset.s32 @!p0 $0xFFFFF086;
	s6 =	sadd.s32 @!p0 s3, s7;
	s7 =	simm.s32 @!p0 $0x108  }
0x21: {  	s3 =	sadd.s32 s3, s9;
	s6 =	sadd.s32 @!p0 $0x88, s6;
	s7 =	simm.s32 @p2 $0x1082  }
0x22: {  	[simem:s7], [sflag:s8] =	dma.local @!p0 [hbm:s6], $0xF7A  }
0x23: {  	s9 =	sor.u32 $0xD0000000, s2;
	s6 =	simm.s32 $0x108;
	_ =	swait.ge @!p0 [sflag:s8], $0x0  }
0x24: {  	s3 =	sadd.s32 $0x88, s3;
	s6 =	simm.s32 @!p1 $0x1082;
	[sflag:s4] =	ssyncset.s32 $0xFFFFF086  }
0x25: {  	[simem:s6], [sflag:s4] =	dma.local [hbm:s3], $0xF7A  }
0x26: {  	[smem:$0x3F99] =	sst s1;
	(tag) =	ssettag s2;
	_ =	strace s9  }
0x27: {  	s1 =	sld [smem:$0x3FA9]  }
0x28: {  	s2 =	sld [smem:$0x3FAA]  }
0x29: {  	s4 =	sld [smem:$0x3FAC]  }
0x2a: {  	p0 =	seq.s32 s5, $0x0;
	s5 =	sld [smem:$0x3FAD]  }
0x2b: {  	s6 =	sld [smem:$0x3FAE]  }
0x2c: {  	s7 =	sld [smem:$0x3FAF]  }
0x2d: {  	s3 =	simm.s32 $0x108;
	s8 =	sld [smem:$0x3FB0]  }
0x2e: {  	s3 =	simm.s32 @!p0 $0x1082;
	s9 =	sld [smem:$0x3FB1]  }
0x2f: {  	lr =	sadd.s32 s0, s3;
	s0 =	sld [smem:$0x3FA8]  }
0x30: {  	s3 =	sld [smem:$0x3FAB]  }
0x31: {  	[smem:$0x3FB4] =	sst s10  }
0x32: {  	s10 =	sld [smem:$0x3FB2];
	_ =	sdelay $0x3  }
0x33: {  	p0 =	seq.s32 s10, $0x1;
	s10 =	sld [smem:$0x3FB4];
	_ =	sdelay $0x3  }
0x34: {  	[smem:$0x3FB4] =	sst s10  }
0x35: {  	s10 =	sld [smem:$0x3FB3];
	_ =	sdelay $0x3  }
0x36: {  	p1 =	seq.s32 s10, $0x1;
	s10 =	sld [smem:$0x3FB4];
	_ =	sdelay $0x3  }
0x37: {  	[smem:$0x3FB4] =	sst s10  }
0x38: {  	s10 =	sld [smem:$0x3FB5]  }
0x39: {  	_ = 	snop;
	(pc) =	sbr.ind lr, $3  }
0x3a: {  	_ = 	snop  }
0x3b: {  	_ = 	snop  }
0x3c: {  	p2 =	seq.s32 s10, $0x1;
	s10 =	sld [smem:$0x3FB4]  }
0x3d: {  	_ =	shalt  }
0x3e: {  	_ =	shalt  }
0x3f: {  	_ =	shalt  }
0x40: {  	_ =	shalt  }
0x41: {  	_ =	shalt  }
0x42: {  	_ =	shalt  }
0x43: {  	_ =	shalt  }
0x44: {  	_ =	shalt  }
0x45: {  	_ =	shalt  }
0x46: {  	_ =	shalt  }
0x47: {  	_ =	shalt  }
0x48: {  	_ =	shalt  }
0x49: {  	_ =	shalt  }
0x4a: {  	_ =	shalt  }
0x4b: {  	_ =	shalt  }
0x4c: {  	_ =	shalt  }
0x4d: {  	_ =	shalt  }
0x4e: {  	_ =	shalt  }
0x4f: {  	_ =	shalt  }
0x50: {  	_ =	shalt  }
0x51: {  	_ =	shalt  }
0x52: {  	_ =	shalt  }
0x53: {  	_ =	shalt  }
0x54: {  	_ =	shalt  }
0x55: {  	_ =	shalt  }
0x56: {  	_ =	shalt  }
0x57: {  	_ =	shalt  }
0x58: {  	_ =	shalt  }
0x59: {  	_ =	shalt  }
0x5a: {  	_ =	shalt  }
0x5b: {  	_ =	shalt  }
0x5c: {  	_ =	shalt  }
0x5d: {  	_ =	shalt  }
0x5e: {  	_ =	shalt  }
0x5f: {  	_ =	shalt  }
0x60: {  	_ =	shalt  }
0x61: {  	_ =	shalt  }
0x62: {  	_ =	shalt  }
0x63: {  	_ =	shalt  }
0x64: {  	_ =	shalt  }
0x65: {  	_ =	shalt  }
0x66: {  	_ =	shalt  }
0x67: {  	_ =	shalt  }
0x68: {  	_ =	shalt  }
0x69: {  	_ =	shalt  }
0x6a: {  	_ =	shalt  }
0x6b: {  	_ =	shalt  }
0x6c: {  	_ =	shalt  }
0x6d: {  	_ =	shalt  }
0x6e: {  	_ =	shalt  }
0x6f: {  	_ =	shalt  }
0x70: {  	_ =	shalt  }
0x71: {  	_ =	shalt  }
0x72: {  	_ =	shalt  }
0x73: {  	_ =	shalt  }
0x74: {  	_ =	shalt  }
0x75: {  	_ =	shalt  }
0x76: {  	_ =	shalt  }
0x77: {  	_ =	shalt  }
0x78: {  	_ =	shalt  }
0x79: {  	_ =	shalt  }
0x7a: {  	_ =	shalt  }
0x7b: {  	_ =	shalt  }
0x7c: {  	_ =	shalt  }
0x7d: {  	_ =	shalt  }
0x7e: {  	_ =	shalt  }
0x7f: {  	_ =	shalt  }
0x80: {  	_ =	shalt  }
0x81: {  	_ =	shalt  }
0x82: {  	_ =	shalt  }
0x83: {  	_ =	shalt  }
0x84: {  	_ =	shalt  }
0x85: {  	_ =	shalt  }
0x86: {  	_ =	shalt  }
0x87: {  	_ =	shalt  }
.Lfunc_end0:
.L_simem_size_0:
called_computation.9_lowered:
.L_overlay_start_0:
0x88: {  	s2 =	sld [smem:$0x3FD9]  }
0x89: {  	s3 =	sld [smem:$0x3FFE];
	_ =	sdelay $0x1  }
0x8a: {  	s1 =	srdreg.scid  }
0x8b: {  	s0 =	sand.u32 $0x1, s1  }
0x8c: {  	s14 =	sshll.u32 s0, $0xA;
	s2 =	sadd.s32 s3, s2  }
0x8d: {  	s2 =	sadd.s32 s2, s14  }
0x8e: {  	[smem:$0x3FC0] =	sst s2  }
0x8f: {  	_ = 	snop  }
0x90: {  	s2 =	sld [smem:$0x3FD0];
	_ =	sdelay $0x2  }
0x91: {  	s15 =	simm.s32 $0xA;
	s4 =	simm.s32 $0x10  }
0x92: {  	[smem:s4], [sflag:s15] =	dma.local [hbm:s2], $0x1  }
0x93: {  	_ =	swait.eq [sflag:s15], $0x1  }
0x94: {  	[sflag:s15] =	ssyncset.done $0x0  }
0x95: {  	[sflag:s15] =	ssyncadd.s32 $0xFFFFFFFF  }
0x96: {  	s16 =	sld [smem:$0x10];
	(tm) =	ssettm $0x1  }
0x97: {  	s17 =	sld [smem:$0x3FFB];
	_ =	sdelay $0x3  }
0x98: {  	_ =	strace s17  }
0x99: {  	s3 =	sld [smem:$0x3FFC];
	_ =	sdelay $0x3  }
0x9a: {  	_ =	strace s3  }
0x9b: {  	s3 =	sld [smem:$0x3FFD];
	_ =	sdelay $0x3  }
0x9c: {  	_ =	strace s3  }
0x9d: {  	_ =	strace $0x8FFFFFFF  }
0x9e: {  	s18 =	sld [smem:$0x3FDB];
	_ =	sdelay $0x1  }
0x9f: {  	s19 =	simm.s32 $_scs_section_size  }
0xa0: {  	s5 =	simm.s32 $_size__tile_overlayer_lowered;
	s6 =	simm.s32 $_tile_overlayer_lowered  }
0xa1: {  	s22 =	simm.s32 $0x1BFF;
	s21 =	sshll.u32 s6, $0x1;
	s3 =	sadd.s32 s19, s18  }
0xa2: {  	s7 =	simm.s32 $0x0;
	s20 =	sshll.u32 s5, $0x1;
	s5 =	sadd.s32 s21, s3  }
0xa3: {  	[timem:s7], [sflag:s22] =	dma.local [hbm:s5], s20  }
0xa4: {  	_ =	swait.ge [sflag:s22], s20  }
0xa5: {  	s4 =	ssub.s32 $0x0, s20;
	[sflag:s22] =	ssyncset.done $0x0  }
0xa6: {  	[sflag:s22] =	ssyncadd.s32 s4;
	_ =	sdelay $0x1  }
0xa7: {  	s23 =	simm.s32 $0x1B8B  }
0xa8: {  	_ =	swait.ge [sflag:s23], $0x1  }
0xa9: {  	[sflag:s23] =	ssyncset.done $0x0  }
0xaa: {  	s25 =	simm.s32 $0x1B8E;
	s24 =	sld [smem:$0x3FFE];
	[sflag:s23] =	ssyncadd.s32 $0xFFFFFFFF  }
0xab: {  	s26 =	simm.s32 $execute0_lowered;
	[smem:$0x3FD2] =	sst s25  }
0xac: {  	s5 =	sshll.u32 s26, $0x1;
	_ =	strace $0x80000061;
	[dreg:$0x1] =	wrdreg $0xFFFFFFFF  }
0xad: {  	s28 =	simm.s32 $_size_execute0_lowered;
	s3 =	sadd.s32 s3, s5;
	[dreg:$0x0] =	wrdreg $0x0  }
0xae: {  	s5 =	sshll.u32 s28, $0x1;
	[dreg:$0x2] =	wrdreg s3  }
0xaf: {  	[dreg:$0x3] =	wrdreg s5  }
0xb0: {  	[dreg:$0x4] =	wrdreg $0xC0  }
0xb1: {  	_ =	task [dreg:s7], $0x5FFFF  }
0xb2: {  	[dreg:$0x1] =	wrdreg $0xFFFFFFFF  }
0xb3: {  	[dreg:$0x0] =	wrdreg $0x60  }
0xb4: {  	[dreg:$0x2] =	wrdreg s24  }
0xb5: {  	[dreg:$0x3] =	wrdreg s16  }
0xb6: {  	[dreg:$0x4] =	wrdreg $0xA9000  }
0xb7: {  	[dreg:$0x5] =	wrdreg $0x9  }
0xb8: {  	_ =	task.clear_ibuf [dreg:s7], $0x6FFFF;
	_ =	strace $0x90000061  }
0xb9: {  	s29 =	simm.s32 $0x9;
	_ =	strace $0x80000063  }
0xba: {  	_ =	swait.ge [sflag:s29], $0x1  }
0xbb: {  	[sflag:s29] =	ssyncadd.s32 $0xFFFFFFFF  }
0xbc: {  	_ =	strace $0x90000063  }
0xbd: {  	_ =	sfence  }
0xbe: {  	s30 =	sld [smem:$0x0];
	_ =	sdelay $0x2  }
0xbf: {  	s31 =	sshll.u32 s1, $0xD;
	s1 =	sshrl.u32 s1, $0x2  }
0xc0: {  	s3 =	sand.u32 $0x4000, s31;
	s1 =	sadd.s32 s1, s30  }
0xc1: {  	s0 =	sor.u32 s3, s0;
	s1 =	sshll.u32 s1, $0x11  }
0xc2: {  	s0 =	sor.u32 s1, s0  }
0xc3: {  	s0 =	sadd.s32 $0x8F2B, s0  }
0xc4: {  	[sflag:s0] =	ssyncadd.remote.s32 $0x1  }
0xc5: {  	_ =	sfence.sel $0xFFFF  }
0xc6: {  	[dreg:$0x0] =	wrdreg $0xFFFFFFFF;
	(pc) =	sbr.abs _section_cstart, $3  }
0xc7: {  	[dreg:$0x1] =	wrdreg $0xFFFFFFFF  }
0xc8: {  	_ =	task.clear_ibuf [dreg:s7], $0x2FFFF;
	_ =	strace $0x9FFFFFFF  }
0xc9: {  	(tm) =	ssettm $0x7FFFFFFF  }
tec
execute0_lowered:
.L_overlay_start_1:
0x0: {  	(tag) =	ssettag $0x1  }
0x1: {  	s5 =	rddreg [dreg:$0x0]  }
0x2: {  	s6 =	rddreg [dreg:$0x1]  }
0x3: {  	s1 =	rddreg [dreg:$0x2];
	s2 =	srdreg.scid  }
0x4: {  	s0 =	rddreg [dreg:$0x3];
	s3 =	simm.s32 $0x0;
	s15 =	simm.s32 $0x5800  }
0x5: {  	s16 =	simm.s32 $0x5880;
	s18 =	simm.s32 $0x1;
	s19 =	simm.s32 $0x28  }
0x6: {  	s20 =	simm.s32 $0x9500;
	s21 =	simm.s32 $0x78;
	s22 =	simm.s32 $0x5900  }
0x7: {  	s23 =	simm.s32 $0x3;
	s24 =	simm.s32 $0x2;
	s25 =	simm.s32 $0x0  }
0x8: {  	s7 =	sand.u32 $0x1, s2;
	s2 =	stileid.u32;
	[smem:$0x7FF] =	sst s3  }
0x9: {  	s4 =	sshll.u32 s7, $0x4;
	_ =	strace $0x80000062;
	s10 =	smul.u32 $0x14000, s2  }
0xa: {  	s9 =	sshll.u32 s2, $0x4;
	s12 =	smul.u32 $0x140000, s7;
	s7 =	ssub.s32 $0x2, s7  }
0xb: {  	s30 =	smul.u32 $0x50000, s2;
	s4 =	sor.u32 s2, s4;
	s9 =	sand.u32 $0x70, s9  }
0xc: {  	s29 =	sshrl.u32 s7, $0x1;
	s8 =	smul.u32 $0x580, s4;
	s4 =	sshll.u32 s4, $0x4  }
0xd: {  	s26 =	sshrl.u32 s10, $0x3;
	s10 =	sadd.s32 s10, s12;
	s14 =	ssub.s32 s7, s29  }
0xe: {  	s31 =	sshrl.u32 s30, $0x2;
	s11 =	sand.u32 $0x180, s4;
	s4 =	sadd.s32 $0x3A600, s5  }
0xf: {  	s10 =	sshrl.u32 s10, $0x3;
	s17 =	sadd.s32 s31, s1;
	s13 =	sadd.s32 s8, s5  }
0x10: {  	s9 =	sor.u32 s9, s11;
	s11 =	sadd.s32 s26, s5;
	s28 =	sadd.s32 s10, s5  }
0x11: {  	s10 =	sshll.u32 s2, $0x6;
	s17 =	sshrl.u32 s17, $0x3;
	s9 =	sadd.s32 s9, s5  }
0x12: {  	s5 =	sadd.s32 s6, s8;
	s6 =	sadd.s32 $0x7600, s13;
	s12 =	sadd.s32 $0xB2600, s28  }
0x13: {  	s13 =	smax.u32 s14, $0x1;
	s14 =	simm.s32 $0x2C00;
	s7 =	sadd.s32 $0x7200, s9  }
0x14: {  	s8 =	sadd.s32 $0x7400, s9;
	s9 =	sadd.s32 $0x8A600, s11;
	s11 =	sor.u32 $0x1C01, s10  }
.LBB2_1:
0x15: {  	[tilespmem:s3], [sflag:$0x1] =	stream.linear.gather [hbm4b:s5+s3], $0x2980, $0x38;
	[tilespmem:$0x1E900] =	vst v63  }
0x16: {  	_ = 	snop  }
0x17: {  	[tilespmem:s14], [sflag:$0x1] =	stream.linear.gather [hbm4b:s6+s3], $0x2980, $0x38;
	[tilespmem:$0x1E900] =	vst v63  }
0x18: {  	_ = 	snop  }
0x19: {  	[tilespmem:s15], [sflag:$0x1] =	stream.linear.gather [hbm4b:s7+s3], $0x80, $0x38;
	[tilespmem:$0x1E900] =	vst v63  }
0x1a: {  	_ = 	snop  }
0x1b: {  	[tilespmem:s16], [sflag:$0x1] =	stream.linear.gather [hbm4b:s8+s3], $0x80, $0x38;
	[tilespmem:$0x1E900] =	vst v63  }
0x1c: {  	[spmem:s17], [sflag:s11] =	dma.local [hbm:s9], $0x2800  }
0x1d: {  	_ =	swait.ge [sflag:s18], $0x2980  }
0x1e: {  	[sflag:s18] =	ssyncset.done $0x0  }
0x1f: {  	[sflag:s18] =	ssyncadd.s32 $0xFFFFD680  }
0x20: {  	_ =	swait.ge [sflag:s18], $0x2980  }
0x21: {  	[sflag:s18] =	ssyncset.done $0x0  }
0x22: {  	[sflag:s18] =	ssyncadd.s32 $0xFFFFD680  }
0x23: {  	_ =	swait.ge [sflag:s18], $0x80  }
0x24: {  	[sflag:s18] =	ssyncset.done $0x0  }
0x25: {  	[sflag:s18] =	ssyncadd.s32 $0xFFFFFF80  }
0x26: {  	_ =	swait.ge [sflag:s18], $0x80  }
0x27: {  	[sflag:s18] =	ssyncset.done $0x0  }
0x28: {  	[sflag:s18] =	ssyncadd.s32 $0xFFFFFF80  }
0x29: {  	_ =	swait.ge [sflag:s18], $0x2800  }
0x2a: {  	[sflag:s18] =	ssyncset.done $0x0  }
0x2b: {  	[sflag:s18] =	ssyncadd.s32 $0xFFFFD800  }
0x2c: {  	[bflag:$0x0] =	sbarrier.arrive $0xFFFF  }
0x2d: {  	[tilespmem:s20], [sflag:$0x2] =	stream.indirect.gather [hbm4b:s4+s19], $0x80, s15, s19, $0xb8;
	[tilespmem:$0x1E900] =	vst v63  }
0x2e: {  	s26 =	simm.s32 $0x0  }
0x2f: {  	[tilespmem:s22], [sflag:$0x1] =	stream.indirect.gather [hbm4b:s4+s21], $0x80, s26, s21, $0xb8;
	[tilespmem:$0x1E900] =	vst v63  }
0x30: {  	_ =	swait.ge [sflag:s18], $0x3C00  }
0x31: {  	[sflag:s18] =	ssyncset.done $0x0  }
0x32: {  	s31 =	simm.s32 $0x2C00;
	[sflag:s18] =	ssyncadd.s32 $0xFFFFC400  }
0x33: {  	[spmem:s1] =	stream.indirect.scatter.add.f32 [tilespmem:s22], [sflag:$0x3], $0x80, s31, s21, $0xb8;
	[tilespmem:$0x1E900] =	vst v63  }
0x34: {  	_ =	swait.ge [sflag:s23], $0x3C00  }
0x35: {  	s28 =	simm.s32 $0x400;
	s26 =	simm.s32 $0x200;
	[sflag:s23] =	ssyncset.done $0x0  }
.LBB2_2:
0x36: {  	s29 =	sshra.s32 s26, $0x2  }
0x37: {  	[sflag:s23] =	ssyncadd.s32 $0xFFFFC400;
	s26 =	smov.u32 s28;
	s30 =	sadd.s32 $0x200, s28  }
0x38: {  	[tilespmem:s22], [sflag:$0x1] =	stream.indirect.gather [hbm4b:s4+s21], $0x80, s29, s21, $0xb8;
	[tilespmem:$0x1E900] =	vst v63  }
0x39: {  	p0 =	sne.s32 s28, $0xA400;
	_ =	swait.ge [sflag:s18], $0x3C00  }
.Ltmp0:
0x3a: {  	[sflag:s18] =	ssyncset.done $0x0;
	(pc) =	sbr.rel @p0 .LBB2_2-.Ltmp0, $4  }
0x3b: {  	s28 =	sadd.s32 $0x2C00, s29;
	[sflag:s18] =	ssyncadd.s32 $0xFFFFC400  }
0x3c: {  	[spmem:s1] =	stream.indirect.scatter.add.f32 [tilespmem:s22], [sflag:$0x3], $0x80, s28, s21, $0xb8;
	[tilespmem:$0x1E900] =	vst v63  }
0x3d: {  	_ =	swait.ge [sflag:s23], $0x3C00  }
0x3e: {  	s28 =	smov.u32 s30;
	[sflag:s23] =	ssyncset.done $0x0  }
0x3f: {  	s26 =	sshra.s32 s26, $0x2;
	[sflag:s23] =	ssyncadd.s32 $0xFFFFC400  }
0x40: {  	[tilespmem:s22], [sflag:$0x1] =	stream.indirect.gather [hbm4b:s4+s21], $0x80, s26, s21, $0xb8;
	[tilespmem:$0x1E900] =	vst v63  }
0x41: {  	_ =	swait.ge [sflag:s18], $0x3C00  }
0x42: {  	[sflag:s18] =	ssyncset.done $0x0  }
0x43: {  	s26 =	sadd.s32 $0x2C00, s26;
	[sflag:s18] =	ssyncadd.s32 $0xFFFFC400  }
0x44: {  	[spmem:s1] =	stream.indirect.scatter.add.f32 [tilespmem:s22], [sflag:$0x3], $0x80, s26, s21, $0xb8;
	[tilespmem:$0x1E900] =	vst v63  }
0x45: {  	_ =	swait.ge [sflag:s23], $0x3C00  }
0x46: {  	[sflag:s23] =	ssyncset.done $0x0  }
0x47: {  	[sflag:s23] =	ssyncadd.s32 $0xFFFFC400  }
0x48: {  	_ =	swait.ge [sflag:s24], $0x1400  }
0x49: {  	[sflag:s24] =	ssyncset.done $0x0  }
0x4a: {  	[sflag:s24] =	ssyncadd.s32 $0xFFFFEC00  }
0x4b: {  	[spmem:s1] =	stream.indirect.scatter.add.f32 [tilespmem:s20], [sflag:$0x3], $0x80, s16, s19, $0xb8;
	[tilespmem:$0x1E900] =	vst v63  }
0x4c: {  	_ =	swait.ge [sflag:s23], $0x1400  }
0x4d: {  	s25 =	sadd.s32 $0x1, s25;
	[sflag:s23] =	ssyncset.done $0x0  }
0x4e: {  	p0 =	sne.s32 s25, s13;
	[sflag:s23] =	ssyncadd.s32 $0xFFFFEC00  }
.Ltmp1:
0x4f: {  	s31 =	sor.u32 $0x1C03, s10;
	[bflag:$0x0] =	sbarrier.arrive $0xFFFF;
	(pc) =	sbr.rel @p0 .LBB2_1-.Ltmp1, $4  }
0x50: {  	[hbm:s12], [sflag:s31] =	dma.local [spmem:s17], $0x2800  }
0x51: {  	_ =	swait.ge [sflag:s23], $0x2800  }
0x52: {  	[sflag:s23] =	ssyncset.done $0x0  }
0x53: {  	[sflag:s23] =	ssyncadd.s32 $0xFFFFD800  }
0x54: {  	_ =	sfence.sel $0x180000  }
0x55: {  	[bflag:$0x0] =	sbarrier.arrive $0xFFFF  }
0x56: {  	p0 =	sne.s32 s2, $0x0;
	_ =	strace $0x90000062  }
0x57: {  	s0 =	sadd.s32 @!p0 $0x100000, s0;
	[bflag:$0x2] =	sbarrier.arrive $0xFFFF  }
0x58: {  	[sflag:s0] =	ssyncadd.tile.s32 @!p0 $0x1;
	_ =	shalt  }
.Lfunc_end2:
_tile_overlayer_lowered:
.L_overlay_start_2:
0x59: {  	(tag) =	ssettag $0x2  }
0x5a: {  	s0 =	rddreg [dreg:$0x0];
	s2 =	stileid.u32  }
0x5b: {  	s1 =	rddreg [dreg:$0x1];
	p0 =	sne.s32 s2, $0x0  }
0x5c: {  	s3 =	rddreg [dreg:$0x2];
	[bflag:$0x3] =	sbarrier.arrive $0xFFFF;
	s2 =	simm.s32 @!p0 $0x1C03  }
0x5d: {  	[timem:s3], [sflag:s2] =	dma.local @!p0 [hbm:s0], s1  }
0x5e: {  	s0 =	simm.s32 @!p0 $0x3  }
0x5f: {  	_ =	swait.ge @!p0 [sflag:s0], s1  }
0x60: {  	s1 =	ssub.s32 @!p0 $0x0, s1;
	[sflag:s0] =	ssyncset.done @!p0 $0x0  }
0x61: {  	[sflag:s0] =	ssyncadd.s32 @!p0 s1  }
0x62: {  	[bflag:$0x3] =	sbarrier.arrive $0xFFFF  }
0x63: {  	_ =	shalt  }

// kernel: kernel.54.cloned.1.call-start
scs
__scs_entry_jumppad:
0x0: {  	(pc) =	sbr.rel $0x88, $3  }
0x1: {  	(tag) =	ssettag $0x0;
	lr =	simm.s32 $0x1  }
0x2: {  	[smem:$0x3F99] =	sst lr;
	_ =	strace $0xD0000000  }
0x3: {  	_ = 	snop  }
0x4: {  	_ = 	snop  }
0x5: {  	_ = 	snop  }
0x6: {  	_ = 	snop  }
0x7: {  	_ = 	snop  }
__scs_overlays_trampoline_lowered:
0x8: {  	[smem:$0x3FA8] =	sst s0  }
0x9: {  	[smem:$0x3FA9] =	sst s1  }
0xa: {  	[smem:$0x3FAA] =	sst s2  }
0xb: {  	[smem:$0x3FAB] =	sst s3  }
0xc: {  	[smem:$0x3FAC] =	sst s4  }
0xd: {  	[smem:$0x3FAD] =	sst s5  }
0xe: {  	[smem:$0x3FAE] =	sst s6  }
0xf: {  	[smem:$0x3FAF] =	sst s7  }
0x10: {  	[smem:$0x3FB0] =	sst s8  }
0x11: {  	[smem:$0x3FB1] =	sst s9;
	s0 =	simm.s32 @!p0 $0x0  }
0x12: {  	s1 =	sld [smem:$0x3F97];
	s0 =	simm.s32 @p0 $0x1  }
0x13: {  	[smem:$0x3FB2] =	sst s0;
	s0 =	simm.s32 @!p1 $0x0  }
0x14: {  	s2 =	sld [smem:$0x3F96];
	s0 =	simm.s32 @p1 $0x1  }
0x15: {  	[smem:$0x3FB3] =	sst s0;
	s0 =	simm.s32 @!p2 $0x0  }
0x16: {  	s3 =	sld [smem:$0x3FDB];
	s0 =	simm.s32 @p2 $0x1  }
0x17: {  	s4 =	simm.s32 $0x1BF5;
	[smem:$0x3FB5] =	sst s0  }
0x18: {  	s0 =	sld [smem:$0x3F98];
	_ =	swait.ge [sflag:s4], $0x0  }
0x19: {  	s7 =	sld [smem:$0x3F99]  }
0x1a: {  	s8 =	sadd.s32 $0xFFFFE003, lr  }
0x1b: {  	s9 =	sadd.s32 $0xFFFFFEF7, lr;
	s5 =	simm.s32 $0xFFFFFFFF;
	p2 =	slt.u32 s8, $0xFFFFF086  }
0x1c: {  	p1 =	slt.u32 s9, $0xF7A;
	s5 =	simm.s32 @!p2 $0x0  }
0x1d: {  	s5 =	simm.s32 @p1 $0x1;
	p0 =	seq.s32 s7, s2  }
0x1e: {  	s7 =	smul.u32 @!p0 $0xF7A, s2;
	p2 =	seq.s32 @!p0 s5, $0x0  }
0x1f: {  	s9 =	smul.u32 $0xF7A, s1;
	s8 =	simm.s32 @!p0 $0x1BF5;
	p2 =	por !p2, p0  }
0x20: {  	[sflag:s8] =	ssyncset.s32 @!p0 $0xFFFFF086;
	s6 =	sadd.s32 @!p0 s3, s7;
	s7 =	simm.s32 @!p0 $0x108  }
0x21: {  	s3 =	sadd.s32 s3, s9;
	s6 =	sadd.s32 @!p0 $0x88, s6;
	s7 =	simm.s32 @p2 $0x1082  }
0x22: {  	[simem:s7], [sflag:s8] =	dma.local @!p0 [hbm:s6], $0xF7A  }
0x23: {  	s9 =	sor.u32 $0xD0000000, s2;
	s6 =	simm.s32 $0x108;
	_ =	swait.ge @!p0 [sflag:s8], $0x0  }
0x24: {  	s3 =	sadd.s32 $0x88, s3;
	s6 =	simm.s32 @!p1 $0x1082;
	[sflag:s4] =	ssyncset.s32 $0xFFFFF086  }
0x25: {  	[simem:s6], [sflag:s4] =	dma.local [hbm:s3], $0xF7A  }
0x26: {  	[smem:$0x3F99] =	sst s1;
	(tag) =	ssettag s2;
	_ =	strace s9  }
0x27: {  	s1 =	sld [smem:$0x3FA9]  }
0x28: {  	s2 =	sld [smem:$0x3FAA]  }
0x29: {  	s4 =	sld [smem:$0x3FAC]  }
0x2a: {  	p0 =	seq.s32 s5, $0x0;
	s5 =	sld [smem:$0x3FAD]  }
0x2b: {  	s6 =	sld [smem:$0x3FAE]  }
0x2c: {  	s7 =	sld [smem:$0x3FAF]  }
0x2d: {  	s3 =	simm.s32 $0x108;
	s8 =	sld [smem:$0x3FB0]  }
0x2e: {  	s3 =	simm.s32 @!p0 $0x1082;
	s9 =	sld [smem:$0x3FB1]  }
0x2f: {  	lr =	sadd.s32 s0, s3;
	s0 =	sld [smem:$0x3FA8]  }
0x30: {  	s3 =	sld [smem:$0x3FAB]  }
0x31: {  	[smem:$0x3FB4] =	sst s10  }
0x32: {  	s10 =	sld [smem:$0x3FB2];
	_ =	sdelay $0x3  }
0x33: {  	p0 =	seq.s32 s10, $0x1;
	s10 =	sld [smem:$0x3FB4];
	_ =	sdelay $0x3  }
0x34: {  	[smem:$0x3FB4] =	sst s10  }
0x35: {  	s10 =	sld [smem:$0x3FB3];
	_ =	sdelay $0x3  }
0x36: {  	p1 =	seq.s32 s10, $0x1;
	s10 =	sld [smem:$0x3FB4];
	_ =	sdelay $0x3  }
0x37: {  	[smem:$0x3FB4] =	sst s10  }
0x38: {  	s10 =	sld [smem:$0x3FB5]  }
0x39: {  	_ = 	snop;
	(pc) =	sbr.ind lr, $3  }
0x3a: {  	_ = 	snop  }
0x3b: {  	_ = 	snop  }
0x3c: {  	p2 =	seq.s32 s10, $0x1;
	s10 =	sld [smem:$0x3FB4]  }
0x3d: {  	_ =	shalt  }
0x3e: {  	_ =	shalt  }
0x3f: {  	_ =	shalt  }
0x40: {  	_ =	shalt  }
0x41: {  	_ =	shalt  }
0x42: {  	_ =	shalt  }
0x43: {  	_ =	shalt  }
0x44: {  	_ =	shalt  }
0x45: {  	_ =	shalt  }
0x46: {  	_ =	shalt  }
0x47: {  	_ =	shalt  }
0x48: {  	_ =	shalt  }
0x49: {  	_ =	shalt  }
0x4a: {  	_ =	shalt  }
0x4b: {  	_ =	shalt  }
0x4c: {  	_ =	shalt  }
0x4d: {  	_ =	shalt  }
0x4e: {  	_ =	shalt  }
0x4f: {  	_ =	shalt  }
0x50: {  	_ =	shalt  }
0x51: {  	_ =	shalt  }
0x52: {  	_ =	shalt  }
0x53: {  	_ =	shalt  }
0x54: {  	_ =	shalt  }
0x55: {  	_ =	shalt  }
0x56: {  	_ =	shalt  }
0x57: {  	_ =	shalt  }
0x58: {  	_ =	shalt  }
0x59: {  	_ =	shalt  }
0x5a: {  	_ =	shalt  }
0x5b: {  	_ =	shalt  }
0x5c: {  	_ =	shalt  }
0x5d: {  	_ =	shalt  }
0x5e: {  	_ =	shalt  }
0x5f: {  	_ =	shalt  }
0x60: {  	_ =	shalt  }
0x61: {  	_ =	shalt  }
0x62: {  	_ =	shalt  }
0x63: {  	_ =	shalt  }
0x64: {  	_ =	shalt  }
0x65: {  	_ =	shalt  }
0x66: {  	_ =	shalt  }
0x67: {  	_ =	shalt  }
0x68: {  	_ =	shalt  }
0x69: {  	_ =	shalt  }
0x6a: {  	_ =	shalt  }
0x6b: {  	_ =	shalt  }
0x6c: {  	_ =	shalt  }
0x6d: {  	_ =	shalt  }
0x6e: {  	_ =	shalt  }
0x6f: {  	_ =	shalt  }
0x70: {  	_ =	shalt  }
0x71: {  	_ =	shalt  }
0x72: {  	_ =	shalt  }
0x73: {  	_ =	shalt  }
0x74: {  	_ =	shalt  }
0x75: {  	_ =	shalt  }
0x76: {  	_ =	shalt  }
0x77: {  	_ =	shalt  }
0x78: {  	_ =	shalt  }
0x79: {  	_ =	shalt  }
0x7a: {  	_ =	shalt  }
0x7b: {  	_ =	shalt  }
0x7c: {  	_ =	shalt  }
0x7d: {  	_ =	shalt  }
0x7e: {  	_ =	shalt  }
0x7f: {  	_ =	shalt  }
0x80: {  	_ =	shalt  }
0x81: {  	_ =	shalt  }
0x82: {  	_ =	shalt  }
0x83: {  	_ =	shalt  }
0x84: {  	_ =	shalt  }
0x85: {  	_ =	shalt  }
0x86: {  	_ =	shalt  }
0x87: {  	_ =	shalt  }
.Lfunc_end0:
.L_simem_size_0:
called_computation.10_lowered:
.L_overlay_start_0:
0x88: {  	s2 =	sld [smem:$0x3FD9]  }
0x89: {  	s3 =	sld [smem:$0x3FFE];
	_ =	sdelay $0x1  }
0x8a: {  	s1 =	srdreg.scid  }
0x8b: {  	s0 =	sand.u32 $0x1, s1  }
0x8c: {  	s14 =	sshll.u32 s0, $0xA;
	s2 =	sadd.s32 s3, s2  }
0x8d: {  	s2 =	sadd.s32 s2, s14  }
0x8e: {  	[smem:$0x3FC0] =	sst s2  }
0x8f: {  	_ = 	snop  }
0x90: {  	s2 =	sld [smem:$0x3FD0];
	_ =	sdelay $0x2  }
0x91: {  	s15 =	simm.s32 $0xA;
	s4 =	simm.s32 $0x10  }
0x92: {  	[smem:s4], [sflag:s15] =	dma.local [hbm:s2], $0x1  }
0x93: {  	_ =	swait.eq [sflag:s15], $0x1  }
0x94: {  	[sflag:s15] =	ssyncset.done $0x0  }
0x95: {  	[sflag:s15] =	ssyncadd.s32 $0xFFFFFFFF  }
0x96: {  	s16 =	sld [smem:$0x10];
	(tm) =	ssettm $0x1  }
0x97: {  	s17 =	sld [smem:$0x3FFB];
	_ =	sdelay $0x3  }
0x98: {  	_ =	strace s17  }
0x99: {  	s3 =	sld [smem:$0x3FFC];
	_ =	sdelay $0x3  }
0x9a: {  	_ =	strace s3  }
0x9b: {  	s3 =	sld [smem:$0x3FFD];
	_ =	sdelay $0x3  }
0x9c: {  	_ =	strace s3  }
0x9d: {  	_ =	strace $0x8FFFFFFF  }
0x9e: {  	s18 =	sld [smem:$0x3FDB];
	_ =	sdelay $0x1  }
0x9f: {  	s19 =	simm.s32 $_scs_section_size  }
0xa0: {  	s5 =	simm.s32 $_size__tile_overlayer_lowered;
	s6 =	simm.s32 $_tile_overlayer_lowered  }
0xa1: {  	s22 =	simm.s32 $0x1BFF;
	s21 =	sshll.u32 s6, $0x1;
	s3 =	sadd.s32 s19, s18  }
0xa2: {  	s7 =	simm.s32 $0x0;
	s20 =	sshll.u32 s5, $0x1;
	s5 =	sadd.s32 s21, s3  }
0xa3: {  	[timem:s7], [sflag:s22] =	dma.local [hbm:s5], s20  }
0xa4: {  	_ =	swait.ge [sflag:s22], s20  }
0xa5: {  	s4 =	ssub.s32 $0x0, s20;
	[sflag:s22] =	ssyncset.done $0x0  }
0xa6: {  	[sflag:s22] =	ssyncadd.s32 s4;
	_ =	sdelay $0x1  }
0xa7: {  	s23 =	simm.s32 $0x1B8B  }
0xa8: {  	_ =	swait.ge [sflag:s23], $0x1  }
0xa9: {  	[sflag:s23] =	ssyncset.done $0x0  }
0xaa: {  	s25 =	simm.s32 $0x1B8E;
	s24 =	sld [smem:$0x3FFE];
	[sflag:s23] =	ssyncadd.s32 $0xFFFFFFFF  }
0xab: {  	s26 =	simm.s32 $execute0_lowered;
	[smem:$0x3FD2] =	sst s25  }
0xac: {  	s5 =	sshll.u32 s26, $0x1;
	_ =	strace $0x80000064;
	[dreg:$0x1] =	wrdreg $0xFFFFFFFF  }
0xad: {  	s28 =	simm.s32 $_size_execute0_lowered;
	s3 =	sadd.s32 s3, s5;
	[dreg:$0x0] =	wrdreg $0x0  }
0xae: {  	s5 =	sshll.u32 s28, $0x1;
	[dreg:$0x2] =	wrdreg s3  }
0xaf: {  	[dreg:$0x3] =	wrdreg s5  }
0xb0: {  	[dreg:$0x4] =	wrdreg $0xC0  }
0xb1: {  	_ =	task [dreg:s7], $0x5FFFF  }
0xb2: {  	[dreg:$0x1] =	wrdreg $0xFFFFFFFF  }
0xb3: {  	[dreg:$0x0] =	wrdreg $0x60  }
0xb4: {  	[dreg:$0x2] =	wrdreg s24  }
0xb5: {  	[dreg:$0x3] =	wrdreg s16  }
0xb6: {  	[dreg:$0x4] =	wrdreg $0xA9000  }
0xb7: {  	[dreg:$0x5] =	wrdreg $0x9  }
0xb8: {  	_ =	task.clear_ibuf [dreg:s7], $0x6FFFF;
	_ =	strace $0x90000064  }
0xb9: {  	s29 =	simm.s32 $0x9;
	_ =	strace $0x80000066  }
0xba: {  	_ =	swait.ge [sflag:s29], $0x1  }
0xbb: {  	[sflag:s29] =	ssyncadd.s32 $0xFFFFFFFF  }
0xbc: {  	_ =	strace $0x90000066  }
0xbd: {  	_ =	sfence  }
0xbe: {  	s30 =	sld [smem:$0x0];
	_ =	sdelay $0x2  }
0xbf: {  	s31 =	sshll.u32 s1, $0xD;
	s1 =	sshrl.u32 s1, $0x2  }
0xc0: {  	s3 =	sand.u32 $0x4000, s31;
	s1 =	sadd.s32 s1, s30  }
0xc1: {  	s0 =	sor.u32 s3, s0;
	s1 =	sshll.u32 s1, $0x11  }
0xc2: {  	s0 =	sor.u32 s1, s0  }
0xc3: {  	s0 =	sadd.s32 $0x8F2B, s0  }
0xc4: {  	[sflag:s0] =	ssyncadd.remote.s32 $0x1  }
0xc5: {  	_ =	sfence.sel $0xFFFF  }
0xc6: {  	[dreg:$0x0] =	wrdreg $0xFFFFFFFF;
	(pc) =	sbr.abs _section_cstart, $3  }
0xc7: {  	[dreg:$0x1] =	wrdreg $0xFFFFFFFF  }
0xc8: {  	_ =	task.clear_ibuf [dreg:s7], $0x2FFFF;
	_ =	strace $0x9FFFFFFF  }
0xc9: {  	(tm) =	ssettm $0x7FFFFFFF  }
tec
execute0_lowered:
.L_overlay_start_1:
0x0: {  	(tag) =	ssettag $0x1  }
0x1: {  	s5 =	rddreg [dreg:$0x0]  }
0x2: {  	s6 =	rddreg [dreg:$0x1]  }
0x3: {  	s1 =	rddreg [dreg:$0x2];
	s2 =	srdreg.scid  }
0x4: {  	s0 =	rddreg [dreg:$0x3];
	s3 =	simm.s32 $0x0;
	s15 =	simm.s32 $0x5800  }
0x5: {  	s16 =	simm.s32 $0x5880;
	s18 =	simm.s32 $0x1;
	s19 =	simm.s32 $0x28  }
0x6: {  	s20 =	simm.s32 $0x9500;
	s21 =	simm.s32 $0x78;
	s22 =	simm.s32 $0x5900  }
0x7: {  	s23 =	simm.s32 $0x3;
	s24 =	simm.s32 $0x2;
	s25 =	simm.s32 $0x0  }
0x8: {  	s7 =	sand.u32 $0x1, s2;
	s2 =	stileid.u32;
	[smem:$0x7FF] =	sst s3  }
0x9: {  	s4 =	sshll.u32 s7, $0x4;
	_ =	strace $0x80000065;
	s10 =	smul.u32 $0x14000, s2  }
0xa: {  	s9 =	sshll.u32 s2, $0x4;
	s12 =	smul.u32 $0x140000, s7;
	s7 =	ssub.s32 $0x2, s7  }
0xb: {  	s30 =	smul.u32 $0x50000, s2;
	s4 =	sor.u32 s2, s4;
	s9 =	sand.u32 $0x70, s9  }
0xc: {  	s29 =	sshrl.u32 s7, $0x1;
	s8 =	smul.u32 $0x580, s4;
	s4 =	sshll.u32 s4, $0x4  }
0xd: {  	s26 =	sshrl.u32 s10, $0x3;
	s10 =	sadd.s32 s10, s12;
	s14 =	ssub.s32 s7, s29  }
0xe: {  	s31 =	sshrl.u32 s30, $0x2;
	s11 =	sand.u32 $0x180, s4;
	s4 =	sadd.s32 $0x3A600, s5  }
0xf: {  	s10 =	sshrl.u32 s10, $0x3;
	s17 =	sadd.s32 s31, s1;
	s13 =	sadd.s32 s8, s5  }
0x10: {  	s9 =	sor.u32 s9, s11;
	s11 =	sadd.s32 s26, s5;
	s28 =	sadd.s32 s10, s5  }
0x11: {  	s10 =	sshll.u32 s2, $0x6;
	s17 =	sshrl.u32 s17, $0x3;
	s9 =	sadd.s32 s9, s5  }
0x12: {  	s5 =	sadd.s32 s6, s8;
	s6 =	sadd.s32 $0x7600, s13;
	s12 =	sadd.s32 $0xB2600, s28  }
0x13: {  	s13 =	smax.u32 s14, $0x1;
	s14 =	simm.s32 $0x2C00;
	s7 =	sadd.s32 $0x7200, s9  }
0x14: {  	s8 =	sadd.s32 $0x7400, s9;
	s9 =	sadd.s32 $0x8A600, s11;
	s11 =	sor.u32 $0x1C01, s10  }
.LBB2_1:
0x15: {  	[tilespmem:s3], [sflag:$0x1] =	stream.linear.gather [hbm4b:s5+s3], $0x2980, $0x38;
	[tilespmem:$0x1E900] =	vst v63  }
0x16: {  	_ = 	snop  }
0x17: {  	[tilespmem:s14], [sflag:$0x1] =	stream.linear.gather [hbm4b:s6+s3], $0x2980, $0x38;
	[tilespmem:$0x1E900] =	vst v63  }
0x18: {  	_ = 	snop  }
0x19: {  	[tilespmem:s15], [sflag:$0x1] =	stream.linear.gather [hbm4b:s7+s3], $0x80, $0x38;
	[tilespmem:$0x1E900] =	vst v63  }
0x1a: {  	_ = 	snop  }
0x1b: {  	[tilespmem:s16], [sflag:$0x1] =	stream.linear.gather [hbm4b:s8+s3], $0x80, $0x38;
	[tilespmem:$0x1E900] =	vst v63  }
0x1c: {  	[spmem:s17], [sflag:s11] =	dma.local [hbm:s9], $0x2800  }
0x1d: {  	_ =	swait.ge [sflag:s18], $0x2980  }
0x1e: {  	[sflag:s18] =	ssyncset.done $0x0  }
0x1f: {  	[sflag:s18] =	ssyncadd.s32 $0xFFFFD680  }
0x20: {  	_ =	swait.ge [sflag:s18], $0x2980  }
0x21: {  	[sflag:s18] =	ssyncset.done $0x0  }
0x22: {  	[sflag:s18] =	ssyncadd.s32 $0xFFFFD680  }
0x23: {  	_ =	swait.ge [sflag:s18], $0x80  }
0x24: {  	[sflag:s18] =	ssyncset.done $0x0  }
0x25: {  	[sflag:s18] =	ssyncadd.s32 $0xFFFFFF80  }
0x26: {  	_ =	swait.ge [sflag:s18], $0x80  }
0x27: {  	[sflag:s18] =	ssyncset.done $0x0  }
0x28: {  	[sflag:s18] =	ssyncadd.s32 $0xFFFFFF80  }
0x29: {  	_ =	swait.ge [sflag:s18], $0x2800  }
0x2a: {  	[sflag:s18] =	ssyncset.done $0x0  }
0x2b: {  	[sflag:s18] =	ssyncadd.s32 $0xFFFFD800  }
0x2c: {  	[bflag:$0x0] =	sbarrier.arrive $0xFFFF  }
0x2d: {  	[tilespmem:s20], [sflag:$0x2] =	stream.indirect.gather [hbm4b:s4+s19], $0x80, s15, s19, $0xb8;
	[tilespmem:$0x1E900] =	vst v63  }
0x2e: {  	s26 =	simm.s32 $0x0  }
0x2f: {  	[tilespmem:s22], [sflag:$0x1] =	stream.indirect.gather [hbm4b:s4+s21], $0x80, s26, s21, $0xb8;
	[tilespmem:$0x1E900] =	vst v63  }
0x30: {  	_ =	swait.ge [sflag:s18], $0x3C00  }
0x31: {  	[sflag:s18] =	ssyncset.done $0x0  }
0x32: {  	s31 =	simm.s32 $0x2C00;
	[sflag:s18] =	ssyncadd.s32 $0xFFFFC400  }
0x33: {  	[spmem:s1] =	stream.indirect.scatter.add.f32 [tilespmem:s22], [sflag:$0x3], $0x80, s31, s21, $0xb8;
	[tilespmem:$0x1E900] =	vst v63  }
0x34: {  	_ =	swait.ge [sflag:s23], $0x3C00  }
0x35: {  	s28 =	simm.s32 $0x400;
	s26 =	simm.s32 $0x200;
	[sflag:s23] =	ssyncset.done $0x0  }
.LBB2_2:
0x36: {  	s29 =	sshra.s32 s26, $0x2  }
0x37: {  	[sflag:s23] =	ssyncadd.s32 $0xFFFFC400;
	s26 =	smov.u32 s28;
	s30 =	sadd.s32 $0x200, s28  }
0x38: {  	[tilespmem:s22], [sflag:$0x1] =	stream.indirect.gather [hbm4b:s4+s21], $0x80, s29, s21, $0xb8;
	[tilespmem:$0x1E900] =	vst v63  }
0x39: {  	p0 =	sne.s32 s28, $0xA400;
	_ =	swait.ge [sflag:s18], $0x3C00  }
.Ltmp0:
0x3a: {  	[sflag:s18] =	ssyncset.done $0x0;
	(pc) =	sbr.rel @p0 .LBB2_2-.Ltmp0, $4  }
0x3b: {  	s28 =	sadd.s32 $0x2C00, s29;
	[sflag:s18] =	ssyncadd.s32 $0xFFFFC400  }
0x3c: {  	[spmem:s1] =	stream.indirect.scatter.add.f32 [tilespmem:s22], [sflag:$0x3], $0x80, s28, s21, $0xb8;
	[tilespmem:$0x1E900] =	vst v63  }
0x3d: {  	_ =	swait.ge [sflag:s23], $0x3C00  }
0x3e: {  	s28 =	smov.u32 s30;
	[sflag:s23] =	ssyncset.done $0x0  }
0x3f: {  	s26 =	sshra.s32 s26, $0x2;
	[sflag:s23] =	ssyncadd.s32 $0xFFFFC400  }
0x40: {  	[tilespmem:s22], [sflag:$0x1] =	stream.indirect.gather [hbm4b:s4+s21], $0x80, s26, s21, $0xb8;
	[tilespmem:$0x1E900] =	vst v63  }
0x41: {  	_ =	swait.ge [sflag:s18], $0x3C00  }
0x42: {  	[sflag:s18] =	ssyncset.done $0x0  }
0x43: {  	s26 =	sadd.s32 $0x2C00, s26;
	[sflag:s18] =	ssyncadd.s32 $0xFFFFC400  }
0x44: {  	[spmem:s1] =	stream.indirect.scatter.add.f32 [tilespmem:s22], [sflag:$0x3], $0x80, s26, s21, $0xb8;
	[tilespmem:$0x1E900] =	vst v63  }
0x45: {  	_ =	swait.ge [sflag:s23], $0x3C00  }
0x46: {  	[sflag:s23] =	ssyncset.done $0x0  }
0x47: {  	[sflag:s23] =	ssyncadd.s32 $0xFFFFC400  }
0x48: {  	_ =	swait.ge [sflag:s24], $0x1400  }
0x49: {  	[sflag:s24] =	ssyncset.done $0x0  }
0x4a: {  	[sflag:s24] =	ssyncadd.s32 $0xFFFFEC00  }
0x4b: {  	[spmem:s1] =	stream.indirect.scatter.add.f32 [tilespmem:s20], [sflag:$0x3], $0x80, s16, s19, $0xb8;
	[tilespmem:$0x1E900] =	vst v63  }
0x4c: {  	_ =	swait.ge [sflag:s23], $0x1400  }
0x4d: {  	s25 =	sadd.s32 $0x1, s25;
	[sflag:s23] =	ssyncset.done $0x0  }
0x4e: {  	p0 =	sne.s32 s25, s13;
	[sflag:s23] =	ssyncadd.s32 $0xFFFFEC00  }
.Ltmp1:
0x4f: {  	s31 =	sor.u32 $0x1C03, s10;
	[bflag:$0x0] =	sbarrier.arrive $0xFFFF;
	(pc) =	sbr.rel @p0 .LBB2_1-.Ltmp1, $4  }
0x50: {  	[hbm:s12], [sflag:s31] =	dma.local [spmem:s17], $0x2800  }
0x51: {  	_ =	swait.ge [sflag:s23], $0x2800  }
0x52: {  	[sflag:s23] =	ssyncset.done $0x0  }
0x53: {  	[sflag:s23] =	ssyncadd.s32 $0xFFFFD800  }
0x54: {  	_ =	sfence.sel $0x180000  }
0x55: {  	[bflag:$0x0] =	sbarrier.arrive $0xFFFF  }
0x56: {  	p0 =	sne.s32 s2, $0x0;
	_ =	strace $0x90000065  }
0x57: {  	s0 =	sadd.s32 @!p0 $0x100000, s0;
	[bflag:$0x2] =	sbarrier.arrive $0xFFFF  }
0x58: {  	[sflag:s0] =	ssyncadd.tile.s32 @!p0 $0x1;
	_ =	shalt  }
.Lfunc_end2:
_tile_overlayer_lowered:
.L_overlay_start_2:
0x59: {  	(tag) =	ssettag $0x2  }
0x5a: {  	s0 =	rddreg [dreg:$0x0];
	s2 =	stileid.u32  }
0x5b: {  	s1 =	rddreg [dreg:$0x1];
	p0 =	sne.s32 s2, $0x0  }
0x5c: {  	s3 =	rddreg [dreg:$0x2];
	[bflag:$0x3] =	sbarrier.arrive $0xFFFF;
	s2 =	simm.s32 @!p0 $0x1C03  }
0x5d: {  	[timem:s3], [sflag:s2] =	dma.local @!p0 [hbm:s0], s1  }
0x5e: {  	s0 =	simm.s32 @!p0 $0x3  }
0x5f: {  	_ =	swait.ge @!p0 [sflag:s0], s1  }
0x60: {  	s1 =	ssub.s32 @!p0 $0x0, s1;
	[sflag:s0] =	ssyncset.done @!p0 $0x0  }
0x61: {  	[sflag:s0] =	ssyncadd.s32 @!p0 s1  }
0x62: {  	[bflag:$0x3] =	sbarrier.arrive $0xFFFF  }
0x63: {  	_ =	shalt  }

</sc_bundles>
